<compile_context>
chip_gen: v7x
topology: tpu7x:2x2x1
jax: 0.10.2.dev20260603
libtpu: 0.0.44.dev20260713+nightly
codegen_flags: <defaults>
</compile_context>

<pallas_src>
import functools

import jax
import jax.numpy as jnp
from jax import lax
from jax.experimental import pallas as pl
from jax.experimental.pallas import tpu as pltpu
from jax.experimental.pallas import tpu_sc as plsc

_VOCAB = 100000
_D = 64
_B = 16384
_L = 20

_NC = 2
_NS = 16
_NW = _NC * _NS
_BPW = _B // _NW
_G = 4
_CH = _G * _L
_NCHUNK = 2 * _BPW // _G
_NBUF = 4
_CCH = 128


def _sc_body(cw_hbm, idx_hbm, ctab_hbm, xtab_hbm,
             c_out, s_out,
             idxs_v, cw_v, crows, cout, idx_b, rows, out_v,
             ssem, csem, *sems):
    wid = lax.axis_index("s") * _NC + lax.axis_index("c")
    base = wid * _BPW

    idx_load = pltpu.async_copy(idx_hbm.at[pl.ds(base, _BPW)], idxs_v, ssem)
    cw_load = pltpu.async_copy(cw_hbm.at[pl.ds(base, _BPW)], cw_v, csem)
    cw_load.wait()

    def fire_center(h):
        for t in range(2):
            pltpu.async_copy(
                ctab_hbm.at[cw_v.at[pl.ds(h * 256 + t * _CCH, _CCH)]],
                crows.at[pl.ds(t * _CCH, _CCH)], csem)

    def drain_center():
        for t in range(2):
            pltpu.make_async_copy(
                ctab_hbm.at[cw_v.at[pl.ds(0, _CCH)]],
                crows.at[pl.ds(0, _CCH)], csem).wait()

    def repack_flush_center(h):
        def repack(r, carry):
            for k in range(2):
                for q in range(2):
                    cout[r, pl.ds(k * _D + q * 32, 32)] = (
                        crows[2 * r + k, pl.ds(q * 32, 32)])
            return carry

        lax.fori_loop(0, _CCH, repack, 0)
        pltpu.sync_copy(
            cout, c_out.at[pl.ds(wid * 256 + h * _CCH, _CCH)])

    fire_center(0)
    idx_load.wait()

    def compact(j, b):
        q = j & 127
        cb = (j >> 7) * _L
        for s in range(5):
            f = lax.iota(jnp.int32, 16) + (16 * s)
            g = lax.shift_right_logical(f * 3277, 16)
            row = g + q * _G
            col = (f - g * _L) + cb
            idx_b[b][pl.ds(16 * s, 16)] = plsc.load_gather(
                idxs_v, [row, col])

    def fire(j, b):
        pltpu.async_copy(xtab_hbm.at[idx_b[b]], rows[b], sems[b])

    def wait(b):
        pltpu.make_async_copy(
            xtab_hbm.at[idx_b[b]], rows[b], sems[b]).wait()

    for b in range(_NBUF):
        compact(b, b)
    for b in range(_NBUF - 1):
        fire(b, b)

    drain_center()
    repack_flush_center(0)
    fire_center(1)
    drain_center()
    repack_flush_center(1)

    def process(j, b):
        for g in range(_G):
            gb = g * _L
            a0 = rows[b][gb, pl.ds(0, 32)]
            a1 = rows[b][gb, pl.ds(32, 32)]
            for r in range(1, _L):
                a0 = a0 + rows[b][gb + r, pl.ds(0, 32)]
                a1 = a1 + rows[b][gb + r, pl.ds(32, 32)]
            row = j * (_G // 2) + (g >> 1)
            col = (g & 1) * _D
            out_v[row, pl.ds(col, 32)] = a0
            out_v[row, pl.ds(col + 32, 32)] = a1

    def body(t, carry):
        for b in range(_NBUF):
            j = t * _NBUF + b
            jn = j + _NBUF - 1
            fb = (b + _NBUF - 1) % _NBUF

            @pl.when(jn < _NCHUNK)
            def _():
                fire(jn, fb)

            wait(b)

            @pl.when(jn + 1 < _NCHUNK)
            def _():
                compact(jn + 1, b)

            process(j, b)
        return carry

    lax.fori_loop(0, _NCHUNK // _NBUF, body, 0)

    half = _BPW // 2
    pltpu.sync_copy(out_v.at[pl.ds(0, half)],
                    s_out.at[pl.ds(wid * half, half)])
    pltpu.sync_copy(out_v.at[pl.ds(half, half)],
                    s_out.at[pl.ds(_B // 2 + wid * half, half)])


_sc_gather = functools.partial(
    pl.kernel,
    mesh=plsc.VectorSubcoreMesh(core_axis_name="c", subcore_axis_name="s"),
    out_type=[
        jax.ShapeDtypeStruct((_B // 2, 2 * _D), jnp.bfloat16),
        jax.ShapeDtypeStruct((_B, 2 * _D), jnp.bfloat16),
    ],
    scratch_types=[
        pltpu.VMEM((_BPW, 128), jnp.int32),
        pltpu.VMEM((_BPW,), jnp.int32),
        pltpu.VMEM((256, _D), jnp.bfloat16),
        pltpu.VMEM((_CCH, 2 * _D), jnp.bfloat16),
        [pltpu.VMEM((_CH,), jnp.int32)] * _NBUF,
        [pltpu.VMEM((_CH, _D), jnp.bfloat16)] * _NBUF,
        pltpu.VMEM((_BPW, 2 * _D), jnp.bfloat16),
        pltpu.SemaphoreType.DMA,
        pltpu.SemaphoreType.DMA,
    ] + [pltpu.SemaphoreType.DMA] * _NBUF,
    compiler_params=pltpu.CompilerParams(use_tc_tiling_on_sc=False, needs_layout_passes=False),
)(_sc_body)


_BK = 4096
_GRID = _B // _BK


def _tc_body(c_ref, p_ref, n_ref, out_ref):
    i = pl.program_id(0)
    c = c_ref[...].astype(jnp.float32)
    p = p_ref[...].astype(jnp.float32)
    n = n_ref[...].astype(jnp.float32)

    def logsig(x):
        return jnp.minimum(x, 0.0) - jnp.log1p(jnp.exp(-jnp.abs(x)))

    def half_loss(sl):
        ch = c[:, sl]
        norm2 = jnp.sum(ch * ch, axis=1, keepdims=True)
        norm = jnp.sqrt(norm2)
        scale = jnp.where(norm > 1.0, 1.0 / (norm + 1e-7), 1.0)
        ps = jnp.sum(p[:, sl] * ch, axis=1, keepdims=True) * scale
        ns = jnp.sum(n[:, sl] * ch, axis=1, keepdims=True) * scale
        return -jnp.sum(logsig(ps) + logsig(-ns))

    part = half_loss(slice(0, _D)) + half_loss(slice(_D, 2 * _D))
    prev = jnp.where(i == 0, jnp.zeros((1, 1), jnp.float32), out_ref[...])
    total = prev + part
    out_ref[...] = jnp.where(i == _GRID - 1, total / _B, total)


_tc_epilogue = pl.pallas_call(
    _tc_body,
    grid=(_GRID,),
    in_specs=[
        pl.BlockSpec((_BK // 2, 2 * _D), lambda i: (i, 0)),
        pl.BlockSpec((_BK // 2, 2 * _D), lambda i: (i, 0)),
        pl.BlockSpec((_BK // 2, 2 * _D), lambda i: (i + _GRID, 0)),
    ],
    out_specs=pl.BlockSpec((1, 1), lambda i: (0, 0)),
    out_shape=jax.ShapeDtypeStruct((1, 1), jnp.float32),
)


def kernel(center_word, pos_context, neg_context, center_table, context_table):
    cw = center_word.astype(jnp.int32)
    z = jnp.zeros((_B, 128 - 2 * _L), jnp.int32)
    idxc = jnp.concatenate(
        [pos_context.astype(jnp.int32), neg_context.astype(jnp.int32), z],
        axis=1)
    ctab16 = center_table.astype(jnp.bfloat16)
    xtab16 = context_table.astype(jnp.bfloat16)
    c_rows, ctx_sum = _sc_gather(cw, idxc, ctab16, xtab16)
    out = _tc_epilogue(c_rows, ctx_sum, ctx_sum)
    return out[0, 0]

# --- scband reference (transcript-rebuilt; emitter-appended) ---
"""Pipeline reference for scband-skip-gram-7997229105604 (READ-ONLY COPY).

The authoritative reference and input builder live on the scoring server;
editing this copy changes nothing except your own understanding.
"""

import jax, jax.numpy as jnp
import numpy as np

VOCAB = 100000
DIM = 64
B = 16384
L = 20


def _max_norm_renorm(emb, max_norm=1.0, eps=1e-7):
    # torch nn.Embedding(max_norm=1) renormalizes looked-up rows whose L2 norm exceeds max_norm
    norm = jnp.linalg.norm(emb, axis=-1, keepdims=True)
    scale = jnp.where(norm > max_norm, max_norm / (norm + eps), 1.0)
    return emb * scale


def setup_inputs(seed: int = 0) -> dict:
    key = jax.random.key(seed)
    k1, k2, k3, k4, k5 = jax.random.split(key, 5)
    center_word = jax.random.randint(k1, (B,), 0, VOCAB, dtype=jnp.int64 if jax.config.jax_enable_x64 else jnp.int32)
    pos_context = jax.random.randint(k2, (B, L), 0, VOCAB, dtype=jnp.int64 if jax.config.jax_enable_x64 else jnp.int32)
    neg_context = jax.random.randint(k3, (B, L), 0, VOCAB, dtype=jnp.int64 if jax.config.jax_enable_x64 else jnp.int32)
    center_table = jax.random.normal(k4, (VOCAB, DIM), dtype=jnp.float32)
    context_table = jax.random.normal(k5, (VOCAB, DIM), dtype=jnp.float32)
    return {
        "center_word": center_word,
        "pos_context": pos_context,
        "neg_context": neg_context,
        "center_table": center_table,
        "context_table": context_table,
    }


def reference(center_word, pos_context, neg_context, center_table, context_table):
    # center_word_embeddings lookup with max_norm=1
    c = jnp.take(center_table, center_word, axis=0)  # [B, D]
    c = _max_norm_renorm(c, 1.0)
    c_col = c[:, :, None]  # squeeze().unsqueeze(-1) -> [B, D, 1]

    pos_e = jnp.take(context_table, pos_context, axis=0)  # [B, L, D]
    pos_score = jnp.matmul(pos_e, c_col)[..., 0]  # bmm -> [B, L]
    pos_loss = jax.nn.log_sigmoid(pos_score.sum(axis=1))  # [B]

    neg_e = jnp.take(context_table, neg_context, axis=0)  # [B, L, D]
    neg_score = jnp.matmul(neg_e, c_col)[..., 0]  # [B, L]
    neg_loss = jax.nn.log_sigmoid(-neg_score.sum(axis=1))  # [B]

    return -(pos_loss + neg_loss).mean()

if __name__ == "__main__":
    import jax
    _d = setup_inputs()
    print(jax.jit(kernel)(*tuple(_d.values())))

</pallas_src>

<mosaic_0001>
#map = affine_map<(d0, d1) -> (0)>
#map1 = affine_map<(d0, d1) -> (0, 0)>
module attributes {stable_mosaic.version = 14 : i64} {
  func.func @_sc_body(%arg0: i32, %arg1: i32, %arg2: memref<16384xi32, #tpu.memory_space<hbm>>, %arg3: memref<16384x128xi32, #tpu.memory_space<hbm>>, %arg4: memref<100000x64xbf16, #tpu.memory_space<hbm>>, %arg5: memref<100000x64xbf16, #tpu.memory_space<hbm>>, %arg6: memref<8192x128xbf16, #tpu.memory_space<hbm>>, %arg7: memref<16384x128xbf16, #tpu.memory_space<hbm>>, %arg8: memref<512x128xi32, #tpu.memory_space<vmem>>, %arg9: memref<512xi32, #tpu.memory_space<vmem>>, %arg10: memref<256x64xbf16, #tpu.memory_space<vmem>>, %arg11: memref<128x128xbf16, #tpu.memory_space<vmem>>, %arg12: memref<80xi32, #tpu.memory_space<vmem>>, %arg13: memref<80xi32, #tpu.memory_space<vmem>>, %arg14: memref<80xi32, #tpu.memory_space<vmem>>, %arg15: memref<80xi32, #tpu.memory_space<vmem>>, %arg16: memref<80x64xbf16, #tpu.memory_space<vmem>>, %arg17: memref<80x64xbf16, #tpu.memory_space<vmem>>, %arg18: memref<80x64xbf16, #tpu.memory_space<vmem>>, %arg19: memref<80x64xbf16, #tpu.memory_space<vmem>>, %arg20: memref<512x128xbf16, #tpu.memory_space<vmem>>, %arg21: memref<!tpu.dma_semaphore, #tpu.memory_space<semaphore_mem>>, %arg22: memref<!tpu.dma_semaphore, #tpu.memory_space<semaphore_mem>>, %arg23: memref<!tpu.dma_semaphore, #tpu.memory_space<semaphore_mem>>, %arg24: memref<!tpu.dma_semaphore, #tpu.memory_space<semaphore_mem>>, %arg25: memref<!tpu.dma_semaphore, #tpu.memory_space<semaphore_mem>>, %arg26: memref<!tpu.dma_semaphore, #tpu.memory_space<semaphore_mem>>) attributes {dimension_semantics = [#tpu.dimension_semantics<core_parallel>, #tpu.dimension_semantics<subcore_parallel>], iteration_bounds = array<i64: 2, 16>, scalar_prefetch = 0 : i64, scratch_operands = 19 : i64, tpu.core_type = #tpu.core_type<sc_vector_subcore>, window_params = [{transform_indices = #map}, {transform_indices = #map1}, {transform_indices = #map1}, {transform_indices = #map1}, {transform_indices = #map1}, {transform_indices = #map1}]} {
    %mul3A = arith.constant 2 : i32
    %mul3A_0 = arith.muli %arg1, %mul3A : i32
    %add3A = arith.addi %mul3A_0, %arg0 : i32
    %mul3A_1 = arith.constant 512 : i32
    %mul3A_2 = arith.muli %add3A, %mul3A_1 : i32
    %dma_start3A = arith.constant 0 : i32
    %dma_start3A_3 = tpu.memref_slice %arg3[%mul3A_2, %dma_start3A] : memref<16384x128xi32, #tpu.memory_space<hbm>> -> memref<512x128xi32, #tpu.memory_space<hbm>>
    %dma_start3A_4 = arith.constant 0 : i32
    %dma_start3A_5 = tpu.memref_slice %arg3[%mul3A_2, %dma_start3A_4] : memref<16384x128xi32, #tpu.memory_space<hbm>> -> memref<512x128xi32, #tpu.memory_space<hbm>>
    tpu.enqueue_dma source(%dma_start3A_5 : memref<512x128xi32, #tpu.memory_space<hbm>>) target(%arg8 : memref<512x128xi32, #tpu.memory_space<vmem>>) target_semaphore(%arg21 : memref<!tpu.dma_semaphore, #tpu.memory_space<semaphore_mem>>)
    %dma_start3A_6 = tpu.memref_slice %arg2[%mul3A_2] : memref<16384xi32, #tpu.memory_space<hbm>> -> memref<512xi32, #tpu.memory_space<hbm>>
    %dma_start3A_7 = tpu.memref_slice %arg2[%mul3A_2] : memref<16384xi32, #tpu.memory_space<hbm>> -> memref<512xi32, #tpu.memory_space<hbm>>
    tpu.enqueue_dma source(%dma_start3A_7 : memref<512xi32, #tpu.memory_space<hbm>>) target(%arg9 : memref<512xi32, #tpu.memory_space<vmem>>) target_semaphore(%arg22 : memref<!tpu.dma_semaphore, #tpu.memory_space<semaphore_mem>>)
    %dma_wait3A = tpu.memref_slice %arg2[%mul3A_2] : memref<16384xi32, #tpu.memory_space<hbm>> -> memref<512xi32, #tpu.memory_space<hbm>>
    %dma_wait3A_8 = tpu.memref_slice %arg2[%mul3A_2] : memref<16384xi32, #tpu.memory_space<hbm>> -> memref<512xi32, #tpu.memory_space<hbm>>
    tpu.wait_dma2 semaphore(%arg22 : memref<!tpu.dma_semaphore, #tpu.memory_space<semaphore_mem>>) src(%dma_wait3A_8 : memref<512xi32, #tpu.memory_space<hbm>>) dst(%arg9 : memref<512xi32, #tpu.memory_space<vmem>>)
    %dma_start3A_9 = arith.constant 0 : i32
    %dma_start3A_10 = arith.constant 0 : i32
    %dma_start3A_11 = tpu.memref_slice %arg10[%dma_start3A_9, %dma_start3A_10] : memref<256x64xbf16, #tpu.memory_space<vmem>> -> memref<128x64xbf16, #tpu.memory_space<vmem>>
    %dma_start3A_12 = arith.constant 0 : i32
    %dma_start3A_13 = tpu.memref_slice %arg9[%dma_start3A_12] : memref<512xi32, #tpu.memory_space<vmem>> -> memref<128xi32, #tpu.memory_space<vmem>>
    %dma_start3A_14 = arith.constant 0 : i32
    %dma_start3A_15 = arith.constant 0 : i32
    %dma_start3A_16 = tpu.memref_slice %arg4[%dma_start3A_14, %dma_start3A_15] : memref<100000x64xbf16, #tpu.memory_space<hbm>> -> memref<100000x64xbf16, #tpu.memory_space<hbm>>
    tpu.enqueue_indirect_dma source(%dma_start3A_16 : memref<100000x64xbf16, #tpu.memory_space<hbm>>) target(%dma_start3A_11 : memref<128x64xbf16, #tpu.memory_space<vmem>>) offsets(%dma_start3A_13 : memref<128xi32, #tpu.memory_space<vmem>>) semaphore(%arg22 : memref<!tpu.dma_semaphore, #tpu.memory_space<semaphore_mem>>)
    %dma_start3A_17 = arith.constant 128 : i32
    %dma_start3A_18 = arith.constant 0 : i32
    %dma_start3A_19 = tpu.memref_slice %arg10[%dma_start3A_17, %dma_start3A_18] : memref<256x64xbf16, #tpu.memory_space<vmem>> -> memref<128x64xbf16, #tpu.memory_space<vmem>>
    %dma_start3A_20 = arith.constant 128 : i32
    %dma_start3A_21 = tpu.memref_slice %arg9[%dma_start3A_20] : memref<512xi32, #tpu.memory_space<vmem>> -> memref<128xi32, #tpu.memory_space<vmem>>
    %dma_start3A_22 = arith.constant 0 : i32
    %dma_start3A_23 = arith.constant 0 : i32
    %dma_start3A_24 = tpu.memref_slice %arg4[%dma_start3A_22, %dma_start3A_23] : memref<100000x64xbf16, #tpu.memory_space<hbm>> -> memref<100000x64xbf16, #tpu.memory_space<hbm>>
    tpu.enqueue_indirect_dma source(%dma_start3A_24 : memref<100000x64xbf16, #tpu.memory_space<hbm>>) target(%dma_start3A_19 : memref<128x64xbf16, #tpu.memory_space<vmem>>) offsets(%dma_start3A_21 : memref<128xi32, #tpu.memory_space<vmem>>) semaphore(%arg22 : memref<!tpu.dma_semaphore, #tpu.memory_space<semaphore_mem>>)
    %dma_wait3A_25 = arith.constant 0 : i32
    %dma_wait3A_26 = tpu.memref_slice %arg3[%mul3A_2, %dma_wait3A_25] : memref<16384x128xi32, #tpu.memory_space<hbm>> -> memref<512x128xi32, #tpu.memory_space<hbm>>
    %dma_wait3A_27 = arith.constant 0 : i32
    %dma_wait3A_28 = tpu.memref_slice %arg3[%mul3A_2, %dma_wait3A_27] : memref<16384x128xi32, #tpu.memory_space<hbm>> -> memref<512x128xi32, #tpu.memory_space<hbm>>
    tpu.wait_dma2 semaphore(%arg21 : memref<!tpu.dma_semaphore, #tpu.memory_space<semaphore_mem>>) src(%dma_wait3A_28 : memref<512x128xi32, #tpu.memory_space<hbm>>) dst(%arg8 : memref<512x128xi32, #tpu.memory_space<vmem>>)
    %iota3A = tpu.iota {dimensions = array<i32: 0>} : vector<16xi32>
    %add3A_29 = arith.constant 0 : i32
    %add3A_30 = vector.broadcast %add3A_29 : i32 to vector<16xi32>
    %add3A_31 = arith.addi %iota3A, %add3A_30 : vector<16xi32>
    %mul3A_32 = arith.constant 3277 : i32
    %mul3A_33 = vector.broadcast %mul3A_32 : i32 to vector<16xi32>
    %mul3A_34 = arith.muli %add3A_31, %mul3A_33 : vector<16xi32>
    %shift_right_logical3A = arith.constant 16 : i32
    %shift_right_logical3A_35 = vector.broadcast %shift_right_logical3A : i32 to vector<16xi32>
    %shift_right_logical3A_36 = arith.shrui %mul3A_34, %shift_right_logical3A_35 : vector<16xi32>
    %add3A_37 = arith.constant 0 : i32
    %add3A_38 = vector.broadcast %add3A_37 : i32 to vector<16xi32>
    %add3A_39 = arith.addi %shift_right_logical3A_36, %add3A_38 : vector<16xi32>
    %mul3A_40 = arith.constant 20 : i32
    %mul3A_41 = vector.broadcast %mul3A_40 : i32 to vector<16xi32>
    %mul3A_42 = arith.muli %shift_right_logical3A_36, %mul3A_41 : vector<16xi32>
    %sub3A = arith.subi %add3A_31, %mul3A_42 : vector<16xi32>
    %add3A_43 = arith.constant 0 : i32
    %add3A_44 = vector.broadcast %add3A_43 : i32 to vector<16xi32>
    %add3A_45 = arith.addi %sub3A, %add3A_44 : vector<16xi32>
    %gather3A = tpu.vector_load_idx %arg8[%add3A_39, %add3A_45] : memref<512x128xi32, #tpu.memory_space<vmem>>[vector<16xi32>, vector<16xi32>], vector<16xi32>,
    %swap3A = arith.constant 0 : index
    %swap3A_46 = tpu.vector_load %arg12[%swap3A] {strides = array<i32>} : memref<80xi32, #tpu.memory_space<vmem>>, vector<16xi32>,
    tpu.vector_store %arg12[%swap3A], %gather3A {strides = array<i32>} : memref<80xi32, #tpu.memory_space<vmem>>, vector<16xi32>,
    %iota3A_47 = tpu.iota {dimensions = array<i32: 0>} : vector<16xi32>
    %add3A_48 = arith.constant 16 : i32
    %add3A_49 = vector.broadcast %add3A_48 : i32 to vector<16xi32>
    %add3A_50 = arith.addi %iota3A_47, %add3A_49 : vector<16xi32>
    %mul3A_51 = arith.constant 3277 : i32
    %mul3A_52 = vector.broadcast %mul3A_51 : i32 to vector<16xi32>
    %mul3A_53 = arith.muli %add3A_50, %mul3A_52 : vector<16xi32>
    %shift_right_logical3A_54 = arith.constant 16 : i32
    %shift_right_logical3A_55 = vector.broadcast %shift_right_logical3A_54 : i32 to vector<16xi32>
    %shift_right_logical3A_56 = arith.shrui %mul3A_53, %shift_right_logical3A_55 : vector<16xi32>
    %add3A_57 = arith.constant 0 : i32
    %add3A_58 = vector.broadcast %add3A_57 : i32 to vector<16xi32>
    %add3A_59 = arith.addi %shift_right_logical3A_56, %add3A_58 : vector<16xi32>
    %mul3A_60 = arith.constant 20 : i32
    %mul3A_61 = vector.broadcast %mul3A_60 : i32 to vector<16xi32>
    %mul3A_62 = arith.muli %shift_right_logical3A_56, %mul3A_61 : vector<16xi32>
    %sub3A_63 = arith.subi %add3A_50, %mul3A_62 : vector<16xi32>
    %add3A_64 = arith.constant 0 : i32
    %add3A_65 = vector.broadcast %add3A_64 : i32 to vector<16xi32>
    %add3A_66 = arith.addi %sub3A_63, %add3A_65 : vector<16xi32>
    %gather3A_67 = tpu.vector_load_idx %arg8[%add3A_59, %add3A_66] : memref<512x128xi32, #tpu.memory_space<vmem>>[vector<16xi32>, vector<16xi32>], vector<16xi32>,
    %swap3A_68 = arith.constant 16 : index
    %swap3A_69 = tpu.vector_load %arg12[%swap3A_68] {strides = array<i32>} : memref<80xi32, #tpu.memory_space<vmem>>, vector<16xi32>,
    tpu.vector_store %arg12[%swap3A_68], %gather3A_67 {strides = array<i32>} : memref<80xi32, #tpu.memory_space<vmem>>, vector<16xi32>,
    %iota3A_70 = tpu.iota {dimensions = array<i32: 0>} : vector<16xi32>
    %add3A_71 = arith.constant 32 : i32
    %add3A_72 = vector.broadcast %add3A_71 : i32 to vector<16xi32>
    %add3A_73 = arith.addi %iota3A_70, %add3A_72 : vector<16xi32>
    %mul3A_74 = arith.constant 3277 : i32
    %mul3A_75 = vector.broadcast %mul3A_74 : i32 to vector<16xi32>
    %mul3A_76 = arith.muli %add3A_73, %mul3A_75 : vector<16xi32>
    %shift_right_logical3A_77 = arith.constant 16 : i32
    %shift_right_logical3A_78 = vector.broadcast %shift_right_logical3A_77 : i32 to vector<16xi32>
    %shift_right_logical3A_79 = arith.shrui %mul3A_76, %shift_right_logical3A_78 : vector<16xi32>
    %add3A_80 = arith.constant 0 : i32
    %add3A_81 = vector.broadcast %add3A_80 : i32 to vector<16xi32>
    %add3A_82 = arith.addi %shift_right_logical3A_79, %add3A_81 : vector<16xi32>
    %mul3A_83 = arith.constant 20 : i32
    %mul3A_84 = vector.broadcast %mul3A_83 : i32 to vector<16xi32>
    %mul3A_85 = arith.muli %shift_right_logical3A_79, %mul3A_84 : vector<16xi32>
    %sub3A_86 = arith.subi %add3A_73, %mul3A_85 : vector<16xi32>
    %add3A_87 = arith.constant 0 : i32
    %add3A_88 = vector.broadcast %add3A_87 : i32 to vector<16xi32>
    %add3A_89 = arith.addi %sub3A_86, %add3A_88 : vector<16xi32>
    %gather3A_90 = tpu.vector_load_idx %arg8[%add3A_82, %add3A_89] : memref<512x128xi32, #tpu.memory_space<vmem>>[vector<16xi32>, vector<16xi32>], vector<16xi32>,
    %swap3A_91 = arith.constant 32 : index
    %swap3A_92 = tpu.vector_load %arg12[%swap3A_91] {strides = array<i32>} : memref<80xi32, #tpu.memory_space<vmem>>, vector<16xi32>,
    tpu.vector_store %arg12[%swap3A_91], %gather3A_90 {strides = array<i32>} : memref<80xi32, #tpu.memory_space<vmem>>, vector<16xi32>,
    %iota3A_93 = tpu.iota {dimensions = array<i32: 0>} : vector<16xi32>
    %add3A_94 = arith.constant 48 : i32
    %add3A_95 = vector.broadcast %add3A_94 : i32 to vector<16xi32>
    %add3A_96 = arith.addi %iota3A_93, %add3A_95 : vector<16xi32>
    %mul3A_97 = arith.constant 3277 : i32
    %mul3A_98 = vector.broadcast %mul3A_97 : i32 to vector<16xi32>
    %mul3A_99 = arith.muli %add3A_96, %mul3A_98 : vector<16xi32>
    %shift_right_logical3A_100 = arith.constant 16 : i32
    %shift_right_logical3A_101 = vector.broadcast %shift_right_logical3A_100 : i32 to vector<16xi32>
    %shift_right_logical3A_102 = arith.shrui %mul3A_99, %shift_right_logical3A_101 : vector<16xi32>
    %add3A_103 = arith.constant 0 : i32
    %add3A_104 = vector.broadcast %add3A_103 : i32 to vector<16xi32>
    %add3A_105 = arith.addi %shift_right_logical3A_102, %add3A_104 : vector<16xi32>
    %mul3A_106 = arith.constant 20 : i32
    %mul3A_107 = vector.broadcast %mul3A_106 : i32 to vector<16xi32>
    %mul3A_108 = arith.muli %shift_right_logical3A_102, %mul3A_107 : vector<16xi32>
    %sub3A_109 = arith.subi %add3A_96, %mul3A_108 : vector<16xi32>
    %add3A_110 = arith.constant 0 : i32
    %add3A_111 = vector.broadcast %add3A_110 : i32 to vector<16xi32>
    %add3A_112 = arith.addi %sub3A_109, %add3A_111 : vector<16xi32>
    %gather3A_113 = tpu.vector_load_idx %arg8[%add3A_105, %add3A_112] : memref<512x128xi32, #tpu.memory_space<vmem>>[vector<16xi32>, vector<16xi32>], vector<16xi32>,
    %swap3A_114 = arith.constant 48 : index
    %swap3A_115 = tpu.vector_load %arg12[%swap3A_114] {strides = array<i32>} : memref<80xi32, #tpu.memory_space<vmem>>, vector<16xi32>,
    tpu.vector_store %arg12[%swap3A_114], %gather3A_113 {strides = array<i32>} : memref<80xi32, #tpu.memory_space<vmem>>, vector<16xi32>,
    %iota3A_116 = tpu.iota {dimensions = array<i32: 0>} : vector<16xi32>
    %add3A_117 = arith.constant 64 : i32
    %add3A_118 = vector.broadcast %add3A_117 : i32 to vector<16xi32>
    %add3A_119 = arith.addi %iota3A_116, %add3A_118 : vector<16xi32>
    %mul3A_120 = arith.constant 3277 : i32
    %mul3A_121 = vector.broadcast %mul3A_120 : i32 to vector<16xi32>
    %mul3A_122 = arith.muli %add3A_119, %mul3A_121 : vector<16xi32>
    %shift_right_logical3A_123 = arith.constant 16 : i32
    %shift_right_logical3A_124 = vector.broadcast %shift_right_logical3A_123 : i32 to vector<16xi32>
    %shift_right_logical3A_125 = arith.shrui %mul3A_122, %shift_right_logical3A_124 : vector<16xi32>
    %add3A_126 = arith.constant 0 : i32
    %add3A_127 = vector.broadcast %add3A_126 : i32 to vector<16xi32>
    %add3A_128 = arith.addi %shift_right_logical3A_125, %add3A_127 : vector<16xi32>
    %mul3A_129 = arith.constant 20 : i32
    %mul3A_130 = vector.broadcast %mul3A_129 : i32 to vector<16xi32>
    %mul3A_131 = arith.muli %shift_right_logical3A_125, %mul3A_130 : vector<16xi32>
    %sub3A_132 = arith.subi %add3A_119, %mul3A_131 : vector<16xi32>
    %add3A_133 = arith.constant 0 : i32
    %add3A_134 = vector.broadcast %add3A_133 : i32 to vector<16xi32>
    %add3A_135 = arith.addi %sub3A_132, %add3A_134 : vector<16xi32>
    %gather3A_136 = tpu.vector_load_idx %arg8[%add3A_128, %add3A_135] : memref<512x128xi32, #tpu.memory_space<vmem>>[vector<16xi32>, vector<16xi32>], vector<16xi32>,
    %swap3A_137 = arith.constant 64 : index
    %swap3A_138 = tpu.vector_load %arg12[%swap3A_137] {strides = array<i32>} : memref<80xi32, #tpu.memory_space<vmem>>, vector<16xi32>,
    tpu.vector_store %arg12[%swap3A_137], %gather3A_136 {strides = array<i32>} : memref<80xi32, #tpu.memory_space<vmem>>, vector<16xi32>,
    %iota3A_139 = tpu.iota {dimensions = array<i32: 0>} : vector<16xi32>
    %add3A_140 = arith.constant 0 : i32
    %add3A_141 = vector.broadcast %add3A_140 : i32 to vector<16xi32>
    %add3A_142 = arith.addi %iota3A_139, %add3A_141 : vector<16xi32>
    %mul3A_143 = arith.constant 3277 : i32
    %mul3A_144 = vector.broadcast %mul3A_143 : i32 to vector<16xi32>
    %mul3A_145 = arith.muli %add3A_142, %mul3A_144 : vector<16xi32>
    %shift_right_logical3A_146 = arith.constant 16 : i32
    %shift_right_logical3A_147 = vector.broadcast %shift_right_logical3A_146 : i32 to vector<16xi32>
    %shift_right_logical3A_148 = arith.shrui %mul3A_145, %shift_right_logical3A_147 : vector<16xi32>
    %add3A_149 = arith.constant 4 : i32
    %add3A_150 = vector.broadcast %add3A_149 : i32 to vector<16xi32>
    %add3A_151 = arith.addi %shift_right_logical3A_148, %add3A_150 : vector<16xi32>
    %mul3A_152 = arith.constant 20 : i32
    %mul3A_153 = vector.broadcast %mul3A_152 : i32 to vector<16xi32>
    %mul3A_154 = arith.muli %shift_right_logical3A_148, %mul3A_153 : vector<16xi32>
    %sub3A_155 = arith.subi %add3A_142, %mul3A_154 : vector<16xi32>
    %add3A_156 = arith.constant 0 : i32
    %add3A_157 = vector.broadcast %add3A_156 : i32 to vector<16xi32>
    %add3A_158 = arith.addi %sub3A_155, %add3A_157 : vector<16xi32>
    %gather3A_159 = tpu.vector_load_idx %arg8[%add3A_151, %add3A_158] : memref<512x128xi32, #tpu.memory_space<vmem>>[vector<16xi32>, vector<16xi32>], vector<16xi32>,
    %swap3A_160 = arith.constant 0 : index
    %swap3A_161 = tpu.vector_load %arg13[%swap3A_160] {strides = array<i32>} : memref<80xi32, #tpu.memory_space<vmem>>, vector<16xi32>,
    tpu.vector_store %arg13[%swap3A_160], %gather3A_159 {strides = array<i32>} : memref<80xi32, #tpu.memory_space<vmem>>, vector<16xi32>,
    %iota3A_162 = tpu.iota {dimensions = array<i32: 0>} : vector<16xi32>
    %add3A_163 = arith.constant 16 : i32
    %add3A_164 = vector.broadcast %add3A_163 : i32 to vector<16xi32>
    %add3A_165 = arith.addi %iota3A_162, %add3A_164 : vector<16xi32>
    %mul3A_166 = arith.constant 3277 : i32
    %mul3A_167 = vector.broadcast %mul3A_166 : i32 to vector<16xi32>
    %mul3A_168 = arith.muli %add3A_165, %mul3A_167 : vector<16xi32>
    %shift_right_logical3A_169 = arith.constant 16 : i32
    %shift_right_logical3A_170 = vector.broadcast %shift_right_logical3A_169 : i32 to vector<16xi32>
    %shift_right_logical3A_171 = arith.shrui %mul3A_168, %shift_right_logical3A_170 : vector<16xi32>
    %add3A_172 = arith.constant 4 : i32
    %add3A_173 = vector.broadcast %add3A_172 : i32 to vector<16xi32>
    %add3A_174 = arith.addi %shift_right_logical3A_171, %add3A_173 : vector<16xi32>
    %mul3A_175 = arith.constant 20 : i32
    %mul3A_176 = vector.broadcast %mul3A_175 : i32 to vector<16xi32>
    %mul3A_177 = arith.muli %shift_right_logical3A_171, %mul3A_176 : vector<16xi32>
    %sub3A_178 = arith.subi %add3A_165, %mul3A_177 : vector<16xi32>
    %add3A_179 = arith.constant 0 : i32
    %add3A_180 = vector.broadcast %add3A_179 : i32 to vector<16xi32>
    %add3A_181 = arith.addi %sub3A_178, %add3A_180 : vector<16xi32>
    %gather3A_182 = tpu.vector_load_idx %arg8[%add3A_174, %add3A_181] : memref<512x128xi32, #tpu.memory_space<vmem>>[vector<16xi32>, vector<16xi32>], vector<16xi32>,
    %swap3A_183 = arith.constant 16 : index
    %swap3A_184 = tpu.vector_load %arg13[%swap3A_183] {strides = array<i32>} : memref<80xi32, #tpu.memory_space<vmem>>, vector<16xi32>,
    tpu.vector_store %arg13[%swap3A_183], %gather3A_182 {strides = array<i32>} : memref<80xi32, #tpu.memory_space<vmem>>, vector<16xi32>,
    %iota3A_185 = tpu.iota {dimensions = array<i32: 0>} : vector<16xi32>
    %add3A_186 = arith.constant 32 : i32
    %add3A_187 = vector.broadcast %add3A_186 : i32 to vector<16xi32>
    %add3A_188 = arith.addi %iota3A_185, %add3A_187 : vector<16xi32>
    %mul3A_189 = arith.constant 3277 : i32
    %mul3A_190 = vector.broadcast %mul3A_189 : i32 to vector<16xi32>
    %mul3A_191 = arith.muli %add3A_188, %mul3A_190 : vector<16xi32>
    %shift_right_logical3A_192 = arith.constant 16 : i32
    %shift_right_logical3A_193 = vector.broadcast %shift_right_logical3A_192 : i32 to vector<16xi32>
    %shift_right_logical3A_194 = arith.shrui %mul3A_191, %shift_right_logical3A_193 : vector<16xi32>
    %add3A_195 = arith.constant 4 : i32
    %add3A_196 = vector.broadcast %add3A_195 : i32 to vector<16xi32>
    %add3A_197 = arith.addi %shift_right_logical3A_194, %add3A_196 : vector<16xi32>
    %mul3A_198 = arith.constant 20 : i32
    %mul3A_199 = vector.broadcast %mul3A_198 : i32 to vector<16xi32>
    %mul3A_200 = arith.muli %shift_right_logical3A_194, %mul3A_199 : vector<16xi32>
    %sub3A_201 = arith.subi %add3A_188, %mul3A_200 : vector<16xi32>
    %add3A_202 = arith.constant 0 : i32
    %add3A_203 = vector.broadcast %add3A_202 : i32 to vector<16xi32>
    %add3A_204 = arith.addi %sub3A_201, %add3A_203 : vector<16xi32>
    %gather3A_205 = tpu.vector_load_idx %arg8[%add3A_197, %add3A_204] : memref<512x128xi32, #tpu.memory_space<vmem>>[vector<16xi32>, vector<16xi32>], vector<16xi32>,
    %swap3A_206 = arith.constant 32 : index
    %swap3A_207 = tpu.vector_load %arg13[%swap3A_206] {strides = array<i32>} : memref<80xi32, #tpu.memory_space<vmem>>, vector<16xi32>,
    tpu.vector_store %arg13[%swap3A_206], %gather3A_205 {strides = array<i32>} : memref<80xi32, #tpu.memory_space<vmem>>, vector<16xi32>,
    %iota3A_208 = tpu.iota {dimensions = array<i32: 0>} : vector<16xi32>
    %add3A_209 = arith.constant 48 : i32
    %add3A_210 = vector.broadcast %add3A_209 : i32 to vector<16xi32>
    %add3A_211 = arith.addi %iota3A_208, %add3A_210 : vector<16xi32>
    %mul3A_212 = arith.constant 3277 : i32
    %mul3A_213 = vector.broadcast %mul3A_212 : i32 to vector<16xi32>
    %mul3A_214 = arith.muli %add3A_211, %mul3A_213 : vector<16xi32>
    %shift_right_logical3A_215 = arith.constant 16 : i32
    %shift_right_logical3A_216 = vector.broadcast %shift_right_logical3A_215 : i32 to vector<16xi32>
    %shift_right_logical3A_217 = arith.shrui %mul3A_214, %shift_right_logical3A_216 : vector<16xi32>
    %add3A_218 = arith.constant 4 : i32
    %add3A_219 = vector.broadcast %add3A_218 : i32 to vector<16xi32>
    %add3A_220 = arith.addi %shift_right_logical3A_217, %add3A_219 : vector<16xi32>
    %mul3A_221 = arith.constant 20 : i32
    %mul3A_222 = vector.broadcast %mul3A_221 : i32 to vector<16xi32>
    %mul3A_223 = arith.muli %shift_right_logical3A_217, %mul3A_222 : vector<16xi32>
    %sub3A_224 = arith.subi %add3A_211, %mul3A_223 : vector<16xi32>
    %add3A_225 = arith.constant 0 : i32
    %add3A_226 = vector.broadcast %add3A_225 : i32 to vector<16xi32>
    %add3A_227 = arith.addi %sub3A_224, %add3A_226 : vector<16xi32>
    %gather3A_228 = tpu.vector_load_idx %arg8[%add3A_220, %add3A_227] : memref<512x128xi32, #tpu.memory_space<vmem>>[vector<16xi32>, vector<16xi32>], vector<16xi32>,
    %swap3A_229 = arith.constant 48 : index
    %swap3A_230 = tpu.vector_load %arg13[%swap3A_229] {strides = array<i32>} : memref<80xi32, #tpu.memory_space<vmem>>, vector<16xi32>,
    tpu.vector_store %arg13[%swap3A_229], %gather3A_228 {strides = array<i32>} : memref<80xi32, #tpu.memory_space<vmem>>, vector<16xi32>,
    %iota3A_231 = tpu.iota {dimensions = array<i32: 0>} : vector<16xi32>
    %add3A_232 = arith.constant 64 : i32
    %add3A_233 = vector.broadcast %add3A_232 : i32 to vector<16xi32>
    %add3A_234 = arith.addi %iota3A_231, %add3A_233 : vector<16xi32>
    %mul3A_235 = arith.constant 3277 : i32
    %mul3A_236 = vector.broadcast %mul3A_235 : i32 to vector<16xi32>
    %mul3A_237 = arith.muli %add3A_234, %mul3A_236 : vector<16xi32>
    %shift_right_logical3A_238 = arith.constant 16 : i32
    %shift_right_logical3A_239 = vector.broadcast %shift_right_logical3A_238 : i32 to vector<16xi32>
    %shift_right_logical3A_240 = arith.shrui %mul3A_237, %shift_right_logical3A_239 : vector<16xi32>
    %add3A_241 = arith.constant 4 : i32
    %add3A_242 = vector.broadcast %add3A_241 : i32 to vector<16xi32>
    %add3A_243 = arith.addi %shift_right_logical3A_240, %add3A_242 : vector<16xi32>
    %mul3A_244 = arith.constant 20 : i32
    %mul3A_245 = vector.broadcast %mul3A_244 : i32 to vector<16xi32>
    %mul3A_246 = arith.muli %shift_right_logical3A_240, %mul3A_245 : vector<16xi32>
    %sub3A_247 = arith.subi %add3A_234, %mul3A_246 : vector<16xi32>
    %add3A_248 = arith.constant 0 : i32
    %add3A_249 = vector.broadcast %add3A_248 : i32 to vector<16xi32>
    %add3A_250 = arith.addi %sub3A_247, %add3A_249 : vector<16xi32>
    %gather3A_251 = tpu.vector_load_idx %arg8[%add3A_243, %add3A_250] : memref<512x128xi32, #tpu.memory_space<vmem>>[vector<16xi32>, vector<16xi32>], vector<16xi32>,
    %swap3A_252 = arith.constant 64 : index
    %swap3A_253 = tpu.vector_load %arg13[%swap3A_252] {strides = array<i32>} : memref<80xi32, #tpu.memory_space<vmem>>, vector<16xi32>,
    tpu.vector_store %arg13[%swap3A_252], %gather3A_251 {strides = array<i32>} : memref<80xi32, #tpu.memory_space<vmem>>, vector<16xi32>,
    %iota3A_254 = tpu.iota {dimensions = array<i32: 0>} : vector<16xi32>
    %add3A_255 = arith.constant 0 : i32
    %add3A_256 = vector.broadcast %add3A_255 : i32 to vector<16xi32>
    %add3A_257 = arith.addi %iota3A_254, %add3A_256 : vector<16xi32>
    %mul3A_258 = arith.constant 3277 : i32
    %mul3A_259 = vector.broadcast %mul3A_258 : i32 to vector<16xi32>
    %mul3A_260 = arith.muli %add3A_257, %mul3A_259 : vector<16xi32>
    %shift_right_logical3A_261 = arith.constant 16 : i32
    %shift_right_logical3A_262 = vector.broadcast %shift_right_logical3A_261 : i32 to vector<16xi32>
    %shift_right_logical3A_263 = arith.shrui %mul3A_260, %shift_right_logical3A_262 : vector<16xi32>
    %add3A_264 = arith.constant 8 : i32
    %add3A_265 = vector.broadcast %add3A_264 : i32 to vector<16xi32>
    %add3A_266 = arith.addi %shift_right_logical3A_263, %add3A_265 : vector<16xi32>
    %mul3A_267 = arith.constant 20 : i32
    %mul3A_268 = vector.broadcast %mul3A_267 : i32 to vector<16xi32>
    %mul3A_269 = arith.muli %shift_right_logical3A_263, %mul3A_268 : vector<16xi32>
    %sub3A_270 = arith.subi %add3A_257, %mul3A_269 : vector<16xi32>
    %add3A_271 = arith.constant 0 : i32
    %add3A_272 = vector.broadcast %add3A_271 : i32 to vector<16xi32>
    %add3A_273 = arith.addi %sub3A_270, %add3A_272 : vector<16xi32>
    %gather3A_274 = tpu.vector_load_idx %arg8[%add3A_266, %add3A_273] : memref<512x128xi32, #tpu.memory_space<vmem>>[vector<16xi32>, vector<16xi32>], vector<16xi32>,
    %swap3A_275 = arith.constant 0 : index
    %swap3A_276 = tpu.vector_load %arg14[%swap3A_275] {strides = array<i32>} : memref<80xi32, #tpu.memory_space<vmem>>, vector<16xi32>,
    tpu.vector_store %arg14[%swap3A_275], %gather3A_274 {strides = array<i32>} : memref<80xi32, #tpu.memory_space<vmem>>, vector<16xi32>,
    %iota3A_277 = tpu.iota {dimensions = array<i32: 0>} : vector<16xi32>
    %add3A_278 = arith.constant 16 : i32
    %add3A_279 = vector.broadcast %add3A_278 : i32 to vector<16xi32>
    %add3A_280 = arith.addi %iota3A_277, %add3A_279 : vector<16xi32>
    %mul3A_281 = arith.constant 3277 : i32
    %mul3A_282 = vector.broadcast %mul3A_281 : i32 to vector<16xi32>
    %mul3A_283 = arith.muli %add3A_280, %mul3A_282 : vector<16xi32>
    %shift_right_logical3A_284 = arith.constant 16 : i32
    %shift_right_logical3A_285 = vector.broadcast %shift_right_logical3A_284 : i32 to vector<16xi32>
    %shift_right_logical3A_286 = arith.shrui %mul3A_283, %shift_right_logical3A_285 : vector<16xi32>
    %add3A_287 = arith.constant 8 : i32
    %add3A_288 = vector.broadcast %add3A_287 : i32 to vector<16xi32>
    %add3A_289 = arith.addi %shift_right_logical3A_286, %add3A_288 : vector<16xi32>
    %mul3A_290 = arith.constant 20 : i32
    %mul3A_291 = vector.broadcast %mul3A_290 : i32 to vector<16xi32>
    %mul3A_292 = arith.muli %shift_right_logical3A_286, %mul3A_291 : vector<16xi32>
    %sub3A_293 = arith.subi %add3A_280, %mul3A_292 : vector<16xi32>
    %add3A_294 = arith.constant 0 : i32
    %add3A_295 = vector.broadcast %add3A_294 : i32 to vector<16xi32>
    %add3A_296 = arith.addi %sub3A_293, %add3A_295 : vector<16xi32>
    %gather3A_297 = tpu.vector_load_idx %arg8[%add3A_289, %add3A_296] : memref<512x128xi32, #tpu.memory_space<vmem>>[vector<16xi32>, vector<16xi32>], vector<16xi32>,
    %swap3A_298 = arith.constant 16 : index
    %swap3A_299 = tpu.vector_load %arg14[%swap3A_298] {strides = array<i32>} : memref<80xi32, #tpu.memory_space<vmem>>, vector<16xi32>,
    tpu.vector_store %arg14[%swap3A_298], %gather3A_297 {strides = array<i32>} : memref<80xi32, #tpu.memory_space<vmem>>, vector<16xi32>,
    %iota3A_300 = tpu.iota {dimensions = array<i32: 0>} : vector<16xi32>
    %add3A_301 = arith.constant 32 : i32
    %add3A_302 = vector.broadcast %add3A_301 : i32 to vector<16xi32>
    %add3A_303 = arith.addi %iota3A_300, %add3A_302 : vector<16xi32>
    %mul3A_304 = arith.constant 3277 : i32
    %mul3A_305 = vector.broadcast %mul3A_304 : i32 to vector<16xi32>
    %mul3A_306 = arith.muli %add3A_303, %mul3A_305 : vector<16xi32>
    %shift_right_logical3A_307 = arith.constant 16 : i32
    %shift_right_logical3A_308 = vector.broadcast %shift_right_logical3A_307 : i32 to vector<16xi32>
    %shift_right_logical3A_309 = arith.shrui %mul3A_306, %shift_right_logical3A_308 : vector<16xi32>
    %add3A_310 = arith.constant 8 : i32
    %add3A_311 = vector.broadcast %add3A_310 : i32 to vector<16xi32>
    %add3A_312 = arith.addi %shift_right_logical3A_309, %add3A_311 : vector<16xi32>
    %mul3A_313 = arith.constant 20 : i32
    %mul3A_314 = vector.broadcast %mul3A_313 : i32 to vector<16xi32>
    %mul3A_315 = arith.muli %shift_right_logical3A_309, %mul3A_314 : vector<16xi32>
    %sub3A_316 = arith.subi %add3A_303, %mul3A_315 : vector<16xi32>
    %add3A_317 = arith.constant 0 : i32
    %add3A_318 = vector.broadcast %add3A_317 : i32 to vector<16xi32>
    %add3A_319 = arith.addi %sub3A_316, %add3A_318 : vector<16xi32>
    %gather3A_320 = tpu.vector_load_idx %arg8[%add3A_312, %add3A_319] : memref<512x128xi32, #tpu.memory_space<vmem>>[vector<16xi32>, vector<16xi32>], vector<16xi32>,
    %swap3A_321 = arith.constant 32 : index
    %swap3A_322 = tpu.vector_load %arg14[%swap3A_321] {strides = array<i32>} : memref<80xi32, #tpu.memory_space<vmem>>, vector<16xi32>,
    tpu.vector_store %arg14[%swap3A_321], %gather3A_320 {strides = array<i32>} : memref<80xi32, #tpu.memory_space<vmem>>, vector<16xi32>,
    %iota3A_323 = tpu.iota {dimensions = array<i32: 0>} : vector<16xi32>
    %add3A_324 = arith.constant 48 : i32
    %add3A_325 = vector.broadcast %add3A_324 : i32 to vector<16xi32>
    %add3A_326 = arith.addi %iota3A_323, %add3A_325 : vector<16xi32>
    %mul3A_327 = arith.constant 3277 : i32
    %mul3A_328 = vector.broadcast %mul3A_327 : i32 to vector<16xi32>
    %mul3A_329 = arith.muli %add3A_326, %mul3A_328 : vector<16xi32>
    %shift_right_logical3A_330 = arith.constant 16 : i32
    %shift_right_logical3A_331 = vector.broadcast %shift_right_logical3A_330 : i32 to vector<16xi32>
    %shift_right_logical3A_332 = arith.shrui %mul3A_329, %shift_right_logical3A_331 : vector<16xi32>
    %add3A_333 = arith.constant 8 : i32
    %add3A_334 = vector.broadcast %add3A_333 : i32 to vector<16xi32>
    %add3A_335 = arith.addi %shift_right_logical3A_332, %add3A_334 : vector<16xi32>
    %mul3A_336 = arith.constant 20 : i32
    %mul3A_337 = vector.broadcast %mul3A_336 : i32 to vector<16xi32>
    %mul3A_338 = arith.muli %shift_right_logical3A_332, %mul3A_337 : vector<16xi32>
    %sub3A_339 = arith.subi %add3A_326, %mul3A_338 : vector<16xi32>
    %add3A_340 = arith.constant 0 : i32
    %add3A_341 = vector.broadcast %add3A_340 : i32 to vector<16xi32>
    %add3A_342 = arith.addi %sub3A_339, %add3A_341 : vector<16xi32>
    %gather3A_343 = tpu.vector_load_idx %arg8[%add3A_335, %add3A_342] : memref<512x128xi32, #tpu.memory_space<vmem>>[vector<16xi32>, vector<16xi32>], vector<16xi32>,
    %swap3A_344 = arith.constant 48 : index
    %swap3A_345 = tpu.vector_load %arg14[%swap3A_344] {strides = array<i32>} : memref<80xi32, #tpu.memory_space<vmem>>, vector<16xi32>,
    tpu.vector_store %arg14[%swap3A_344], %gather3A_343 {strides = array<i32>} : memref<80xi32, #tpu.memory_space<vmem>>, vector<16xi32>,
    %iota3A_346 = tpu.iota {dimensions = array<i32: 0>} : vector<16xi32>
    %add3A_347 = arith.constant 64 : i32
    %add3A_348 = vector.broadcast %add3A_347 : i32 to vector<16xi32>
    %add3A_349 = arith.addi %iota3A_346, %add3A_348 : vector<16xi32>
    %mul3A_350 = arith.constant 3277 : i32
    %mul3A_351 = vector.broadcast %mul3A_350 : i32 to vector<16xi32>
    %mul3A_352 = arith.muli %add3A_349, %mul3A_351 : vector<16xi32>
    %shift_right_logical3A_353 = arith.constant 16 : i32
    %shift_right_logical3A_354 = vector.broadcast %shift_right_logical3A_353 : i32 to vector<16xi32>
    %shift_right_logical3A_355 = arith.shrui %mul3A_352, %shift_right_logical3A_354 : vector<16xi32>
    %add3A_356 = arith.constant 8 : i32
    %add3A_357 = vector.broadcast %add3A_356 : i32 to vector<16xi32>
    %add3A_358 = arith.addi %shift_right_logical3A_355, %add3A_357 : vector<16xi32>
    %mul3A_359 = arith.constant 20 : i32
    %mul3A_360 = vector.broadcast %mul3A_359 : i32 to vector<16xi32>
    %mul3A_361 = arith.muli %shift_right_logical3A_355, %mul3A_360 : vector<16xi32>
    %sub3A_362 = arith.subi %add3A_349, %mul3A_361 : vector<16xi32>
    %add3A_363 = arith.constant 0 : i32
    %add3A_364 = vector.broadcast %add3A_363 : i32 to vector<16xi32>
    %add3A_365 = arith.addi %sub3A_362, %add3A_364 : vector<16xi32>
    %gather3A_366 = tpu.vector_load_idx %arg8[%add3A_358, %add3A_365] : memref<512x128xi32, #tpu.memory_space<vmem>>[vector<16xi32>, vector<16xi32>], vector<16xi32>,
    %swap3A_367 = arith.constant 64 : index
    %swap3A_368 = tpu.vector_load %arg14[%swap3A_367] {strides = array<i32>} : memref<80xi32, #tpu.memory_space<vmem>>, vector<16xi32>,
    tpu.vector_store %arg14[%swap3A_367], %gather3A_366 {strides = array<i32>} : memref<80xi32, #tpu.memory_space<vmem>>, vector<16xi32>,
    %iota3A_369 = tpu.iota {dimensions = array<i32: 0>} : vector<16xi32>
    %add3A_370 = arith.constant 0 : i32
    %add3A_371 = vector.broadcast %add3A_370 : i32 to vector<16xi32>
    %add3A_372 = arith.addi %iota3A_369, %add3A_371 : vector<16xi32>
    %mul3A_373 = arith.constant 3277 : i32
    %mul3A_374 = vector.broadcast %mul3A_373 : i32 to vector<16xi32>
    %mul3A_375 = arith.muli %add3A_372, %mul3A_374 : vector<16xi32>
    %shift_right_logical3A_376 = arith.constant 16 : i32
    %shift_right_logical3A_377 = vector.broadcast %shift_right_logical3A_376 : i32 to vector<16xi32>
    %shift_right_logical3A_378 = arith.shrui %mul3A_375, %shift_right_logical3A_377 : vector<16xi32>
    %add3A_379 = arith.constant 12 : i32
    %add3A_380 = vector.broadcast %add3A_379 : i32 to vector<16xi32>
    %add3A_381 = arith.addi %shift_right_logical3A_378, %add3A_380 : vector<16xi32>
    %mul3A_382 = arith.constant 20 : i32
    %mul3A_383 = vector.broadcast %mul3A_382 : i32 to vector<16xi32>
    %mul3A_384 = arith.muli %shift_right_logical3A_378, %mul3A_383 : vector<16xi32>
    %sub3A_385 = arith.subi %add3A_372, %mul3A_384 : vector<16xi32>
    %add3A_386 = arith.constant 0 : i32
    %add3A_387 = vector.broadcast %add3A_386 : i32 to vector<16xi32>
    %add3A_388 = arith.addi %sub3A_385, %add3A_387 : vector<16xi32>
    %gather3A_389 = tpu.vector_load_idx %arg8[%add3A_381, %add3A_388] : memref<512x128xi32, #tpu.memory_space<vmem>>[vector<16xi32>, vector<16xi32>], vector<16xi32>,
    %swap3A_390 = arith.constant 0 : index
    %swap3A_391 = tpu.vector_load %arg15[%swap3A_390] {strides = array<i32>} : memref<80xi32, #tpu.memory_space<vmem>>, vector<16xi32>,
    tpu.vector_store %arg15[%swap3A_390], %gather3A_389 {strides = array<i32>} : memref<80xi32, #tpu.memory_space<vmem>>, vector<16xi32>,
    %iota3A_392 = tpu.iota {dimensions = array<i32: 0>} : vector<16xi32>
    %add3A_393 = arith.constant 16 : i32
    %add3A_394 = vector.broadcast %add3A_393 : i32 to vector<16xi32>
    %add3A_395 = arith.addi %iota3A_392, %add3A_394 : vector<16xi32>
    %mul3A_396 = arith.constant 3277 : i32
    %mul3A_397 = vector.broadcast %mul3A_396 : i32 to vector<16xi32>
    %mul3A_398 = arith.muli %add3A_395, %mul3A_397 : vector<16xi32>
    %shift_right_logical3A_399 = arith.constant 16 : i32
    %shift_right_logical3A_400 = vector.broadcast %shift_right_logical3A_399 : i32 to vector<16xi32>
    %shift_right_logical3A_401 = arith.shrui %mul3A_398, %shift_right_logical3A_400 : vector<16xi32>
    %add3A_402 = arith.constant 12 : i32
    %add3A_403 = vector.broadcast %add3A_402 : i32 to vector<16xi32>
    %add3A_404 = arith.addi %shift_right_logical3A_401, %add3A_403 : vector<16xi32>
    %mul3A_405 = arith.constant 20 : i32
    %mul3A_406 = vector.broadcast %mul3A_405 : i32 to vector<16xi32>
    %mul3A_407 = arith.muli %shift_right_logical3A_401, %mul3A_406 : vector<16xi32>
    %sub3A_408 = arith.subi %add3A_395, %mul3A_407 : vector<16xi32>
    %add3A_409 = arith.constant 0 : i32
    %add3A_410 = vector.broadcast %add3A_409 : i32 to vector<16xi32>
    %add3A_411 = arith.addi %sub3A_408, %add3A_410 : vector<16xi32>
    %gather3A_412 = tpu.vector_load_idx %arg8[%add3A_404, %add3A_411] : memref<512x128xi32, #tpu.memory_space<vmem>>[vector<16xi32>, vector<16xi32>], vector<16xi32>,
    %swap3A_413 = arith.constant 16 : index
    %swap3A_414 = tpu.vector_load %arg15[%swap3A_413] {strides = array<i32>} : memref<80xi32, #tpu.memory_space<vmem>>, vector<16xi32>,
    tpu.vector_store %arg15[%swap3A_413], %gather3A_412 {strides = array<i32>} : memref<80xi32, #tpu.memory_space<vmem>>, vector<16xi32>,
    %iota3A_415 = tpu.iota {dimensions = array<i32: 0>} : vector<16xi32>
    %add3A_416 = arith.constant 32 : i32
    %add3A_417 = vector.broadcast %add3A_416 : i32 to vector<16xi32>
    %add3A_418 = arith.addi %iota3A_415, %add3A_417 : vector<16xi32>
    %mul3A_419 = arith.constant 3277 : i32
    %mul3A_420 = vector.broadcast %mul3A_419 : i32 to vector<16xi32>
    %mul3A_421 = arith.muli %add3A_418, %mul3A_420 : vector<16xi32>
    %shift_right_logical3A_422 = arith.constant 16 : i32
    %shift_right_logical3A_423 = vector.broadcast %shift_right_logical3A_422 : i32 to vector<16xi32>
    %shift_right_logical3A_424 = arith.shrui %mul3A_421, %shift_right_logical3A_423 : vector<16xi32>
    %add3A_425 = arith.constant 12 : i32
    %add3A_426 = vector.broadcast %add3A_425 : i32 to vector<16xi32>
    %add3A_427 = arith.addi %shift_right_logical3A_424, %add3A_426 : vector<16xi32>
    %mul3A_428 = arith.constant 20 : i32
    %mul3A_429 = vector.broadcast %mul3A_428 : i32 to vector<16xi32>
    %mul3A_430 = arith.muli %shift_right_logical3A_424, %mul3A_429 : vector<16xi32>
    %sub3A_431 = arith.subi %add3A_418, %mul3A_430 : vector<16xi32>
    %add3A_432 = arith.constant 0 : i32
    %add3A_433 = vector.broadcast %add3A_432 : i32 to vector<16xi32>
    %add3A_434 = arith.addi %sub3A_431, %add3A_433 : vector<16xi32>
    %gather3A_435 = tpu.vector_load_idx %arg8[%add3A_427, %add3A_434] : memref<512x128xi32, #tpu.memory_space<vmem>>[vector<16xi32>, vector<16xi32>], vector<16xi32>,
    %swap3A_436 = arith.constant 32 : index
    %swap3A_437 = tpu.vector_load %arg15[%swap3A_436] {strides = array<i32>} : memref<80xi32, #tpu.memory_space<vmem>>, vector<16xi32>,
    tpu.vector_store %arg15[%swap3A_436], %gather3A_435 {strides = array<i32>} : memref<80xi32, #tpu.memory_space<vmem>>, vector<16xi32>,
    %iota3A_438 = tpu.iota {dimensions = array<i32: 0>} : vector<16xi32>
    %add3A_439 = arith.constant 48 : i32
    %add3A_440 = vector.broadcast %add3A_439 : i32 to vector<16xi32>
    %add3A_441 = arith.addi %iota3A_438, %add3A_440 : vector<16xi32>
    %mul3A_442 = arith.constant 3277 : i32
    %mul3A_443 = vector.broadcast %mul3A_442 : i32 to vector<16xi32>
    %mul3A_444 = arith.muli %add3A_441, %mul3A_443 : vector<16xi32>
    %shift_right_logical3A_445 = arith.constant 16 : i32
    %shift_right_logical3A_446 = vector.broadcast %shift_right_logical3A_445 : i32 to vector<16xi32>
    %shift_right_logical3A_447 = arith.shrui %mul3A_444, %shift_right_logical3A_446 : vector<16xi32>
    %add3A_448 = arith.constant 12 : i32
    %add3A_449 = vector.broadcast %add3A_448 : i32 to vector<16xi32>
    %add3A_450 = arith.addi %shift_right_logical3A_447, %add3A_449 : vector<16xi32>
    %mul3A_451 = arith.constant 20 : i32
    %mul3A_452 = vector.broadcast %mul3A_451 : i32 to vector<16xi32>
    %mul3A_453 = arith.muli %shift_right_logical3A_447, %mul3A_452 : vector<16xi32>
    %sub3A_454 = arith.subi %add3A_441, %mul3A_453 : vector<16xi32>
    %add3A_455 = arith.constant 0 : i32
    %add3A_456 = vector.broadcast %add3A_455 : i32 to vector<16xi32>
    %add3A_457 = arith.addi %sub3A_454, %add3A_456 : vector<16xi32>
    %gather3A_458 = tpu.vector_load_idx %arg8[%add3A_450, %add3A_457] : memref<512x128xi32, #tpu.memory_space<vmem>>[vector<16xi32>, vector<16xi32>], vector<16xi32>,
    %swap3A_459 = arith.constant 48 : index
    %swap3A_460 = tpu.vector_load %arg15[%swap3A_459] {strides = array<i32>} : memref<80xi32, #tpu.memory_space<vmem>>, vector<16xi32>,
    tpu.vector_store %arg15[%swap3A_459], %gather3A_458 {strides = array<i32>} : memref<80xi32, #tpu.memory_space<vmem>>, vector<16xi32>,
    %iota3A_461 = tpu.iota {dimensions = array<i32: 0>} : vector<16xi32>
    %add3A_462 = arith.constant 64 : i32
    %add3A_463 = vector.broadcast %add3A_462 : i32 to vector<16xi32>
    %add3A_464 = arith.addi %iota3A_461, %add3A_463 : vector<16xi32>
    %mul3A_465 = arith.constant 3277 : i32
    %mul3A_466 = vector.broadcast %mul3A_465 : i32 to vector<16xi32>
    %mul3A_467 = arith.muli %add3A_464, %mul3A_466 : vector<16xi32>
    %shift_right_logical3A_468 = arith.constant 16 : i32
    %shift_right_logical3A_469 = vector.broadcast %shift_right_logical3A_468 : i32 to vector<16xi32>
    %shift_right_logical3A_470 = arith.shrui %mul3A_467, %shift_right_logical3A_469 : vector<16xi32>
    %add3A_471 = arith.constant 12 : i32
    %add3A_472 = vector.broadcast %add3A_471 : i32 to vector<16xi32>
    %add3A_473 = arith.addi %shift_right_logical3A_470, %add3A_472 : vector<16xi32>
    %mul3A_474 = arith.constant 20 : i32
    %mul3A_475 = vector.broadcast %mul3A_474 : i32 to vector<16xi32>
    %mul3A_476 = arith.muli %shift_right_logical3A_470, %mul3A_475 : vector<16xi32>
    %sub3A_477 = arith.subi %add3A_464, %mul3A_476 : vector<16xi32>
    %add3A_478 = arith.constant 0 : i32
    %add3A_479 = vector.broadcast %add3A_478 : i32 to vector<16xi32>
    %add3A_480 = arith.addi %sub3A_477, %add3A_479 : vector<16xi32>
    %gather3A_481 = tpu.vector_load_idx %arg8[%add3A_473, %add3A_480] : memref<512x128xi32, #tpu.memory_space<vmem>>[vector<16xi32>, vector<16xi32>], vector<16xi32>,
    %swap3A_482 = arith.constant 64 : index
    %swap3A_483 = tpu.vector_load %arg15[%swap3A_482] {strides = array<i32>} : memref<80xi32, #tpu.memory_space<vmem>>, vector<16xi32>,
    tpu.vector_store %arg15[%swap3A_482], %gather3A_481 {strides = array<i32>} : memref<80xi32, #tpu.memory_space<vmem>>, vector<16xi32>,
    %dma_start3A_484 = arith.constant 0 : i32
    %dma_start3A_485 = arith.constant 0 : i32
    %dma_start3A_486 = tpu.memref_slice %arg5[%dma_start3A_484, %dma_start3A_485] : memref<100000x64xbf16, #tpu.memory_space<hbm>> -> memref<100000x64xbf16, #tpu.memory_space<hbm>>
    tpu.enqueue_indirect_dma source(%dma_start3A_486 : memref<100000x64xbf16, #tpu.memory_space<hbm>>) target(%arg16 : memref<80x64xbf16, #tpu.memory_space<vmem>>) offsets(%arg12 : memref<80xi32, #tpu.memory_space<vmem>>) semaphore(%arg23 : memref<!tpu.dma_semaphore, #tpu.memory_space<semaphore_mem>>)
    %dma_start3A_487 = arith.constant 0 : i32
    %dma_start3A_488 = arith.constant 0 : i32
    %dma_start3A_489 = tpu.memref_slice %arg5[%dma_start3A_487, %dma_start3A_488] : memref<100000x64xbf16, #tpu.memory_space<hbm>> -> memref<100000x64xbf16, #tpu.memory_space<hbm>>
    tpu.enqueue_indirect_dma source(%dma_start3A_489 : memref<100000x64xbf16, #tpu.memory_space<hbm>>) target(%arg17 : memref<80x64xbf16, #tpu.memory_space<vmem>>) offsets(%arg13 : memref<80xi32, #tpu.memory_space<vmem>>) semaphore(%arg24 : memref<!tpu.dma_semaphore, #tpu.memory_space<semaphore_mem>>)
    %dma_start3A_490 = arith.constant 0 : i32
    %dma_start3A_491 = arith.constant 0 : i32
    %dma_start3A_492 = tpu.memref_slice %arg5[%dma_start3A_490, %dma_start3A_491] : memref<100000x64xbf16, #tpu.memory_space<hbm>> -> memref<100000x64xbf16, #tpu.memory_space<hbm>>
    tpu.enqueue_indirect_dma source(%dma_start3A_492 : memref<100000x64xbf16, #tpu.memory_space<hbm>>) target(%arg18 : memref<80x64xbf16, #tpu.memory_space<vmem>>) offsets(%arg14 : memref<80xi32, #tpu.memory_space<vmem>>) semaphore(%arg25 : memref<!tpu.dma_semaphore, #tpu.memory_space<semaphore_mem>>)
    %dma_wait3A_493 = arith.constant 0 : i32
    %dma_wait3A_494 = arith.constant 0 : i32
    %dma_wait3A_495 = tpu.memref_slice %arg10[%dma_wait3A_493, %dma_wait3A_494] : memref<256x64xbf16, #tpu.memory_space<vmem>> -> memref<128x64xbf16, #tpu.memory_space<vmem>>
    %dma_wait3A_496 = arith.constant 0 : i32
    %dma_wait3A_497 = tpu.memref_slice %arg9[%dma_wait3A_496] : memref<512xi32, #tpu.memory_space<vmem>> -> memref<128xi32, #tpu.memory_space<vmem>>
    %dma_wait3A_498 = arith.constant 0 : i32
    %dma_wait3A_499 = arith.constant 0 : i32
    %dma_wait3A_500 = tpu.memref_slice %arg4[%dma_wait3A_498, %dma_wait3A_499] : memref<100000x64xbf16, #tpu.memory_space<hbm>> -> memref<100000x64xbf16, #tpu.memory_space<hbm>>
    tpu.wait_indirect_dma semaphore(%arg22 : memref<!tpu.dma_semaphore, #tpu.memory_space<semaphore_mem>>) src(%dma_wait3A_500 : memref<100000x64xbf16, #tpu.memory_space<hbm>>) dst(%dma_wait3A_495 : memref<128x64xbf16, #tpu.memory_space<vmem>>)
    %dma_wait3A_501 = arith.constant 0 : i32
    %dma_wait3A_502 = arith.constant 0 : i32
    %dma_wait3A_503 = tpu.memref_slice %arg10[%dma_wait3A_501, %dma_wait3A_502] : memref<256x64xbf16, #tpu.memory_space<vmem>> -> memref<128x64xbf16, #tpu.memory_space<vmem>>
    %dma_wait3A_504 = arith.constant 0 : i32
    %dma_wait3A_505 = tpu.memref_slice %arg9[%dma_wait3A_504] : memref<512xi32, #tpu.memory_space<vmem>> -> memref<128xi32, #tpu.memory_space<vmem>>
    %dma_wait3A_506 = arith.constant 0 : i32
    %dma_wait3A_507 = arith.constant 0 : i32
    %dma_wait3A_508 = tpu.memref_slice %arg4[%dma_wait3A_506, %dma_wait3A_507] : memref<100000x64xbf16, #tpu.memory_space<hbm>> -> memref<100000x64xbf16, #tpu.memory_space<hbm>>
    tpu.wait_indirect_dma semaphore(%arg22 : memref<!tpu.dma_semaphore, #tpu.memory_space<semaphore_mem>>) src(%dma_wait3A_508 : memref<100000x64xbf16, #tpu.memory_space<hbm>>) dst(%dma_wait3A_503 : memref<128x64xbf16, #tpu.memory_space<vmem>>)
    %scan3A = arith.constant 0 : i32
    %scan3A_509 = arith.constant 0 : i32
    %scan3A_510 = arith.constant 128 : i32
    %scan3A_511 = arith.addi %scan3A_509, %scan3A_510 : i32
    %scan3A_512 = arith.constant 1 : i32
    scf.for %scan3A_572 = %scan3A_509 to %scan3A_511 step %scan3A_512  : i32 {
      %mul3A_573 = arith.constant 2 : i32
      %mul3A_574 = arith.muli %mul3A_573, %scan3A_572 : i32
      %add3A_575 = arith.constant 0 : i32
      %add3A_576 = arith.addi %mul3A_574, %add3A_575 : i32
      %get3A = arith.index_cast %add3A_576 : i32 to index
      %get3A_577 = arith.constant 0 : index
      %get3A_578 = tpu.vector_load %arg10[%get3A, %get3A_577] {strides = array<i32>} : memref<256x64xbf16, #tpu.memory_space<vmem>>, vector<32xbf16>,
      %swap3A_579 = arith.index_cast %scan3A_572 : i32 to index
      %swap3A_580 = arith.constant 0 : index
      %swap3A_581 = tpu.vector_load %arg11[%swap3A_579, %swap3A_580] {strides = array<i32>} : memref<128x128xbf16, #tpu.memory_space<vmem>>, vector<32xbf16>,
      tpu.vector_store %arg11[%swap3A_579, %swap3A_580], %get3A_578 {strides = array<i32>} : memref<128x128xbf16, #tpu.memory_space<vmem>>, vector<32xbf16>,
      %mul3A_582 = arith.constant 2 : i32
      %mul3A_583 = arith.muli %mul3A_582, %scan3A_572 : i32
      %add3A_584 = arith.constant 0 : i32
      %add3A_585 = arith.addi %mul3A_583, %add3A_584 : i32
      %get3A_586 = arith.index_cast %add3A_585 : i32 to index
      %get3A_587 = arith.constant 32 : index
      %get3A_588 = tpu.vector_load %arg10[%get3A_586, %get3A_587] {strides = array<i32>} : memref<256x64xbf16, #tpu.memory_space<vmem>>, vector<32xbf16>,
      %swap3A_589 = arith.index_cast %scan3A_572 : i32 to index
      %swap3A_590 = arith.constant 32 : index
      %swap3A_591 = tpu.vector_load %arg11[%swap3A_589, %swap3A_590] {strides = array<i32>} : memref<128x128xbf16, #tpu.memory_space<vmem>>, vector<32xbf16>,
      tpu.vector_store %arg11[%swap3A_589, %swap3A_590], %get3A_588 {strides = array<i32>} : memref<128x128xbf16, #tpu.memory_space<vmem>>, vector<32xbf16>,
      %mul3A_592 = arith.constant 2 : i32
      %mul3A_593 = arith.muli %mul3A_592, %scan3A_572 : i32
      %add3A_594 = arith.constant 1 : i32
      %add3A_595 = arith.addi %mul3A_593, %add3A_594 : i32
      %get3A_596 = arith.index_cast %add3A_595 : i32 to index
      %get3A_597 = arith.constant 0 : index
      %get3A_598 = tpu.vector_load %arg10[%get3A_596, %get3A_597] {strides = array<i32>} : memref<256x64xbf16, #tpu.memory_space<vmem>>, vector<32xbf16>,
      %swap3A_599 = arith.index_cast %scan3A_572 : i32 to index
      %swap3A_600 = arith.constant 64 : index
      %swap3A_601 = tpu.vector_load %arg11[%swap3A_599, %swap3A_600] {strides = array<i32>} : memref<128x128xbf16, #tpu.memory_space<vmem>>, vector<32xbf16>,
      tpu.vector_store %arg11[%swap3A_599, %swap3A_600], %get3A_598 {strides = array<i32>} : memref<128x128xbf16, #tpu.memory_space<vmem>>, vector<32xbf16>,
      %mul3A_602 = arith.constant 2 : i32
      %mul3A_603 = arith.muli %mul3A_602, %scan3A_572 : i32
      %add3A_604 = arith.constant 1 : i32
      %add3A_605 = arith.addi %mul3A_603, %add3A_604 : i32
      %get3A_606 = arith.index_cast %add3A_605 : i32 to index
      %get3A_607 = arith.constant 32 : index
      %get3A_608 = tpu.vector_load %arg10[%get3A_606, %get3A_607] {strides = array<i32>} : memref<256x64xbf16, #tpu.memory_space<vmem>>, vector<32xbf16>,
      %swap3A_609 = arith.index_cast %scan3A_572 : i32 to index
      %swap3A_610 = arith.constant 96 : index
      %swap3A_611 = tpu.vector_load %arg11[%swap3A_609, %swap3A_610] {strides = array<i32>} : memref<128x128xbf16, #tpu.memory_space<vmem>>, vector<32xbf16>,
      tpu.vector_store %arg11[%swap3A_609, %swap3A_610], %get3A_608 {strides = array<i32>} : memref<128x128xbf16, #tpu.memory_space<vmem>>, vector<32xbf16>,
    }
    %scan3A_513 = arith.constant 128 : i32
    %mul3A_514 = arith.constant 256 : i32
    %mul3A_515 = arith.muli %add3A, %mul3A_514 : i32
    %add3A_516 = arith.constant 0 : i32
    %add3A_517 = arith.addi %mul3A_515, %add3A_516 : i32
    "tpu.region"() ({
      %run_scoped3A = tpu.sem_alloc : memref<!tpu.dma_semaphore, #tpu.memory_space<semaphore_mem>>
      %dma_start3A_572 = arith.constant 0 : i32
      %dma_start3A_573 = tpu.memref_slice %arg6[%add3A_517, %dma_start3A_572] : memref<8192x128xbf16, #tpu.memory_space<hbm>> -> memref<128x128xbf16, #tpu.memory_space<hbm>>
      %dma_start3A_574 = arith.constant 0 : i32
      %dma_start3A_575 = tpu.memref_slice %arg6[%add3A_517, %dma_start3A_574] : memref<8192x128xbf16, #tpu.memory_space<hbm>> -> memref<128x128xbf16, #tpu.memory_space<hbm>>
      tpu.enqueue_dma source(%arg11 : memref<128x128xbf16, #tpu.memory_space<vmem>>) target(%dma_start3A_575 : memref<128x128xbf16, #tpu.memory_space<hbm>>) target_semaphore(%run_scoped3A : memref<!tpu.dma_semaphore, #tpu.memory_space<semaphore_mem>>)
      %dma_wait3A_576 = arith.constant 0 : i32
      %dma_wait3A_577 = tpu.memref_slice %arg6[%add3A_517, %dma_wait3A_576] : memref<8192x128xbf16, #tpu.memory_space<hbm>> -> memref<128x128xbf16, #tpu.memory_space<hbm>>
      %dma_wait3A_578 = arith.constant 0 : i32
      %dma_wait3A_579 = tpu.memref_slice %arg6[%add3A_517, %dma_wait3A_578] : memref<8192x128xbf16, #tpu.memory_space<hbm>> -> memref<128x128xbf16, #tpu.memory_space<hbm>>
      tpu.wait_dma2 semaphore(%run_scoped3A : memref<!tpu.dma_semaphore, #tpu.memory_space<semaphore_mem>>) src(%arg11 : memref<128x128xbf16, #tpu.memory_space<vmem>>) dst(%dma_wait3A_579 : memref<128x128xbf16, #tpu.memory_space<hbm>>)
      tpu.yield
    }) : () -> ()
    %dma_start3A_518 = arith.constant 0 : i32
    %dma_start3A_519 = arith.constant 0 : i32
    %dma_start3A_520 = tpu.memref_slice %arg10[%dma_start3A_518, %dma_start3A_519] : memref<256x64xbf16, #tpu.memory_space<vmem>> -> memref<128x64xbf16, #tpu.memory_space<vmem>>
    %dma_start3A_521 = arith.constant 256 : i32
    %dma_start3A_522 = tpu.memref_slice %arg9[%dma_start3A_521] : memref<512xi32, #tpu.memory_space<vmem>> -> memref<128xi32, #tpu.memory_space<vmem>>
    %dma_start3A_523 = arith.constant 0 : i32
    %dma_start3A_524 = arith.constant 0 : i32
    %dma_start3A_525 = tpu.memref_slice %arg4[%dma_start3A_523, %dma_start3A_524] : memref<100000x64xbf16, #tpu.memory_space<hbm>> -> memref<100000x64xbf16, #tpu.memory_space<hbm>>
    tpu.enqueue_indirect_dma source(%dma_start3A_525 : memref<100000x64xbf16, #tpu.memory_space<hbm>>) target(%dma_start3A_520 : memref<128x64xbf16, #tpu.memory_space<vmem>>) offsets(%dma_start3A_522 : memref<128xi32, #tpu.memory_space<vmem>>) semaphore(%arg22 : memref<!tpu.dma_semaphore, #tpu.memory_space<semaphore_mem>>)
    %dma_start3A_526 = arith.constant 128 : i32
    %dma_start3A_527 = arith.constant 0 : i32
    %dma_start3A_528 = tpu.memref_slice %arg10[%dma_start3A_526, %dma_start3A_527] : memref<256x64xbf16, #tpu.memory_space<vmem>> -> memref<128x64xbf16, #tpu.memory_space<vmem>>
    %dma_start3A_529 = arith.constant 384 : i32
    %dma_start3A_530 = tpu.memref_slice %arg9[%dma_start3A_529] : memref<512xi32, #tpu.memory_space<vmem>> -> memref<128xi32, #tpu.memory_space<vmem>>
    %dma_start3A_531 = arith.constant 0 : i32
    %dma_start3A_532 = arith.constant 0 : i32
    %dma_start3A_533 = tpu.memref_slice %arg4[%dma_start3A_531, %dma_start3A_532] : memref<100000x64xbf16, #tpu.memory_space<hbm>> -> memref<100000x64xbf16, #tpu.memory_space<hbm>>
    tpu.enqueue_indirect_dma source(%dma_start3A_533 : memref<100000x64xbf16, #tpu.memory_space<hbm>>) target(%dma_start3A_528 : memref<128x64xbf16, #tpu.memory_space<vmem>>) offsets(%dma_start3A_530 : memref<128xi32, #tpu.memory_space<vmem>>) semaphore(%arg22 : memref<!tpu.dma_semaphore, #tpu.memory_space<semaphore_mem>>)
    %dma_wait3A_534 = arith.constant 0 : i32
    %dma_wait3A_535 = arith.constant 0 : i32
    %dma_wait3A_536 = tpu.memref_slice %arg10[%dma_wait3A_534, %dma_wait3A_535] : memref<256x64xbf16, #tpu.memory_space<vmem>> -> memref<128x64xbf16, #tpu.memory_space<vmem>>
    %dma_wait3A_537 = arith.constant 0 : i32
    %dma_wait3A_538 = tpu.memref_slice %arg9[%dma_wait3A_537] : memref<512xi32, #tpu.memory_space<vmem>> -> memref<128xi32, #tpu.memory_space<vmem>>
    %dma_wait3A_539 = arith.constant 0 : i32
    %dma_wait3A_540 = arith.constant 0 : i32
    %dma_wait3A_541 = tpu.memref_slice %arg4[%dma_wait3A_539, %dma_wait3A_540] : memref<100000x64xbf16, #tpu.memory_space<hbm>> -> memref<100000x64xbf16, #tpu.memory_space<hbm>>
    tpu.wait_indirect_dma semaphore(%arg22 : memref<!tpu.dma_semaphore, #tpu.memory_space<semaphore_mem>>) src(%dma_wait3A_541 : memref<100000x64xbf16, #tpu.memory_space<hbm>>) dst(%dma_wait3A_536 : memref<128x64xbf16, #tpu.memory_space<vmem>>)
    %dma_wait3A_542 = arith.constant 0 : i32
    %dma_wait3A_543 = arith.constant 0 : i32
    %dma_wait3A_544 = tpu.memref_slice %arg10[%dma_wait3A_542, %dma_wait3A_543] : memref<256x64xbf16, #tpu.memory_space<vmem>> -> memref<128x64xbf16, #tpu.memory_space<vmem>>
    %dma_wait3A_545 = arith.constant 0 : i32
    %dma_wait3A_546 = tpu.memref_slice %arg9[%dma_wait3A_545] : memref<512xi32, #tpu.memory_space<vmem>> -> memref<128xi32, #tpu.memory_space<vmem>>
    %dma_wait3A_547 = arith.constant 0 : i32
    %dma_wait3A_548 = arith.constant 0 : i32
    %dma_wait3A_549 = tpu.memref_slice %arg4[%dma_wait3A_547, %dma_wait3A_548] : memref<100000x64xbf16, #tpu.memory_space<hbm>> -> memref<100000x64xbf16, #tpu.memory_space<hbm>>
    tpu.wait_indirect_dma semaphore(%arg22 : memref<!tpu.dma_semaphore, #tpu.memory_space<semaphore_mem>>) src(%dma_wait3A_549 : memref<100000x64xbf16, #tpu.memory_space<hbm>>) dst(%dma_wait3A_544 : memref<128x64xbf16, #tpu.memory_space<vmem>>)
    %scan3A_550 = arith.constant 0 : i32
    %scan3A_551 = arith.constant 0 : i32
    %scan3A_552 = arith.constant 128 : i32
    %scan3A_553 = arith.addi %scan3A_551, %scan3A_552 : i32
    %scan3A_554 = arith.constant 1 : i32
    scf.for %scan3A_572 = %scan3A_551 to %scan3A_553 step %scan3A_554  : i32 {
      %mul3A_573 = arith.constant 2 : i32
      %mul3A_574 = arith.muli %mul3A_573, %scan3A_572 : i32
      %add3A_575 = arith.constant 0 : i32
      %add3A_576 = arith.addi %mul3A_574, %add3A_575 : i32
      %get3A = arith.index_cast %add3A_576 : i32 to index
      %get3A_577 = arith.constant 0 : index
      %get3A_578 = tpu.vector_load %arg10[%get3A, %get3A_577] {strides = array<i32>} : memref<256x64xbf16, #tpu.memory_space<vmem>>, vector<32xbf16>,
      %swap3A_579 = arith.index_cast %scan3A_572 : i32 to index
      %swap3A_580 = arith.constant 0 : index
      %swap3A_581 = tpu.vector_load %arg11[%swap3A_579, %swap3A_580] {strides = array<i32>} : memref<128x128xbf16, #tpu.memory_space<vmem>>, vector<32xbf16>,
      tpu.vector_store %arg11[%swap3A_579, %swap3A_580], %get3A_578 {strides = array<i32>} : memref<128x128xbf16, #tpu.memory_space<vmem>>, vector<32xbf16>,
      %mul3A_582 = arith.constant 2 : i32
      %mul3A_583 = arith.muli %mul3A_582, %scan3A_572 : i32
      %add3A_584 = arith.constant 0 : i32
      %add3A_585 = arith.addi %mul3A_583, %add3A_584 : i32
      %get3A_586 = arith.index_cast %add3A_585 : i32 to index
      %get3A_587 = arith.constant 32 : index
      %get3A_588 = tpu.vector_load %arg10[%get3A_586, %get3A_587] {strides = array<i32>} : memref<256x64xbf16, #tpu.memory_space<vmem>>, vector<32xbf16>,
      %swap3A_589 = arith.index_cast %scan3A_572 : i32 to index
      %swap3A_590 = arith.constant 32 : index
      %swap3A_591 = tpu.vector_load %arg11[%swap3A_589, %swap3A_590] {strides = array<i32>} : memref<128x128xbf16, #tpu.memory_space<vmem>>, vector<32xbf16>,
      tpu.vector_store %arg11[%swap3A_589, %swap3A_590], %get3A_588 {strides = array<i32>} : memref<128x128xbf16, #tpu.memory_space<vmem>>, vector<32xbf16>,
      %mul3A_592 = arith.constant 2 : i32
      %mul3A_593 = arith.muli %mul3A_592, %scan3A_572 : i32
      %add3A_594 = arith.constant 1 : i32
      %add3A_595 = arith.addi %mul3A_593, %add3A_594 : i32
      %get3A_596 = arith.index_cast %add3A_595 : i32 to index
      %get3A_597 = arith.constant 0 : index
      %get3A_598 = tpu.vector_load %arg10[%get3A_596, %get3A_597] {strides = array<i32>} : memref<256x64xbf16, #tpu.memory_space<vmem>>, vector<32xbf16>,
      %swap3A_599 = arith.index_cast %scan3A_572 : i32 to index
      %swap3A_600 = arith.constant 64 : index
      %swap3A_601 = tpu.vector_load %arg11[%swap3A_599, %swap3A_600] {strides = array<i32>} : memref<128x128xbf16, #tpu.memory_space<vmem>>, vector<32xbf16>,
      tpu.vector_store %arg11[%swap3A_599, %swap3A_600], %get3A_598 {strides = array<i32>} : memref<128x128xbf16, #tpu.memory_space<vmem>>, vector<32xbf16>,
      %mul3A_602 = arith.constant 2 : i32
      %mul3A_603 = arith.muli %mul3A_602, %scan3A_572 : i32
      %add3A_604 = arith.constant 1 : i32
      %add3A_605 = arith.addi %mul3A_603, %add3A_604 : i32
      %get3A_606 = arith.index_cast %add3A_605 : i32 to index
      %get3A_607 = arith.constant 32 : index
      %get3A_608 = tpu.vector_load %arg10[%get3A_606, %get3A_607] {strides = array<i32>} : memref<256x64xbf16, #tpu.memory_space<vmem>>, vector<32xbf16>,
      %swap3A_609 = arith.index_cast %scan3A_572 : i32 to index
      %swap3A_610 = arith.constant 96 : index
      %swap3A_611 = tpu.vector_load %arg11[%swap3A_609, %swap3A_610] {strides = array<i32>} : memref<128x128xbf16, #tpu.memory_space<vmem>>, vector<32xbf16>,
      tpu.vector_store %arg11[%swap3A_609, %swap3A_610], %get3A_608 {strides = array<i32>} : memref<128x128xbf16, #tpu.memory_space<vmem>>, vector<32xbf16>,
    }
    %scan3A_555 = arith.constant 128 : i32
    %mul3A_556 = arith.constant 256 : i32
    %mul3A_557 = arith.muli %add3A, %mul3A_556 : i32
    %add3A_558 = arith.constant 128 : i32
    %add3A_559 = arith.addi %mul3A_557, %add3A_558 : i32
    "tpu.region"() ({
      %run_scoped3A = tpu.sem_alloc : memref<!tpu.dma_semaphore, #tpu.memory_space<semaphore_mem>>
      %dma_start3A_572 = arith.constant 0 : i32
      %dma_start3A_573 = tpu.memref_slice %arg6[%add3A_559, %dma_start3A_572] : memref<8192x128xbf16, #tpu.memory_space<hbm>> -> memref<128x128xbf16, #tpu.memory_space<hbm>>
      %dma_start3A_574 = arith.constant 0 : i32
      %dma_start3A_575 = tpu.memref_slice %arg6[%add3A_559, %dma_start3A_574] : memref<8192x128xbf16, #tpu.memory_space<hbm>> -> memref<128x128xbf16, #tpu.memory_space<hbm>>
      tpu.enqueue_dma source(%arg11 : memref<128x128xbf16, #tpu.memory_space<vmem>>) target(%dma_start3A_575 : memref<128x128xbf16, #tpu.memory_space<hbm>>) target_semaphore(%run_scoped3A : memref<!tpu.dma_semaphore, #tpu.memory_space<semaphore_mem>>)
      %dma_wait3A_576 = arith.constant 0 : i32
      %dma_wait3A_577 = tpu.memref_slice %arg6[%add3A_559, %dma_wait3A_576] : memref<8192x128xbf16, #tpu.memory_space<hbm>> -> memref<128x128xbf16, #tpu.memory_space<hbm>>
      %dma_wait3A_578 = arith.constant 0 : i32
      %dma_wait3A_579 = tpu.memref_slice %arg6[%add3A_559, %dma_wait3A_578] : memref<8192x128xbf16, #tpu.memory_space<hbm>> -> memref<128x128xbf16, #tpu.memory_space<hbm>>
      tpu.wait_dma2 semaphore(%run_scoped3A : memref<!tpu.dma_semaphore, #tpu.memory_space<semaphore_mem>>) src(%arg11 : memref<128x128xbf16, #tpu.memory_space<vmem>>) dst(%dma_wait3A_579 : memref<128x128xbf16, #tpu.memory_space<hbm>>)
      tpu.yield
    }) : () -> ()
    %scan3A_560 = arith.constant 0 : i32
    %scan3A_561 = arith.constant 0 : i32
    %scan3A_562 = arith.constant 64 : i32
    %scan3A_563 = arith.addi %scan3A_561, %scan3A_562 : i32
    %scan3A_564 = arith.constant 1 : i32
    scf.for %scan3A_572 = %scan3A_561 to %scan3A_563 step %scan3A_564  : i32 {
      %mul3A_573 = arith.constant 4 : i32
      %mul3A_574 = arith.muli %scan3A_572, %mul3A_573 : i32
      %add3A_575 = arith.constant 0 : i32
      %add3A_576 = arith.addi %mul3A_574, %add3A_575 : i32
      %add3A_577 = arith.constant 4 : i32
      %add3A_578 = arith.addi %add3A_576, %add3A_577 : i32
      %sub3A_579 = arith.constant 1 : i32
      %sub3A_580 = arith.subi %add3A_578, %sub3A_579 : i32
      %lt3A = arith.constant 256 : i32
      %lt3A_581 = arith.cmpi slt, %sub3A_580, %lt3A : i32
      %convert_element_type3A = arith.extui %lt3A_581 : i1 to i32
      %cond3A = arith.constant 0 : i32
      %cond3A_582 = arith.cmpi ne, %convert_element_type3A, %cond3A : i32
      scf.if %cond3A_582 {
        %dma_start3A_3989 = arith.constant 0 : i32
        %dma_start3A_3990 = arith.constant 0 : i32
        %dma_start3A_3991 = tpu.memref_slice %arg5[%dma_start3A_3989, %dma_start3A_3990] : memref<100000x64xbf16, #tpu.memory_space<hbm>> -> memref<100000x64xbf16, #tpu.memory_space<hbm>>
        tpu.enqueue_indirect_dma source(%dma_start3A_3991 : memref<100000x64xbf16, #tpu.memory_space<hbm>>) target(%arg19 : memref<80x64xbf16, #tpu.memory_space<vmem>>) offsets(%arg15 : memref<80xi32, #tpu.memory_space<vmem>>) semaphore(%arg26 : memref<!tpu.dma_semaphore, #tpu.memory_space<semaphore_mem>>)
      } else {
      }
      %dma_wait3A_583 = arith.constant 0 : i32
      %dma_wait3A_584 = arith.constant 0 : i32
      %dma_wait3A_585 = tpu.memref_slice %arg5[%dma_wait3A_583, %dma_wait3A_584] : memref<100000x64xbf16, #tpu.memory_space<hbm>> -> memref<100000x64xbf16, #tpu.memory_space<hbm>>
      tpu.wait_indirect_dma semaphore(%arg23 : memref<!tpu.dma_semaphore, #tpu.memory_space<semaphore_mem>>) src(%dma_wait3A_585 : memref<100000x64xbf16, #tpu.memory_space<hbm>>) dst(%arg16 : memref<80x64xbf16, #tpu.memory_space<vmem>>)
      %add3A_586 = arith.constant 1 : i32
      %add3A_587 = arith.addi %sub3A_580, %add3A_586 : i32
      %lt3A_588 = arith.constant 256 : i32
      %lt3A_589 = arith.cmpi slt, %add3A_587, %lt3A_588 : i32
      %convert_element_type3A_590 = arith.extui %lt3A_589 : i1 to i32
      %cond3A_591 = arith.constant 0 : i32
      %cond3A_592 = arith.cmpi ne, %convert_element_type3A_590, %cond3A_591 : i32
      scf.if %cond3A_592 {
        %add3A_3989 = arith.constant 1 : i32
        %add3A_3990 = arith.addi %sub3A_580, %add3A_3989 : i32
        %and3A = arith.constant 127 : i32
        %and3A_3991 = arith.andi %add3A_3990, %and3A : i32
        %shift_right_arithmetic3A = arith.constant 7 : i32
        %shift_right_arithmetic3A_3992 = arith.shrsi %add3A_3990, %shift_right_arithmetic3A : i32
        %mul3A_3993 = arith.constant 20 : i32
        %mul3A_3994 = arith.muli %shift_right_arithmetic3A_3992, %mul3A_3993 : i32
        %iota3A_3995 = tpu.iota {dimensions = array<i32: 0>} : vector<16xi32>
        %add3A_3996 = arith.constant 0 : i32
        %add3A_3997 = vector.broadcast %add3A_3996 : i32 to vector<16xi32>
        %add3A_3998 = arith.addi %iota3A_3995, %add3A_3997 : vector<16xi32>
        %mul3A_3999 = arith.constant 3277 : i32
        %mul3A_4000 = vector.broadcast %mul3A_3999 : i32 to vector<16xi32>
        %mul3A_4001 = arith.muli %add3A_3998, %mul3A_4000 : vector<16xi32>
        %shift_right_logical3A_4002 = arith.constant 16 : i32
        %shift_right_logical3A_4003 = vector.broadcast %shift_right_logical3A_4002 : i32 to vector<16xi32>
        %shift_right_logical3A_4004 = arith.shrui %mul3A_4001, %shift_right_logical3A_4003 : vector<16xi32>
        %mul3A_4005 = arith.constant 4 : i32
        %mul3A_4006 = arith.muli %and3A_3991, %mul3A_4005 : i32
        %add3A_4007 = vector.broadcast %mul3A_4006 : i32 to vector<16xi32>
        %add3A_4008 = arith.addi %shift_right_logical3A_4004, %add3A_4007 : vector<16xi32>
        %mul3A_4009 = arith.constant 20 : i32
        %mul3A_4010 = vector.broadcast %mul3A_4009 : i32 to vector<16xi32>
        %mul3A_4011 = arith.muli %shift_right_logical3A_4004, %mul3A_4010 : vector<16xi32>
        %sub3A_4012 = arith.subi %add3A_3998, %mul3A_4011 : vector<16xi32>
        %add3A_4013 = vector.broadcast %mul3A_3994 : i32 to vector<16xi32>
        %add3A_4014 = arith.addi %sub3A_4012, %add3A_4013 : vector<16xi32>
        %gather3A_4015 = tpu.vector_load_idx %arg8[%add3A_4008, %add3A_4014] : memref<512x128xi32, #tpu.memory_space<vmem>>[vector<16xi32>, vector<16xi32>], vector<16xi32>,
        %swap3A_4016 = arith.constant 0 : index
        %swap3A_4017 = tpu.vector_load %arg12[%swap3A_4016] {strides = array<i32>} : memref<80xi32, #tpu.memory_space<vmem>>, vector<16xi32>,
        tpu.vector_store %arg12[%swap3A_4016], %gather3A_4015 {strides = array<i32>} : memref<80xi32, #tpu.memory_space<vmem>>, vector<16xi32>,
        %iota3A_4018 = tpu.iota {dimensions = array<i32: 0>} : vector<16xi32>
        %add3A_4019 = arith.constant 16 : i32
        %add3A_4020 = vector.broadcast %add3A_4019 : i32 to vector<16xi32>
        %add3A_4021 = arith.addi %iota3A_4018, %add3A_4020 : vector<16xi32>
        %mul3A_4022 = arith.constant 3277 : i32
        %mul3A_4023 = vector.broadcast %mul3A_4022 : i32 to vector<16xi32>
        %mul3A_4024 = arith.muli %add3A_4021, %mul3A_4023 : vector<16xi32>
        %shift_right_logical3A_4025 = arith.constant 16 : i32
        %shift_right_logical3A_4026 = vector.broadcast %shift_right_logical3A_4025 : i32 to vector<16xi32>
        %shift_right_logical3A_4027 = arith.shrui %mul3A_4024, %shift_right_logical3A_4026 : vector<16xi32>
        %mul3A_4028 = arith.constant 4 : i32
        %mul3A_4029 = arith.muli %and3A_3991, %mul3A_4028 : i32
        %add3A_4030 = vector.broadcast %mul3A_4029 : i32 to vector<16xi32>
        %add3A_4031 = arith.addi %shift_right_logical3A_4027, %add3A_4030 : vector<16xi32>
        %mul3A_4032 = arith.constant 20 : i32
        %mul3A_4033 = vector.broadcast %mul3A_4032 : i32 to vector<16xi32>
        %mul3A_4034 = arith.muli %shift_right_logical3A_4027, %mul3A_4033 : vector<16xi32>
        %sub3A_4035 = arith.subi %add3A_4021, %mul3A_4034 : vector<16xi32>
        %add3A_4036 = vector.broadcast %mul3A_3994 : i32 to vector<16xi32>
        %add3A_4037 = arith.addi %sub3A_4035, %add3A_4036 : vector<16xi32>
        %gather3A_4038 = tpu.vector_load_idx %arg8[%add3A_4031, %add3A_4037] : memref<512x128xi32, #tpu.memory_space<vmem>>[vector<16xi32>, vector<16xi32>], vector<16xi32>,
        %swap3A_4039 = arith.constant 16 : index
        %swap3A_4040 = tpu.vector_load %arg12[%swap3A_4039] {strides = array<i32>} : memref<80xi32, #tpu.memory_space<vmem>>, vector<16xi32>,
        tpu.vector_store %arg12[%swap3A_4039], %gather3A_4038 {strides = array<i32>} : memref<80xi32, #tpu.memory_space<vmem>>, vector<16xi32>,
        %iota3A_4041 = tpu.iota {dimensions = array<i32: 0>} : vector<16xi32>
        %add3A_4042 = arith.constant 32 : i32
        %add3A_4043 = vector.broadcast %add3A_4042 : i32 to vector<16xi32>
        %add3A_4044 = arith.addi %iota3A_4041, %add3A_4043 : vector<16xi32>
        %mul3A_4045 = arith.constant 3277 : i32
        %mul3A_4046 = vector.broadcast %mul3A_4045 : i32 to vector<16xi32>
        %mul3A_4047 = arith.muli %add3A_4044, %mul3A_4046 : vector<16xi32>
        %shift_right_logical3A_4048 = arith.constant 16 : i32
        %shift_right_logical3A_4049 = vector.broadcast %shift_right_logical3A_4048 : i32 to vector<16xi32>
        %shift_right_logical3A_4050 = arith.shrui %mul3A_4047, %shift_right_logical3A_4049 : vector<16xi32>
        %mul3A_4051 = arith.constant 4 : i32
        %mul3A_4052 = arith.muli %and3A_3991, %mul3A_4051 : i32
        %add3A_4053 = vector.broadcast %mul3A_4052 : i32 to vector<16xi32>
        %add3A_4054 = arith.addi %shift_right_logical3A_4050, %add3A_4053 : vector<16xi32>
        %mul3A_4055 = arith.constant 20 : i32
        %mul3A_4056 = vector.broadcast %mul3A_4055 : i32 to vector<16xi32>
        %mul3A_4057 = arith.muli %shift_right_logical3A_4050, %mul3A_4056 : vector<16xi32>
        %sub3A_4058 = arith.subi %add3A_4044, %mul3A_4057 : vector<16xi32>
        %add3A_4059 = vector.broadcast %mul3A_3994 : i32 to vector<16xi32>
        %add3A_4060 = arith.addi %sub3A_4058, %add3A_4059 : vector<16xi32>
        %gather3A_4061 = tpu.vector_load_idx %arg8[%add3A_4054, %add3A_4060] : memref<512x128xi32, #tpu.memory_space<vmem>>[vector<16xi32>, vector<16xi32>], vector<16xi32>,
        %swap3A_4062 = arith.constant 32 : index
        %swap3A_4063 = tpu.vector_load %arg12[%swap3A_4062] {strides = array<i32>} : memref<80xi32, #tpu.memory_space<vmem>>, vector<16xi32>,
        tpu.vector_store %arg12[%swap3A_4062], %gather3A_4061 {strides = array<i32>} : memref<80xi32, #tpu.memory_space<vmem>>, vector<16xi32>,
        %iota3A_4064 = tpu.iota {dimensions = array<i32: 0>} : vector<16xi32>
        %add3A_4065 = arith.constant 48 : i32
        %add3A_4066 = vector.broadcast %add3A_4065 : i32 to vector<16xi32>
        %add3A_4067 = arith.addi %iota3A_4064, %add3A_4066 : vector<16xi32>
        %mul3A_4068 = arith.constant 3277 : i32
        %mul3A_4069 = vector.broadcast %mul3A_4068 : i32 to vector<16xi32>
        %mul3A_4070 = arith.muli %add3A_4067, %mul3A_4069 : vector<16xi32>
        %shift_right_logical3A_4071 = arith.constant 16 : i32
        %shift_right_logical3A_4072 = vector.broadcast %shift_right_logical3A_4071 : i32 to vector<16xi32>
        %shift_right_logical3A_4073 = arith.shrui %mul3A_4070, %shift_right_logical3A_4072 : vector<16xi32>
        %mul3A_4074 = arith.constant 4 : i32
        %mul3A_4075 = arith.muli %and3A_3991, %mul3A_4074 : i32
        %add3A_4076 = vector.broadcast %mul3A_4075 : i32 to vector<16xi32>
        %add3A_4077 = arith.addi %shift_right_logical3A_4073, %add3A_4076 : vector<16xi32>
        %mul3A_4078 = arith.constant 20 : i32
        %mul3A_4079 = vector.broadcast %mul3A_4078 : i32 to vector<16xi32>
        %mul3A_4080 = arith.muli %shift_right_logical3A_4073, %mul3A_4079 : vector<16xi32>
        %sub3A_4081 = arith.subi %add3A_4067, %mul3A_4080 : vector<16xi32>
        %add3A_4082 = vector.broadcast %mul3A_3994 : i32 to vector<16xi32>
        %add3A_4083 = arith.addi %sub3A_4081, %add3A_4082 : vector<16xi32>
        %gather3A_4084 = tpu.vector_load_idx %arg8[%add3A_4077, %add3A_4083] : memref<512x128xi32, #tpu.memory_space<vmem>>[vector<16xi32>, vector<16xi32>], vector<16xi32>,
        %swap3A_4085 = arith.constant 48 : index
        %swap3A_4086 = tpu.vector_load %arg12[%swap3A_4085] {strides = array<i32>} : memref<80xi32, #tpu.memory_space<vmem>>, vector<16xi32>,
        tpu.vector_store %arg12[%swap3A_4085], %gather3A_4084 {strides = array<i32>} : memref<80xi32, #tpu.memory_space<vmem>>, vector<16xi32>,
        %iota3A_4087 = tpu.iota {dimensions = array<i32: 0>} : vector<16xi32>
        %add3A_4088 = arith.constant 64 : i32
        %add3A_4089 = vector.broadcast %add3A_4088 : i32 to vector<16xi32>
        %add3A_4090 = arith.addi %iota3A_4087, %add3A_4089 : vector<16xi32>
        %mul3A_4091 = arith.constant 3277 : i32
        %mul3A_4092 = vector.broadcast %mul3A_4091 : i32 to vector<16xi32>
        %mul3A_4093 = arith.muli %add3A_4090, %mul3A_4092 : vector<16xi32>
        %shift_right_logical3A_4094 = arith.constant 16 : i32
        %shift_right_logical3A_4095 = vector.broadcast %shift_right_logical3A_4094 : i32 to vector<16xi32>
        %shift_right_logical3A_4096 = arith.shrui %mul3A_4093, %shift_right_logical3A_4095 : vector<16xi32>
        %mul3A_4097 = arith.constant 4 : i32
        %mul3A_4098 = arith.muli %and3A_3991, %mul3A_4097 : i32
        %add3A_4099 = vector.broadcast %mul3A_4098 : i32 to vector<16xi32>
        %add3A_4100 = arith.addi %shift_right_logical3A_4096, %add3A_4099 : vector<16xi32>
        %mul3A_4101 = arith.constant 20 : i32
        %mul3A_4102 = vector.broadcast %mul3A_4101 : i32 to vector<16xi32>
        %mul3A_4103 = arith.muli %shift_right_logical3A_4096, %mul3A_4102 : vector<16xi32>
        %sub3A_4104 = arith.subi %add3A_4090, %mul3A_4103 : vector<16xi32>
        %add3A_4105 = vector.broadcast %mul3A_3994 : i32 to vector<16xi32>
        %add3A_4106 = arith.addi %sub3A_4104, %add3A_4105 : vector<16xi32>
        %gather3A_4107 = tpu.vector_load_idx %arg8[%add3A_4100, %add3A_4106] : memref<512x128xi32, #tpu.memory_space<vmem>>[vector<16xi32>, vector<16xi32>], vector<16xi32>,
        %swap3A_4108 = arith.constant 64 : index
        %swap3A_4109 = tpu.vector_load %arg12[%swap3A_4108] {strides = array<i32>} : memref<80xi32, #tpu.memory_space<vmem>>, vector<16xi32>,
        tpu.vector_store %arg12[%swap3A_4108], %gather3A_4107 {strides = array<i32>} : memref<80xi32, #tpu.memory_space<vmem>>, vector<16xi32>,
      } else {
      }
      %get3A = arith.constant 0 : i32
      %get3A_593 = arith.index_cast %get3A : i32 to index
      %get3A_594 = arith.constant 0 : index
      %get3A_595 = tpu.vector_load %arg16[%get3A_593, %get3A_594] {strides = array<i32>} : memref<80x64xbf16, #tpu.memory_space<vmem>>, vector<32xbf16>,
      %get3A_596 = arith.constant 0 : i32
      %get3A_597 = arith.index_cast %get3A_596 : i32 to index
      %get3A_598 = arith.constant 32 : index
      %get3A_599 = tpu.vector_load %arg16[%get3A_597, %get3A_598] {strides = array<i32>} : memref<80x64xbf16, #tpu.memory_space<vmem>>, vector<32xbf16>,
      %get3A_600 = arith.constant 1 : i32
      %get3A_601 = arith.index_cast %get3A_600 : i32 to index
      %get3A_602 = arith.constant 0 : index
      %get3A_603 = tpu.vector_load %arg16[%get3A_601, %get3A_602] {strides = array<i32>} : memref<80x64xbf16, #tpu.memory_space<vmem>>, vector<32xbf16>,
      %add3A_604 = arith.addf %get3A_595, %get3A_603 : vector<32xbf16>
      %get3A_605 = arith.constant 1 : i32
      %get3A_606 = arith.index_cast %get3A_605 : i32 to index
      %get3A_607 = arith.constant 32 : index
      %get3A_608 = tpu.vector_load %arg16[%get3A_606, %get3A_607] {strides = array<i32>} : memref<80x64xbf16, #tpu.memory_space<vmem>>, vector<32xbf16>,
      %add3A_609 = arith.addf %get3A_599, %get3A_608 : vector<32xbf16>
      %get3A_610 = arith.constant 2 : i32
      %get3A_611 = arith.index_cast %get3A_610 : i32 to index
      %get3A_612 = arith.constant 0 : index
      %get3A_613 = tpu.vector_load %arg16[%get3A_611, %get3A_612] {strides = array<i32>} : memref<80x64xbf16, #tpu.memory_space<vmem>>, vector<32xbf16>,
      %add3A_614 = arith.addf %add3A_604, %get3A_613 : vector<32xbf16>
      %get3A_615 = arith.constant 2 : i32
      %get3A_616 = arith.index_cast %get3A_615 : i32 to index
      %get3A_617 = arith.constant 32 : index
      %get3A_618 = tpu.vector_load %arg16[%get3A_616, %get3A_617] {strides = array<i32>} : memref<80x64xbf16, #tpu.memory_space<vmem>>, vector<32xbf16>,
      %add3A_619 = arith.addf %add3A_609, %get3A_618 : vector<32xbf16>
      %get3A_620 = arith.constant 3 : i32
      %get3A_621 = arith.index_cast %get3A_620 : i32 to index
      %get3A_622 = arith.constant 0 : index
      %get3A_623 = tpu.vector_load %arg16[%get3A_621, %get3A_622] {strides = array<i32>} : memref<80x64xbf16, #tpu.memory_space<vmem>>, vector<32xbf16>,
      %add3A_624 = arith.addf %add3A_614, %get3A_623 : vector<32xbf16>
      %get3A_625 = arith.constant 3 : i32
      %get3A_626 = arith.index_cast %get3A_625 : i32 to index
      %get3A_627 = arith.constant 32 : index
      %get3A_628 = tpu.vector_load %arg16[%get3A_626, %get3A_627] {strides = array<i32>} : memref<80x64xbf16, #tpu.memory_space<vmem>>, vector<32xbf16>,
      %add3A_629 = arith.addf %add3A_619, %get3A_628 : vector<32xbf16>
      %get3A_630 = arith.constant 4 : i32
      %get3A_631 = arith.index_cast %get3A_630 : i32 to index
      %get3A_632 = arith.constant 0 : index
      %get3A_633 = tpu.vector_load %arg16[%get3A_631, %get3A_632] {strides = array<i32>} : memref<80x64xbf16, #tpu.memory_space<vmem>>, vector<32xbf16>,
      %add3A_634 = arith.addf %add3A_624, %get3A_633 : vector<32xbf16>
      %get3A_635 = arith.constant 4 : i32
      %get3A_636 = arith.index_cast %get3A_635 : i32 to index
      %get3A_637 = arith.constant 32 : index
      %get3A_638 = tpu.vector_load %arg16[%get3A_636, %get3A_637] {strides = array<i32>} : memref<80x64xbf16, #tpu.memory_space<vmem>>, vector<32xbf16>,
      %add3A_639 = arith.addf %add3A_629, %get3A_638 : vector<32xbf16>
      %get3A_640 = arith.constant 5 : i32
      %get3A_641 = arith.index_cast %get3A_640 : i32 to index
      %get3A_642 = arith.constant 0 : index
      %get3A_643 = tpu.vector_load %arg16[%get3A_641, %get3A_642] {strides = array<i32>} : memref<80x64xbf16, #tpu.memory_space<vmem>>, vector<32xbf16>,
      %add3A_644 = arith.addf %add3A_634, %get3A_643 : vector<32xbf16>
      %get3A_645 = arith.constant 5 : i32
      %get3A_646 = arith.index_cast %get3A_645 : i32 to index
      %get3A_647 = arith.constant 32 : index
      %get3A_648 = tpu.vector_load %arg16[%get3A_646, %get3A_647] {strides = array<i32>} : memref<80x64xbf16, #tpu.memory_space<vmem>>, vector<32xbf16>,
      %add3A_649 = arith.addf %add3A_639, %get3A_648 : vector<32xbf16>
      %get3A_650 = arith.constant 6 : i32
      %get3A_651 = arith.index_cast %get3A_650 : i32 to index
      %get3A_652 = arith.constant 0 : index
      %get3A_653 = tpu.vector_load %arg16[%get3A_651, %get3A_652] {strides = array<i32>} : memref<80x64xbf16, #tpu.memory_space<vmem>>, vector<32xbf16>,
      %add3A_654 = arith.addf %add3A_644, %get3A_653 : vector<32xbf16>
      %get3A_655 = arith.constant 6 : i32
      %get3A_656 = arith.index_cast %get3A_655 : i32 to index
      %get3A_657 = arith.constant 32 : index
      %get3A_658 = tpu.vector_load %arg16[%get3A_656, %get3A_657] {strides = array<i32>} : memref<80x64xbf16, #tpu.memory_space<vmem>>, vector<32xbf16>,
      %add3A_659 = arith.addf %add3A_649, %get3A_658 : vector<32xbf16>
      %get3A_660 = arith.constant 7 : i32
      %get3A_661 = arith.index_cast %get3A_660 : i32 to index
      %get3A_662 = arith.constant 0 : index
      %get3A_663 = tpu.vector_load %arg16[%get3A_661, %get3A_662] {strides = array<i32>} : memref<80x64xbf16, #tpu.memory_space<vmem>>, vector<32xbf16>,
      %add3A_664 = arith.addf %add3A_654, %get3A_663 : vector<32xbf16>
      %get3A_665 = arith.constant 7 : i32
      %get3A_666 = arith.index_cast %get3A_665 : i32 to index
      %get3A_667 = arith.constant 32 : index
      %get3A_668 = tpu.vector_load %arg16[%get3A_666, %get3A_667] {strides = array<i32>} : memref<80x64xbf16, #tpu.memory_space<vmem>>, vector<32xbf16>,
      %add3A_669 = arith.addf %add3A_659, %get3A_668 : vector<32xbf16>
      %get3A_670 = arith.constant 8 : i32
      %get3A_671 = arith.index_cast %get3A_670 : i32 to index
      %get3A_672 = arith.constant 0 : index
      %get3A_673 = tpu.vector_load %arg16[%get3A_671, %get3A_672] {strides = array<i32>} : memref<80x64xbf16, #tpu.memory_space<vmem>>, vector<32xbf16>,
      %add3A_674 = arith.addf %add3A_664, %get3A_673 : vector<32xbf16>
      %get3A_675 = arith.constant 8 : i32
      %get3A_676 = arith.index_cast %get3A_675 : i32 to index
      %get3A_677 = arith.constant 32 : index
      %get3A_678 = tpu.vector_load %arg16[%get3A_676, %get3A_677] {strides = array<i32>} : memref<80x64xbf16, #tpu.memory_space<vmem>>, vector<32xbf16>,
      %add3A_679 = arith.addf %add3A_669, %get3A_678 : vector<32xbf16>
      %get3A_680 = arith.constant 9 : i32
      %get3A_681 = arith.index_cast %get3A_680 : i32 to index
      %get3A_682 = arith.constant 0 : index
      %get3A_683 = tpu.vector_load %arg16[%get3A_681, %get3A_682] {strides = array<i32>} : memref<80x64xbf16, #tpu.memory_space<vmem>>, vector<32xbf16>,
      %add3A_684 = arith.addf %add3A_674, %get3A_683 : vector<32xbf16>
      %get3A_685 = arith.constant 9 : i32
      %get3A_686 = arith.index_cast %get3A_685 : i32 to index
      %get3A_687 = arith.constant 32 : index
      %get3A_688 = tpu.vector_load %arg16[%get3A_686, %get3A_687] {strides = array<i32>} : memref<80x64xbf16, #tpu.memory_space<vmem>>, vector<32xbf16>,
      %add3A_689 = arith.addf %add3A_679, %get3A_688 : vector<32xbf16>
      %get3A_690 = arith.constant 10 : i32
      %get3A_691 = arith.index_cast %get3A_690 : i32 to index
      %get3A_692 = arith.constant 0 : index
      %get3A_693 = tpu.vector_load %arg16[%get3A_691, %get3A_692] {strides = array<i32>} : memref<80x64xbf16, #tpu.memory_space<vmem>>, vector<32xbf16>,
      %add3A_694 = arith.addf %add3A_684, %get3A_693 : vector<32xbf16>
      %get3A_695 = arith.constant 10 : i32
      %get3A_696 = arith.index_cast %get3A_695 : i32 to index
      %get3A_697 = arith.constant 32 : index
      %get3A_698 = tpu.vector_load %arg16[%get3A_696, %get3A_697] {strides = array<i32>} : memref<80x64xbf16, #tpu.memory_space<vmem>>, vector<32xbf16>,
      %add3A_699 = arith.addf %add3A_689, %get3A_698 : vector<32xbf16>
      %get3A_700 = arith.constant 11 : i32
      %get3A_701 = arith.index_cast %get3A_700 : i32 to index
      %get3A_702 = arith.constant 0 : index
      %get3A_703 = tpu.vector_load %arg16[%get3A_701, %get3A_702] {strides = array<i32>} : memref<80x64xbf16, #tpu.memory_space<vmem>>, vector<32xbf16>,
      %add3A_704 = arith.addf %add3A_694, %get3A_703 : vector<32xbf16>
      %get3A_705 = arith.constant 11 : i32
      %get3A_706 = arith.index_cast %get3A_705 : i32 to index
      %get3A_707 = arith.constant 32 : index
      %get3A_708 = tpu.vector_load %arg16[%get3A_706, %get3A_707] {strides = array<i32>} : memref<80x64xbf16, #tpu.memory_space<vmem>>, vector<32xbf16>,
      %add3A_709 = arith.addf %add3A_699, %get3A_708 : vector<32xbf16>
      %get3A_710 = arith.constant 12 : i32
      %get3A_711 = arith.index_cast %get3A_710 : i32 to index
      %get3A_712 = arith.constant 0 : index
      %get3A_713 = tpu.vector_load %arg16[%get3A_711, %get3A_712] {strides = array<i32>} : memref<80x64xbf16, #tpu.memory_space<vmem>>, vector<32xbf16>,
      %add3A_714 = arith.addf %add3A_704, %get3A_713 : vector<32xbf16>
      %get3A_715 = arith.constant 12 : i32
      %get3A_716 = arith.index_cast %get3A_715 : i32 to index
      %get3A_717 = arith.constant 32 : index
      %get3A_718 = tpu.vector_load %arg16[%get3A_716, %get3A_717] {strides = array<i32>} : memref<80x64xbf16, #tpu.memory_space<vmem>>, vector<32xbf16>,
      %add3A_719 = arith.addf %add3A_709, %get3A_718 : vector<32xbf16>
      %get3A_720 = arith.constant 13 : i32
      %get3A_721 = arith.index_cast %get3A_720 : i32 to index
      %get3A_722 = arith.constant 0 : index
      %get3A_723 = tpu.vector_load %arg16[%get3A_721, %get3A_722] {strides = array<i32>} : memref<80x64xbf16, #tpu.memory_space<vmem>>, vector<32xbf16>,
      %add3A_724 = arith.addf %add3A_714, %get3A_723 : vector<32xbf16>
      %get3A_725 = arith.constant 13 : i32
      %get3A_726 = arith.index_cast %get3A_725 : i32 to index
      %get3A_727 = arith.constant 32 : index
      %get3A_728 = tpu.vector_load %arg16[%get3A_726, %get3A_727] {strides = array<i32>} : memref<80x64xbf16, #tpu.memory_space<vmem>>, vector<32xbf16>,
      %add3A_729 = arith.addf %add3A_719, %get3A_728 : vector<32xbf16>
      %get3A_730 = arith.constant 14 : i32
      %get3A_731 = arith.index_cast %get3A_730 : i32 to index
      %get3A_732 = arith.constant 0 : index
      %get3A_733 = tpu.vector_load %arg16[%get3A_731, %get3A_732] {strides = array<i32>} : memref<80x64xbf16, #tpu.memory_space<vmem>>, vector<32xbf16>,
      %add3A_734 = arith.addf %add3A_724, %get3A_733 : vector<32xbf16>
      %get3A_735 = arith.constant 14 : i32
      %get3A_736 = arith.index_cast %get3A_735 : i32 to index
      %get3A_737 = arith.constant 32 : index
      %get3A_738 = tpu.vector_load %arg16[%get3A_736, %get3A_737] {strides = array<i32>} : memref<80x64xbf16, #tpu.memory_space<vmem>>, vector<32xbf16>,
      %add3A_739 = arith.addf %add3A_729, %get3A_738 : vector<32xbf16>
      %get3A_740 = arith.constant 15 : i32
      %get3A_741 = arith.index_cast %get3A_740 : i32 to index
      %get3A_742 = arith.constant 0 : index
      %get3A_743 = tpu.vector_load %arg16[%get3A_741, %get3A_742] {strides = array<i32>} : memref<80x64xbf16, #tpu.memory_space<vmem>>, vector<32xbf16>,
      %add3A_744 = arith.addf %add3A_734, %get3A_743 : vector<32xbf16>
      %get3A_745 = arith.constant 15 : i32
      %get3A_746 = arith.index_cast %get3A_745 : i32 to index
      %get3A_747 = arith.constant 32 : index
      %get3A_748 = tpu.vector_load %arg16[%get3A_746, %get3A_747] {strides = array<i32>} : memref<80x64xbf16, #tpu.memory_space<vmem>>, vector<32xbf16>,
      %add3A_749 = arith.addf %add3A_739, %get3A_748 : vector<32xbf16>
      %get3A_750 = arith.constant 16 : i32
      %get3A_751 = arith.index_cast %get3A_750 : i32 to index
      %get3A_752 = arith.constant 0 : index
      %get3A_753 = tpu.vector_load %arg16[%get3A_751, %get3A_752] {strides = array<i32>} : memref<80x64xbf16, #tpu.memory_space<vmem>>, vector<32xbf16>,
      %add3A_754 = arith.addf %add3A_744, %get3A_753 : vector<32xbf16>
      %get3A_755 = arith.constant 16 : i32
      %get3A_756 = arith.index_cast %get3A_755 : i32 to index
      %get3A_757 = arith.constant 32 : index
      %get3A_758 = tpu.vector_load %arg16[%get3A_756, %get3A_757] {strides = array<i32>} : memref<80x64xbf16, #tpu.memory_space<vmem>>, vector<32xbf16>,
      %add3A_759 = arith.addf %add3A_749, %get3A_758 : vector<32xbf16>
      %get3A_760 = arith.constant 17 : i32
      %get3A_761 = arith.index_cast %get3A_760 : i32 to index
      %get3A_762 = arith.constant 0 : index
      %get3A_763 = tpu.vector_load %arg16[%get3A_761, %get3A_762] {strides = array<i32>} : memref<80x64xbf16, #tpu.memory_space<vmem>>, vector<32xbf16>,
      %add3A_764 = arith.addf %add3A_754, %get3A_763 : vector<32xbf16>
      %get3A_765 = arith.constant 17 : i32
      %get3A_766 = arith.index_cast %get3A_765 : i32 to index
      %get3A_767 = arith.constant 32 : index
      %get3A_768 = tpu.vector_load %arg16[%get3A_766, %get3A_767] {strides = array<i32>} : memref<80x64xbf16, #tpu.memory_space<vmem>>, vector<32xbf16>,
      %add3A_769 = arith.addf %add3A_759, %get3A_768 : vector<32xbf16>
      %get3A_770 = arith.constant 18 : i32
      %get3A_771 = arith.index_cast %get3A_770 : i32 to index
      %get3A_772 = arith.constant 0 : index
      %get3A_773 = tpu.vector_load %arg16[%get3A_771, %get3A_772] {strides = array<i32>} : memref<80x64xbf16, #tpu.memory_space<vmem>>, vector<32xbf16>,
      %add3A_774 = arith.addf %add3A_764, %get3A_773 : vector<32xbf16>
      %get3A_775 = arith.constant 18 : i32
      %get3A_776 = arith.index_cast %get3A_775 : i32 to index
      %get3A_777 = arith.constant 32 : index
      %get3A_778 = tpu.vector_load %arg16[%get3A_776, %get3A_777] {strides = array<i32>} : memref<80x64xbf16, #tpu.memory_space<vmem>>, vector<32xbf16>,
      %add3A_779 = arith.addf %add3A_769, %get3A_778 : vector<32xbf16>
      %get3A_780 = arith.constant 19 : i32
      %get3A_781 = arith.index_cast %get3A_780 : i32 to index
      %get3A_782 = arith.constant 0 : index
      %get3A_783 = tpu.vector_load %arg16[%get3A_781, %get3A_782] {strides = array<i32>} : memref<80x64xbf16, #tpu.memory_space<vmem>>, vector<32xbf16>,
      %add3A_784 = arith.addf %add3A_774, %get3A_783 : vector<32xbf16>
      %get3A_785 = arith.constant 19 : i32
      %get3A_786 = arith.index_cast %get3A_785 : i32 to index
      %get3A_787 = arith.constant 32 : index
      %get3A_788 = tpu.vector_load %arg16[%get3A_786, %get3A_787] {strides = array<i32>} : memref<80x64xbf16, #tpu.memory_space<vmem>>, vector<32xbf16>,
      %add3A_789 = arith.addf %add3A_779, %get3A_788 : vector<32xbf16>
      %mul3A_790 = arith.constant 2 : i32
      %mul3A_791 = arith.muli %add3A_576, %mul3A_790 : i32
      %add3A_792 = arith.constant 0 : i32
      %add3A_793 = arith.addi %mul3A_791, %add3A_792 : i32
      %swap3A_794 = arith.index_cast %add3A_793 : i32 to index
      %swap3A_795 = arith.constant 0 : index
      %swap3A_796 = tpu.vector_load %arg20[%swap3A_794, %swap3A_795] {strides = array<i32>} : memref<512x128xbf16, #tpu.memory_space<vmem>>, vector<32xbf16>,
      tpu.vector_store %arg20[%swap3A_794, %swap3A_795], %add3A_784 {strides = array<i32>} : memref<512x128xbf16, #tpu.memory_space<vmem>>, vector<32xbf16>,
      %swap3A_797 = arith.index_cast %add3A_793 : i32 to index
      %swap3A_798 = arith.constant 32 : index
      %swap3A_799 = tpu.vector_load %arg20[%swap3A_797, %swap3A_798] {strides = array<i32>} : memref<512x128xbf16, #tpu.memory_space<vmem>>, vector<32xbf16>,
      tpu.vector_store %arg20[%swap3A_797, %swap3A_798], %add3A_789 {strides = array<i32>} : memref<512x128xbf16, #tpu.memory_space<vmem>>, vector<32xbf16>,
      %get3A_800 = arith.constant 20 : i32
      %get3A_801 = arith.index_cast %get3A_800 : i32 to index
      %get3A_802 = arith.constant 0 : index
      %get3A_803 = tpu.vector_load %arg16[%get3A_801, %get3A_802] {strides = array<i32>} : memref<80x64xbf16, #tpu.memory_space<vmem>>, vector<32xbf16>,
      %get3A_804 = arith.constant 20 : i32
      %get3A_805 = arith.index_cast %get3A_804 : i32 to index
      %get3A_806 = arith.constant 32 : index
      %get3A_807 = tpu.vector_load %arg16[%get3A_805, %get3A_806] {strides = array<i32>} : memref<80x64xbf16, #tpu.memory_space<vmem>>, vector<32xbf16>,
      %get3A_808 = arith.constant 21 : i32
      %get3A_809 = arith.index_cast %get3A_808 : i32 to index
      %get3A_810 = arith.constant 0 : index
      %get3A_811 = tpu.vector_load %arg16[%get3A_809, %get3A_810] {strides = array<i32>} : memref<80x64xbf16, #tpu.memory_space<vmem>>, vector<32xbf16>,
      %add3A_812 = arith.addf %get3A_803, %get3A_811 : vector<32xbf16>
      %get3A_813 = arith.constant 21 : i32
      %get3A_814 = arith.index_cast %get3A_813 : i32 to index
      %get3A_815 = arith.constant 32 : index
      %get3A_816 = tpu.vector_load %arg16[%get3A_814, %get3A_815] {strides = array<i32>} : memref<80x64xbf16, #tpu.memory_space<vmem>>, vector<32xbf16>,
      %add3A_817 = arith.addf %get3A_807, %get3A_816 : vector<32xbf16>
      %get3A_818 = arith.constant 22 : i32
      %get3A_819 = arith.index_cast %get3A_818 : i32 to index
      %get3A_820 = arith.constant 0 : index
      %get3A_821 = tpu.vector_load %arg16[%get3A_819, %get3A_820] {strides = array<i32>} : memref<80x64xbf16, #tpu.memory_space<vmem>>, vector<32xbf16>,
      %add3A_822 = arith.addf %add3A_812, %get3A_821 : vector<32xbf16>
      %get3A_823 = arith.constant 22 : i32
      %get3A_824 = arith.index_cast %get3A_823 : i32 to index
      %get3A_825 = arith.constant 32 : index
      %get3A_826 = tpu.vector_load %arg16[%get3A_824, %get3A_825] {strides = array<i32>} : memref<80x64xbf16, #tpu.memory_space<vmem>>, vector<32xbf16>,
      %add3A_827 = arith.addf %add3A_817, %get3A_826 : vector<32xbf16>
      %get3A_828 = arith.constant 23 : i32
      %get3A_829 = arith.index_cast %get3A_828 : i32 to index
      %get3A_830 = arith.constant 0 : index
      %get3A_831 = tpu.vector_load %arg16[%get3A_829, %get3A_830] {strides = array<i32>} : memref<80x64xbf16, #tpu.memory_space<vmem>>, vector<32xbf16>,
      %add3A_832 = arith.addf %add3A_822, %get3A_831 : vector<32xbf16>
      %get3A_833 = arith.constant 23 : i32
      %get3A_834 = arith.index_cast %get3A_833 : i32 to index
      %get3A_835 = arith.constant 32 : index
      %get3A_836 = tpu.vector_load %arg16[%get3A_834, %get3A_835] {strides = array<i32>} : memref<80x64xbf16, #tpu.memory_space<vmem>>, vector<32xbf16>,
      %add3A_837 = arith.addf %add3A_827, %get3A_836 : vector<32xbf16>
      %get3A_838 = arith.constant 24 : i32
      %get3A_839 = arith.index_cast %get3A_838 : i32 to index
      %get3A_840 = arith.constant 0 : index
      %get3A_841 = tpu.vector_load %arg16[%get3A_839, %get3A_840] {strides = array<i32>} : memref<80x64xbf16, #tpu.memory_space<vmem>>, vector<32xbf16>,
      %add3A_842 = arith.addf %add3A_832, %get3A_841 : vector<32xbf16>
      %get3A_843 = arith.constant 24 : i32
      %get3A_844 = arith.index_cast %get3A_843 : i32 to index
      %get3A_845 = arith.constant 32 : index
      %get3A_846 = tpu.vector_load %arg16[%get3A_844, %get3A_845] {strides = array<i32>} : memref<80x64xbf16, #tpu.memory_space<vmem>>, vector<32xbf16>,
      %add3A_847 = arith.addf %add3A_837, %get3A_846 : vector<32xbf16>
      %get3A_848 = arith.constant 25 : i32
      %get3A_849 = arith.index_cast %get3A_848 : i32 to index
      %get3A_850 = arith.constant 0 : index
      %get3A_851 = tpu.vector_load %arg16[%get3A_849, %get3A_850] {strides = array<i32>} : memref<80x64xbf16, #tpu.memory_space<vmem>>, vector<32xbf16>,
      %add3A_852 = arith.addf %add3A_842, %get3A_851 : vector<32xbf16>
      %get3A_853 = arith.constant 25 : i32
      %get3A_854 = arith.index_cast %get3A_853 : i32 to index
      %get3A_855 = arith.constant 32 : index
      %get3A_856 = tpu.vector_load %arg16[%get3A_854, %get3A_855] {strides = array<i32>} : memref<80x64xbf16, #tpu.memory_space<vmem>>, vector<32xbf16>,
      %add3A_857 = arith.addf %add3A_847, %get3A_856 : vector<32xbf16>
      %get3A_858 = arith.constant 26 : i32
      %get3A_859 = arith.index_cast %get3A_858 : i32 to index
      %get3A_860 = arith.constant 0 : index
      %get3A_861 = tpu.vector_load %arg16[%get3A_859, %get3A_860] {strides = array<i32>} : memref<80x64xbf16, #tpu.memory_space<vmem>>, vector<32xbf16>,
      %add3A_862 = arith.addf %add3A_852, %get3A_861 : vector<32xbf16>
      %get3A_863 = arith.constant 26 : i32
      %get3A_864 = arith.index_cast %get3A_863 : i32 to index
      %get3A_865 = arith.constant 32 : index
      %get3A_866 = tpu.vector_load %arg16[%get3A_864, %get3A_865] {strides = array<i32>} : memref<80x64xbf16, #tpu.memory_space<vmem>>, vector<32xbf16>,
      %add3A_867 = arith.addf %add3A_857, %get3A_866 : vector<32xbf16>
      %get3A_868 = arith.constant 27 : i32
      %get3A_869 = arith.index_cast %get3A_868 : i32 to index
      %get3A_870 = arith.constant 0 : index
      %get3A_871 = tpu.vector_load %arg16[%get3A_869, %get3A_870] {strides = array<i32>} : memref<80x64xbf16, #tpu.memory_space<vmem>>, vector<32xbf16>,
      %add3A_872 = arith.addf %add3A_862, %get3A_871 : vector<32xbf16>
      %get3A_873 = arith.constant 27 : i32
      %get3A_874 = arith.index_cast %get3A_873 : i32 to index
      %get3A_875 = arith.constant 32 : index
      %get3A_876 = tpu.vector_load %arg16[%get3A_874, %get3A_875] {strides = array<i32>} : memref<80x64xbf16, #tpu.memory_space<vmem>>, vector<32xbf16>,
      %add3A_877 = arith.addf %add3A_867, %get3A_876 : vector<32xbf16>
      %get3A_878 = arith.constant 28 : i32
      %get3A_879 = arith.index_cast %get3A_878 : i32 to index
      %get3A_880 = arith.constant 0 : index
      %get3A_881 = tpu.vector_load %arg16[%get3A_879, %get3A_880] {strides = array<i32>} : memref<80x64xbf16, #tpu.memory_space<vmem>>, vector<32xbf16>,
      %add3A_882 = arith.addf %add3A_872, %get3A_881 : vector<32xbf16>
      %get3A_883 = arith.constant 28 : i32
      %get3A_884 = arith.index_cast %get3A_883 : i32 to index
      %get3A_885 = arith.constant 32 : index
      %get3A_886 = tpu.vector_load %arg16[%get3A_884, %get3A_885] {strides = array<i32>} : memref<80x64xbf16, #tpu.memory_space<vmem>>, vector<32xbf16>,
      %add3A_887 = arith.addf %add3A_877, %get3A_886 : vector<32xbf16>
      %get3A_888 = arith.constant 29 : i32
      %get3A_889 = arith.index_cast %get3A_888 : i32 to index
      %get3A_890 = arith.constant 0 : index
      %get3A_891 = tpu.vector_load %arg16[%get3A_889, %get3A_890] {strides = array<i32>} : memref<80x64xbf16, #tpu.memory_space<vmem>>, vector<32xbf16>,
      %add3A_892 = arith.addf %add3A_882, %get3A_891 : vector<32xbf16>
      %get3A_893 = arith.constant 29 : i32
      %get3A_894 = arith.index_cast %get3A_893 : i32 to index
      %get3A_895 = arith.constant 32 : index
      %get3A_896 = tpu.vector_load %arg16[%get3A_894, %get3A_895] {strides = array<i32>} : memref<80x64xbf16, #tpu.memory_space<vmem>>, vector<32xbf16>,
      %add3A_897 = arith.addf %add3A_887, %get3A_896 : vector<32xbf16>
      %get3A_898 = arith.constant 30 : i32
      %get3A_899 = arith.index_cast %get3A_898 : i32 to index
      %get3A_900 = arith.constant 0 : index
      %get3A_901 = tpu.vector_load %arg16[%get3A_899, %get3A_900] {strides = array<i32>} : memref<80x64xbf16, #tpu.memory_space<vmem>>, vector<32xbf16>,
      %add3A_902 = arith.addf %add3A_892, %get3A_901 : vector<32xbf16>
      %get3A_903 = arith.constant 30 : i32
      %get3A_904 = arith.index_cast %get3A_903 : i32 to index
      %get3A_905 = arith.constant 32 : index
      %get3A_906 = tpu.vector_load %arg16[%get3A_904, %get3A_905] {strides = array<i32>} : memref<80x64xbf16, #tpu.memory_space<vmem>>, vector<32xbf16>,
      %add3A_907 = arith.addf %add3A_897, %get3A_906 : vector<32xbf16>
      %get3A_908 = arith.constant 31 : i32
      %get3A_909 = arith.index_cast %get3A_908 : i32 to index
      %get3A_910 = arith.constant 0 : index
      %get3A_911 = tpu.vector_load %arg16[%get3A_909, %get3A_910] {strides = array<i32>} : memref<80x64xbf16, #tpu.memory_space<vmem>>, vector<32xbf16>,
      %add3A_912 = arith.addf %add3A_902, %get3A_911 : vector<32xbf16>
      %get3A_913 = arith.constant 31 : i32
      %get3A_914 = arith.index_cast %get3A_913 : i32 to index
      %get3A_915 = arith.constant 32 : index
      %get3A_916 = tpu.vector_load %arg16[%get3A_914, %get3A_915] {strides = array<i32>} : memref<80x64xbf16, #tpu.memory_space<vmem>>, vector<32xbf16>,
      %add3A_917 = arith.addf %add3A_907, %get3A_916 : vector<32xbf16>
      %get3A_918 = arith.constant 32 : i32
      %get3A_919 = arith.index_cast %get3A_918 : i32 to index
      %get3A_920 = arith.constant 0 : index
      %get3A_921 = tpu.vector_load %arg16[%get3A_919, %get3A_920] {strides = array<i32>} : memref<80x64xbf16, #tpu.memory_space<vmem>>, vector<32xbf16>,
      %add3A_922 = arith.addf %add3A_912, %get3A_921 : vector<32xbf16>
      %get3A_923 = arith.constant 32 : i32
      %get3A_924 = arith.index_cast %get3A_923 : i32 to index
      %get3A_925 = arith.constant 32 : index
      %get3A_926 = tpu.vector_load %arg16[%get3A_924, %get3A_925] {strides = array<i32>} : memref<80x64xbf16, #tpu.memory_space<vmem>>, vector<32xbf16>,
      %add3A_927 = arith.addf %add3A_917, %get3A_926 : vector<32xbf16>
      %get3A_928 = arith.constant 33 : i32
      %get3A_929 = arith.index_cast %get3A_928 : i32 to index
      %get3A_930 = arith.constant 0 : index
      %get3A_931 = tpu.vector_load %arg16[%get3A_929, %get3A_930] {strides = array<i32>} : memref<80x64xbf16, #tpu.memory_space<vmem>>, vector<32xbf16>,
      %add3A_932 = arith.addf %add3A_922, %get3A_931 : vector<32xbf16>
      %get3A_933 = arith.constant 33 : i32
      %get3A_934 = arith.index_cast %get3A_933 : i32 to index
      %get3A_935 = arith.constant 32 : index
      %get3A_936 = tpu.vector_load %arg16[%get3A_934, %get3A_935] {strides = array<i32>} : memref<80x64xbf16, #tpu.memory_space<vmem>>, vector<32xbf16>,
      %add3A_937 = arith.addf %add3A_927, %get3A_936 : vector<32xbf16>
      %get3A_938 = arith.constant 34 : i32
      %get3A_939 = arith.index_cast %get3A_938 : i32 to index
      %get3A_940 = arith.constant 0 : index
      %get3A_941 = tpu.vector_load %arg16[%get3A_939, %get3A_940] {strides = array<i32>} : memref<80x64xbf16, #tpu.memory_space<vmem>>, vector<32xbf16>,
      %add3A_942 = arith.addf %add3A_932, %get3A_941 : vector<32xbf16>
      %get3A_943 = arith.constant 34 : i32
      %get3A_944 = arith.index_cast %get3A_943 : i32 to index
      %get3A_945 = arith.constant 32 : index
      %get3A_946 = tpu.vector_load %arg16[%get3A_944, %get3A_945] {strides = array<i32>} : memref<80x64xbf16, #tpu.memory_space<vmem>>, vector<32xbf16>,
      %add3A_947 = arith.addf %add3A_937, %get3A_946 : vector<32xbf16>
      %get3A_948 = arith.constant 35 : i32
      %get3A_949 = arith.index_cast %get3A_948 : i32 to index
      %get3A_950 = arith.constant 0 : index
      %get3A_951 = tpu.vector_load %arg16[%get3A_949, %get3A_950] {strides = array<i32>} : memref<80x64xbf16, #tpu.memory_space<vmem>>, vector<32xbf16>,
      %add3A_952 = arith.addf %add3A_942, %get3A_951 : vector<32xbf16>
      %get3A_953 = arith.constant 35 : i32
      %get3A_954 = arith.index_cast %get3A_953 : i32 to index
      %get3A_955 = arith.constant 32 : index
      %get3A_956 = tpu.vector_load %arg16[%get3A_954, %get3A_955] {strides = array<i32>} : memref<80x64xbf16, #tpu.memory_space<vmem>>, vector<32xbf16>,
      %add3A_957 = arith.addf %add3A_947, %get3A_956 : vector<32xbf16>
      %get3A_958 = arith.constant 36 : i32
      %get3A_959 = arith.index_cast %get3A_958 : i32 to index
      %get3A_960 = arith.constant 0 : index
      %get3A_961 = tpu.vector_load %arg16[%get3A_959, %get3A_960] {strides = array<i32>} : memref<80x64xbf16, #tpu.memory_space<vmem>>, vector<32xbf16>,
      %add3A_962 = arith.addf %add3A_952, %get3A_961 : vector<32xbf16>
      %get3A_963 = arith.constant 36 : i32
      %get3A_964 = arith.index_cast %get3A_963 : i32 to index
      %get3A_965 = arith.constant 32 : index
      %get3A_966 = tpu.vector_load %arg16[%get3A_964, %get3A_965] {strides = array<i32>} : memref<80x64xbf16, #tpu.memory_space<vmem>>, vector<32xbf16>,
      %add3A_967 = arith.addf %add3A_957, %get3A_966 : vector<32xbf16>
      %get3A_968 = arith.constant 37 : i32
      %get3A_969 = arith.index_cast %get3A_968 : i32 to index
      %get3A_970 = arith.constant 0 : index
      %get3A_971 = tpu.vector_load %arg16[%get3A_969, %get3A_970] {strides = array<i32>} : memref<80x64xbf16, #tpu.memory_space<vmem>>, vector<32xbf16>,
      %add3A_972 = arith.addf %add3A_962, %get3A_971 : vector<32xbf16>
      %get3A_973 = arith.constant 37 : i32
      %get3A_974 = arith.index_cast %get3A_973 : i32 to index
      %get3A_975 = arith.constant 32 : index
      %get3A_976 = tpu.vector_load %arg16[%get3A_974, %get3A_975] {strides = array<i32>} : memref<80x64xbf16, #tpu.memory_space<vmem>>, vector<32xbf16>,
      %add3A_977 = arith.addf %add3A_967, %get3A_976 : vector<32xbf16>
      %get3A_978 = arith.constant 38 : i32
      %get3A_979 = arith.index_cast %get3A_978 : i32 to index
      %get3A_980 = arith.constant 0 : index
      %get3A_981 = tpu.vector_load %arg16[%get3A_979, %get3A_980] {strides = array<i32>} : memref<80x64xbf16, #tpu.memory_space<vmem>>, vector<32xbf16>,
      %add3A_982 = arith.addf %add3A_972, %get3A_981 : vector<32xbf16>
      %get3A_983 = arith.constant 38 : i32
      %get3A_984 = arith.index_cast %get3A_983 : i32 to index
      %get3A_985 = arith.constant 32 : index
      %get3A_986 = tpu.vector_load %arg16[%get3A_984, %get3A_985] {strides = array<i32>} : memref<80x64xbf16, #tpu.memory_space<vmem>>, vector<32xbf16>,
      %add3A_987 = arith.addf %add3A_977, %get3A_986 : vector<32xbf16>
      %get3A_988 = arith.constant 39 : i32
      %get3A_989 = arith.index_cast %get3A_988 : i32 to index
      %get3A_990 = arith.constant 0 : index
      %get3A_991 = tpu.vector_load %arg16[%get3A_989, %get3A_990] {strides = array<i32>} : memref<80x64xbf16, #tpu.memory_space<vmem>>, vector<32xbf16>,
      %add3A_992 = arith.addf %add3A_982, %get3A_991 : vector<32xbf16>
      %get3A_993 = arith.constant 39 : i32
      %get3A_994 = arith.index_cast %get3A_993 : i32 to index
      %get3A_995 = arith.constant 32 : index
      %get3A_996 = tpu.vector_load %arg16[%get3A_994, %get3A_995] {strides = array<i32>} : memref<80x64xbf16, #tpu.memory_space<vmem>>, vector<32xbf16>,
      %add3A_997 = arith.addf %add3A_987, %get3A_996 : vector<32xbf16>
      %mul3A_998 = arith.constant 2 : i32
      %mul3A_999 = arith.muli %add3A_576, %mul3A_998 : i32
      %add3A_1000 = arith.constant 0 : i32
      %add3A_1001 = arith.addi %mul3A_999, %add3A_1000 : i32
      %swap3A_1002 = arith.index_cast %add3A_1001 : i32 to index
      %swap3A_1003 = arith.constant 64 : index
      %swap3A_1004 = tpu.vector_load %arg20[%swap3A_1002, %swap3A_1003] {strides = array<i32>} : memref<512x128xbf16, #tpu.memory_space<vmem>>, vector<32xbf16>,
      tpu.vector_store %arg20[%swap3A_1002, %swap3A_1003], %add3A_992 {strides = array<i32>} : memref<512x128xbf16, #tpu.memory_space<vmem>>, vector<32xbf16>,
      %swap3A_1005 = arith.index_cast %add3A_1001 : i32 to index
      %swap3A_1006 = arith.constant 96 : index
      %swap3A_1007 = tpu.vector_load %arg20[%swap3A_1005, %swap3A_1006] {strides = array<i32>} : memref<512x128xbf16, #tpu.memory_space<vmem>>, vector<32xbf16>,
      tpu.vector_store %arg20[%swap3A_1005, %swap3A_1006], %add3A_997 {strides = array<i32>} : memref<512x128xbf16, #tpu.memory_space<vmem>>, vector<32xbf16>,
      %get3A_1008 = arith.constant 40 : i32
      %get3A_1009 = arith.index_cast %get3A_1008 : i32 to index
      %get3A_1010 = arith.constant 0 : index
      %get3A_1011 = tpu.vector_load %arg16[%get3A_1009, %get3A_1010] {strides = array<i32>} : memref<80x64xbf16, #tpu.memory_space<vmem>>, vector<32xbf16>,
      %get3A_1012 = arith.constant 40 : i32
      %get3A_1013 = arith.index_cast %get3A_1012 : i32 to index
      %get3A_1014 = arith.constant 32 : index
      %get3A_1015 = tpu.vector_load %arg16[%get3A_1013, %get3A_1014] {strides = array<i32>} : memref<80x64xbf16, #tpu.memory_space<vmem>>, vector<32xbf16>,
      %get3A_1016 = arith.constant 41 : i32
      %get3A_1017 = arith.index_cast %get3A_1016 : i32 to index
      %get3A_1018 = arith.constant 0 : index
      %get3A_1019 = tpu.vector_load %arg16[%get3A_1017, %get3A_1018] {strides = array<i32>} : memref<80x64xbf16, #tpu.memory_space<vmem>>, vector<32xbf16>,
      %add3A_1020 = arith.addf %get3A_1011, %get3A_1019 : vector<32xbf16>
      %get3A_1021 = arith.constant 41 : i32
      %get3A_1022 = arith.index_cast %get3A_1021 : i32 to index
      %get3A_1023 = arith.constant 32 : index
      %get3A_1024 = tpu.vector_load %arg16[%get3A_1022, %get3A_1023] {strides = array<i32>} : memref<80x64xbf16, #tpu.memory_space<vmem>>, vector<32xbf16>,
      %add3A_1025 = arith.addf %get3A_1015, %get3A_1024 : vector<32xbf16>
      %get3A_1026 = arith.constant 42 : i32
      %get3A_1027 = arith.index_cast %get3A_1026 : i32 to index
      %get3A_1028 = arith.constant 0 : index
      %get3A_1029 = tpu.vector_load %arg16[%get3A_1027, %get3A_1028] {strides = array<i32>} : memref<80x64xbf16, #tpu.memory_space<vmem>>, vector<32xbf16>,
      %add3A_1030 = arith.addf %add3A_1020, %get3A_1029 : vector<32xbf16>
      %get3A_1031 = arith.constant 42 : i32
      %get3A_1032 = arith.index_cast %get3A_1031 : i32 to index
      %get3A_1033 = arith.constant 32 : index
      %get3A_1034 = tpu.vector_load %arg16[%get3A_1032, %get3A_1033] {strides = array<i32>} : memref<80x64xbf16, #tpu.memory_space<vmem>>, vector<32xbf16>,
      %add3A_1035 = arith.addf %add3A_1025, %get3A_1034 : vector<32xbf16>
      %get3A_1036 = arith.constant 43 : i32
      %get3A_1037 = arith.index_cast %get3A_1036 : i32 to index
      %get3A_1038 = arith.constant 0 : index
      %get3A_1039 = tpu.vector_load %arg16[%get3A_1037, %get3A_1038] {strides = array<i32>} : memref<80x64xbf16, #tpu.memory_space<vmem>>, vector<32xbf16>,
      %add3A_1040 = arith.addf %add3A_1030, %get3A_1039 : vector<32xbf16>
      %get3A_1041 = arith.constant 43 : i32
      %get3A_1042 = arith.index_cast %get3A_1041 : i32 to index
      %get3A_1043 = arith.constant 32 : index
      %get3A_1044 = tpu.vector_load %arg16[%get3A_1042, %get3A_1043] {strides = array<i32>} : memref<80x64xbf16, #tpu.memory_space<vmem>>, vector<32xbf16>,
      %add3A_1045 = arith.addf %add3A_1035, %get3A_1044 : vector<32xbf16>
      %get3A_1046 = arith.constant 44 : i32
      %get3A_1047 = arith.index_cast %get3A_1046 : i32 to index
      %get3A_1048 = arith.constant 0 : index
      %get3A_1049 = tpu.vector_load %arg16[%get3A_1047, %get3A_1048] {strides = array<i32>} : memref<80x64xbf16, #tpu.memory_space<vmem>>, vector<32xbf16>,
      %add3A_1050 = arith.addf %add3A_1040, %get3A_1049 : vector<32xbf16>
      %get3A_1051 = arith.constant 44 : i32
      %get3A_1052 = arith.index_cast %get3A_1051 : i32 to index
      %get3A_1053 = arith.constant 32 : index
      %get3A_1054 = tpu.vector_load %arg16[%get3A_1052, %get3A_1053] {strides = array<i32>} : memref<80x64xbf16, #tpu.memory_space<vmem>>, vector<32xbf16>,
      %add3A_1055 = arith.addf %add3A_1045, %get3A_1054 : vector<32xbf16>
      %get3A_1056 = arith.constant 45 : i32
      %get3A_1057 = arith.index_cast %get3A_1056 : i32 to index
      %get3A_1058 = arith.constant 0 : index
      %get3A_1059 = tpu.vector_load %arg16[%get3A_1057, %get3A_1058] {strides = array<i32>} : memref<80x64xbf16, #tpu.memory_space<vmem>>, vector<32xbf16>,
      %add3A_1060 = arith.addf %add3A_1050, %get3A_1059 : vector<32xbf16>
      %get3A_1061 = arith.constant 45 : i32
      %get3A_1062 = arith.index_cast %get3A_1061 : i32 to index
      %get3A_1063 = arith.constant 32 : index
      %get3A_1064 = tpu.vector_load %arg16[%get3A_1062, %get3A_1063] {strides = array<i32>} : memref<80x64xbf16, #tpu.memory_space<vmem>>, vector<32xbf16>,
      %add3A_1065 = arith.addf %add3A_1055, %get3A_1064 : vector<32xbf16>
      %get3A_1066 = arith.constant 46 : i32
      %get3A_1067 = arith.index_cast %get3A_1066 : i32 to index
      %get3A_1068 = arith.constant 0 : index
      %get3A_1069 = tpu.vector_load %arg16[%get3A_1067, %get3A_1068] {strides = array<i32>} : memref<80x64xbf16, #tpu.memory_space<vmem>>, vector<32xbf16>,
      %add3A_1070 = arith.addf %add3A_1060, %get3A_1069 : vector<32xbf16>
      %get3A_1071 = arith.constant 46 : i32
      %get3A_1072 = arith.index_cast %get3A_1071 : i32 to index
      %get3A_1073 = arith.constant 32 : index
      %get3A_1074 = tpu.vector_load %arg16[%get3A_1072, %get3A_1073] {strides = array<i32>} : memref<80x64xbf16, #tpu.memory_space<vmem>>, vector<32xbf16>,
      %add3A_1075 = arith.addf %add3A_1065, %get3A_1074 : vector<32xbf16>
      %get3A_1076 = arith.constant 47 : i32
      %get3A_1077 = arith.index_cast %get3A_1076 : i32 to index
      %get3A_1078 = arith.constant 0 : index
      %get3A_1079 = tpu.vector_load %arg16[%get3A_1077, %get3A_1078] {strides = array<i32>} : memref<80x64xbf16, #tpu.memory_space<vmem>>, vector<32xbf16>,
      %add3A_1080 = arith.addf %add3A_1070, %get3A_1079 : vector<32xbf16>
      %get3A_1081 = arith.constant 47 : i32
      %get3A_1082 = arith.index_cast %get3A_1081 : i32 to index
      %get3A_1083 = arith.constant 32 : index
      %get3A_1084 = tpu.vector_load %arg16[%get3A_1082, %get3A_1083] {strides = array<i32>} : memref<80x64xbf16, #tpu.memory_space<vmem>>, vector<32xbf16>,
      %add3A_1085 = arith.addf %add3A_1075, %get3A_1084 : vector<32xbf16>
      %get3A_1086 = arith.constant 48 : i32
      %get3A_1087 = arith.index_cast %get3A_1086 : i32 to index
      %get3A_1088 = arith.constant 0 : index
      %get3A_1089 = tpu.vector_load %arg16[%get3A_1087, %get3A_1088] {strides = array<i32>} : memref<80x64xbf16, #tpu.memory_space<vmem>>, vector<32xbf16>,
      %add3A_1090 = arith.addf %add3A_1080, %get3A_1089 : vector<32xbf16>
      %get3A_1091 = arith.constant 48 : i32
      %get3A_1092 = arith.index_cast %get3A_1091 : i32 to index
      %get3A_1093 = arith.constant 32 : index
      %get3A_1094 = tpu.vector_load %arg16[%get3A_1092, %get3A_1093] {strides = array<i32>} : memref<80x64xbf16, #tpu.memory_space<vmem>>, vector<32xbf16>,
      %add3A_1095 = arith.addf %add3A_1085, %get3A_1094 : vector<32xbf16>
      %get3A_1096 = arith.constant 49 : i32
      %get3A_1097 = arith.index_cast %get3A_1096 : i32 to index
      %get3A_1098 = arith.constant 0 : index
      %get3A_1099 = tpu.vector_load %arg16[%get3A_1097, %get3A_1098] {strides = array<i32>} : memref<80x64xbf16, #tpu.memory_space<vmem>>, vector<32xbf16>,
      %add3A_1100 = arith.addf %add3A_1090, %get3A_1099 : vector<32xbf16>
      %get3A_1101 = arith.constant 49 : i32
      %get3A_1102 = arith.index_cast %get3A_1101 : i32 to index
      %get3A_1103 = arith.constant 32 : index
      %get3A_1104 = tpu.vector_load %arg16[%get3A_1102, %get3A_1103] {strides = array<i32>} : memref<80x64xbf16, #tpu.memory_space<vmem>>, vector<32xbf16>,
      %add3A_1105 = arith.addf %add3A_1095, %get3A_1104 : vector<32xbf16>
      %get3A_1106 = arith.constant 50 : i32
      %get3A_1107 = arith.index_cast %get3A_1106 : i32 to index
      %get3A_1108 = arith.constant 0 : index
      %get3A_1109 = tpu.vector_load %arg16[%get3A_1107, %get3A_1108] {strides = array<i32>} : memref<80x64xbf16, #tpu.memory_space<vmem>>, vector<32xbf16>,
      %add3A_1110 = arith.addf %add3A_1100, %get3A_1109 : vector<32xbf16>
      %get3A_1111 = arith.constant 50 : i32
      %get3A_1112 = arith.index_cast %get3A_1111 : i32 to index
      %get3A_1113 = arith.constant 32 : index
      %get3A_1114 = tpu.vector_load %arg16[%get3A_1112, %get3A_1113] {strides = array<i32>} : memref<80x64xbf16, #tpu.memory_space<vmem>>, vector<32xbf16>,
      %add3A_1115 = arith.addf %add3A_1105, %get3A_1114 : vector<32xbf16>
      %get3A_1116 = arith.constant 51 : i32
      %get3A_1117 = arith.index_cast %get3A_1116 : i32 to index
      %get3A_1118 = arith.constant 0 : index
      %get3A_1119 = tpu.vector_load %arg16[%get3A_1117, %get3A_1118] {strides = array<i32>} : memref<80x64xbf16, #tpu.memory_space<vmem>>, vector<32xbf16>,
      %add3A_1120 = arith.addf %add3A_1110, %get3A_1119 : vector<32xbf16>
      %get3A_1121 = arith.constant 51 : i32
      %get3A_1122 = arith.index_cast %get3A_1121 : i32 to index
      %get3A_1123 = arith.constant 32 : index
      %get3A_1124 = tpu.vector_load %arg16[%get3A_1122, %get3A_1123] {strides = array<i32>} : memref<80x64xbf16, #tpu.memory_space<vmem>>, vector<32xbf16>,
      %add3A_1125 = arith.addf %add3A_1115, %get3A_1124 : vector<32xbf16>
      %get3A_1126 = arith.constant 52 : i32
      %get3A_1127 = arith.index_cast %get3A_1126 : i32 to index
      %get3A_1128 = arith.constant 0 : index
      %get3A_1129 = tpu.vector_load %arg16[%get3A_1127, %get3A_1128] {strides = array<i32>} : memref<80x64xbf16, #tpu.memory_space<vmem>>, vector<32xbf16>,
      %add3A_1130 = arith.addf %add3A_1120, %get3A_1129 : vector<32xbf16>
      %get3A_1131 = arith.constant 52 : i32
      %get3A_1132 = arith.index_cast %get3A_1131 : i32 to index
      %get3A_1133 = arith.constant 32 : index
      %get3A_1134 = tpu.vector_load %arg16[%get3A_1132, %get3A_1133] {strides = array<i32>} : memref<80x64xbf16, #tpu.memory_space<vmem>>, vector<32xbf16>,
      %add3A_1135 = arith.addf %add3A_1125, %get3A_1134 : vector<32xbf16>
      %get3A_1136 = arith.constant 53 : i32
      %get3A_1137 = arith.index_cast %get3A_1136 : i32 to index
      %get3A_1138 = arith.constant 0 : index
      %get3A_1139 = tpu.vector_load %arg16[%get3A_1137, %get3A_1138] {strides = array<i32>} : memref<80x64xbf16, #tpu.memory_space<vmem>>, vector<32xbf16>,
      %add3A_1140 = arith.addf %add3A_1130, %get3A_1139 : vector<32xbf16>
      %get3A_1141 = arith.constant 53 : i32
      %get3A_1142 = arith.index_cast %get3A_1141 : i32 to index
      %get3A_1143 = arith.constant 32 : index
      %get3A_1144 = tpu.vector_load %arg16[%get3A_1142, %get3A_1143] {strides = array<i32>} : memref<80x64xbf16, #tpu.memory_space<vmem>>, vector<32xbf16>,
      %add3A_1145 = arith.addf %add3A_1135, %get3A_1144 : vector<32xbf16>
      %get3A_1146 = arith.constant 54 : i32
      %get3A_1147 = arith.index_cast %get3A_1146 : i32 to index
      %get3A_1148 = arith.constant 0 : index
      %get3A_1149 = tpu.vector_load %arg16[%get3A_1147, %get3A_1148] {strides = array<i32>} : memref<80x64xbf16, #tpu.memory_space<vmem>>, vector<32xbf16>,
      %add3A_1150 = arith.addf %add3A_1140, %get3A_1149 : vector<32xbf16>
      %get3A_1151 = arith.constant 54 : i32
      %get3A_1152 = arith.index_cast %get3A_1151 : i32 to index
      %get3A_1153 = arith.constant 32 : index
      %get3A_1154 = tpu.vector_load %arg16[%get3A_1152, %get3A_1153] {strides = array<i32>} : memref<80x64xbf16, #tpu.memory_space<vmem>>, vector<32xbf16>,
      %add3A_1155 = arith.addf %add3A_1145, %get3A_1154 : vector<32xbf16>
      %get3A_1156 = arith.constant 55 : i32
      %get3A_1157 = arith.index_cast %get3A_1156 : i32 to index
      %get3A_1158 = arith.constant 0 : index
      %get3A_1159 = tpu.vector_load %arg16[%get3A_1157, %get3A_1158] {strides = array<i32>} : memref<80x64xbf16, #tpu.memory_space<vmem>>, vector<32xbf16>,
      %add3A_1160 = arith.addf %add3A_1150, %get3A_1159 : vector<32xbf16>
      %get3A_1161 = arith.constant 55 : i32
      %get3A_1162 = arith.index_cast %get3A_1161 : i32 to index
      %get3A_1163 = arith.constant 32 : index
      %get3A_1164 = tpu.vector_load %arg16[%get3A_1162, %get3A_1163] {strides = array<i32>} : memref<80x64xbf16, #tpu.memory_space<vmem>>, vector<32xbf16>,
      %add3A_1165 = arith.addf %add3A_1155, %get3A_1164 : vector<32xbf16>
      %get3A_1166 = arith.constant 56 : i32
      %get3A_1167 = arith.index_cast %get3A_1166 : i32 to index
      %get3A_1168 = arith.constant 0 : index
      %get3A_1169 = tpu.vector_load %arg16[%get3A_1167, %get3A_1168] {strides = array<i32>} : memref<80x64xbf16, #tpu.memory_space<vmem>>, vector<32xbf16>,
      %add3A_1170 = arith.addf %add3A_1160, %get3A_1169 : vector<32xbf16>
      %get3A_1171 = arith.constant 56 : i32
      %get3A_1172 = arith.index_cast %get3A_1171 : i32 to index
      %get3A_1173 = arith.constant 32 : index
      %get3A_1174 = tpu.vector_load %arg16[%get3A_1172, %get3A_1173] {strides = array<i32>} : memref<80x64xbf16, #tpu.memory_space<vmem>>, vector<32xbf16>,
      %add3A_1175 = arith.addf %add3A_1165, %get3A_1174 : vector<32xbf16>
      %get3A_1176 = arith.constant 57 : i32
      %get3A_1177 = arith.index_cast %get3A_1176 : i32 to index
      %get3A_1178 = arith.constant 0 : index
      %get3A_1179 = tpu.vector_load %arg16[%get3A_1177, %get3A_1178] {strides = array<i32>} : memref<80x64xbf16, #tpu.memory_space<vmem>>, vector<32xbf16>,
      %add3A_1180 = arith.addf %add3A_1170, %get3A_1179 : vector<32xbf16>
      %get3A_1181 = arith.constant 57 : i32
      %get3A_1182 = arith.index_cast %get3A_1181 : i32 to index
      %get3A_1183 = arith.constant 32 : index
      %get3A_1184 = tpu.vector_load %arg16[%get3A_1182, %get3A_1183] {strides = array<i32>} : memref<80x64xbf16, #tpu.memory_space<vmem>>, vector<32xbf16>,
      %add3A_1185 = arith.addf %add3A_1175, %get3A_1184 : vector<32xbf16>
      %get3A_1186 = arith.constant 58 : i32
      %get3A_1187 = arith.index_cast %get3A_1186 : i32 to index
      %get3A_1188 = arith.constant 0 : index
      %get3A_1189 = tpu.vector_load %arg16[%get3A_1187, %get3A_1188] {strides = array<i32>} : memref<80x64xbf16, #tpu.memory_space<vmem>>, vector<32xbf16>,
      %add3A_1190 = arith.addf %add3A_1180, %get3A_1189 : vector<32xbf16>
      %get3A_1191 = arith.constant 58 : i32
      %get3A_1192 = arith.index_cast %get3A_1191 : i32 to index
      %get3A_1193 = arith.constant 32 : index
      %get3A_1194 = tpu.vector_load %arg16[%get3A_1192, %get3A_1193] {strides = array<i32>} : memref<80x64xbf16, #tpu.memory_space<vmem>>, vector<32xbf16>,
      %add3A_1195 = arith.addf %add3A_1185, %get3A_1194 : vector<32xbf16>
      %get3A_1196 = arith.constant 59 : i32
      %get3A_1197 = arith.index_cast %get3A_1196 : i32 to index
      %get3A_1198 = arith.constant 0 : index
      %get3A_1199 = tpu.vector_load %arg16[%get3A_1197, %get3A_1198] {strides = array<i32>} : memref<80x64xbf16, #tpu.memory_space<vmem>>, vector<32xbf16>,
      %add3A_1200 = arith.addf %add3A_1190, %get3A_1199 : vector<32xbf16>
      %get3A_1201 = arith.constant 59 : i32
      %get3A_1202 = arith.index_cast %get3A_1201 : i32 to index
      %get3A_1203 = arith.constant 32 : index
      %get3A_1204 = tpu.vector_load %arg16[%get3A_1202, %get3A_1203] {strides = array<i32>} : memref<80x64xbf16, #tpu.memory_space<vmem>>, vector<32xbf16>,
      %add3A_1205 = arith.addf %add3A_1195, %get3A_1204 : vector<32xbf16>
      %mul3A_1206 = arith.constant 2 : i32
      %mul3A_1207 = arith.muli %add3A_576, %mul3A_1206 : i32
      %add3A_1208 = arith.constant 1 : i32
      %add3A_1209 = arith.addi %mul3A_1207, %add3A_1208 : i32
      %swap3A_1210 = arith.index_cast %add3A_1209 : i32 to index
      %swap3A_1211 = arith.constant 0 : index
      %swap3A_1212 = tpu.vector_load %arg20[%swap3A_1210, %swap3A_1211] {strides = array<i32>} : memref<512x128xbf16, #tpu.memory_space<vmem>>, vector<32xbf16>,
      tpu.vector_store %arg20[%swap3A_1210, %swap3A_1211], %add3A_1200 {strides = array<i32>} : memref<512x128xbf16, #tpu.memory_space<vmem>>, vector<32xbf16>,
      %swap3A_1213 = arith.index_cast %add3A_1209 : i32 to index
      %swap3A_1214 = arith.constant 32 : index
      %swap3A_1215 = tpu.vector_load %arg20[%swap3A_1213, %swap3A_1214] {strides = array<i32>} : memref<512x128xbf16, #tpu.memory_space<vmem>>, vector<32xbf16>,
      tpu.vector_store %arg20[%swap3A_1213, %swap3A_1214], %add3A_1205 {strides = array<i32>} : memref<512x128xbf16, #tpu.memory_space<vmem>>, vector<32xbf16>,
      %get3A_1216 = arith.constant 60 : i32
      %get3A_1217 = arith.index_cast %get3A_1216 : i32 to index
      %get3A_1218 = arith.constant 0 : index
      %get3A_1219 = tpu.vector_load %arg16[%get3A_1217, %get3A_1218] {strides = array<i32>} : memref<80x64xbf16, #tpu.memory_space<vmem>>, vector<32xbf16>,
      %get3A_1220 = arith.constant 60 : i32
      %get3A_1221 = arith.index_cast %get3A_1220 : i32 to index
      %get3A_1222 = arith.constant 32 : index
      %get3A_1223 = tpu.vector_load %arg16[%get3A_1221, %get3A_1222] {strides = array<i32>} : memref<80x64xbf16, #tpu.memory_space<vmem>>, vector<32xbf16>,
      %get3A_1224 = arith.constant 61 : i32
      %get3A_1225 = arith.index_cast %get3A_1224 : i32 to index
      %get3A_1226 = arith.constant 0 : index
      %get3A_1227 = tpu.vector_load %arg16[%get3A_1225, %get3A_1226] {strides = array<i32>} : memref<80x64xbf16, #tpu.memory_space<vmem>>, vector<32xbf16>,
      %add3A_1228 = arith.addf %get3A_1219, %get3A_1227 : vector<32xbf16>
      %get3A_1229 = arith.constant 61 : i32
      %get3A_1230 = arith.index_cast %get3A_1229 : i32 to index
      %get3A_1231 = arith.constant 32 : index
      %get3A_1232 = tpu.vector_load %arg16[%get3A_1230, %get3A_1231] {strides = array<i32>} : memref<80x64xbf16, #tpu.memory_space<vmem>>, vector<32xbf16>,
      %add3A_1233 = arith.addf %get3A_1223, %get3A_1232 : vector<32xbf16>
      %get3A_1234 = arith.constant 62 : i32
      %get3A_1235 = arith.index_cast %get3A_1234 : i32 to index
      %get3A_1236 = arith.constant 0 : index
      %get3A_1237 = tpu.vector_load %arg16[%get3A_1235, %get3A_1236] {strides = array<i32>} : memref<80x64xbf16, #tpu.memory_space<vmem>>, vector<32xbf16>,
      %add3A_1238 = arith.addf %add3A_1228, %get3A_1237 : vector<32xbf16>
      %get3A_1239 = arith.constant 62 : i32
      %get3A_1240 = arith.index_cast %get3A_1239 : i32 to index
      %get3A_1241 = arith.constant 32 : index
      %get3A_1242 = tpu.vector_load %arg16[%get3A_1240, %get3A_1241] {strides = array<i32>} : memref<80x64xbf16, #tpu.memory_space<vmem>>, vector<32xbf16>,
      %add3A_1243 = arith.addf %add3A_1233, %get3A_1242 : vector<32xbf16>
      %get3A_1244 = arith.constant 63 : i32
      %get3A_1245 = arith.index_cast %get3A_1244 : i32 to index
      %get3A_1246 = arith.constant 0 : index
      %get3A_1247 = tpu.vector_load %arg16[%get3A_1245, %get3A_1246] {strides = array<i32>} : memref<80x64xbf16, #tpu.memory_space<vmem>>, vector<32xbf16>,
      %add3A_1248 = arith.addf %add3A_1238, %get3A_1247 : vector<32xbf16>
      %get3A_1249 = arith.constant 63 : i32
      %get3A_1250 = arith.index_cast %get3A_1249 : i32 to index
      %get3A_1251 = arith.constant 32 : index
      %get3A_1252 = tpu.vector_load %arg16[%get3A_1250, %get3A_1251] {strides = array<i32>} : memref<80x64xbf16, #tpu.memory_space<vmem>>, vector<32xbf16>,
      %add3A_1253 = arith.addf %add3A_1243, %get3A_1252 : vector<32xbf16>
      %get3A_1254 = arith.constant 64 : i32
      %get3A_1255 = arith.index_cast %get3A_1254 : i32 to index
      %get3A_1256 = arith.constant 0 : index
      %get3A_1257 = tpu.vector_load %arg16[%get3A_1255, %get3A_1256] {strides = array<i32>} : memref<80x64xbf16, #tpu.memory_space<vmem>>, vector<32xbf16>,
      %add3A_1258 = arith.addf %add3A_1248, %get3A_1257 : vector<32xbf16>
      %get3A_1259 = arith.constant 64 : i32
      %get3A_1260 = arith.index_cast %get3A_1259 : i32 to index
      %get3A_1261 = arith.constant 32 : index
      %get3A_1262 = tpu.vector_load %arg16[%get3A_1260, %get3A_1261] {strides = array<i32>} : memref<80x64xbf16, #tpu.memory_space<vmem>>, vector<32xbf16>,
      %add3A_1263 = arith.addf %add3A_1253, %get3A_1262 : vector<32xbf16>
      %get3A_1264 = arith.constant 65 : i32
      %get3A_1265 = arith.index_cast %get3A_1264 : i32 to index
      %get3A_1266 = arith.constant 0 : index
      %get3A_1267 = tpu.vector_load %arg16[%get3A_1265, %get3A_1266] {strides = array<i32>} : memref<80x64xbf16, #tpu.memory_space<vmem>>, vector<32xbf16>,
      %add3A_1268 = arith.addf %add3A_1258, %get3A_1267 : vector<32xbf16>
      %get3A_1269 = arith.constant 65 : i32
      %get3A_1270 = arith.index_cast %get3A_1269 : i32 to index
      %get3A_1271 = arith.constant 32 : index
      %get3A_1272 = tpu.vector_load %arg16[%get3A_1270, %get3A_1271] {strides = array<i32>} : memref<80x64xbf16, #tpu.memory_space<vmem>>, vector<32xbf16>,
      %add3A_1273 = arith.addf %add3A_1263, %get3A_1272 : vector<32xbf16>
      %get3A_1274 = arith.constant 66 : i32
      %get3A_1275 = arith.index_cast %get3A_1274 : i32 to index
      %get3A_1276 = arith.constant 0 : index
      %get3A_1277 = tpu.vector_load %arg16[%get3A_1275, %get3A_1276] {strides = array<i32>} : memref<80x64xbf16, #tpu.memory_space<vmem>>, vector<32xbf16>,
      %add3A_1278 = arith.addf %add3A_1268, %get3A_1277 : vector<32xbf16>
      %get3A_1279 = arith.constant 66 : i32
      %get3A_1280 = arith.index_cast %get3A_1279 : i32 to index
      %get3A_1281 = arith.constant 32 : index
      %get3A_1282 = tpu.vector_load %arg16[%get3A_1280, %get3A_1281] {strides = array<i32>} : memref<80x64xbf16, #tpu.memory_space<vmem>>, vector<32xbf16>,
      %add3A_1283 = arith.addf %add3A_1273, %get3A_1282 : vector<32xbf16>
      %get3A_1284 = arith.constant 67 : i32
      %get3A_1285 = arith.index_cast %get3A_1284 : i32 to index
      %get3A_1286 = arith.constant 0 : index
      %get3A_1287 = tpu.vector_load %arg16[%get3A_1285, %get3A_1286] {strides = array<i32>} : memref<80x64xbf16, #tpu.memory_space<vmem>>, vector<32xbf16>,
      %add3A_1288 = arith.addf %add3A_1278, %get3A_1287 : vector<32xbf16>
      %get3A_1289 = arith.constant 67 : i32
      %get3A_1290 = arith.index_cast %get3A_1289 : i32 to index
      %get3A_1291 = arith.constant 32 : index
      %get3A_1292 = tpu.vector_load %arg16[%get3A_1290, %get3A_1291] {strides = array<i32>} : memref<80x64xbf16, #tpu.memory_space<vmem>>, vector<32xbf16>,
      %add3A_1293 = arith.addf %add3A_1283, %get3A_1292 : vector<32xbf16>
      %get3A_1294 = arith.constant 68 : i32
      %get3A_1295 = arith.index_cast %get3A_1294 : i32 to index
      %get3A_1296 = arith.constant 0 : index
      %get3A_1297 = tpu.vector_load %arg16[%get3A_1295, %get3A_1296] {strides = array<i32>} : memref<80x64xbf16, #tpu.memory_space<vmem>>, vector<32xbf16>,
      %add3A_1298 = arith.addf %add3A_1288, %get3A_1297 : vector<32xbf16>
      %get3A_1299 = arith.constant 68 : i32
      %get3A_1300 = arith.index_cast %get3A_1299 : i32 to index
      %get3A_1301 = arith.constant 32 : index
      %get3A_1302 = tpu.vector_load %arg16[%get3A_1300, %get3A_1301] {strides = array<i32>} : memref<80x64xbf16, #tpu.memory_space<vmem>>, vector<32xbf16>,
      %add3A_1303 = arith.addf %add3A_1293, %get3A_1302 : vector<32xbf16>
      %get3A_1304 = arith.constant 69 : i32
      %get3A_1305 = arith.index_cast %get3A_1304 : i32 to index
      %get3A_1306 = arith.constant 0 : index
      %get3A_1307 = tpu.vector_load %arg16[%get3A_1305, %get3A_1306] {strides = array<i32>} : memref<80x64xbf16, #tpu.memory_space<vmem>>, vector<32xbf16>,
      %add3A_1308 = arith.addf %add3A_1298, %get3A_1307 : vector<32xbf16>
      %get3A_1309 = arith.constant 69 : i32
      %get3A_1310 = arith.index_cast %get3A_1309 : i32 to index
      %get3A_1311 = arith.constant 32 : index
      %get3A_1312 = tpu.vector_load %arg16[%get3A_1310, %get3A_1311] {strides = array<i32>} : memref<80x64xbf16, #tpu.memory_space<vmem>>, vector<32xbf16>,
      %add3A_1313 = arith.addf %add3A_1303, %get3A_1312 : vector<32xbf16>
      %get3A_1314 = arith.constant 70 : i32
      %get3A_1315 = arith.index_cast %get3A_1314 : i32 to index
      %get3A_1316 = arith.constant 0 : index
      %get3A_1317 = tpu.vector_load %arg16[%get3A_1315, %get3A_1316] {strides = array<i32>} : memref<80x64xbf16, #tpu.memory_space<vmem>>, vector<32xbf16>,
      %add3A_1318 = arith.addf %add3A_1308, %get3A_1317 : vector<32xbf16>
      %get3A_1319 = arith.constant 70 : i32
      %get3A_1320 = arith.index_cast %get3A_1319 : i32 to index
      %get3A_1321 = arith.constant 32 : index
      %get3A_1322 = tpu.vector_load %arg16[%get3A_1320, %get3A_1321] {strides = array<i32>} : memref<80x64xbf16, #tpu.memory_space<vmem>>, vector<32xbf16>,
      %add3A_1323 = arith.addf %add3A_1313, %get3A_1322 : vector<32xbf16>
      %get3A_1324 = arith.constant 71 : i32
      %get3A_1325 = arith.index_cast %get3A_1324 : i32 to index
      %get3A_1326 = arith.constant 0 : index
      %get3A_1327 = tpu.vector_load %arg16[%get3A_1325, %get3A_1326] {strides = array<i32>} : memref<80x64xbf16, #tpu.memory_space<vmem>>, vector<32xbf16>,
      %add3A_1328 = arith.addf %add3A_1318, %get3A_1327 : vector<32xbf16>
      %get3A_1329 = arith.constant 71 : i32
      %get3A_1330 = arith.index_cast %get3A_1329 : i32 to index
      %get3A_1331 = arith.constant 32 : index
      %get3A_1332 = tpu.vector_load %arg16[%get3A_1330, %get3A_1331] {strides = array<i32>} : memref<80x64xbf16, #tpu.memory_space<vmem>>, vector<32xbf16>,
      %add3A_1333 = arith.addf %add3A_1323, %get3A_1332 : vector<32xbf16>
      %get3A_1334 = arith.constant 72 : i32
      %get3A_1335 = arith.index_cast %get3A_1334 : i32 to index
      %get3A_1336 = arith.constant 0 : index
      %get3A_1337 = tpu.vector_load %arg16[%get3A_1335, %get3A_1336] {strides = array<i32>} : memref<80x64xbf16, #tpu.memory_space<vmem>>, vector<32xbf16>,
      %add3A_1338 = arith.addf %add3A_1328, %get3A_1337 : vector<32xbf16>
      %get3A_1339 = arith.constant 72 : i32
      %get3A_1340 = arith.index_cast %get3A_1339 : i32 to index
      %get3A_1341 = arith.constant 32 : index
      %get3A_1342 = tpu.vector_load %arg16[%get3A_1340, %get3A_1341] {strides = array<i32>} : memref<80x64xbf16, #tpu.memory_space<vmem>>, vector<32xbf16>,
      %add3A_1343 = arith.addf %add3A_1333, %get3A_1342 : vector<32xbf16>
      %get3A_1344 = arith.constant 73 : i32
      %get3A_1345 = arith.index_cast %get3A_1344 : i32 to index
      %get3A_1346 = arith.constant 0 : index
      %get3A_1347 = tpu.vector_load %arg16[%get3A_1345, %get3A_1346] {strides = array<i32>} : memref<80x64xbf16, #tpu.memory_space<vmem>>, vector<32xbf16>,
      %add3A_1348 = arith.addf %add3A_1338, %get3A_1347 : vector<32xbf16>
      %get3A_1349 = arith.constant 73 : i32
      %get3A_1350 = arith.index_cast %get3A_1349 : i32 to index
      %get3A_1351 = arith.constant 32 : index
      %get3A_1352 = tpu.vector_load %arg16[%get3A_1350, %get3A_1351] {strides = array<i32>} : memref<80x64xbf16, #tpu.memory_space<vmem>>, vector<32xbf16>,
      %add3A_1353 = arith.addf %add3A_1343, %get3A_1352 : vector<32xbf16>
      %get3A_1354 = arith.constant 74 : i32
      %get3A_1355 = arith.index_cast %get3A_1354 : i32 to index
      %get3A_1356 = arith.constant 0 : index
      %get3A_1357 = tpu.vector_load %arg16[%get3A_1355, %get3A_1356] {strides = array<i32>} : memref<80x64xbf16, #tpu.memory_space<vmem>>, vector<32xbf16>,
      %add3A_1358 = arith.addf %add3A_1348, %get3A_1357 : vector<32xbf16>
      %get3A_1359 = arith.constant 74 : i32
      %get3A_1360 = arith.index_cast %get3A_1359 : i32 to index
      %get3A_1361 = arith.constant 32 : index
      %get3A_1362 = tpu.vector_load %arg16[%get3A_1360, %get3A_1361] {strides = array<i32>} : memref<80x64xbf16, #tpu.memory_space<vmem>>, vector<32xbf16>,
      %add3A_1363 = arith.addf %add3A_1353, %get3A_1362 : vector<32xbf16>
      %get3A_1364 = arith.constant 75 : i32
      %get3A_1365 = arith.index_cast %get3A_1364 : i32 to index
      %get3A_1366 = arith.constant 0 : index
      %get3A_1367 = tpu.vector_load %arg16[%get3A_1365, %get3A_1366] {strides = array<i32>} : memref<80x64xbf16, #tpu.memory_space<vmem>>, vector<32xbf16>,
      %add3A_1368 = arith.addf %add3A_1358, %get3A_1367 : vector<32xbf16>
      %get3A_1369 = arith.constant 75 : i32
      %get3A_1370 = arith.index_cast %get3A_1369 : i32 to index
      %get3A_1371 = arith.constant 32 : index
      %get3A_1372 = tpu.vector_load %arg16[%get3A_1370, %get3A_1371] {strides = array<i32>} : memref<80x64xbf16, #tpu.memory_space<vmem>>, vector<32xbf16>,
      %add3A_1373 = arith.addf %add3A_1363, %get3A_1372 : vector<32xbf16>
      %get3A_1374 = arith.constant 76 : i32
      %get3A_1375 = arith.index_cast %get3A_1374 : i32 to index
      %get3A_1376 = arith.constant 0 : index
      %get3A_1377 = tpu.vector_load %arg16[%get3A_1375, %get3A_1376] {strides = array<i32>} : memref<80x64xbf16, #tpu.memory_space<vmem>>, vector<32xbf16>,
      %add3A_1378 = arith.addf %add3A_1368, %get3A_1377 : vector<32xbf16>
      %get3A_1379 = arith.constant 76 : i32
      %get3A_1380 = arith.index_cast %get3A_1379 : i32 to index
      %get3A_1381 = arith.constant 32 : index
      %get3A_1382 = tpu.vector_load %arg16[%get3A_1380, %get3A_1381] {strides = array<i32>} : memref<80x64xbf16, #tpu.memory_space<vmem>>, vector<32xbf16>,
      %add3A_1383 = arith.addf %add3A_1373, %get3A_1382 : vector<32xbf16>
      %get3A_1384 = arith.constant 77 : i32
      %get3A_1385 = arith.index_cast %get3A_1384 : i32 to index
      %get3A_1386 = arith.constant 0 : index
      %get3A_1387 = tpu.vector_load %arg16[%get3A_1385, %get3A_1386] {strides = array<i32>} : memref<80x64xbf16, #tpu.memory_space<vmem>>, vector<32xbf16>,
      %add3A_1388 = arith.addf %add3A_1378, %get3A_1387 : vector<32xbf16>
      %get3A_1389 = arith.constant 77 : i32
      %get3A_1390 = arith.index_cast %get3A_1389 : i32 to index
      %get3A_1391 = arith.constant 32 : index
      %get3A_1392 = tpu.vector_load %arg16[%get3A_1390, %get3A_1391] {strides = array<i32>} : memref<80x64xbf16, #tpu.memory_space<vmem>>, vector<32xbf16>,
      %add3A_1393 = arith.addf %add3A_1383, %get3A_1392 : vector<32xbf16>
      %get3A_1394 = arith.constant 78 : i32
      %get3A_1395 = arith.index_cast %get3A_1394 : i32 to index
      %get3A_1396 = arith.constant 0 : index
      %get3A_1397 = tpu.vector_load %arg16[%get3A_1395, %get3A_1396] {strides = array<i32>} : memref<80x64xbf16, #tpu.memory_space<vmem>>, vector<32xbf16>,
      %add3A_1398 = arith.addf %add3A_1388, %get3A_1397 : vector<32xbf16>
      %get3A_1399 = arith.constant 78 : i32
      %get3A_1400 = arith.index_cast %get3A_1399 : i32 to index
      %get3A_1401 = arith.constant 32 : index
      %get3A_1402 = tpu.vector_load %arg16[%get3A_1400, %get3A_1401] {strides = array<i32>} : memref<80x64xbf16, #tpu.memory_space<vmem>>, vector<32xbf16>,
      %add3A_1403 = arith.addf %add3A_1393, %get3A_1402 : vector<32xbf16>
      %get3A_1404 = arith.constant 79 : i32
      %get3A_1405 = arith.index_cast %get3A_1404 : i32 to index
      %get3A_1406 = arith.constant 0 : index
      %get3A_1407 = tpu.vector_load %arg16[%get3A_1405, %get3A_1406] {strides = array<i32>} : memref<80x64xbf16, #tpu.memory_space<vmem>>, vector<32xbf16>,
      %add3A_1408 = arith.addf %add3A_1398, %get3A_1407 : vector<32xbf16>
      %get3A_1409 = arith.constant 79 : i32
      %get3A_1410 = arith.index_cast %get3A_1409 : i32 to index
      %get3A_1411 = arith.constant 32 : index
      %get3A_1412 = tpu.vector_load %arg16[%get3A_1410, %get3A_1411] {strides = array<i32>} : memref<80x64xbf16, #tpu.memory_space<vmem>>, vector<32xbf16>,
      %add3A_1413 = arith.addf %add3A_1403, %get3A_1412 : vector<32xbf16>
      %mul3A_1414 = arith.constant 2 : i32
      %mul3A_1415 = arith.muli %add3A_576, %mul3A_1414 : i32
      %add3A_1416 = arith.constant 1 : i32
      %add3A_1417 = arith.addi %mul3A_1415, %add3A_1416 : i32
      %swap3A_1418 = arith.index_cast %add3A_1417 : i32 to index
      %swap3A_1419 = arith.constant 64 : index
      %swap3A_1420 = tpu.vector_load %arg20[%swap3A_1418, %swap3A_1419] {strides = array<i32>} : memref<512x128xbf16, #tpu.memory_space<vmem>>, vector<32xbf16>,
      tpu.vector_store %arg20[%swap3A_1418, %swap3A_1419], %add3A_1408 {strides = array<i32>} : memref<512x128xbf16, #tpu.memory_space<vmem>>, vector<32xbf16>,
      %swap3A_1421 = arith.index_cast %add3A_1417 : i32 to index
      %swap3A_1422 = arith.constant 96 : index
      %swap3A_1423 = tpu.vector_load %arg20[%swap3A_1421, %swap3A_1422] {strides = array<i32>} : memref<512x128xbf16, #tpu.memory_space<vmem>>, vector<32xbf16>,
      tpu.vector_store %arg20[%swap3A_1421, %swap3A_1422], %add3A_1413 {strides = array<i32>} : memref<512x128xbf16, #tpu.memory_space<vmem>>, vector<32xbf16>,
      %mul3A_1424 = arith.constant 4 : i32
      %mul3A_1425 = arith.muli %scan3A_572, %mul3A_1424 : i32
      %add3A_1426 = arith.constant 1 : i32
      %add3A_1427 = arith.addi %mul3A_1425, %add3A_1426 : i32
      %add3A_1428 = arith.constant 4 : i32
      %add3A_1429 = arith.addi %add3A_1427, %add3A_1428 : i32
      %sub3A_1430 = arith.constant 1 : i32
      %sub3A_1431 = arith.subi %add3A_1429, %sub3A_1430 : i32
      %lt3A_1432 = arith.constant 256 : i32
      %lt3A_1433 = arith.cmpi slt, %sub3A_1431, %lt3A_1432 : i32
      %convert_element_type3A_1434 = arith.extui %lt3A_1433 : i1 to i32
      %cond3A_1435 = arith.constant 0 : i32
      %cond3A_1436 = arith.cmpi ne, %convert_element_type3A_1434, %cond3A_1435 : i32
      scf.if %cond3A_1436 {
        %dma_start3A_3989 = arith.constant 0 : i32
        %dma_start3A_3990 = arith.constant 0 : i32
        %dma_start3A_3991 = tpu.memref_slice %arg5[%dma_start3A_3989, %dma_start3A_3990] : memref<100000x64xbf16, #tpu.memory_space<hbm>> -> memref<100000x64xbf16, #tpu.memory_space<hbm>>
        tpu.enqueue_indirect_dma source(%dma_start3A_3991 : memref<100000x64xbf16, #tpu.memory_space<hbm>>) target(%arg16 : memref<80x64xbf16, #tpu.memory_space<vmem>>) offsets(%arg12 : memref<80xi32, #tpu.memory_space<vmem>>) semaphore(%arg23 : memref<!tpu.dma_semaphore, #tpu.memory_space<semaphore_mem>>)
      } else {
      }
      %dma_wait3A_1437 = arith.constant 0 : i32
      %dma_wait3A_1438 = arith.constant 0 : i32
      %dma_wait3A_1439 = tpu.memref_slice %arg5[%dma_wait3A_1437, %dma_wait3A_1438] : memref<100000x64xbf16, #tpu.memory_space<hbm>> -> memref<100000x64xbf16, #tpu.memory_space<hbm>>
      tpu.wait_indirect_dma semaphore(%arg24 : memref<!tpu.dma_semaphore, #tpu.memory_space<semaphore_mem>>) src(%dma_wait3A_1439 : memref<100000x64xbf16, #tpu.memory_space<hbm>>) dst(%arg17 : memref<80x64xbf16, #tpu.memory_space<vmem>>)
      %add3A_1440 = arith.constant 1 : i32
      %add3A_1441 = arith.addi %sub3A_1431, %add3A_1440 : i32
      %lt3A_1442 = arith.constant 256 : i32
      %lt3A_1443 = arith.cmpi slt, %add3A_1441, %lt3A_1442 : i32
      %convert_element_type3A_1444 = arith.extui %lt3A_1443 : i1 to i32
      %cond3A_1445 = arith.constant 0 : i32
      %cond3A_1446 = arith.cmpi ne, %convert_element_type3A_1444, %cond3A_1445 : i32
      scf.if %cond3A_1446 {
        %add3A_3989 = arith.constant 1 : i32
        %add3A_3990 = arith.addi %sub3A_1431, %add3A_3989 : i32
        %and3A = arith.constant 127 : i32
        %and3A_3991 = arith.andi %add3A_3990, %and3A : i32
        %shift_right_arithmetic3A = arith.constant 7 : i32
        %shift_right_arithmetic3A_3992 = arith.shrsi %add3A_3990, %shift_right_arithmetic3A : i32
        %mul3A_3993 = arith.constant 20 : i32
        %mul3A_3994 = arith.muli %shift_right_arithmetic3A_3992, %mul3A_3993 : i32
        %iota3A_3995 = tpu.iota {dimensions = array<i32: 0>} : vector<16xi32>
        %add3A_3996 = arith.constant 0 : i32
        %add3A_3997 = vector.broadcast %add3A_3996 : i32 to vector<16xi32>
        %add3A_3998 = arith.addi %iota3A_3995, %add3A_3997 : vector<16xi32>
        %mul3A_3999 = arith.constant 3277 : i32
        %mul3A_4000 = vector.broadcast %mul3A_3999 : i32 to vector<16xi32>
        %mul3A_4001 = arith.muli %add3A_3998, %mul3A_4000 : vector<16xi32>
        %shift_right_logical3A_4002 = arith.constant 16 : i32
        %shift_right_logical3A_4003 = vector.broadcast %shift_right_logical3A_4002 : i32 to vector<16xi32>
        %shift_right_logical3A_4004 = arith.shrui %mul3A_4001, %shift_right_logical3A_4003 : vector<16xi32>
        %mul3A_4005 = arith.constant 4 : i32
        %mul3A_4006 = arith.muli %and3A_3991, %mul3A_4005 : i32
        %add3A_4007 = vector.broadcast %mul3A_4006 : i32 to vector<16xi32>
        %add3A_4008 = arith.addi %shift_right_logical3A_4004, %add3A_4007 : vector<16xi32>
        %mul3A_4009 = arith.constant 20 : i32
        %mul3A_4010 = vector.broadcast %mul3A_4009 : i32 to vector<16xi32>
        %mul3A_4011 = arith.muli %shift_right_logical3A_4004, %mul3A_4010 : vector<16xi32>
        %sub3A_4012 = arith.subi %add3A_3998, %mul3A_4011 : vector<16xi32>
        %add3A_4013 = vector.broadcast %mul3A_3994 : i32 to vector<16xi32>
        %add3A_4014 = arith.addi %sub3A_4012, %add3A_4013 : vector<16xi32>
        %gather3A_4015 = tpu.vector_load_idx %arg8[%add3A_4008, %add3A_4014] : memref<512x128xi32, #tpu.memory_space<vmem>>[vector<16xi32>, vector<16xi32>], vector<16xi32>,
        %swap3A_4016 = arith.constant 0 : index
        %swap3A_4017 = tpu.vector_load %arg13[%swap3A_4016] {strides = array<i32>} : memref<80xi32, #tpu.memory_space<vmem>>, vector<16xi32>,
        tpu.vector_store %arg13[%swap3A_4016], %gather3A_4015 {strides = array<i32>} : memref<80xi32, #tpu.memory_space<vmem>>, vector<16xi32>,
        %iota3A_4018 = tpu.iota {dimensions = array<i32: 0>} : vector<16xi32>
        %add3A_4019 = arith.constant 16 : i32
        %add3A_4020 = vector.broadcast %add3A_4019 : i32 to vector<16xi32>
        %add3A_4021 = arith.addi %iota3A_4018, %add3A_4020 : vector<16xi32>
        %mul3A_4022 = arith.constant 3277 : i32
        %mul3A_4023 = vector.broadcast %mul3A_4022 : i32 to vector<16xi32>
        %mul3A_4024 = arith.muli %add3A_4021, %mul3A_4023 : vector<16xi32>
        %shift_right_logical3A_4025 = arith.constant 16 : i32
        %shift_right_logical3A_4026 = vector.broadcast %shift_right_logical3A_4025 : i32 to vector<16xi32>
        %shift_right_logical3A_4027 = arith.shrui %mul3A_4024, %shift_right_logical3A_4026 : vector<16xi32>
        %mul3A_4028 = arith.constant 4 : i32
        %mul3A_4029 = arith.muli %and3A_3991, %mul3A_4028 : i32
        %add3A_4030 = vector.broadcast %mul3A_4029 : i32 to vector<16xi32>
        %add3A_4031 = arith.addi %shift_right_logical3A_4027, %add3A_4030 : vector<16xi32>
        %mul3A_4032 = arith.constant 20 : i32
        %mul3A_4033 = vector.broadcast %mul3A_4032 : i32 to vector<16xi32>
        %mul3A_4034 = arith.muli %shift_right_logical3A_4027, %mul3A_4033 : vector<16xi32>
        %sub3A_4035 = arith.subi %add3A_4021, %mul3A_4034 : vector<16xi32>
        %add3A_4036 = vector.broadcast %mul3A_3994 : i32 to vector<16xi32>
        %add3A_4037 = arith.addi %sub3A_4035, %add3A_4036 : vector<16xi32>
        %gather3A_4038 = tpu.vector_load_idx %arg8[%add3A_4031, %add3A_4037] : memref<512x128xi32, #tpu.memory_space<vmem>>[vector<16xi32>, vector<16xi32>], vector<16xi32>,
        %swap3A_4039 = arith.constant 16 : index
        %swap3A_4040 = tpu.vector_load %arg13[%swap3A_4039] {strides = array<i32>} : memref<80xi32, #tpu.memory_space<vmem>>, vector<16xi32>,
        tpu.vector_store %arg13[%swap3A_4039], %gather3A_4038 {strides = array<i32>} : memref<80xi32, #tpu.memory_space<vmem>>, vector<16xi32>,
        %iota3A_4041 = tpu.iota {dimensions = array<i32: 0>} : vector<16xi32>
        %add3A_4042 = arith.constant 32 : i32
        %add3A_4043 = vector.broadcast %add3A_4042 : i32 to vector<16xi32>
        %add3A_4044 = arith.addi %iota3A_4041, %add3A_4043 : vector<16xi32>
        %mul3A_4045 = arith.constant 3277 : i32
        %mul3A_4046 = vector.broadcast %mul3A_4045 : i32 to vector<16xi32>
        %mul3A_4047 = arith.muli %add3A_4044, %mul3A_4046 : vector<16xi32>
        %shift_right_logical3A_4048 = arith.constant 16 : i32
        %shift_right_logical3A_4049 = vector.broadcast %shift_right_logical3A_4048 : i32 to vector<16xi32>
        %shift_right_logical3A_4050 = arith.shrui %mul3A_4047, %shift_right_logical3A_4049 : vector<16xi32>
        %mul3A_4051 = arith.constant 4 : i32
        %mul3A_4052 = arith.muli %and3A_3991, %mul3A_4051 : i32
        %add3A_4053 = vector.broadcast %mul3A_4052 : i32 to vector<16xi32>
        %add3A_4054 = arith.addi %shift_right_logical3A_4050, %add3A_4053 : vector<16xi32>
        %mul3A_4055 = arith.constant 20 : i32
        %mul3A_4056 = vector.broadcast %mul3A_4055 : i32 to vector<16xi32>
        %mul3A_4057 = arith.muli %shift_right_logical3A_4050, %mul3A_4056 : vector<16xi32>
        %sub3A_4058 = arith.subi %add3A_4044, %mul3A_4057 : vector<16xi32>
        %add3A_4059 = vector.broadcast %mul3A_3994 : i32 to vector<16xi32>
        %add3A_4060 = arith.addi %sub3A_4058, %add3A_4059 : vector<16xi32>
        %gather3A_4061 = tpu.vector_load_idx %arg8[%add3A_4054, %add3A_4060] : memref<512x128xi32, #tpu.memory_space<vmem>>[vector<16xi32>, vector<16xi32>], vector<16xi32>,
        %swap3A_4062 = arith.constant 32 : index
        %swap3A_4063 = tpu.vector_load %arg13[%swap3A_4062] {strides = array<i32>} : memref<80xi32, #tpu.memory_space<vmem>>, vector<16xi32>,
        tpu.vector_store %arg13[%swap3A_4062], %gather3A_4061 {strides = array<i32>} : memref<80xi32, #tpu.memory_space<vmem>>, vector<16xi32>,
        %iota3A_4064 = tpu.iota {dimensions = array<i32: 0>} : vector<16xi32>
        %add3A_4065 = arith.constant 48 : i32
        %add3A_4066 = vector.broadcast %add3A_4065 : i32 to vector<16xi32>
        %add3A_4067 = arith.addi %iota3A_4064, %add3A_4066 : vector<16xi32>
        %mul3A_4068 = arith.constant 3277 : i32
        %mul3A_4069 = vector.broadcast %mul3A_4068 : i32 to vector<16xi32>
        %mul3A_4070 = arith.muli %add3A_4067, %mul3A_4069 : vector<16xi32>
        %shift_right_logical3A_4071 = arith.constant 16 : i32
        %shift_right_logical3A_4072 = vector.broadcast %shift_right_logical3A_4071 : i32 to vector<16xi32>
        %shift_right_logical3A_4073 = arith.shrui %mul3A_4070, %shift_right_logical3A_4072 : vector<16xi32>
        %mul3A_4074 = arith.constant 4 : i32
        %mul3A_4075 = arith.muli %and3A_3991, %mul3A_4074 : i32
        %add3A_4076 = vector.broadcast %mul3A_4075 : i32 to vector<16xi32>
        %add3A_4077 = arith.addi %shift_right_logical3A_4073, %add3A_4076 : vector<16xi32>
        %mul3A_4078 = arith.constant 20 : i32
        %mul3A_4079 = vector.broadcast %mul3A_4078 : i32 to vector<16xi32>
        %mul3A_4080 = arith.muli %shift_right_logical3A_4073, %mul3A_4079 : vector<16xi32>
        %sub3A_4081 = arith.subi %add3A_4067, %mul3A_4080 : vector<16xi32>
        %add3A_4082 = vector.broadcast %mul3A_3994 : i32 to vector<16xi32>
        %add3A_4083 = arith.addi %sub3A_4081, %add3A_4082 : vector<16xi32>
        %gather3A_4084 = tpu.vector_load_idx %arg8[%add3A_4077, %add3A_4083] : memref<512x128xi32, #tpu.memory_space<vmem>>[vector<16xi32>, vector<16xi32>], vector<16xi32>,
        %swap3A_4085 = arith.constant 48 : index
        %swap3A_4086 = tpu.vector_load %arg13[%swap3A_4085] {strides = array<i32>} : memref<80xi32, #tpu.memory_space<vmem>>, vector<16xi32>,
        tpu.vector_store %arg13[%swap3A_4085], %gather3A_4084 {strides = array<i32>} : memref<80xi32, #tpu.memory_space<vmem>>, vector<16xi32>,
        %iota3A_4087 = tpu.iota {dimensions = array<i32: 0>} : vector<16xi32>
        %add3A_4088 = arith.constant 64 : i32
        %add3A_4089 = vector.broadcast %add3A_4088 : i32 to vector<16xi32>
        %add3A_4090 = arith.addi %iota3A_4087, %add3A_4089 : vector<16xi32>
        %mul3A_4091 = arith.constant 3277 : i32
        %mul3A_4092 = vector.broadcast %mul3A_4091 : i32 to vector<16xi32>
        %mul3A_4093 = arith.muli %add3A_4090, %mul3A_4092 : vector<16xi32>
        %shift_right_logical3A_4094 = arith.constant 16 : i32
        %shift_right_logical3A_4095 = vector.broadcast %shift_right_logical3A_4094 : i32 to vector<16xi32>
        %shift_right_logical3A_4096 = arith.shrui %mul3A_4093, %shift_right_logical3A_4095 : vector<16xi32>
        %mul3A_4097 = arith.constant 4 : i32
        %mul3A_4098 = arith.muli %and3A_3991, %mul3A_4097 : i32
        %add3A_4099 = vector.broadcast %mul3A_4098 : i32 to vector<16xi32>
        %add3A_4100 = arith.addi %shift_right_logical3A_4096, %add3A_4099 : vector<16xi32>
        %mul3A_4101 = arith.constant 20 : i32
        %mul3A_4102 = vector.broadcast %mul3A_4101 : i32 to vector<16xi32>
        %mul3A_4103 = arith.muli %shift_right_logical3A_4096, %mul3A_4102 : vector<16xi32>
        %sub3A_4104 = arith.subi %add3A_4090, %mul3A_4103 : vector<16xi32>
        %add3A_4105 = vector.broadcast %mul3A_3994 : i32 to vector<16xi32>
        %add3A_4106 = arith.addi %sub3A_4104, %add3A_4105 : vector<16xi32>
        %gather3A_4107 = tpu.vector_load_idx %arg8[%add3A_4100, %add3A_4106] : memref<512x128xi32, #tpu.memory_space<vmem>>[vector<16xi32>, vector<16xi32>], vector<16xi32>,
        %swap3A_4108 = arith.constant 64 : index
        %swap3A_4109 = tpu.vector_load %arg13[%swap3A_4108] {strides = array<i32>} : memref<80xi32, #tpu.memory_space<vmem>>, vector<16xi32>,
        tpu.vector_store %arg13[%swap3A_4108], %gather3A_4107 {strides = array<i32>} : memref<80xi32, #tpu.memory_space<vmem>>, vector<16xi32>,
      } else {
      }
      %get3A_1447 = arith.constant 0 : i32
      %get3A_1448 = arith.index_cast %get3A_1447 : i32 to index
      %get3A_1449 = arith.constant 0 : index
      %get3A_1450 = tpu.vector_load %arg17[%get3A_1448, %get3A_1449] {strides = array<i32>} : memref<80x64xbf16, #tpu.memory_space<vmem>>, vector<32xbf16>,
      %get3A_1451 = arith.constant 0 : i32
      %get3A_1452 = arith.index_cast %get3A_1451 : i32 to index
      %get3A_1453 = arith.constant 32 : index
      %get3A_1454 = tpu.vector_load %arg17[%get3A_1452, %get3A_1453] {strides = array<i32>} : memref<80x64xbf16, #tpu.memory_space<vmem>>, vector<32xbf16>,
      %get3A_1455 = arith.constant 1 : i32
      %get3A_1456 = arith.index_cast %get3A_1455 : i32 to index
      %get3A_1457 = arith.constant 0 : index
      %get3A_1458 = tpu.vector_load %arg17[%get3A_1456, %get3A_1457] {strides = array<i32>} : memref<80x64xbf16, #tpu.memory_space<vmem>>, vector<32xbf16>,
      %add3A_1459 = arith.addf %get3A_1450, %get3A_1458 : vector<32xbf16>
      %get3A_1460 = arith.constant 1 : i32
      %get3A_1461 = arith.index_cast %get3A_1460 : i32 to index
      %get3A_1462 = arith.constant 32 : index
      %get3A_1463 = tpu.vector_load %arg17[%get3A_1461, %get3A_1462] {strides = array<i32>} : memref<80x64xbf16, #tpu.memory_space<vmem>>, vector<32xbf16>,
      %add3A_1464 = arith.addf %get3A_1454, %get3A_1463 : vector<32xbf16>
      %get3A_1465 = arith.constant 2 : i32
      %get3A_1466 = arith.index_cast %get3A_1465 : i32 to index
      %get3A_1467 = arith.constant 0 : index
      %get3A_1468 = tpu.vector_load %arg17[%get3A_1466, %get3A_1467] {strides = array<i32>} : memref<80x64xbf16, #tpu.memory_space<vmem>>, vector<32xbf16>,
      %add3A_1469 = arith.addf %add3A_1459, %get3A_1468 : vector<32xbf16>
      %get3A_1470 = arith.constant 2 : i32
      %get3A_1471 = arith.index_cast %get3A_1470 : i32 to index
      %get3A_1472 = arith.constant 32 : index
      %get3A_1473 = tpu.vector_load %arg17[%get3A_1471, %get3A_1472] {strides = array<i32>} : memref<80x64xbf16, #tpu.memory_space<vmem>>, vector<32xbf16>,
      %add3A_1474 = arith.addf %add3A_1464, %get3A_1473 : vector<32xbf16>
      %get3A_1475 = arith.constant 3 : i32
      %get3A_1476 = arith.index_cast %get3A_1475 : i32 to index
      %get3A_1477 = arith.constant 0 : index
      %get3A_1478 = tpu.vector_load %arg17[%get3A_1476, %get3A_1477] {strides = array<i32>} : memref<80x64xbf16, #tpu.memory_space<vmem>>, vector<32xbf16>,
      %add3A_1479 = arith.addf %add3A_1469, %get3A_1478 : vector<32xbf16>
      %get3A_1480 = arith.constant 3 : i32
      %get3A_1481 = arith.index_cast %get3A_1480 : i32 to index
      %get3A_1482 = arith.constant 32 : index
      %get3A_1483 = tpu.vector_load %arg17[%get3A_1481, %get3A_1482] {strides = array<i32>} : memref<80x64xbf16, #tpu.memory_space<vmem>>, vector<32xbf16>,
      %add3A_1484 = arith.addf %add3A_1474, %get3A_1483 : vector<32xbf16>
      %get3A_1485 = arith.constant 4 : i32
      %get3A_1486 = arith.index_cast %get3A_1485 : i32 to index
      %get3A_1487 = arith.constant 0 : index
      %get3A_1488 = tpu.vector_load %arg17[%get3A_1486, %get3A_1487] {strides = array<i32>} : memref<80x64xbf16, #tpu.memory_space<vmem>>, vector<32xbf16>,
      %add3A_1489 = arith.addf %add3A_1479, %get3A_1488 : vector<32xbf16>
      %get3A_1490 = arith.constant 4 : i32
      %get3A_1491 = arith.index_cast %get3A_1490 : i32 to index
      %get3A_1492 = arith.constant 32 : index
      %get3A_1493 = tpu.vector_load %arg17[%get3A_1491, %get3A_1492] {strides = array<i32>} : memref<80x64xbf16, #tpu.memory_space<vmem>>, vector<32xbf16>,
      %add3A_1494 = arith.addf %add3A_1484, %get3A_1493 : vector<32xbf16>
      %get3A_1495 = arith.constant 5 : i32
      %get3A_1496 = arith.index_cast %get3A_1495 : i32 to index
      %get3A_1497 = arith.constant 0 : index
      %get3A_1498 = tpu.vector_load %arg17[%get3A_1496, %get3A_1497] {strides = array<i32>} : memref<80x64xbf16, #tpu.memory_space<vmem>>, vector<32xbf16>,
      %add3A_1499 = arith.addf %add3A_1489, %get3A_1498 : vector<32xbf16>
      %get3A_1500 = arith.constant 5 : i32
      %get3A_1501 = arith.index_cast %get3A_1500 : i32 to index
      %get3A_1502 = arith.constant 32 : index
      %get3A_1503 = tpu.vector_load %arg17[%get3A_1501, %get3A_1502] {strides = array<i32>} : memref<80x64xbf16, #tpu.memory_space<vmem>>, vector<32xbf16>,
      %add3A_1504 = arith.addf %add3A_1494, %get3A_1503 : vector<32xbf16>
      %get3A_1505 = arith.constant 6 : i32
      %get3A_1506 = arith.index_cast %get3A_1505 : i32 to index
      %get3A_1507 = arith.constant 0 : index
      %get3A_1508 = tpu.vector_load %arg17[%get3A_1506, %get3A_1507] {strides = array<i32>} : memref<80x64xbf16, #tpu.memory_space<vmem>>, vector<32xbf16>,
      %add3A_1509 = arith.addf %add3A_1499, %get3A_1508 : vector<32xbf16>
      %get3A_1510 = arith.constant 6 : i32
      %get3A_1511 = arith.index_cast %get3A_1510 : i32 to index
      %get3A_1512 = arith.constant 32 : index
      %get3A_1513 = tpu.vector_load %arg17[%get3A_1511, %get3A_1512] {strides = array<i32>} : memref<80x64xbf16, #tpu.memory_space<vmem>>, vector<32xbf16>,
      %add3A_1514 = arith.addf %add3A_1504, %get3A_1513 : vector<32xbf16>
      %get3A_1515 = arith.constant 7 : i32
      %get3A_1516 = arith.index_cast %get3A_1515 : i32 to index
      %get3A_1517 = arith.constant 0 : index
      %get3A_1518 = tpu.vector_load %arg17[%get3A_1516, %get3A_1517] {strides = array<i32>} : memref<80x64xbf16, #tpu.memory_space<vmem>>, vector<32xbf16>,
      %add3A_1519 = arith.addf %add3A_1509, %get3A_1518 : vector<32xbf16>
      %get3A_1520 = arith.constant 7 : i32
      %get3A_1521 = arith.index_cast %get3A_1520 : i32 to index
      %get3A_1522 = arith.constant 32 : index
      %get3A_1523 = tpu.vector_load %arg17[%get3A_1521, %get3A_1522] {strides = array<i32>} : memref<80x64xbf16, #tpu.memory_space<vmem>>, vector<32xbf16>,
      %add3A_1524 = arith.addf %add3A_1514, %get3A_1523 : vector<32xbf16>
      %get3A_1525 = arith.constant 8 : i32
      %get3A_1526 = arith.index_cast %get3A_1525 : i32 to index
      %get3A_1527 = arith.constant 0 : index
      %get3A_1528 = tpu.vector_load %arg17[%get3A_1526, %get3A_1527] {strides = array<i32>} : memref<80x64xbf16, #tpu.memory_space<vmem>>, vector<32xbf16>,
      %add3A_1529 = arith.addf %add3A_1519, %get3A_1528 : vector<32xbf16>
      %get3A_1530 = arith.constant 8 : i32
      %get3A_1531 = arith.index_cast %get3A_1530 : i32 to index
      %get3A_1532 = arith.constant 32 : index
      %get3A_1533 = tpu.vector_load %arg17[%get3A_1531, %get3A_1532] {strides = array<i32>} : memref<80x64xbf16, #tpu.memory_space<vmem>>, vector<32xbf16>,
      %add3A_1534 = arith.addf %add3A_1524, %get3A_1533 : vector<32xbf16>
      %get3A_1535 = arith.constant 9 : i32
      %get3A_1536 = arith.index_cast %get3A_1535 : i32 to index
      %get3A_1537 = arith.constant 0 : index
      %get3A_1538 = tpu.vector_load %arg17[%get3A_1536, %get3A_1537] {strides = array<i32>} : memref<80x64xbf16, #tpu.memory_space<vmem>>, vector<32xbf16>,
      %add3A_1539 = arith.addf %add3A_1529, %get3A_1538 : vector<32xbf16>
      %get3A_1540 = arith.constant 9 : i32
      %get3A_1541 = arith.index_cast %get3A_1540 : i32 to index
      %get3A_1542 = arith.constant 32 : index
      %get3A_1543 = tpu.vector_load %arg17[%get3A_1541, %get3A_1542] {strides = array<i32>} : memref<80x64xbf16, #tpu.memory_space<vmem>>, vector<32xbf16>,
      %add3A_1544 = arith.addf %add3A_1534, %get3A_1543 : vector<32xbf16>
      %get3A_1545 = arith.constant 10 : i32
      %get3A_1546 = arith.index_cast %get3A_1545 : i32 to index
      %get3A_1547 = arith.constant 0 : index
      %get3A_1548 = tpu.vector_load %arg17[%get3A_1546, %get3A_1547] {strides = array<i32>} : memref<80x64xbf16, #tpu.memory_space<vmem>>, vector<32xbf16>,
      %add3A_1549 = arith.addf %add3A_1539, %get3A_1548 : vector<32xbf16>
      %get3A_1550 = arith.constant 10 : i32
      %get3A_1551 = arith.index_cast %get3A_1550 : i32 to index
      %get3A_1552 = arith.constant 32 : index
      %get3A_1553 = tpu.vector_load %arg17[%get3A_1551, %get3A_1552] {strides = array<i32>} : memref<80x64xbf16, #tpu.memory_space<vmem>>, vector<32xbf16>,
      %add3A_1554 = arith.addf %add3A_1544, %get3A_1553 : vector<32xbf16>
      %get3A_1555 = arith.constant 11 : i32
      %get3A_1556 = arith.index_cast %get3A_1555 : i32 to index
      %get3A_1557 = arith.constant 0 : index
      %get3A_1558 = tpu.vector_load %arg17[%get3A_1556, %get3A_1557] {strides = array<i32>} : memref<80x64xbf16, #tpu.memory_space<vmem>>, vector<32xbf16>,
      %add3A_1559 = arith.addf %add3A_1549, %get3A_1558 : vector<32xbf16>
      %get3A_1560 = arith.constant 11 : i32
      %get3A_1561 = arith.index_cast %get3A_1560 : i32 to index
      %get3A_1562 = arith.constant 32 : index
      %get3A_1563 = tpu.vector_load %arg17[%get3A_1561, %get3A_1562] {strides = array<i32>} : memref<80x64xbf16, #tpu.memory_space<vmem>>, vector<32xbf16>,
      %add3A_1564 = arith.addf %add3A_1554, %get3A_1563 : vector<32xbf16>
      %get3A_1565 = arith.constant 12 : i32
      %get3A_1566 = arith.index_cast %get3A_1565 : i32 to index
      %get3A_1567 = arith.constant 0 : index
      %get3A_1568 = tpu.vector_load %arg17[%get3A_1566, %get3A_1567] {strides = array<i32>} : memref<80x64xbf16, #tpu.memory_space<vmem>>, vector<32xbf16>,
      %add3A_1569 = arith.addf %add3A_1559, %get3A_1568 : vector<32xbf16>
      %get3A_1570 = arith.constant 12 : i32
      %get3A_1571 = arith.index_cast %get3A_1570 : i32 to index
      %get3A_1572 = arith.constant 32 : index
      %get3A_1573 = tpu.vector_load %arg17[%get3A_1571, %get3A_1572] {strides = array<i32>} : memref<80x64xbf16, #tpu.memory_space<vmem>>, vector<32xbf16>,
      %add3A_1574 = arith.addf %add3A_1564, %get3A_1573 : vector<32xbf16>
      %get3A_1575 = arith.constant 13 : i32
      %get3A_1576 = arith.index_cast %get3A_1575 : i32 to index
      %get3A_1577 = arith.constant 0 : index
      %get3A_1578 = tpu.vector_load %arg17[%get3A_1576, %get3A_1577] {strides = array<i32>} : memref<80x64xbf16, #tpu.memory_space<vmem>>, vector<32xbf16>,
      %add3A_1579 = arith.addf %add3A_1569, %get3A_1578 : vector<32xbf16>
      %get3A_1580 = arith.constant 13 : i32
      %get3A_1581 = arith.index_cast %get3A_1580 : i32 to index
      %get3A_1582 = arith.constant 32 : index
      %get3A_1583 = tpu.vector_load %arg17[%get3A_1581, %get3A_1582] {strides = array<i32>} : memref<80x64xbf16, #tpu.memory_space<vmem>>, vector<32xbf16>,
      %add3A_1584 = arith.addf %add3A_1574, %get3A_1583 : vector<32xbf16>
      %get3A_1585 = arith.constant 14 : i32
      %get3A_1586 = arith.index_cast %get3A_1585 : i32 to index
      %get3A_1587 = arith.constant 0 : index
      %get3A_1588 = tpu.vector_load %arg17[%get3A_1586, %get3A_1587] {strides = array<i32>} : memref<80x64xbf16, #tpu.memory_space<vmem>>, vector<32xbf16>,
      %add3A_1589 = arith.addf %add3A_1579, %get3A_1588 : vector<32xbf16>
      %get3A_1590 = arith.constant 14 : i32
      %get3A_1591 = arith.index_cast %get3A_1590 : i32 to index
      %get3A_1592 = arith.constant 32 : index
      %get3A_1593 = tpu.vector_load %arg17[%get3A_1591, %get3A_1592] {strides = array<i32>} : memref<80x64xbf16, #tpu.memory_space<vmem>>, vector<32xbf16>,
      %add3A_1594 = arith.addf %add3A_1584, %get3A_1593 : vector<32xbf16>
      %get3A_1595 = arith.constant 15 : i32
      %get3A_1596 = arith.index_cast %get3A_1595 : i32 to index
      %get3A_1597 = arith.constant 0 : index
      %get3A_1598 = tpu.vector_load %arg17[%get3A_1596, %get3A_1597] {strides = array<i32>} : memref<80x64xbf16, #tpu.memory_space<vmem>>, vector<32xbf16>,
      %add3A_1599 = arith.addf %add3A_1589, %get3A_1598 : vector<32xbf16>
      %get3A_1600 = arith.constant 15 : i32
      %get3A_1601 = arith.index_cast %get3A_1600 : i32 to index
      %get3A_1602 = arith.constant 32 : index
      %get3A_1603 = tpu.vector_load %arg17[%get3A_1601, %get3A_1602] {strides = array<i32>} : memref<80x64xbf16, #tpu.memory_space<vmem>>, vector<32xbf16>,
      %add3A_1604 = arith.addf %add3A_1594, %get3A_1603 : vector<32xbf16>
      %get3A_1605 = arith.constant 16 : i32
      %get3A_1606 = arith.index_cast %get3A_1605 : i32 to index
      %get3A_1607 = arith.constant 0 : index
      %get3A_1608 = tpu.vector_load %arg17[%get3A_1606, %get3A_1607] {strides = array<i32>} : memref<80x64xbf16, #tpu.memory_space<vmem>>, vector<32xbf16>,
      %add3A_1609 = arith.addf %add3A_1599, %get3A_1608 : vector<32xbf16>
      %get3A_1610 = arith.constant 16 : i32
      %get3A_1611 = arith.index_cast %get3A_1610 : i32 to index
      %get3A_1612 = arith.constant 32 : index
      %get3A_1613 = tpu.vector_load %arg17[%get3A_1611, %get3A_1612] {strides = array<i32>} : memref<80x64xbf16, #tpu.memory_space<vmem>>, vector<32xbf16>,
      %add3A_1614 = arith.addf %add3A_1604, %get3A_1613 : vector<32xbf16>
      %get3A_1615 = arith.constant 17 : i32
      %get3A_1616 = arith.index_cast %get3A_1615 : i32 to index
      %get3A_1617 = arith.constant 0 : index
      %get3A_1618 = tpu.vector_load %arg17[%get3A_1616, %get3A_1617] {strides = array<i32>} : memref<80x64xbf16, #tpu.memory_space<vmem>>, vector<32xbf16>,
      %add3A_1619 = arith.addf %add3A_1609, %get3A_1618 : vector<32xbf16>
      %get3A_1620 = arith.constant 17 : i32
      %get3A_1621 = arith.index_cast %get3A_1620 : i32 to index
      %get3A_1622 = arith.constant 32 : index
      %get3A_1623 = tpu.vector_load %arg17[%get3A_1621, %get3A_1622] {strides = array<i32>} : memref<80x64xbf16, #tpu.memory_space<vmem>>, vector<32xbf16>,
      %add3A_1624 = arith.addf %add3A_1614, %get3A_1623 : vector<32xbf16>
      %get3A_1625 = arith.constant 18 : i32
      %get3A_1626 = arith.index_cast %get3A_1625 : i32 to index
      %get3A_1627 = arith.constant 0 : index
      %get3A_1628 = tpu.vector_load %arg17[%get3A_1626, %get3A_1627] {strides = array<i32>} : memref<80x64xbf16, #tpu.memory_space<vmem>>, vector<32xbf16>,
      %add3A_1629 = arith.addf %add3A_1619, %get3A_1628 : vector<32xbf16>
      %get3A_1630 = arith.constant 18 : i32
      %get3A_1631 = arith.index_cast %get3A_1630 : i32 to index
      %get3A_1632 = arith.constant 32 : index
      %get3A_1633 = tpu.vector_load %arg17[%get3A_1631, %get3A_1632] {strides = array<i32>} : memref<80x64xbf16, #tpu.memory_space<vmem>>, vector<32xbf16>,
      %add3A_1634 = arith.addf %add3A_1624, %get3A_1633 : vector<32xbf16>
      %get3A_1635 = arith.constant 19 : i32
      %get3A_1636 = arith.index_cast %get3A_1635 : i32 to index
      %get3A_1637 = arith.constant 0 : index
      %get3A_1638 = tpu.vector_load %arg17[%get3A_1636, %get3A_1637] {strides = array<i32>} : memref<80x64xbf16, #tpu.memory_space<vmem>>, vector<32xbf16>,
      %add3A_1639 = arith.addf %add3A_1629, %get3A_1638 : vector<32xbf16>
      %get3A_1640 = arith.constant 19 : i32
      %get3A_1641 = arith.index_cast %get3A_1640 : i32 to index
      %get3A_1642 = arith.constant 32 : index
      %get3A_1643 = tpu.vector_load %arg17[%get3A_1641, %get3A_1642] {strides = array<i32>} : memref<80x64xbf16, #tpu.memory_space<vmem>>, vector<32xbf16>,
      %add3A_1644 = arith.addf %add3A_1634, %get3A_1643 : vector<32xbf16>
      %mul3A_1645 = arith.constant 2 : i32
      %mul3A_1646 = arith.muli %add3A_1427, %mul3A_1645 : i32
      %add3A_1647 = arith.constant 0 : i32
      %add3A_1648 = arith.addi %mul3A_1646, %add3A_1647 : i32
      %swap3A_1649 = arith.index_cast %add3A_1648 : i32 to index
      %swap3A_1650 = arith.constant 0 : index
      %swap3A_1651 = tpu.vector_load %arg20[%swap3A_1649, %swap3A_1650] {strides = array<i32>} : memref<512x128xbf16, #tpu.memory_space<vmem>>, vector<32xbf16>,
      tpu.vector_store %arg20[%swap3A_1649, %swap3A_1650], %add3A_1639 {strides = array<i32>} : memref<512x128xbf16, #tpu.memory_space<vmem>>, vector<32xbf16>,
      %swap3A_1652 = arith.index_cast %add3A_1648 : i32 to index
      %swap3A_1653 = arith.constant 32 : index
      %swap3A_1654 = tpu.vector_load %arg20[%swap3A_1652, %swap3A_1653] {strides = array<i32>} : memref<512x128xbf16, #tpu.memory_space<vmem>>, vector<32xbf16>,
      tpu.vector_store %arg20[%swap3A_1652, %swap3A_1653], %add3A_1644 {strides = array<i32>} : memref<512x128xbf16, #tpu.memory_space<vmem>>, vector<32xbf16>,
      %get3A_1655 = arith.constant 20 : i32
      %get3A_1656 = arith.index_cast %get3A_1655 : i32 to index
      %get3A_1657 = arith.constant 0 : index
      %get3A_1658 = tpu.vector_load %arg17[%get3A_1656, %get3A_1657] {strides = array<i32>} : memref<80x64xbf16, #tpu.memory_space<vmem>>, vector<32xbf16>,
      %get3A_1659 = arith.constant 20 : i32
      %get3A_1660 = arith.index_cast %get3A_1659 : i32 to index
      %get3A_1661 = arith.constant 32 : index
      %get3A_1662 = tpu.vector_load %arg17[%get3A_1660, %get3A_1661] {strides = array<i32>} : memref<80x64xbf16, #tpu.memory_space<vmem>>, vector<32xbf16>,
      %get3A_1663 = arith.constant 21 : i32
      %get3A_1664 = arith.index_cast %get3A_1663 : i32 to index
      %get3A_1665 = arith.constant 0 : index
      %get3A_1666 = tpu.vector_load %arg17[%get3A_1664, %get3A_1665] {strides = array<i32>} : memref<80x64xbf16, #tpu.memory_space<vmem>>, vector<32xbf16>,
      %add3A_1667 = arith.addf %get3A_1658, %get3A_1666 : vector<32xbf16>
      %get3A_1668 = arith.constant 21 : i32
      %get3A_1669 = arith.index_cast %get3A_1668 : i32 to index
      %get3A_1670 = arith.constant 32 : index
      %get3A_1671 = tpu.vector_load %arg17[%get3A_1669, %get3A_1670] {strides = array<i32>} : memref<80x64xbf16, #tpu.memory_space<vmem>>, vector<32xbf16>,
      %add3A_1672 = arith.addf %get3A_1662, %get3A_1671 : vector<32xbf16>
      %get3A_1673 = arith.constant 22 : i32
      %get3A_1674 = arith.index_cast %get3A_1673 : i32 to index
      %get3A_1675 = arith.constant 0 : index
      %get3A_1676 = tpu.vector_load %arg17[%get3A_1674, %get3A_1675] {strides = array<i32>} : memref<80x64xbf16, #tpu.memory_space<vmem>>, vector<32xbf16>,
      %add3A_1677 = arith.addf %add3A_1667, %get3A_1676 : vector<32xbf16>
      %get3A_1678 = arith.constant 22 : i32
      %get3A_1679 = arith.index_cast %get3A_1678 : i32 to index
      %get3A_1680 = arith.constant 32 : index
      %get3A_1681 = tpu.vector_load %arg17[%get3A_1679, %get3A_1680] {strides = array<i32>} : memref<80x64xbf16, #tpu.memory_space<vmem>>, vector<32xbf16>,
      %add3A_1682 = arith.addf %add3A_1672, %get3A_1681 : vector<32xbf16>
      %get3A_1683 = arith.constant 23 : i32
      %get3A_1684 = arith.index_cast %get3A_1683 : i32 to index
      %get3A_1685 = arith.constant 0 : index
      %get3A_1686 = tpu.vector_load %arg17[%get3A_1684, %get3A_1685] {strides = array<i32>} : memref<80x64xbf16, #tpu.memory_space<vmem>>, vector<32xbf16>,
      %add3A_1687 = arith.addf %add3A_1677, %get3A_1686 : vector<32xbf16>
      %get3A_1688 = arith.constant 23 : i32
      %get3A_1689 = arith.index_cast %get3A_1688 : i32 to index
      %get3A_1690 = arith.constant 32 : index
      %get3A_1691 = tpu.vector_load %arg17[%get3A_1689, %get3A_1690] {strides = array<i32>} : memref<80x64xbf16, #tpu.memory_space<vmem>>, vector<32xbf16>,
      %add3A_1692 = arith.addf %add3A_1682, %get3A_1691 : vector<32xbf16>
      %get3A_1693 = arith.constant 24 : i32
      %get3A_1694 = arith.index_cast %get3A_1693 : i32 to index
      %get3A_1695 = arith.constant 0 : index
      %get3A_1696 = tpu.vector_load %arg17[%get3A_1694, %get3A_1695] {strides = array<i32>} : memref<80x64xbf16, #tpu.memory_space<vmem>>, vector<32xbf16>,
      %add3A_1697 = arith.addf %add3A_1687, %get3A_1696 : vector<32xbf16>
      %get3A_1698 = arith.constant 24 : i32
      %get3A_1699 = arith.index_cast %get3A_1698 : i32 to index
      %get3A_1700 = arith.constant 32 : index
      %get3A_1701 = tpu.vector_load %arg17[%get3A_1699, %get3A_1700] {strides = array<i32>} : memref<80x64xbf16, #tpu.memory_space<vmem>>, vector<32xbf16>,
      %add3A_1702 = arith.addf %add3A_1692, %get3A_1701 : vector<32xbf16>
      %get3A_1703 = arith.constant 25 : i32
      %get3A_1704 = arith.index_cast %get3A_1703 : i32 to index
      %get3A_1705 = arith.constant 0 : index
      %get3A_1706 = tpu.vector_load %arg17[%get3A_1704, %get3A_1705] {strides = array<i32>} : memref<80x64xbf16, #tpu.memory_space<vmem>>, vector<32xbf16>,
      %add3A_1707 = arith.addf %add3A_1697, %get3A_1706 : vector<32xbf16>
      %get3A_1708 = arith.constant 25 : i32
      %get3A_1709 = arith.index_cast %get3A_1708 : i32 to index
      %get3A_1710 = arith.constant 32 : index
      %get3A_1711 = tpu.vector_load %arg17[%get3A_1709, %get3A_1710] {strides = array<i32>} : memref<80x64xbf16, #tpu.memory_space<vmem>>, vector<32xbf16>,
      %add3A_1712 = arith.addf %add3A_1702, %get3A_1711 : vector<32xbf16>
      %get3A_1713 = arith.constant 26 : i32
      %get3A_1714 = arith.index_cast %get3A_1713 : i32 to index
      %get3A_1715 = arith.constant 0 : index
      %get3A_1716 = tpu.vector_load %arg17[%get3A_1714, %get3A_1715] {strides = array<i32>} : memref<80x64xbf16, #tpu.memory_space<vmem>>, vector<32xbf16>,
      %add3A_1717 = arith.addf %add3A_1707, %get3A_1716 : vector<32xbf16>
      %get3A_1718 = arith.constant 26 : i32
      %get3A_1719 = arith.index_cast %get3A_1718 : i32 to index
      %get3A_1720 = arith.constant 32 : index
      %get3A_1721 = tpu.vector_load %arg17[%get3A_1719, %get3A_1720] {strides = array<i32>} : memref<80x64xbf16, #tpu.memory_space<vmem>>, vector<32xbf16>,
      %add3A_1722 = arith.addf %add3A_1712, %get3A_1721 : vector<32xbf16>
      %get3A_1723 = arith.constant 27 : i32
      %get3A_1724 = arith.index_cast %get3A_1723 : i32 to index
      %get3A_1725 = arith.constant 0 : index
      %get3A_1726 = tpu.vector_load %arg17[%get3A_1724, %get3A_1725] {strides = array<i32>} : memref<80x64xbf16, #tpu.memory_space<vmem>>, vector<32xbf16>,
      %add3A_1727 = arith.addf %add3A_1717, %get3A_1726 : vector<32xbf16>
      %get3A_1728 = arith.constant 27 : i32
      %get3A_1729 = arith.index_cast %get3A_1728 : i32 to index
      %get3A_1730 = arith.constant 32 : index
      %get3A_1731 = tpu.vector_load %arg17[%get3A_1729, %get3A_1730] {strides = array<i32>} : memref<80x64xbf16, #tpu.memory_space<vmem>>, vector<32xbf16>,
      %add3A_1732 = arith.addf %add3A_1722, %get3A_1731 : vector<32xbf16>
      %get3A_1733 = arith.constant 28 : i32
      %get3A_1734 = arith.index_cast %get3A_1733 : i32 to index
      %get3A_1735 = arith.constant 0 : index
      %get3A_1736 = tpu.vector_load %arg17[%get3A_1734, %get3A_1735] {strides = array<i32>} : memref<80x64xbf16, #tpu.memory_space<vmem>>, vector<32xbf16>,
      %add3A_1737 = arith.addf %add3A_1727, %get3A_1736 : vector<32xbf16>
      %get3A_1738 = arith.constant 28 : i32
      %get3A_1739 = arith.index_cast %get3A_1738 : i32 to index
      %get3A_1740 = arith.constant 32 : index
      %get3A_1741 = tpu.vector_load %arg17[%get3A_1739, %get3A_1740] {strides = array<i32>} : memref<80x64xbf16, #tpu.memory_space<vmem>>, vector<32xbf16>,
      %add3A_1742 = arith.addf %add3A_1732, %get3A_1741 : vector<32xbf16>
      %get3A_1743 = arith.constant 29 : i32
      %get3A_1744 = arith.index_cast %get3A_1743 : i32 to index
      %get3A_1745 = arith.constant 0 : index
      %get3A_1746 = tpu.vector_load %arg17[%get3A_1744, %get3A_1745] {strides = array<i32>} : memref<80x64xbf16, #tpu.memory_space<vmem>>, vector<32xbf16>,
      %add3A_1747 = arith.addf %add3A_1737, %get3A_1746 : vector<32xbf16>
      %get3A_1748 = arith.constant 29 : i32
      %get3A_1749 = arith.index_cast %get3A_1748 : i32 to index
      %get3A_1750 = arith.constant 32 : index
      %get3A_1751 = tpu.vector_load %arg17[%get3A_1749, %get3A_1750] {strides = array<i32>} : memref<80x64xbf16, #tpu.memory_space<vmem>>, vector<32xbf16>,
      %add3A_1752 = arith.addf %add3A_1742, %get3A_1751 : vector<32xbf16>
      %get3A_1753 = arith.constant 30 : i32
      %get3A_1754 = arith.index_cast %get3A_1753 : i32 to index
      %get3A_1755 = arith.constant 0 : index
      %get3A_1756 = tpu.vector_load %arg17[%get3A_1754, %get3A_1755] {strides = array<i32>} : memref<80x64xbf16, #tpu.memory_space<vmem>>, vector<32xbf16>,
      %add3A_1757 = arith.addf %add3A_1747, %get3A_1756 : vector<32xbf16>
      %get3A_1758 = arith.constant 30 : i32
      %get3A_1759 = arith.index_cast %get3A_1758 : i32 to index
      %get3A_1760 = arith.constant 32 : index
      %get3A_1761 = tpu.vector_load %arg17[%get3A_1759, %get3A_1760] {strides = array<i32>} : memref<80x64xbf16, #tpu.memory_space<vmem>>, vector<32xbf16>,
      %add3A_1762 = arith.addf %add3A_1752, %get3A_1761 : vector<32xbf16>
      %get3A_1763 = arith.constant 31 : i32
      %get3A_1764 = arith.index_cast %get3A_1763 : i32 to index
      %get3A_1765 = arith.constant 0 : index
      %get3A_1766 = tpu.vector_load %arg17[%get3A_1764, %get3A_1765] {strides = array<i32>} : memref<80x64xbf16, #tpu.memory_space<vmem>>, vector<32xbf16>,
      %add3A_1767 = arith.addf %add3A_1757, %get3A_1766 : vector<32xbf16>
      %get3A_1768 = arith.constant 31 : i32
      %get3A_1769 = arith.index_cast %get3A_1768 : i32 to index
      %get3A_1770 = arith.constant 32 : index
      %get3A_1771 = tpu.vector_load %arg17[%get3A_1769, %get3A_1770] {strides = array<i32>} : memref<80x64xbf16, #tpu.memory_space<vmem>>, vector<32xbf16>,
      %add3A_1772 = arith.addf %add3A_1762, %get3A_1771 : vector<32xbf16>
      %get3A_1773 = arith.constant 32 : i32
      %get3A_1774 = arith.index_cast %get3A_1773 : i32 to index
      %get3A_1775 = arith.constant 0 : index
      %get3A_1776 = tpu.vector_load %arg17[%get3A_1774, %get3A_1775] {strides = array<i32>} : memref<80x64xbf16, #tpu.memory_space<vmem>>, vector<32xbf16>,
      %add3A_1777 = arith.addf %add3A_1767, %get3A_1776 : vector<32xbf16>
      %get3A_1778 = arith.constant 32 : i32
      %get3A_1779 = arith.index_cast %get3A_1778 : i32 to index
      %get3A_1780 = arith.constant 32 : index
      %get3A_1781 = tpu.vector_load %arg17[%get3A_1779, %get3A_1780] {strides = array<i32>} : memref<80x64xbf16, #tpu.memory_space<vmem>>, vector<32xbf16>,
      %add3A_1782 = arith.addf %add3A_1772, %get3A_1781 : vector<32xbf16>
      %get3A_1783 = arith.constant 33 : i32
      %get3A_1784 = arith.index_cast %get3A_1783 : i32 to index
      %get3A_1785 = arith.constant 0 : index
      %get3A_1786 = tpu.vector_load %arg17[%get3A_1784, %get3A_1785] {strides = array<i32>} : memref<80x64xbf16, #tpu.memory_space<vmem>>, vector<32xbf16>,
      %add3A_1787 = arith.addf %add3A_1777, %get3A_1786 : vector<32xbf16>
      %get3A_1788 = arith.constant 33 : i32
      %get3A_1789 = arith.index_cast %get3A_1788 : i32 to index
      %get3A_1790 = arith.constant 32 : index
      %get3A_1791 = tpu.vector_load %arg17[%get3A_1789, %get3A_1790] {strides = array<i32>} : memref<80x64xbf16, #tpu.memory_space<vmem>>, vector<32xbf16>,
      %add3A_1792 = arith.addf %add3A_1782, %get3A_1791 : vector<32xbf16>
      %get3A_1793 = arith.constant 34 : i32
      %get3A_1794 = arith.index_cast %get3A_1793 : i32 to index
      %get3A_1795 = arith.constant 0 : index
      %get3A_1796 = tpu.vector_load %arg17[%get3A_1794, %get3A_1795] {strides = array<i32>} : memref<80x64xbf16, #tpu.memory_space<vmem>>, vector<32xbf16>,
      %add3A_1797 = arith.addf %add3A_1787, %get3A_1796 : vector<32xbf16>
      %get3A_1798 = arith.constant 34 : i32
      %get3A_1799 = arith.index_cast %get3A_1798 : i32 to index
      %get3A_1800 = arith.constant 32 : index
      %get3A_1801 = tpu.vector_load %arg17[%get3A_1799, %get3A_1800] {strides = array<i32>} : memref<80x64xbf16, #tpu.memory_space<vmem>>, vector<32xbf16>,
      %add3A_1802 = arith.addf %add3A_1792, %get3A_1801 : vector<32xbf16>
      %get3A_1803 = arith.constant 35 : i32
      %get3A_1804 = arith.index_cast %get3A_1803 : i32 to index
      %get3A_1805 = arith.constant 0 : index
      %get3A_1806 = tpu.vector_load %arg17[%get3A_1804, %get3A_1805] {strides = array<i32>} : memref<80x64xbf16, #tpu.memory_space<vmem>>, vector<32xbf16>,
      %add3A_1807 = arith.addf %add3A_1797, %get3A_1806 : vector<32xbf16>
      %get3A_1808 = arith.constant 35 : i32
      %get3A_1809 = arith.index_cast %get3A_1808 : i32 to index
      %get3A_1810 = arith.constant 32 : index
      %get3A_1811 = tpu.vector_load %arg17[%get3A_1809, %get3A_1810] {strides = array<i32>} : memref<80x64xbf16, #tpu.memory_space<vmem>>, vector<32xbf16>,
      %add3A_1812 = arith.addf %add3A_1802, %get3A_1811 : vector<32xbf16>
      %get3A_1813 = arith.constant 36 : i32
      %get3A_1814 = arith.index_cast %get3A_1813 : i32 to index
      %get3A_1815 = arith.constant 0 : index
      %get3A_1816 = tpu.vector_load %arg17[%get3A_1814, %get3A_1815] {strides = array<i32>} : memref<80x64xbf16, #tpu.memory_space<vmem>>, vector<32xbf16>,
      %add3A_1817 = arith.addf %add3A_1807, %get3A_1816 : vector<32xbf16>
      %get3A_1818 = arith.constant 36 : i32
      %get3A_1819 = arith.index_cast %get3A_1818 : i32 to index
      %get3A_1820 = arith.constant 32 : index
      %get3A_1821 = tpu.vector_load %arg17[%get3A_1819, %get3A_1820] {strides = array<i32>} : memref<80x64xbf16, #tpu.memory_space<vmem>>, vector<32xbf16>,
      %add3A_1822 = arith.addf %add3A_1812, %get3A_1821 : vector<32xbf16>
      %get3A_1823 = arith.constant 37 : i32
      %get3A_1824 = arith.index_cast %get3A_1823 : i32 to index
      %get3A_1825 = arith.constant 0 : index
      %get3A_1826 = tpu.vector_load %arg17[%get3A_1824, %get3A_1825] {strides = array<i32>} : memref<80x64xbf16, #tpu.memory_space<vmem>>, vector<32xbf16>,
      %add3A_1827 = arith.addf %add3A_1817, %get3A_1826 : vector<32xbf16>
      %get3A_1828 = arith.constant 37 : i32
      %get3A_1829 = arith.index_cast %get3A_1828 : i32 to index
      %get3A_1830 = arith.constant 32 : index
      %get3A_1831 = tpu.vector_load %arg17[%get3A_1829, %get3A_1830] {strides = array<i32>} : memref<80x64xbf16, #tpu.memory_space<vmem>>, vector<32xbf16>,
      %add3A_1832 = arith.addf %add3A_1822, %get3A_1831 : vector<32xbf16>
      %get3A_1833 = arith.constant 38 : i32
      %get3A_1834 = arith.index_cast %get3A_1833 : i32 to index
      %get3A_1835 = arith.constant 0 : index
      %get3A_1836 = tpu.vector_load %arg17[%get3A_1834, %get3A_1835] {strides = array<i32>} : memref<80x64xbf16, #tpu.memory_space<vmem>>, vector<32xbf16>,
      %add3A_1837 = arith.addf %add3A_1827, %get3A_1836 : vector<32xbf16>
      %get3A_1838 = arith.constant 38 : i32
      %get3A_1839 = arith.index_cast %get3A_1838 : i32 to index
      %get3A_1840 = arith.constant 32 : index
      %get3A_1841 = tpu.vector_load %arg17[%get3A_1839, %get3A_1840] {strides = array<i32>} : memref<80x64xbf16, #tpu.memory_space<vmem>>, vector<32xbf16>,
      %add3A_1842 = arith.addf %add3A_1832, %get3A_1841 : vector<32xbf16>
      %get3A_1843 = arith.constant 39 : i32
      %get3A_1844 = arith.index_cast %get3A_1843 : i32 to index
      %get3A_1845 = arith.constant 0 : index
      %get3A_1846 = tpu.vector_load %arg17[%get3A_1844, %get3A_1845] {strides = array<i32>} : memref<80x64xbf16, #tpu.memory_space<vmem>>, vector<32xbf16>,
      %add3A_1847 = arith.addf %add3A_1837, %get3A_1846 : vector<32xbf16>
      %get3A_1848 = arith.constant 39 : i32
      %get3A_1849 = arith.index_cast %get3A_1848 : i32 to index
      %get3A_1850 = arith.constant 32 : index
      %get3A_1851 = tpu.vector_load %arg17[%get3A_1849, %get3A_1850] {strides = array<i32>} : memref<80x64xbf16, #tpu.memory_space<vmem>>, vector<32xbf16>,
      %add3A_1852 = arith.addf %add3A_1842, %get3A_1851 : vector<32xbf16>
      %mul3A_1853 = arith.constant 2 : i32
      %mul3A_1854 = arith.muli %add3A_1427, %mul3A_1853 : i32
      %add3A_1855 = arith.constant 0 : i32
      %add3A_1856 = arith.addi %mul3A_1854, %add3A_1855 : i32
      %swap3A_1857 = arith.index_cast %add3A_1856 : i32 to index
      %swap3A_1858 = arith.constant 64 : index
      %swap3A_1859 = tpu.vector_load %arg20[%swap3A_1857, %swap3A_1858] {strides = array<i32>} : memref<512x128xbf16, #tpu.memory_space<vmem>>, vector<32xbf16>,
      tpu.vector_store %arg20[%swap3A_1857, %swap3A_1858], %add3A_1847 {strides = array<i32>} : memref<512x128xbf16, #tpu.memory_space<vmem>>, vector<32xbf16>,
      %swap3A_1860 = arith.index_cast %add3A_1856 : i32 to index
      %swap3A_1861 = arith.constant 96 : index
      %swap3A_1862 = tpu.vector_load %arg20[%swap3A_1860, %swap3A_1861] {strides = array<i32>} : memref<512x128xbf16, #tpu.memory_space<vmem>>, vector<32xbf16>,
      tpu.vector_store %arg20[%swap3A_1860, %swap3A_1861], %add3A_1852 {strides = array<i32>} : memref<512x128xbf16, #tpu.memory_space<vmem>>, vector<32xbf16>,
      %get3A_1863 = arith.constant 40 : i32
      %get3A_1864 = arith.index_cast %get3A_1863 : i32 to index
      %get3A_1865 = arith.constant 0 : index
      %get3A_1866 = tpu.vector_load %arg17[%get3A_1864, %get3A_1865] {strides = array<i32>} : memref<80x64xbf16, #tpu.memory_space<vmem>>, vector<32xbf16>,
      %get3A_1867 = arith.constant 40 : i32
      %get3A_1868 = arith.index_cast %get3A_1867 : i32 to index
      %get3A_1869 = arith.constant 32 : index
      %get3A_1870 = tpu.vector_load %arg17[%get3A_1868, %get3A_1869] {strides = array<i32>} : memref<80x64xbf16, #tpu.memory_space<vmem>>, vector<32xbf16>,
      %get3A_1871 = arith.constant 41 : i32
      %get3A_1872 = arith.index_cast %get3A_1871 : i32 to index
      %get3A_1873 = arith.constant 0 : index
      %get3A_1874 = tpu.vector_load %arg17[%get3A_1872, %get3A_1873] {strides = array<i32>} : memref<80x64xbf16, #tpu.memory_space<vmem>>, vector<32xbf16>,
      %add3A_1875 = arith.addf %get3A_1866, %get3A_1874 : vector<32xbf16>
      %get3A_1876 = arith.constant 41 : i32
      %get3A_1877 = arith.index_cast %get3A_1876 : i32 to index
      %get3A_1878 = arith.constant 32 : index
      %get3A_1879 = tpu.vector_load %arg17[%get3A_1877, %get3A_1878] {strides = array<i32>} : memref<80x64xbf16, #tpu.memory_space<vmem>>, vector<32xbf16>,
      %add3A_1880 = arith.addf %get3A_1870, %get3A_1879 : vector<32xbf16>
      %get3A_1881 = arith.constant 42 : i32
      %get3A_1882 = arith.index_cast %get3A_1881 : i32 to index
      %get3A_1883 = arith.constant 0 : index
      %get3A_1884 = tpu.vector_load %arg17[%get3A_1882, %get3A_1883] {strides = array<i32>} : memref<80x64xbf16, #tpu.memory_space<vmem>>, vector<32xbf16>,
      %add3A_1885 = arith.addf %add3A_1875, %get3A_1884 : vector<32xbf16>
      %get3A_1886 = arith.constant 42 : i32
      %get3A_1887 = arith.index_cast %get3A_1886 : i32 to index
      %get3A_1888 = arith.constant 32 : index
      %get3A_1889 = tpu.vector_load %arg17[%get3A_1887, %get3A_1888] {strides = array<i32>} : memref<80x64xbf16, #tpu.memory_space<vmem>>, vector<32xbf16>,
      %add3A_1890 = arith.addf %add3A_1880, %get3A_1889 : vector<32xbf16>
      %get3A_1891 = arith.constant 43 : i32
      %get3A_1892 = arith.index_cast %get3A_1891 : i32 to index
      %get3A_1893 = arith.constant 0 : index
      %get3A_1894 = tpu.vector_load %arg17[%get3A_1892, %get3A_1893] {strides = array<i32>} : memref<80x64xbf16, #tpu.memory_space<vmem>>, vector<32xbf16>,
      %add3A_1895 = arith.addf %add3A_1885, %get3A_1894 : vector<32xbf16>
      %get3A_1896 = arith.constant 43 : i32
      %get3A_1897 = arith.index_cast %get3A_1896 : i32 to index
      %get3A_1898 = arith.constant 32 : index
      %get3A_1899 = tpu.vector_load %arg17[%get3A_1897, %get3A_1898] {strides = array<i32>} : memref<80x64xbf16, #tpu.memory_space<vmem>>, vector<32xbf16>,
      %add3A_1900 = arith.addf %add3A_1890, %get3A_1899 : vector<32xbf16>
      %get3A_1901 = arith.constant 44 : i32
      %get3A_1902 = arith.index_cast %get3A_1901 : i32 to index
      %get3A_1903 = arith.constant 0 : index
      %get3A_1904 = tpu.vector_load %arg17[%get3A_1902, %get3A_1903] {strides = array<i32>} : memref<80x64xbf16, #tpu.memory_space<vmem>>, vector<32xbf16>,
      %add3A_1905 = arith.addf %add3A_1895, %get3A_1904 : vector<32xbf16>
      %get3A_1906 = arith.constant 44 : i32
      %get3A_1907 = arith.index_cast %get3A_1906 : i32 to index
      %get3A_1908 = arith.constant 32 : index
      %get3A_1909 = tpu.vector_load %arg17[%get3A_1907, %get3A_1908] {strides = array<i32>} : memref<80x64xbf16, #tpu.memory_space<vmem>>, vector<32xbf16>,
      %add3A_1910 = arith.addf %add3A_1900, %get3A_1909 : vector<32xbf16>
      %get3A_1911 = arith.constant 45 : i32
      %get3A_1912 = arith.index_cast %get3A_1911 : i32 to index
      %get3A_1913 = arith.constant 0 : index
      %get3A_1914 = tpu.vector_load %arg17[%get3A_1912, %get3A_1913] {strides = array<i32>} : memref<80x64xbf16, #tpu.memory_space<vmem>>, vector<32xbf16>,
      %add3A_1915 = arith.addf %add3A_1905, %get3A_1914 : vector<32xbf16>
      %get3A_1916 = arith.constant 45 : i32
      %get3A_1917 = arith.index_cast %get3A_1916 : i32 to index
      %get3A_1918 = arith.constant 32 : index
      %get3A_1919 = tpu.vector_load %arg17[%get3A_1917, %get3A_1918] {strides = array<i32>} : memref<80x64xbf16, #tpu.memory_space<vmem>>, vector<32xbf16>,
      %add3A_1920 = arith.addf %add3A_1910, %get3A_1919 : vector<32xbf16>
      %get3A_1921 = arith.constant 46 : i32
      %get3A_1922 = arith.index_cast %get3A_1921 : i32 to index
      %get3A_1923 = arith.constant 0 : index
      %get3A_1924 = tpu.vector_load %arg17[%get3A_1922, %get3A_1923] {strides = array<i32>} : memref<80x64xbf16, #tpu.memory_space<vmem>>, vector<32xbf16>,
      %add3A_1925 = arith.addf %add3A_1915, %get3A_1924 : vector<32xbf16>
      %get3A_1926 = arith.constant 46 : i32
      %get3A_1927 = arith.index_cast %get3A_1926 : i32 to index
      %get3A_1928 = arith.constant 32 : index
      %get3A_1929 = tpu.vector_load %arg17[%get3A_1927, %get3A_1928] {strides = array<i32>} : memref<80x64xbf16, #tpu.memory_space<vmem>>, vector<32xbf16>,
      %add3A_1930 = arith.addf %add3A_1920, %get3A_1929 : vector<32xbf16>
      %get3A_1931 = arith.constant 47 : i32
      %get3A_1932 = arith.index_cast %get3A_1931 : i32 to index
      %get3A_1933 = arith.constant 0 : index
      %get3A_1934 = tpu.vector_load %arg17[%get3A_1932, %get3A_1933] {strides = array<i32>} : memref<80x64xbf16, #tpu.memory_space<vmem>>, vector<32xbf16>,
      %add3A_1935 = arith.addf %add3A_1925, %get3A_1934 : vector<32xbf16>
      %get3A_1936 = arith.constant 47 : i32
      %get3A_1937 = arith.index_cast %get3A_1936 : i32 to index
      %get3A_1938 = arith.constant 32 : index
      %get3A_1939 = tpu.vector_load %arg17[%get3A_1937, %get3A_1938] {strides = array<i32>} : memref<80x64xbf16, #tpu.memory_space<vmem>>, vector<32xbf16>,
      %add3A_1940 = arith.addf %add3A_1930, %get3A_1939 : vector<32xbf16>
      %get3A_1941 = arith.constant 48 : i32
      %get3A_1942 = arith.index_cast %get3A_1941 : i32 to index
      %get3A_1943 = arith.constant 0 : index
      %get3A_1944 = tpu.vector_load %arg17[%get3A_1942, %get3A_1943] {strides = array<i32>} : memref<80x64xbf16, #tpu.memory_space<vmem>>, vector<32xbf16>,
      %add3A_1945 = arith.addf %add3A_1935, %get3A_1944 : vector<32xbf16>
      %get3A_1946 = arith.constant 48 : i32
      %get3A_1947 = arith.index_cast %get3A_1946 : i32 to index
      %get3A_1948 = arith.constant 32 : index
      %get3A_1949 = tpu.vector_load %arg17[%get3A_1947, %get3A_1948] {strides = array<i32>} : memref<80x64xbf16, #tpu.memory_space<vmem>>, vector<32xbf16>,
      %add3A_1950 = arith.addf %add3A_1940, %get3A_1949 : vector<32xbf16>
      %get3A_1951 = arith.constant 49 : i32
      %get3A_1952 = arith.index_cast %get3A_1951 : i32 to index
      %get3A_1953 = arith.constant 0 : index
      %get3A_1954 = tpu.vector_load %arg17[%get3A_1952, %get3A_1953] {strides = array<i32>} : memref<80x64xbf16, #tpu.memory_space<vmem>>, vector<32xbf16>,
      %add3A_1955 = arith.addf %add3A_1945, %get3A_1954 : vector<32xbf16>
      %get3A_1956 = arith.constant 49 : i32
      %get3A_1957 = arith.index_cast %get3A_1956 : i32 to index
      %get3A_1958 = arith.constant 32 : index
      %get3A_1959 = tpu.vector_load %arg17[%get3A_1957, %get3A_1958] {strides = array<i32>} : memref<80x64xbf16, #tpu.memory_space<vmem>>, vector<32xbf16>,
      %add3A_1960 = arith.addf %add3A_1950, %get3A_1959 : vector<32xbf16>
      %get3A_1961 = arith.constant 50 : i32
      %get3A_1962 = arith.index_cast %get3A_1961 : i32 to index
      %get3A_1963 = arith.constant 0 : index
      %get3A_1964 = tpu.vector_load %arg17[%get3A_1962, %get3A_1963] {strides = array<i32>} : memref<80x64xbf16, #tpu.memory_space<vmem>>, vector<32xbf16>,
      %add3A_1965 = arith.addf %add3A_1955, %get3A_1964 : vector<32xbf16>
      %get3A_1966 = arith.constant 50 : i32
      %get3A_1967 = arith.index_cast %get3A_1966 : i32 to index
      %get3A_1968 = arith.constant 32 : index
      %get3A_1969 = tpu.vector_load %arg17[%get3A_1967, %get3A_1968] {strides = array<i32>} : memref<80x64xbf16, #tpu.memory_space<vmem>>, vector<32xbf16>,
      %add3A_1970 = arith.addf %add3A_1960, %get3A_1969 : vector<32xbf16>
      %get3A_1971 = arith.constant 51 : i32
      %get3A_1972 = arith.index_cast %get3A_1971 : i32 to index
      %get3A_1973 = arith.constant 0 : index
      %get3A_1974 = tpu.vector_load %arg17[%get3A_1972, %get3A_1973] {strides = array<i32>} : memref<80x64xbf16, #tpu.memory_space<vmem>>, vector<32xbf16>,
      %add3A_1975 = arith.addf %add3A_1965, %get3A_1974 : vector<32xbf16>
      %get3A_1976 = arith.constant 51 : i32
      %get3A_1977 = arith.index_cast %get3A_1976 : i32 to index
      %get3A_1978 = arith.constant 32 : index
      %get3A_1979 = tpu.vector_load %arg17[%get3A_1977, %get3A_1978] {strides = array<i32>} : memref<80x64xbf16, #tpu.memory_space<vmem>>, vector<32xbf16>,
      %add3A_1980 = arith.addf %add3A_1970, %get3A_1979 : vector<32xbf16>
      %get3A_1981 = arith.constant 52 : i32
      %get3A_1982 = arith.index_cast %get3A_1981 : i32 to index
      %get3A_1983 = arith.constant 0 : index
      %get3A_1984 = tpu.vector_load %arg17[%get3A_1982, %get3A_1983] {strides = array<i32>} : memref<80x64xbf16, #tpu.memory_space<vmem>>, vector<32xbf16>,
      %add3A_1985 = arith.addf %add3A_1975, %get3A_1984 : vector<32xbf16>
      %get3A_1986 = arith.constant 52 : i32
      %get3A_1987 = arith.index_cast %get3A_1986 : i32 to index
      %get3A_1988 = arith.constant 32 : index
      %get3A_1989 = tpu.vector_load %arg17[%get3A_1987, %get3A_1988] {strides = array<i32>} : memref<80x64xbf16, #tpu.memory_space<vmem>>, vector<32xbf16>,
      %add3A_1990 = arith.addf %add3A_1980, %get3A_1989 : vector<32xbf16>
      %get3A_1991 = arith.constant 53 : i32
      %get3A_1992 = arith.index_cast %get3A_1991 : i32 to index
      %get3A_1993 = arith.constant 0 : index
      %get3A_1994 = tpu.vector_load %arg17[%get3A_1992, %get3A_1993] {strides = array<i32>} : memref<80x64xbf16, #tpu.memory_space<vmem>>, vector<32xbf16>,
      %add3A_1995 = arith.addf %add3A_1985, %get3A_1994 : vector<32xbf16>
      %get3A_1996 = arith.constant 53 : i32
      %get3A_1997 = arith.index_cast %get3A_1996 : i32 to index
      %get3A_1998 = arith.constant 32 : index
      %get3A_1999 = tpu.vector_load %arg17[%get3A_1997, %get3A_1998] {strides = array<i32>} : memref<80x64xbf16, #tpu.memory_space<vmem>>, vector<32xbf16>,
      %add3A_2000 = arith.addf %add3A_1990, %get3A_1999 : vector<32xbf16>
      %get3A_2001 = arith.constant 54 : i32
      %get3A_2002 = arith.index_cast %get3A_2001 : i32 to index
      %get3A_2003 = arith.constant 0 : index
      %get3A_2004 = tpu.vector_load %arg17[%get3A_2002, %get3A_2003] {strides = array<i32>} : memref<80x64xbf16, #tpu.memory_space<vmem>>, vector<32xbf16>,
      %add3A_2005 = arith.addf %add3A_1995, %get3A_2004 : vector<32xbf16>
      %get3A_2006 = arith.constant 54 : i32
      %get3A_2007 = arith.index_cast %get3A_2006 : i32 to index
      %get3A_2008 = arith.constant 32 : index
      %get3A_2009 = tpu.vector_load %arg17[%get3A_2007, %get3A_2008] {strides = array<i32>} : memref<80x64xbf16, #tpu.memory_space<vmem>>, vector<32xbf16>,
      %add3A_2010 = arith.addf %add3A_2000, %get3A_2009 : vector<32xbf16>
      %get3A_2011 = arith.constant 55 : i32
      %get3A_2012 = arith.index_cast %get3A_2011 : i32 to index
      %get3A_2013 = arith.constant 0 : index
      %get3A_2014 = tpu.vector_load %arg17[%get3A_2012, %get3A_2013] {strides = array<i32>} : memref<80x64xbf16, #tpu.memory_space<vmem>>, vector<32xbf16>,
      %add3A_2015 = arith.addf %add3A_2005, %get3A_2014 : vector<32xbf16>
      %get3A_2016 = arith.constant 55 : i32
      %get3A_2017 = arith.index_cast %get3A_2016 : i32 to index
      %get3A_2018 = arith.constant 32 : index
      %get3A_2019 = tpu.vector_load %arg17[%get3A_2017, %get3A_2018] {strides = array<i32>} : memref<80x64xbf16, #tpu.memory_space<vmem>>, vector<32xbf16>,
      %add3A_2020 = arith.addf %add3A_2010, %get3A_2019 : vector<32xbf16>
      %get3A_2021 = arith.constant 56 : i32
      %get3A_2022 = arith.index_cast %get3A_2021 : i32 to index
      %get3A_2023 = arith.constant 0 : index
      %get3A_2024 = tpu.vector_load %arg17[%get3A_2022, %get3A_2023] {strides = array<i32>} : memref<80x64xbf16, #tpu.memory_space<vmem>>, vector<32xbf16>,
      %add3A_2025 = arith.addf %add3A_2015, %get3A_2024 : vector<32xbf16>
      %get3A_2026 = arith.constant 56 : i32
      %get3A_2027 = arith.index_cast %get3A_2026 : i32 to index
      %get3A_2028 = arith.constant 32 : index
      %get3A_2029 = tpu.vector_load %arg17[%get3A_2027, %get3A_2028] {strides = array<i32>} : memref<80x64xbf16, #tpu.memory_space<vmem>>, vector<32xbf16>,
      %add3A_2030 = arith.addf %add3A_2020, %get3A_2029 : vector<32xbf16>
      %get3A_2031 = arith.constant 57 : i32
      %get3A_2032 = arith.index_cast %get3A_2031 : i32 to index
      %get3A_2033 = arith.constant 0 : index
      %get3A_2034 = tpu.vector_load %arg17[%get3A_2032, %get3A_2033] {strides = array<i32>} : memref<80x64xbf16, #tpu.memory_space<vmem>>, vector<32xbf16>,
      %add3A_2035 = arith.addf %add3A_2025, %get3A_2034 : vector<32xbf16>
      %get3A_2036 = arith.constant 57 : i32
      %get3A_2037 = arith.index_cast %get3A_2036 : i32 to index
      %get3A_2038 = arith.constant 32 : index
      %get3A_2039 = tpu.vector_load %arg17[%get3A_2037, %get3A_2038] {strides = array<i32>} : memref<80x64xbf16, #tpu.memory_space<vmem>>, vector<32xbf16>,
      %add3A_2040 = arith.addf %add3A_2030, %get3A_2039 : vector<32xbf16>
      %get3A_2041 = arith.constant 58 : i32
      %get3A_2042 = arith.index_cast %get3A_2041 : i32 to index
      %get3A_2043 = arith.constant 0 : index
      %get3A_2044 = tpu.vector_load %arg17[%get3A_2042, %get3A_2043] {strides = array<i32>} : memref<80x64xbf16, #tpu.memory_space<vmem>>, vector<32xbf16>,
      %add3A_2045 = arith.addf %add3A_2035, %get3A_2044 : vector<32xbf16>
      %get3A_2046 = arith.constant 58 : i32
      %get3A_2047 = arith.index_cast %get3A_2046 : i32 to index
      %get3A_2048 = arith.constant 32 : index
      %get3A_2049 = tpu.vector_load %arg17[%get3A_2047, %get3A_2048] {strides = array<i32>} : memref<80x64xbf16, #tpu.memory_space<vmem>>, vector<32xbf16>,
      %add3A_2050 = arith.addf %add3A_2040, %get3A_2049 : vector<32xbf16>
      %get3A_2051 = arith.constant 59 : i32
      %get3A_2052 = arith.index_cast %get3A_2051 : i32 to index
      %get3A_2053 = arith.constant 0 : index
      %get3A_2054 = tpu.vector_load %arg17[%get3A_2052, %get3A_2053] {strides = array<i32>} : memref<80x64xbf16, #tpu.memory_space<vmem>>, vector<32xbf16>,
      %add3A_2055 = arith.addf %add3A_2045, %get3A_2054 : vector<32xbf16>
      %get3A_2056 = arith.constant 59 : i32
      %get3A_2057 = arith.index_cast %get3A_2056 : i32 to index
      %get3A_2058 = arith.constant 32 : index
      %get3A_2059 = tpu.vector_load %arg17[%get3A_2057, %get3A_2058] {strides = array<i32>} : memref<80x64xbf16, #tpu.memory_space<vmem>>, vector<32xbf16>,
      %add3A_2060 = arith.addf %add3A_2050, %get3A_2059 : vector<32xbf16>
      %mul3A_2061 = arith.constant 2 : i32
      %mul3A_2062 = arith.muli %add3A_1427, %mul3A_2061 : i32
      %add3A_2063 = arith.constant 1 : i32
      %add3A_2064 = arith.addi %mul3A_2062, %add3A_2063 : i32
      %swap3A_2065 = arith.index_cast %add3A_2064 : i32 to index
      %swap3A_2066 = arith.constant 0 : index
      %swap3A_2067 = tpu.vector_load %arg20[%swap3A_2065, %swap3A_2066] {strides = array<i32>} : memref<512x128xbf16, #tpu.memory_space<vmem>>, vector<32xbf16>,
      tpu.vector_store %arg20[%swap3A_2065, %swap3A_2066], %add3A_2055 {strides = array<i32>} : memref<512x128xbf16, #tpu.memory_space<vmem>>, vector<32xbf16>,
      %swap3A_2068 = arith.index_cast %add3A_2064 : i32 to index
      %swap3A_2069 = arith.constant 32 : index
      %swap3A_2070 = tpu.vector_load %arg20[%swap3A_2068, %swap3A_2069] {strides = array<i32>} : memref<512x128xbf16, #tpu.memory_space<vmem>>, vector<32xbf16>,
      tpu.vector_store %arg20[%swap3A_2068, %swap3A_2069], %add3A_2060 {strides = array<i32>} : memref<512x128xbf16, #tpu.memory_space<vmem>>, vector<32xbf16>,
      %get3A_2071 = arith.constant 60 : i32
      %get3A_2072 = arith.index_cast %get3A_2071 : i32 to index
      %get3A_2073 = arith.constant 0 : index
      %get3A_2074 = tpu.vector_load %arg17[%get3A_2072, %get3A_2073] {strides = array<i32>} : memref<80x64xbf16, #tpu.memory_space<vmem>>, vector<32xbf16>,
      %get3A_2075 = arith.constant 60 : i32
      %get3A_2076 = arith.index_cast %get3A_2075 : i32 to index
      %get3A_2077 = arith.constant 32 : index
      %get3A_2078 = tpu.vector_load %arg17[%get3A_2076, %get3A_2077] {strides = array<i32>} : memref<80x64xbf16, #tpu.memory_space<vmem>>, vector<32xbf16>,
      %get3A_2079 = arith.constant 61 : i32
      %get3A_2080 = arith.index_cast %get3A_2079 : i32 to index
      %get3A_2081 = arith.constant 0 : index
      %get3A_2082 = tpu.vector_load %arg17[%get3A_2080, %get3A_2081] {strides = array<i32>} : memref<80x64xbf16, #tpu.memory_space<vmem>>, vector<32xbf16>,
      %add3A_2083 = arith.addf %get3A_2074, %get3A_2082 : vector<32xbf16>
      %get3A_2084 = arith.constant 61 : i32
      %get3A_2085 = arith.index_cast %get3A_2084 : i32 to index
      %get3A_2086 = arith.constant 32 : index
      %get3A_2087 = tpu.vector_load %arg17[%get3A_2085, %get3A_2086] {strides = array<i32>} : memref<80x64xbf16, #tpu.memory_space<vmem>>, vector<32xbf16>,
      %add3A_2088 = arith.addf %get3A_2078, %get3A_2087 : vector<32xbf16>
      %get3A_2089 = arith.constant 62 : i32
      %get3A_2090 = arith.index_cast %get3A_2089 : i32 to index
      %get3A_2091 = arith.constant 0 : index
      %get3A_2092 = tpu.vector_load %arg17[%get3A_2090, %get3A_2091] {strides = array<i32>} : memref<80x64xbf16, #tpu.memory_space<vmem>>, vector<32xbf16>,
      %add3A_2093 = arith.addf %add3A_2083, %get3A_2092 : vector<32xbf16>
      %get3A_2094 = arith.constant 62 : i32
      %get3A_2095 = arith.index_cast %get3A_2094 : i32 to index
      %get3A_2096 = arith.constant 32 : index
      %get3A_2097 = tpu.vector_load %arg17[%get3A_2095, %get3A_2096] {strides = array<i32>} : memref<80x64xbf16, #tpu.memory_space<vmem>>, vector<32xbf16>,
      %add3A_2098 = arith.addf %add3A_2088, %get3A_2097 : vector<32xbf16>
      %get3A_2099 = arith.constant 63 : i32
      %get3A_2100 = arith.index_cast %get3A_2099 : i32 to index
      %get3A_2101 = arith.constant 0 : index
      %get3A_2102 = tpu.vector_load %arg17[%get3A_2100, %get3A_2101] {strides = array<i32>} : memref<80x64xbf16, #tpu.memory_space<vmem>>, vector<32xbf16>,
      %add3A_2103 = arith.addf %add3A_2093, %get3A_2102 : vector<32xbf16>
      %get3A_2104 = arith.constant 63 : i32
      %get3A_2105 = arith.index_cast %get3A_2104 : i32 to index
      %get3A_2106 = arith.constant 32 : index
      %get3A_2107 = tpu.vector_load %arg17[%get3A_2105, %get3A_2106] {strides = array<i32>} : memref<80x64xbf16, #tpu.memory_space<vmem>>, vector<32xbf16>,
      %add3A_2108 = arith.addf %add3A_2098, %get3A_2107 : vector<32xbf16>
      %get3A_2109 = arith.constant 64 : i32
      %get3A_2110 = arith.index_cast %get3A_2109 : i32 to index
      %get3A_2111 = arith.constant 0 : index
      %get3A_2112 = tpu.vector_load %arg17[%get3A_2110, %get3A_2111] {strides = array<i32>} : memref<80x64xbf16, #tpu.memory_space<vmem>>, vector<32xbf16>,
      %add3A_2113 = arith.addf %add3A_2103, %get3A_2112 : vector<32xbf16>
      %get3A_2114 = arith.constant 64 : i32
      %get3A_2115 = arith.index_cast %get3A_2114 : i32 to index
      %get3A_2116 = arith.constant 32 : index
      %get3A_2117 = tpu.vector_load %arg17[%get3A_2115, %get3A_2116] {strides = array<i32>} : memref<80x64xbf16, #tpu.memory_space<vmem>>, vector<32xbf16>,
      %add3A_2118 = arith.addf %add3A_2108, %get3A_2117 : vector<32xbf16>
      %get3A_2119 = arith.constant 65 : i32
      %get3A_2120 = arith.index_cast %get3A_2119 : i32 to index
      %get3A_2121 = arith.constant 0 : index
      %get3A_2122 = tpu.vector_load %arg17[%get3A_2120, %get3A_2121] {strides = array<i32>} : memref<80x64xbf16, #tpu.memory_space<vmem>>, vector<32xbf16>,
      %add3A_2123 = arith.addf %add3A_2113, %get3A_2122 : vector<32xbf16>
      %get3A_2124 = arith.constant 65 : i32
      %get3A_2125 = arith.index_cast %get3A_2124 : i32 to index
      %get3A_2126 = arith.constant 32 : index
      %get3A_2127 = tpu.vector_load %arg17[%get3A_2125, %get3A_2126] {strides = array<i32>} : memref<80x64xbf16, #tpu.memory_space<vmem>>, vector<32xbf16>,
      %add3A_2128 = arith.addf %add3A_2118, %get3A_2127 : vector<32xbf16>
      %get3A_2129 = arith.constant 66 : i32
      %get3A_2130 = arith.index_cast %get3A_2129 : i32 to index
      %get3A_2131 = arith.constant 0 : index
      %get3A_2132 = tpu.vector_load %arg17[%get3A_2130, %get3A_2131] {strides = array<i32>} : memref<80x64xbf16, #tpu.memory_space<vmem>>, vector<32xbf16>,
      %add3A_2133 = arith.addf %add3A_2123, %get3A_2132 : vector<32xbf16>
      %get3A_2134 = arith.constant 66 : i32
      %get3A_2135 = arith.index_cast %get3A_2134 : i32 to index
      %get3A_2136 = arith.constant 32 : index
      %get3A_2137 = tpu.vector_load %arg17[%get3A_2135, %get3A_2136] {strides = array<i32>} : memref<80x64xbf16, #tpu.memory_space<vmem>>, vector<32xbf16>,
      %add3A_2138 = arith.addf %add3A_2128, %get3A_2137 : vector<32xbf16>
      %get3A_2139 = arith.constant 67 : i32
      %get3A_2140 = arith.index_cast %get3A_2139 : i32 to index
      %get3A_2141 = arith.constant 0 : index
      %get3A_2142 = tpu.vector_load %arg17[%get3A_2140, %get3A_2141] {strides = array<i32>} : memref<80x64xbf16, #tpu.memory_space<vmem>>, vector<32xbf16>,
      %add3A_2143 = arith.addf %add3A_2133, %get3A_2142 : vector<32xbf16>
      %get3A_2144 = arith.constant 67 : i32
      %get3A_2145 = arith.index_cast %get3A_2144 : i32 to index
      %get3A_2146 = arith.constant 32 : index
      %get3A_2147 = tpu.vector_load %arg17[%get3A_2145, %get3A_2146] {strides = array<i32>} : memref<80x64xbf16, #tpu.memory_space<vmem>>, vector<32xbf16>,
      %add3A_2148 = arith.addf %add3A_2138, %get3A_2147 : vector<32xbf16>
      %get3A_2149 = arith.constant 68 : i32
      %get3A_2150 = arith.index_cast %get3A_2149 : i32 to index
      %get3A_2151 = arith.constant 0 : index
      %get3A_2152 = tpu.vector_load %arg17[%get3A_2150, %get3A_2151] {strides = array<i32>} : memref<80x64xbf16, #tpu.memory_space<vmem>>, vector<32xbf16>,
      %add3A_2153 = arith.addf %add3A_2143, %get3A_2152 : vector<32xbf16>
      %get3A_2154 = arith.constant 68 : i32
      %get3A_2155 = arith.index_cast %get3A_2154 : i32 to index
      %get3A_2156 = arith.constant 32 : index
      %get3A_2157 = tpu.vector_load %arg17[%get3A_2155, %get3A_2156] {strides = array<i32>} : memref<80x64xbf16, #tpu.memory_space<vmem>>, vector<32xbf16>,
      %add3A_2158 = arith.addf %add3A_2148, %get3A_2157 : vector<32xbf16>
      %get3A_2159 = arith.constant 69 : i32
      %get3A_2160 = arith.index_cast %get3A_2159 : i32 to index
      %get3A_2161 = arith.constant 0 : index
      %get3A_2162 = tpu.vector_load %arg17[%get3A_2160, %get3A_2161] {strides = array<i32>} : memref<80x64xbf16, #tpu.memory_space<vmem>>, vector<32xbf16>,
      %add3A_2163 = arith.addf %add3A_2153, %get3A_2162 : vector<32xbf16>
      %get3A_2164 = arith.constant 69 : i32
      %get3A_2165 = arith.index_cast %get3A_2164 : i32 to index
      %get3A_2166 = arith.constant 32 : index
      %get3A_2167 = tpu.vector_load %arg17[%get3A_2165, %get3A_2166] {strides = array<i32>} : memref<80x64xbf16, #tpu.memory_space<vmem>>, vector<32xbf16>,
      %add3A_2168 = arith.addf %add3A_2158, %get3A_2167 : vector<32xbf16>
      %get3A_2169 = arith.constant 70 : i32
      %get3A_2170 = arith.index_cast %get3A_2169 : i32 to index
      %get3A_2171 = arith.constant 0 : index
      %get3A_2172 = tpu.vector_load %arg17[%get3A_2170, %get3A_2171] {strides = array<i32>} : memref<80x64xbf16, #tpu.memory_space<vmem>>, vector<32xbf16>,
      %add3A_2173 = arith.addf %add3A_2163, %get3A_2172 : vector<32xbf16>
      %get3A_2174 = arith.constant 70 : i32
      %get3A_2175 = arith.index_cast %get3A_2174 : i32 to index
      %get3A_2176 = arith.constant 32 : index
      %get3A_2177 = tpu.vector_load %arg17[%get3A_2175, %get3A_2176] {strides = array<i32>} : memref<80x64xbf16, #tpu.memory_space<vmem>>, vector<32xbf16>,
      %add3A_2178 = arith.addf %add3A_2168, %get3A_2177 : vector<32xbf16>
      %get3A_2179 = arith.constant 71 : i32
      %get3A_2180 = arith.index_cast %get3A_2179 : i32 to index
      %get3A_2181 = arith.constant 0 : index
      %get3A_2182 = tpu.vector_load %arg17[%get3A_2180, %get3A_2181] {strides = array<i32>} : memref<80x64xbf16, #tpu.memory_space<vmem>>, vector<32xbf16>,
      %add3A_2183 = arith.addf %add3A_2173, %get3A_2182 : vector<32xbf16>
      %get3A_2184 = arith.constant 71 : i32
      %get3A_2185 = arith.index_cast %get3A_2184 : i32 to index
      %get3A_2186 = arith.constant 32 : index
      %get3A_2187 = tpu.vector_load %arg17[%get3A_2185, %get3A_2186] {strides = array<i32>} : memref<80x64xbf16, #tpu.memory_space<vmem>>, vector<32xbf16>,
      %add3A_2188 = arith.addf %add3A_2178, %get3A_2187 : vector<32xbf16>
      %get3A_2189 = arith.constant 72 : i32
      %get3A_2190 = arith.index_cast %get3A_2189 : i32 to index
      %get3A_2191 = arith.constant 0 : index
      %get3A_2192 = tpu.vector_load %arg17[%get3A_2190, %get3A_2191] {strides = array<i32>} : memref<80x64xbf16, #tpu.memory_space<vmem>>, vector<32xbf16>,
      %add3A_2193 = arith.addf %add3A_2183, %get3A_2192 : vector<32xbf16>
      %get3A_2194 = arith.constant 72 : i32
      %get3A_2195 = arith.index_cast %get3A_2194 : i32 to index
      %get3A_2196 = arith.constant 32 : index
      %get3A_2197 = tpu.vector_load %arg17[%get3A_2195, %get3A_2196] {strides = array<i32>} : memref<80x64xbf16, #tpu.memory_space<vmem>>, vector<32xbf16>,
      %add3A_2198 = arith.addf %add3A_2188, %get3A_2197 : vector<32xbf16>
      %get3A_2199 = arith.constant 73 : i32
      %get3A_2200 = arith.index_cast %get3A_2199 : i32 to index
      %get3A_2201 = arith.constant 0 : index
      %get3A_2202 = tpu.vector_load %arg17[%get3A_2200, %get3A_2201] {strides = array<i32>} : memref<80x64xbf16, #tpu.memory_space<vmem>>, vector<32xbf16>,
      %add3A_2203 = arith.addf %add3A_2193, %get3A_2202 : vector<32xbf16>
      %get3A_2204 = arith.constant 73 : i32
      %get3A_2205 = arith.index_cast %get3A_2204 : i32 to index
      %get3A_2206 = arith.constant 32 : index
      %get3A_2207 = tpu.vector_load %arg17[%get3A_2205, %get3A_2206] {strides = array<i32>} : memref<80x64xbf16, #tpu.memory_space<vmem>>, vector<32xbf16>,
      %add3A_2208 = arith.addf %add3A_2198, %get3A_2207 : vector<32xbf16>
      %get3A_2209 = arith.constant 74 : i32
      %get3A_2210 = arith.index_cast %get3A_2209 : i32 to index
      %get3A_2211 = arith.constant 0 : index
      %get3A_2212 = tpu.vector_load %arg17[%get3A_2210, %get3A_2211] {strides = array<i32>} : memref<80x64xbf16, #tpu.memory_space<vmem>>, vector<32xbf16>,
      %add3A_2213 = arith.addf %add3A_2203, %get3A_2212 : vector<32xbf16>
      %get3A_2214 = arith.constant 74 : i32
      %get3A_2215 = arith.index_cast %get3A_2214 : i32 to index
      %get3A_2216 = arith.constant 32 : index
      %get3A_2217 = tpu.vector_load %arg17[%get3A_2215, %get3A_2216] {strides = array<i32>} : memref<80x64xbf16, #tpu.memory_space<vmem>>, vector<32xbf16>,
      %add3A_2218 = arith.addf %add3A_2208, %get3A_2217 : vector<32xbf16>
      %get3A_2219 = arith.constant 75 : i32
      %get3A_2220 = arith.index_cast %get3A_2219 : i32 to index
      %get3A_2221 = arith.constant 0 : index
      %get3A_2222 = tpu.vector_load %arg17[%get3A_2220, %get3A_2221] {strides = array<i32>} : memref<80x64xbf16, #tpu.memory_space<vmem>>, vector<32xbf16>,
      %add3A_2223 = arith.addf %add3A_2213, %get3A_2222 : vector<32xbf16>
      %get3A_2224 = arith.constant 75 : i32
      %get3A_2225 = arith.index_cast %get3A_2224 : i32 to index
      %get3A_2226 = arith.constant 32 : index
      %get3A_2227 = tpu.vector_load %arg17[%get3A_2225, %get3A_2226] {strides = array<i32>} : memref<80x64xbf16, #tpu.memory_space<vmem>>, vector<32xbf16>,
      %add3A_2228 = arith.addf %add3A_2218, %get3A_2227 : vector<32xbf16>
      %get3A_2229 = arith.constant 76 : i32
      %get3A_2230 = arith.index_cast %get3A_2229 : i32 to index
      %get3A_2231 = arith.constant 0 : index
      %get3A_2232 = tpu.vector_load %arg17[%get3A_2230, %get3A_2231] {strides = array<i32>} : memref<80x64xbf16, #tpu.memory_space<vmem>>, vector<32xbf16>,
      %add3A_2233 = arith.addf %add3A_2223, %get3A_2232 : vector<32xbf16>
      %get3A_2234 = arith.constant 76 : i32
      %get3A_2235 = arith.index_cast %get3A_2234 : i32 to index
      %get3A_2236 = arith.constant 32 : index
      %get3A_2237 = tpu.vector_load %arg17[%get3A_2235, %get3A_2236] {strides = array<i32>} : memref<80x64xbf16, #tpu.memory_space<vmem>>, vector<32xbf16>,
      %add3A_2238 = arith.addf %add3A_2228, %get3A_2237 : vector<32xbf16>
      %get3A_2239 = arith.constant 77 : i32
      %get3A_2240 = arith.index_cast %get3A_2239 : i32 to index
      %get3A_2241 = arith.constant 0 : index
      %get3A_2242 = tpu.vector_load %arg17[%get3A_2240, %get3A_2241] {strides = array<i32>} : memref<80x64xbf16, #tpu.memory_space<vmem>>, vector<32xbf16>,
      %add3A_2243 = arith.addf %add3A_2233, %get3A_2242 : vector<32xbf16>
      %get3A_2244 = arith.constant 77 : i32
      %get3A_2245 = arith.index_cast %get3A_2244 : i32 to index
      %get3A_2246 = arith.constant 32 : index
      %get3A_2247 = tpu.vector_load %arg17[%get3A_2245, %get3A_2246] {strides = array<i32>} : memref<80x64xbf16, #tpu.memory_space<vmem>>, vector<32xbf16>,
      %add3A_2248 = arith.addf %add3A_2238, %get3A_2247 : vector<32xbf16>
      %get3A_2249 = arith.constant 78 : i32
      %get3A_2250 = arith.index_cast %get3A_2249 : i32 to index
      %get3A_2251 = arith.constant 0 : index
      %get3A_2252 = tpu.vector_load %arg17[%get3A_2250, %get3A_2251] {strides = array<i32>} : memref<80x64xbf16, #tpu.memory_space<vmem>>, vector<32xbf16>,
      %add3A_2253 = arith.addf %add3A_2243, %get3A_2252 : vector<32xbf16>
      %get3A_2254 = arith.constant 78 : i32
      %get3A_2255 = arith.index_cast %get3A_2254 : i32 to index
      %get3A_2256 = arith.constant 32 : index
      %get3A_2257 = tpu.vector_load %arg17[%get3A_2255, %get3A_2256] {strides = array<i32>} : memref<80x64xbf16, #tpu.memory_space<vmem>>, vector<32xbf16>,
      %add3A_2258 = arith.addf %add3A_2248, %get3A_2257 : vector<32xbf16>
      %get3A_2259 = arith.constant 79 : i32
      %get3A_2260 = arith.index_cast %get3A_2259 : i32 to index
      %get3A_2261 = arith.constant 0 : index
      %get3A_2262 = tpu.vector_load %arg17[%get3A_2260, %get3A_2261] {strides = array<i32>} : memref<80x64xbf16, #tpu.memory_space<vmem>>, vector<32xbf16>,
      %add3A_2263 = arith.addf %add3A_2253, %get3A_2262 : vector<32xbf16>
      %get3A_2264 = arith.constant 79 : i32
      %get3A_2265 = arith.index_cast %get3A_2264 : i32 to index
      %get3A_2266 = arith.constant 32 : index
      %get3A_2267 = tpu.vector_load %arg17[%get3A_2265, %get3A_2266] {strides = array<i32>} : memref<80x64xbf16, #tpu.memory_space<vmem>>, vector<32xbf16>,
      %add3A_2268 = arith.addf %add3A_2258, %get3A_2267 : vector<32xbf16>
      %mul3A_2269 = arith.constant 2 : i32
      %mul3A_2270 = arith.muli %add3A_1427, %mul3A_2269 : i32
      %add3A_2271 = arith.constant 1 : i32
      %add3A_2272 = arith.addi %mul3A_2270, %add3A_2271 : i32
      %swap3A_2273 = arith.index_cast %add3A_2272 : i32 to index
      %swap3A_2274 = arith.constant 64 : index
      %swap3A_2275 = tpu.vector_load %arg20[%swap3A_2273, %swap3A_2274] {strides = array<i32>} : memref<512x128xbf16, #tpu.memory_space<vmem>>, vector<32xbf16>,
      tpu.vector_store %arg20[%swap3A_2273, %swap3A_2274], %add3A_2263 {strides = array<i32>} : memref<512x128xbf16, #tpu.memory_space<vmem>>, vector<32xbf16>,
      %swap3A_2276 = arith.index_cast %add3A_2272 : i32 to index
      %swap3A_2277 = arith.constant 96 : index
      %swap3A_2278 = tpu.vector_load %arg20[%swap3A_2276, %swap3A_2277] {strides = array<i32>} : memref<512x128xbf16, #tpu.memory_space<vmem>>, vector<32xbf16>,
      tpu.vector_store %arg20[%swap3A_2276, %swap3A_2277], %add3A_2268 {strides = array<i32>} : memref<512x128xbf16, #tpu.memory_space<vmem>>, vector<32xbf16>,
      %mul3A_2279 = arith.constant 4 : i32
      %mul3A_2280 = arith.muli %scan3A_572, %mul3A_2279 : i32
      %add3A_2281 = arith.constant 2 : i32
      %add3A_2282 = arith.addi %mul3A_2280, %add3A_2281 : i32
      %add3A_2283 = arith.constant 4 : i32
      %add3A_2284 = arith.addi %add3A_2282, %add3A_2283 : i32
      %sub3A_2285 = arith.constant 1 : i32
      %sub3A_2286 = arith.subi %add3A_2284, %sub3A_2285 : i32
      %lt3A_2287 = arith.constant 256 : i32
      %lt3A_2288 = arith.cmpi slt, %sub3A_2286, %lt3A_2287 : i32
      %convert_element_type3A_2289 = arith.extui %lt3A_2288 : i1 to i32
      %cond3A_2290 = arith.constant 0 : i32
      %cond3A_2291 = arith.cmpi ne, %convert_element_type3A_2289, %cond3A_2290 : i32
      scf.if %cond3A_2291 {
        %dma_start3A_3989 = arith.constant 0 : i32
        %dma_start3A_3990 = arith.constant 0 : i32
        %dma_start3A_3991 = tpu.memref_slice %arg5[%dma_start3A_3989, %dma_start3A_3990] : memref<100000x64xbf16, #tpu.memory_space<hbm>> -> memref<100000x64xbf16, #tpu.memory_space<hbm>>
        tpu.enqueue_indirect_dma source(%dma_start3A_3991 : memref<100000x64xbf16, #tpu.memory_space<hbm>>) target(%arg17 : memref<80x64xbf16, #tpu.memory_space<vmem>>) offsets(%arg13 : memref<80xi32, #tpu.memory_space<vmem>>) semaphore(%arg24 : memref<!tpu.dma_semaphore, #tpu.memory_space<semaphore_mem>>)
      } else {
      }
      %dma_wait3A_2292 = arith.constant 0 : i32
      %dma_wait3A_2293 = arith.constant 0 : i32
      %dma_wait3A_2294 = tpu.memref_slice %arg5[%dma_wait3A_2292, %dma_wait3A_2293] : memref<100000x64xbf16, #tpu.memory_space<hbm>> -> memref<100000x64xbf16, #tpu.memory_space<hbm>>
      tpu.wait_indirect_dma semaphore(%arg25 : memref<!tpu.dma_semaphore, #tpu.memory_space<semaphore_mem>>) src(%dma_wait3A_2294 : memref<100000x64xbf16, #tpu.memory_space<hbm>>) dst(%arg18 : memref<80x64xbf16, #tpu.memory_space<vmem>>)
      %add3A_2295 = arith.constant 1 : i32
      %add3A_2296 = arith.addi %sub3A_2286, %add3A_2295 : i32
      %lt3A_2297 = arith.constant 256 : i32
      %lt3A_2298 = arith.cmpi slt, %add3A_2296, %lt3A_2297 : i32
      %convert_element_type3A_2299 = arith.extui %lt3A_2298 : i1 to i32
      %cond3A_2300 = arith.constant 0 : i32
      %cond3A_2301 = arith.cmpi ne, %convert_element_type3A_2299, %cond3A_2300 : i32
      scf.if %cond3A_2301 {
        %add3A_3989 = arith.constant 1 : i32
        %add3A_3990 = arith.addi %sub3A_2286, %add3A_3989 : i32
        %and3A = arith.constant 127 : i32
        %and3A_3991 = arith.andi %add3A_3990, %and3A : i32
        %shift_right_arithmetic3A = arith.constant 7 : i32
        %shift_right_arithmetic3A_3992 = arith.shrsi %add3A_3990, %shift_right_arithmetic3A : i32
        %mul3A_3993 = arith.constant 20 : i32
        %mul3A_3994 = arith.muli %shift_right_arithmetic3A_3992, %mul3A_3993 : i32
        %iota3A_3995 = tpu.iota {dimensions = array<i32: 0>} : vector<16xi32>
        %add3A_3996 = arith.constant 0 : i32
        %add3A_3997 = vector.broadcast %add3A_3996 : i32 to vector<16xi32>
        %add3A_3998 = arith.addi %iota3A_3995, %add3A_3997 : vector<16xi32>
        %mul3A_3999 = arith.constant 3277 : i32
        %mul3A_4000 = vector.broadcast %mul3A_3999 : i32 to vector<16xi32>
        %mul3A_4001 = arith.muli %add3A_3998, %mul3A_4000 : vector<16xi32>
        %shift_right_logical3A_4002 = arith.constant 16 : i32
        %shift_right_logical3A_4003 = vector.broadcast %shift_right_logical3A_4002 : i32 to vector<16xi32>
        %shift_right_logical3A_4004 = arith.shrui %mul3A_4001, %shift_right_logical3A_4003 : vector<16xi32>
        %mul3A_4005 = arith.constant 4 : i32
        %mul3A_4006 = arith.muli %and3A_3991, %mul3A_4005 : i32
        %add3A_4007 = vector.broadcast %mul3A_4006 : i32 to vector<16xi32>
        %add3A_4008 = arith.addi %shift_right_logical3A_4004, %add3A_4007 : vector<16xi32>
        %mul3A_4009 = arith.constant 20 : i32
        %mul3A_4010 = vector.broadcast %mul3A_4009 : i32 to vector<16xi32>
        %mul3A_4011 = arith.muli %shift_right_logical3A_4004, %mul3A_4010 : vector<16xi32>
        %sub3A_4012 = arith.subi %add3A_3998, %mul3A_4011 : vector<16xi32>
        %add3A_4013 = vector.broadcast %mul3A_3994 : i32 to vector<16xi32>
        %add3A_4014 = arith.addi %sub3A_4012, %add3A_4013 : vector<16xi32>
        %gather3A_4015 = tpu.vector_load_idx %arg8[%add3A_4008, %add3A_4014] : memref<512x128xi32, #tpu.memory_space<vmem>>[vector<16xi32>, vector<16xi32>], vector<16xi32>,
        %swap3A_4016 = arith.constant 0 : index
        %swap3A_4017 = tpu.vector_load %arg14[%swap3A_4016] {strides = array<i32>} : memref<80xi32, #tpu.memory_space<vmem>>, vector<16xi32>,
        tpu.vector_store %arg14[%swap3A_4016], %gather3A_4015 {strides = array<i32>} : memref<80xi32, #tpu.memory_space<vmem>>, vector<16xi32>,
        %iota3A_4018 = tpu.iota {dimensions = array<i32: 0>} : vector<16xi32>
        %add3A_4019 = arith.constant 16 : i32
        %add3A_4020 = vector.broadcast %add3A_4019 : i32 to vector<16xi32>
        %add3A_4021 = arith.addi %iota3A_4018, %add3A_4020 : vector<16xi32>
        %mul3A_4022 = arith.constant 3277 : i32
        %mul3A_4023 = vector.broadcast %mul3A_4022 : i32 to vector<16xi32>
        %mul3A_4024 = arith.muli %add3A_4021, %mul3A_4023 : vector<16xi32>
        %shift_right_logical3A_4025 = arith.constant 16 : i32
        %shift_right_logical3A_4026 = vector.broadcast %shift_right_logical3A_4025 : i32 to vector<16xi32>
        %shift_right_logical3A_4027 = arith.shrui %mul3A_4024, %shift_right_logical3A_4026 : vector<16xi32>
        %mul3A_4028 = arith.constant 4 : i32
        %mul3A_4029 = arith.muli %and3A_3991, %mul3A_4028 : i32
        %add3A_4030 = vector.broadcast %mul3A_4029 : i32 to vector<16xi32>
        %add3A_4031 = arith.addi %shift_right_logical3A_4027, %add3A_4030 : vector<16xi32>
        %mul3A_4032 = arith.constant 20 : i32
        %mul3A_4033 = vector.broadcast %mul3A_4032 : i32 to vector<16xi32>
        %mul3A_4034 = arith.muli %shift_right_logical3A_4027, %mul3A_4033 : vector<16xi32>
        %sub3A_4035 = arith.subi %add3A_4021, %mul3A_4034 : vector<16xi32>
        %add3A_4036 = vector.broadcast %mul3A_3994 : i32 to vector<16xi32>
        %add3A_4037 = arith.addi %sub3A_4035, %add3A_4036 : vector<16xi32>
        %gather3A_4038 = tpu.vector_load_idx %arg8[%add3A_4031, %add3A_4037] : memref<512x128xi32, #tpu.memory_space<vmem>>[vector<16xi32>, vector<16xi32>], vector<16xi32>,
        %swap3A_4039 = arith.constant 16 : index
        %swap3A_4040 = tpu.vector_load %arg14[%swap3A_4039] {strides = array<i32>} : memref<80xi32, #tpu.memory_space<vmem>>, vector<16xi32>,
        tpu.vector_store %arg14[%swap3A_4039], %gather3A_4038 {strides = array<i32>} : memref<80xi32, #tpu.memory_space<vmem>>, vector<16xi32>,
        %iota3A_4041 = tpu.iota {dimensions = array<i32: 0>} : vector<16xi32>
        %add3A_4042 = arith.constant 32 : i32
        %add3A_4043 = vector.broadcast %add3A_4042 : i32 to vector<16xi32>
        %add3A_4044 = arith.addi %iota3A_4041, %add3A_4043 : vector<16xi32>
        %mul3A_4045 = arith.constant 3277 : i32
        %mul3A_4046 = vector.broadcast %mul3A_4045 : i32 to vector<16xi32>
        %mul3A_4047 = arith.muli %add3A_4044, %mul3A_4046 : vector<16xi32>
        %shift_right_logical3A_4048 = arith.constant 16 : i32
        %shift_right_logical3A_4049 = vector.broadcast %shift_right_logical3A_4048 : i32 to vector<16xi32>
        %shift_right_logical3A_4050 = arith.shrui %mul3A_4047, %shift_right_logical3A_4049 : vector<16xi32>
        %mul3A_4051 = arith.constant 4 : i32
        %mul3A_4052 = arith.muli %and3A_3991, %mul3A_4051 : i32
        %add3A_4053 = vector.broadcast %mul3A_4052 : i32 to vector<16xi32>
        %add3A_4054 = arith.addi %shift_right_logical3A_4050, %add3A_4053 : vector<16xi32>
        %mul3A_4055 = arith.constant 20 : i32
        %mul3A_4056 = vector.broadcast %mul3A_4055 : i32 to vector<16xi32>
        %mul3A_4057 = arith.muli %shift_right_logical3A_4050, %mul3A_4056 : vector<16xi32>
        %sub3A_4058 = arith.subi %add3A_4044, %mul3A_4057 : vector<16xi32>
        %add3A_4059 = vector.broadcast %mul3A_3994 : i32 to vector<16xi32>
        %add3A_4060 = arith.addi %sub3A_4058, %add3A_4059 : vector<16xi32>
        %gather3A_4061 = tpu.vector_load_idx %arg8[%add3A_4054, %add3A_4060] : memref<512x128xi32, #tpu.memory_space<vmem>>[vector<16xi32>, vector<16xi32>], vector<16xi32>,
        %swap3A_4062 = arith.constant 32 : index
        %swap3A_4063 = tpu.vector_load %arg14[%swap3A_4062] {strides = array<i32>} : memref<80xi32, #tpu.memory_space<vmem>>, vector<16xi32>,
        tpu.vector_store %arg14[%swap3A_4062], %gather3A_4061 {strides = array<i32>} : memref<80xi32, #tpu.memory_space<vmem>>, vector<16xi32>,
        %iota3A_4064 = tpu.iota {dimensions = array<i32: 0>} : vector<16xi32>
        %add3A_4065 = arith.constant 48 : i32
        %add3A_4066 = vector.broadcast %add3A_4065 : i32 to vector<16xi32>
        %add3A_4067 = arith.addi %iota3A_4064, %add3A_4066 : vector<16xi32>
        %mul3A_4068 = arith.constant 3277 : i32
        %mul3A_4069 = vector.broadcast %mul3A_4068 : i32 to vector<16xi32>
        %mul3A_4070 = arith.muli %add3A_4067, %mul3A_4069 : vector<16xi32>
        %shift_right_logical3A_4071 = arith.constant 16 : i32
        %shift_right_logical3A_4072 = vector.broadcast %shift_right_logical3A_4071 : i32 to vector<16xi32>
        %shift_right_logical3A_4073 = arith.shrui %mul3A_4070, %shift_right_logical3A_4072 : vector<16xi32>
        %mul3A_4074 = arith.constant 4 : i32
        %mul3A_4075 = arith.muli %and3A_3991, %mul3A_4074 : i32
        %add3A_4076 = vector.broadcast %mul3A_4075 : i32 to vector<16xi32>
        %add3A_4077 = arith.addi %shift_right_logical3A_4073, %add3A_4076 : vector<16xi32>
        %mul3A_4078 = arith.constant 20 : i32
        %mul3A_4079 = vector.broadcast %mul3A_4078 : i32 to vector<16xi32>
        %mul3A_4080 = arith.muli %shift_right_logical3A_4073, %mul3A_4079 : vector<16xi32>
        %sub3A_4081 = arith.subi %add3A_4067, %mul3A_4080 : vector<16xi32>
        %add3A_4082 = vector.broadcast %mul3A_3994 : i32 to vector<16xi32>
        %add3A_4083 = arith.addi %sub3A_4081, %add3A_4082 : vector<16xi32>
        %gather3A_4084 = tpu.vector_load_idx %arg8[%add3A_4077, %add3A_4083] : memref<512x128xi32, #tpu.memory_space<vmem>>[vector<16xi32>, vector<16xi32>], vector<16xi32>,
        %swap3A_4085 = arith.constant 48 : index
        %swap3A_4086 = tpu.vector_load %arg14[%swap3A_4085] {strides = array<i32>} : memref<80xi32, #tpu.memory_space<vmem>>, vector<16xi32>,
        tpu.vector_store %arg14[%swap3A_4085], %gather3A_4084 {strides = array<i32>} : memref<80xi32, #tpu.memory_space<vmem>>, vector<16xi32>,
        %iota3A_4087 = tpu.iota {dimensions = array<i32: 0>} : vector<16xi32>
        %add3A_4088 = arith.constant 64 : i32
        %add3A_4089 = vector.broadcast %add3A_4088 : i32 to vector<16xi32>
        %add3A_4090 = arith.addi %iota3A_4087, %add3A_4089 : vector<16xi32>
        %mul3A_4091 = arith.constant 3277 : i32
        %mul3A_4092 = vector.broadcast %mul3A_4091 : i32 to vector<16xi32>
        %mul3A_4093 = arith.muli %add3A_4090, %mul3A_4092 : vector<16xi32>
        %shift_right_logical3A_4094 = arith.constant 16 : i32
        %shift_right_logical3A_4095 = vector.broadcast %shift_right_logical3A_4094 : i32 to vector<16xi32>
        %shift_right_logical3A_4096 = arith.shrui %mul3A_4093, %shift_right_logical3A_4095 : vector<16xi32>
        %mul3A_4097 = arith.constant 4 : i32
        %mul3A_4098 = arith.muli %and3A_3991, %mul3A_4097 : i32
        %add3A_4099 = vector.broadcast %mul3A_4098 : i32 to vector<16xi32>
        %add3A_4100 = arith.addi %shift_right_logical3A_4096, %add3A_4099 : vector<16xi32>
        %mul3A_4101 = arith.constant 20 : i32
        %mul3A_4102 = vector.broadcast %mul3A_4101 : i32 to vector<16xi32>
        %mul3A_4103 = arith.muli %shift_right_logical3A_4096, %mul3A_4102 : vector<16xi32>
        %sub3A_4104 = arith.subi %add3A_4090, %mul3A_4103 : vector<16xi32>
        %add3A_4105 = vector.broadcast %mul3A_3994 : i32 to vector<16xi32>
        %add3A_4106 = arith.addi %sub3A_4104, %add3A_4105 : vector<16xi32>
        %gather3A_4107 = tpu.vector_load_idx %arg8[%add3A_4100, %add3A_4106] : memref<512x128xi32, #tpu.memory_space<vmem>>[vector<16xi32>, vector<16xi32>], vector<16xi32>,
        %swap3A_4108 = arith.constant 64 : index
        %swap3A_4109 = tpu.vector_load %arg14[%swap3A_4108] {strides = array<i32>} : memref<80xi32, #tpu.memory_space<vmem>>, vector<16xi32>,
        tpu.vector_store %arg14[%swap3A_4108], %gather3A_4107 {strides = array<i32>} : memref<80xi32, #tpu.memory_space<vmem>>, vector<16xi32>,
      } else {
      }
      %get3A_2302 = arith.constant 0 : i32
      %get3A_2303 = arith.index_cast %get3A_2302 : i32 to index
      %get3A_2304 = arith.constant 0 : index
      %get3A_2305 = tpu.vector_load %arg18[%get3A_2303, %get3A_2304] {strides = array<i32>} : memref<80x64xbf16, #tpu.memory_space<vmem>>, vector<32xbf16>,
      %get3A_2306 = arith.constant 0 : i32
      %get3A_2307 = arith.index_cast %get3A_2306 : i32 to index
      %get3A_2308 = arith.constant 32 : index
      %get3A_2309 = tpu.vector_load %arg18[%get3A_2307, %get3A_2308] {strides = array<i32>} : memref<80x64xbf16, #tpu.memory_space<vmem>>, vector<32xbf16>,
      %get3A_2310 = arith.constant 1 : i32
      %get3A_2311 = arith.index_cast %get3A_2310 : i32 to index
      %get3A_2312 = arith.constant 0 : index
      %get3A_2313 = tpu.vector_load %arg18[%get3A_2311, %get3A_2312] {strides = array<i32>} : memref<80x64xbf16, #tpu.memory_space<vmem>>, vector<32xbf16>,
      %add3A_2314 = arith.addf %get3A_2305, %get3A_2313 : vector<32xbf16>
      %get3A_2315 = arith.constant 1 : i32
      %get3A_2316 = arith.index_cast %get3A_2315 : i32 to index
      %get3A_2317 = arith.constant 32 : index
      %get3A_2318 = tpu.vector_load %arg18[%get3A_2316, %get3A_2317] {strides = array<i32>} : memref<80x64xbf16, #tpu.memory_space<vmem>>, vector<32xbf16>,
      %add3A_2319 = arith.addf %get3A_2309, %get3A_2318 : vector<32xbf16>
      %get3A_2320 = arith.constant 2 : i32
      %get3A_2321 = arith.index_cast %get3A_2320 : i32 to index
      %get3A_2322 = arith.constant 0 : index
      %get3A_2323 = tpu.vector_load %arg18[%get3A_2321, %get3A_2322] {strides = array<i32>} : memref<80x64xbf16, #tpu.memory_space<vmem>>, vector<32xbf16>,
      %add3A_2324 = arith.addf %add3A_2314, %get3A_2323 : vector<32xbf16>
      %get3A_2325 = arith.constant 2 : i32
      %get3A_2326 = arith.index_cast %get3A_2325 : i32 to index
      %get3A_2327 = arith.constant 32 : index
      %get3A_2328 = tpu.vector_load %arg18[%get3A_2326, %get3A_2327] {strides = array<i32>} : memref<80x64xbf16, #tpu.memory_space<vmem>>, vector<32xbf16>,
      %add3A_2329 = arith.addf %add3A_2319, %get3A_2328 : vector<32xbf16>
      %get3A_2330 = arith.constant 3 : i32
      %get3A_2331 = arith.index_cast %get3A_2330 : i32 to index
      %get3A_2332 = arith.constant 0 : index
      %get3A_2333 = tpu.vector_load %arg18[%get3A_2331, %get3A_2332] {strides = array<i32>} : memref<80x64xbf16, #tpu.memory_space<vmem>>, vector<32xbf16>,
      %add3A_2334 = arith.addf %add3A_2324, %get3A_2333 : vector<32xbf16>
      %get3A_2335 = arith.constant 3 : i32
      %get3A_2336 = arith.index_cast %get3A_2335 : i32 to index
      %get3A_2337 = arith.constant 32 : index
      %get3A_2338 = tpu.vector_load %arg18[%get3A_2336, %get3A_2337] {strides = array<i32>} : memref<80x64xbf16, #tpu.memory_space<vmem>>, vector<32xbf16>,
      %add3A_2339 = arith.addf %add3A_2329, %get3A_2338 : vector<32xbf16>
      %get3A_2340 = arith.constant 4 : i32
      %get3A_2341 = arith.index_cast %get3A_2340 : i32 to index
      %get3A_2342 = arith.constant 0 : index
      %get3A_2343 = tpu.vector_load %arg18[%get3A_2341, %get3A_2342] {strides = array<i32>} : memref<80x64xbf16, #tpu.memory_space<vmem>>, vector<32xbf16>,
      %add3A_2344 = arith.addf %add3A_2334, %get3A_2343 : vector<32xbf16>
      %get3A_2345 = arith.constant 4 : i32
      %get3A_2346 = arith.index_cast %get3A_2345 : i32 to index
      %get3A_2347 = arith.constant 32 : index
      %get3A_2348 = tpu.vector_load %arg18[%get3A_2346, %get3A_2347] {strides = array<i32>} : memref<80x64xbf16, #tpu.memory_space<vmem>>, vector<32xbf16>,
      %add3A_2349 = arith.addf %add3A_2339, %get3A_2348 : vector<32xbf16>
      %get3A_2350 = arith.constant 5 : i32
      %get3A_2351 = arith.index_cast %get3A_2350 : i32 to index
      %get3A_2352 = arith.constant 0 : index
      %get3A_2353 = tpu.vector_load %arg18[%get3A_2351, %get3A_2352] {strides = array<i32>} : memref<80x64xbf16, #tpu.memory_space<vmem>>, vector<32xbf16>,
      %add3A_2354 = arith.addf %add3A_2344, %get3A_2353 : vector<32xbf16>
      %get3A_2355 = arith.constant 5 : i32
      %get3A_2356 = arith.index_cast %get3A_2355 : i32 to index
      %get3A_2357 = arith.constant 32 : index
      %get3A_2358 = tpu.vector_load %arg18[%get3A_2356, %get3A_2357] {strides = array<i32>} : memref<80x64xbf16, #tpu.memory_space<vmem>>, vector<32xbf16>,
      %add3A_2359 = arith.addf %add3A_2349, %get3A_2358 : vector<32xbf16>
      %get3A_2360 = arith.constant 6 : i32
      %get3A_2361 = arith.index_cast %get3A_2360 : i32 to index
      %get3A_2362 = arith.constant 0 : index
      %get3A_2363 = tpu.vector_load %arg18[%get3A_2361, %get3A_2362] {strides = array<i32>} : memref<80x64xbf16, #tpu.memory_space<vmem>>, vector<32xbf16>,
      %add3A_2364 = arith.addf %add3A_2354, %get3A_2363 : vector<32xbf16>
      %get3A_2365 = arith.constant 6 : i32
      %get3A_2366 = arith.index_cast %get3A_2365 : i32 to index
      %get3A_2367 = arith.constant 32 : index
      %get3A_2368 = tpu.vector_load %arg18[%get3A_2366, %get3A_2367] {strides = array<i32>} : memref<80x64xbf16, #tpu.memory_space<vmem>>, vector<32xbf16>,
      %add3A_2369 = arith.addf %add3A_2359, %get3A_2368 : vector<32xbf16>
      %get3A_2370 = arith.constant 7 : i32
      %get3A_2371 = arith.index_cast %get3A_2370 : i32 to index
      %get3A_2372 = arith.constant 0 : index
      %get3A_2373 = tpu.vector_load %arg18[%get3A_2371, %get3A_2372] {strides = array<i32>} : memref<80x64xbf16, #tpu.memory_space<vmem>>, vector<32xbf16>,
      %add3A_2374 = arith.addf %add3A_2364, %get3A_2373 : vector<32xbf16>
      %get3A_2375 = arith.constant 7 : i32
      %get3A_2376 = arith.index_cast %get3A_2375 : i32 to index
      %get3A_2377 = arith.constant 32 : index
      %get3A_2378 = tpu.vector_load %arg18[%get3A_2376, %get3A_2377] {strides = array<i32>} : memref<80x64xbf16, #tpu.memory_space<vmem>>, vector<32xbf16>,
      %add3A_2379 = arith.addf %add3A_2369, %get3A_2378 : vector<32xbf16>
      %get3A_2380 = arith.constant 8 : i32
      %get3A_2381 = arith.index_cast %get3A_2380 : i32 to index
      %get3A_2382 = arith.constant 0 : index
      %get3A_2383 = tpu.vector_load %arg18[%get3A_2381, %get3A_2382] {strides = array<i32>} : memref<80x64xbf16, #tpu.memory_space<vmem>>, vector<32xbf16>,
      %add3A_2384 = arith.addf %add3A_2374, %get3A_2383 : vector<32xbf16>
      %get3A_2385 = arith.constant 8 : i32
      %get3A_2386 = arith.index_cast %get3A_2385 : i32 to index
      %get3A_2387 = arith.constant 32 : index
      %get3A_2388 = tpu.vector_load %arg18[%get3A_2386, %get3A_2387] {strides = array<i32>} : memref<80x64xbf16, #tpu.memory_space<vmem>>, vector<32xbf16>,
      %add3A_2389 = arith.addf %add3A_2379, %get3A_2388 : vector<32xbf16>
      %get3A_2390 = arith.constant 9 : i32
      %get3A_2391 = arith.index_cast %get3A_2390 : i32 to index
      %get3A_2392 = arith.constant 0 : index
      %get3A_2393 = tpu.vector_load %arg18[%get3A_2391, %get3A_2392] {strides = array<i32>} : memref<80x64xbf16, #tpu.memory_space<vmem>>, vector<32xbf16>,
      %add3A_2394 = arith.addf %add3A_2384, %get3A_2393 : vector<32xbf16>
      %get3A_2395 = arith.constant 9 : i32
      %get3A_2396 = arith.index_cast %get3A_2395 : i32 to index
      %get3A_2397 = arith.constant 32 : index
      %get3A_2398 = tpu.vector_load %arg18[%get3A_2396, %get3A_2397] {strides = array<i32>} : memref<80x64xbf16, #tpu.memory_space<vmem>>, vector<32xbf16>,
      %add3A_2399 = arith.addf %add3A_2389, %get3A_2398 : vector<32xbf16>
      %get3A_2400 = arith.constant 10 : i32
      %get3A_2401 = arith.index_cast %get3A_2400 : i32 to index
      %get3A_2402 = arith.constant 0 : index
      %get3A_2403 = tpu.vector_load %arg18[%get3A_2401, %get3A_2402] {strides = array<i32>} : memref<80x64xbf16, #tpu.memory_space<vmem>>, vector<32xbf16>,
      %add3A_2404 = arith.addf %add3A_2394, %get3A_2403 : vector<32xbf16>
      %get3A_2405 = arith.constant 10 : i32
      %get3A_2406 = arith.index_cast %get3A_2405 : i32 to index
      %get3A_2407 = arith.constant 32 : index
      %get3A_2408 = tpu.vector_load %arg18[%get3A_2406, %get3A_2407] {strides = array<i32>} : memref<80x64xbf16, #tpu.memory_space<vmem>>, vector<32xbf16>,
      %add3A_2409 = arith.addf %add3A_2399, %get3A_2408 : vector<32xbf16>
      %get3A_2410 = arith.constant 11 : i32
      %get3A_2411 = arith.index_cast %get3A_2410 : i32 to index
      %get3A_2412 = arith.constant 0 : index
      %get3A_2413 = tpu.vector_load %arg18[%get3A_2411, %get3A_2412] {strides = array<i32>} : memref<80x64xbf16, #tpu.memory_space<vmem>>, vector<32xbf16>,
      %add3A_2414 = arith.addf %add3A_2404, %get3A_2413 : vector<32xbf16>
      %get3A_2415 = arith.constant 11 : i32
      %get3A_2416 = arith.index_cast %get3A_2415 : i32 to index
      %get3A_2417 = arith.constant 32 : index
      %get3A_2418 = tpu.vector_load %arg18[%get3A_2416, %get3A_2417] {strides = array<i32>} : memref<80x64xbf16, #tpu.memory_space<vmem>>, vector<32xbf16>,
      %add3A_2419 = arith.addf %add3A_2409, %get3A_2418 : vector<32xbf16>
      %get3A_2420 = arith.constant 12 : i32
      %get3A_2421 = arith.index_cast %get3A_2420 : i32 to index
      %get3A_2422 = arith.constant 0 : index
      %get3A_2423 = tpu.vector_load %arg18[%get3A_2421, %get3A_2422] {strides = array<i32>} : memref<80x64xbf16, #tpu.memory_space<vmem>>, vector<32xbf16>,
      %add3A_2424 = arith.addf %add3A_2414, %get3A_2423 : vector<32xbf16>
      %get3A_2425 = arith.constant 12 : i32
      %get3A_2426 = arith.index_cast %get3A_2425 : i32 to index
      %get3A_2427 = arith.constant 32 : index
      %get3A_2428 = tpu.vector_load %arg18[%get3A_2426, %get3A_2427] {strides = array<i32>} : memref<80x64xbf16, #tpu.memory_space<vmem>>, vector<32xbf16>,
      %add3A_2429 = arith.addf %add3A_2419, %get3A_2428 : vector<32xbf16>
      %get3A_2430 = arith.constant 13 : i32
      %get3A_2431 = arith.index_cast %get3A_2430 : i32 to index
      %get3A_2432 = arith.constant 0 : index
      %get3A_2433 = tpu.vector_load %arg18[%get3A_2431, %get3A_2432] {strides = array<i32>} : memref<80x64xbf16, #tpu.memory_space<vmem>>, vector<32xbf16>,
      %add3A_2434 = arith.addf %add3A_2424, %get3A_2433 : vector<32xbf16>
      %get3A_2435 = arith.constant 13 : i32
      %get3A_2436 = arith.index_cast %get3A_2435 : i32 to index
      %get3A_2437 = arith.constant 32 : index
      %get3A_2438 = tpu.vector_load %arg18[%get3A_2436, %get3A_2437] {strides = array<i32>} : memref<80x64xbf16, #tpu.memory_space<vmem>>, vector<32xbf16>,
      %add3A_2439 = arith.addf %add3A_2429, %get3A_2438 : vector<32xbf16>
      %get3A_2440 = arith.constant 14 : i32
      %get3A_2441 = arith.index_cast %get3A_2440 : i32 to index
      %get3A_2442 = arith.constant 0 : index
      %get3A_2443 = tpu.vector_load %arg18[%get3A_2441, %get3A_2442] {strides = array<i32>} : memref<80x64xbf16, #tpu.memory_space<vmem>>, vector<32xbf16>,
      %add3A_2444 = arith.addf %add3A_2434, %get3A_2443 : vector<32xbf16>
      %get3A_2445 = arith.constant 14 : i32
      %get3A_2446 = arith.index_cast %get3A_2445 : i32 to index
      %get3A_2447 = arith.constant 32 : index
      %get3A_2448 = tpu.vector_load %arg18[%get3A_2446, %get3A_2447] {strides = array<i32>} : memref<80x64xbf16, #tpu.memory_space<vmem>>, vector<32xbf16>,
      %add3A_2449 = arith.addf %add3A_2439, %get3A_2448 : vector<32xbf16>
      %get3A_2450 = arith.constant 15 : i32
      %get3A_2451 = arith.index_cast %get3A_2450 : i32 to index
      %get3A_2452 = arith.constant 0 : index
      %get3A_2453 = tpu.vector_load %arg18[%get3A_2451, %get3A_2452] {strides = array<i32>} : memref<80x64xbf16, #tpu.memory_space<vmem>>, vector<32xbf16>,
      %add3A_2454 = arith.addf %add3A_2444, %get3A_2453 : vector<32xbf16>
      %get3A_2455 = arith.constant 15 : i32
      %get3A_2456 = arith.index_cast %get3A_2455 : i32 to index
      %get3A_2457 = arith.constant 32 : index
      %get3A_2458 = tpu.vector_load %arg18[%get3A_2456, %get3A_2457] {strides = array<i32>} : memref<80x64xbf16, #tpu.memory_space<vmem>>, vector<32xbf16>,
      %add3A_2459 = arith.addf %add3A_2449, %get3A_2458 : vector<32xbf16>
      %get3A_2460 = arith.constant 16 : i32
      %get3A_2461 = arith.index_cast %get3A_2460 : i32 to index
      %get3A_2462 = arith.constant 0 : index
      %get3A_2463 = tpu.vector_load %arg18[%get3A_2461, %get3A_2462] {strides = array<i32>} : memref<80x64xbf16, #tpu.memory_space<vmem>>, vector<32xbf16>,
      %add3A_2464 = arith.addf %add3A_2454, %get3A_2463 : vector<32xbf16>
      %get3A_2465 = arith.constant 16 : i32
      %get3A_2466 = arith.index_cast %get3A_2465 : i32 to index
      %get3A_2467 = arith.constant 32 : index
      %get3A_2468 = tpu.vector_load %arg18[%get3A_2466, %get3A_2467] {strides = array<i32>} : memref<80x64xbf16, #tpu.memory_space<vmem>>, vector<32xbf16>,
      %add3A_2469 = arith.addf %add3A_2459, %get3A_2468 : vector<32xbf16>
      %get3A_2470 = arith.constant 17 : i32
      %get3A_2471 = arith.index_cast %get3A_2470 : i32 to index
      %get3A_2472 = arith.constant 0 : index
      %get3A_2473 = tpu.vector_load %arg18[%get3A_2471, %get3A_2472] {strides = array<i32>} : memref<80x64xbf16, #tpu.memory_space<vmem>>, vector<32xbf16>,
      %add3A_2474 = arith.addf %add3A_2464, %get3A_2473 : vector<32xbf16>
      %get3A_2475 = arith.constant 17 : i32
      %get3A_2476 = arith.index_cast %get3A_2475 : i32 to index
      %get3A_2477 = arith.constant 32 : index
      %get3A_2478 = tpu.vector_load %arg18[%get3A_2476, %get3A_2477] {strides = array<i32>} : memref<80x64xbf16, #tpu.memory_space<vmem>>, vector<32xbf16>,
      %add3A_2479 = arith.addf %add3A_2469, %get3A_2478 : vector<32xbf16>
      %get3A_2480 = arith.constant 18 : i32
      %get3A_2481 = arith.index_cast %get3A_2480 : i32 to index
      %get3A_2482 = arith.constant 0 : index
      %get3A_2483 = tpu.vector_load %arg18[%get3A_2481, %get3A_2482] {strides = array<i32>} : memref<80x64xbf16, #tpu.memory_space<vmem>>, vector<32xbf16>,
      %add3A_2484 = arith.addf %add3A_2474, %get3A_2483 : vector<32xbf16>
      %get3A_2485 = arith.constant 18 : i32
      %get3A_2486 = arith.index_cast %get3A_2485 : i32 to index
      %get3A_2487 = arith.constant 32 : index
      %get3A_2488 = tpu.vector_load %arg18[%get3A_2486, %get3A_2487] {strides = array<i32>} : memref<80x64xbf16, #tpu.memory_space<vmem>>, vector<32xbf16>,
      %add3A_2489 = arith.addf %add3A_2479, %get3A_2488 : vector<32xbf16>
      %get3A_2490 = arith.constant 19 : i32
      %get3A_2491 = arith.index_cast %get3A_2490 : i32 to index
      %get3A_2492 = arith.constant 0 : index
      %get3A_2493 = tpu.vector_load %arg18[%get3A_2491, %get3A_2492] {strides = array<i32>} : memref<80x64xbf16, #tpu.memory_space<vmem>>, vector<32xbf16>,
      %add3A_2494 = arith.addf %add3A_2484, %get3A_2493 : vector<32xbf16>
      %get3A_2495 = arith.constant 19 : i32
      %get3A_2496 = arith.index_cast %get3A_2495 : i32 to index
      %get3A_2497 = arith.constant 32 : index
      %get3A_2498 = tpu.vector_load %arg18[%get3A_2496, %get3A_2497] {strides = array<i32>} : memref<80x64xbf16, #tpu.memory_space<vmem>>, vector<32xbf16>,
      %add3A_2499 = arith.addf %add3A_2489, %get3A_2498 : vector<32xbf16>
      %mul3A_2500 = arith.constant 2 : i32
      %mul3A_2501 = arith.muli %add3A_2282, %mul3A_2500 : i32
      %add3A_2502 = arith.constant 0 : i32
      %add3A_2503 = arith.addi %mul3A_2501, %add3A_2502 : i32
      %swap3A_2504 = arith.index_cast %add3A_2503 : i32 to index
      %swap3A_2505 = arith.constant 0 : index
      %swap3A_2506 = tpu.vector_load %arg20[%swap3A_2504, %swap3A_2505] {strides = array<i32>} : memref<512x128xbf16, #tpu.memory_space<vmem>>, vector<32xbf16>,
      tpu.vector_store %arg20[%swap3A_2504, %swap3A_2505], %add3A_2494 {strides = array<i32>} : memref<512x128xbf16, #tpu.memory_space<vmem>>, vector<32xbf16>,
      %swap3A_2507 = arith.index_cast %add3A_2503 : i32 to index
      %swap3A_2508 = arith.constant 32 : index
      %swap3A_2509 = tpu.vector_load %arg20[%swap3A_2507, %swap3A_2508] {strides = array<i32>} : memref<512x128xbf16, #tpu.memory_space<vmem>>, vector<32xbf16>,
      tpu.vector_store %arg20[%swap3A_2507, %swap3A_2508], %add3A_2499 {strides = array<i32>} : memref<512x128xbf16, #tpu.memory_space<vmem>>, vector<32xbf16>,
      %get3A_2510 = arith.constant 20 : i32
      %get3A_2511 = arith.index_cast %get3A_2510 : i32 to index
      %get3A_2512 = arith.constant 0 : index
      %get3A_2513 = tpu.vector_load %arg18[%get3A_2511, %get3A_2512] {strides = array<i32>} : memref<80x64xbf16, #tpu.memory_space<vmem>>, vector<32xbf16>,
      %get3A_2514 = arith.constant 20 : i32
      %get3A_2515 = arith.index_cast %get3A_2514 : i32 to index
      %get3A_2516 = arith.constant 32 : index
      %get3A_2517 = tpu.vector_load %arg18[%get3A_2515, %get3A_2516] {strides = array<i32>} : memref<80x64xbf16, #tpu.memory_space<vmem>>, vector<32xbf16>,
      %get3A_2518 = arith.constant 21 : i32
      %get3A_2519 = arith.index_cast %get3A_2518 : i32 to index
      %get3A_2520 = arith.constant 0 : index
      %get3A_2521 = tpu.vector_load %arg18[%get3A_2519, %get3A_2520] {strides = array<i32>} : memref<80x64xbf16, #tpu.memory_space<vmem>>, vector<32xbf16>,
      %add3A_2522 = arith.addf %get3A_2513, %get3A_2521 : vector<32xbf16>
      %get3A_2523 = arith.constant 21 : i32
      %get3A_2524 = arith.index_cast %get3A_2523 : i32 to index
      %get3A_2525 = arith.constant 32 : index
      %get3A_2526 = tpu.vector_load %arg18[%get3A_2524, %get3A_2525] {strides = array<i32>} : memref<80x64xbf16, #tpu.memory_space<vmem>>, vector<32xbf16>,
      %add3A_2527 = arith.addf %get3A_2517, %get3A_2526 : vector<32xbf16>
      %get3A_2528 = arith.constant 22 : i32
      %get3A_2529 = arith.index_cast %get3A_2528 : i32 to index
      %get3A_2530 = arith.constant 0 : index
      %get3A_2531 = tpu.vector_load %arg18[%get3A_2529, %get3A_2530] {strides = array<i32>} : memref<80x64xbf16, #tpu.memory_space<vmem>>, vector<32xbf16>,
      %add3A_2532 = arith.addf %add3A_2522, %get3A_2531 : vector<32xbf16>
      %get3A_2533 = arith.constant 22 : i32
      %get3A_2534 = arith.index_cast %get3A_2533 : i32 to index
      %get3A_2535 = arith.constant 32 : index
      %get3A_2536 = tpu.vector_load %arg18[%get3A_2534, %get3A_2535] {strides = array<i32>} : memref<80x64xbf16, #tpu.memory_space<vmem>>, vector<32xbf16>,
      %add3A_2537 = arith.addf %add3A_2527, %get3A_2536 : vector<32xbf16>
      %get3A_2538 = arith.constant 23 : i32
      %get3A_2539 = arith.index_cast %get3A_2538 : i32 to index
      %get3A_2540 = arith.constant 0 : index
      %get3A_2541 = tpu.vector_load %arg18[%get3A_2539, %get3A_2540] {strides = array<i32>} : memref<80x64xbf16, #tpu.memory_space<vmem>>, vector<32xbf16>,
      %add3A_2542 = arith.addf %add3A_2532, %get3A_2541 : vector<32xbf16>
      %get3A_2543 = arith.constant 23 : i32
      %get3A_2544 = arith.index_cast %get3A_2543 : i32 to index
      %get3A_2545 = arith.constant 32 : index
      %get3A_2546 = tpu.vector_load %arg18[%get3A_2544, %get3A_2545] {strides = array<i32>} : memref<80x64xbf16, #tpu.memory_space<vmem>>, vector<32xbf16>,
      %add3A_2547 = arith.addf %add3A_2537, %get3A_2546 : vector<32xbf16>
      %get3A_2548 = arith.constant 24 : i32
      %get3A_2549 = arith.index_cast %get3A_2548 : i32 to index
      %get3A_2550 = arith.constant 0 : index
      %get3A_2551 = tpu.vector_load %arg18[%get3A_2549, %get3A_2550] {strides = array<i32>} : memref<80x64xbf16, #tpu.memory_space<vmem>>, vector<32xbf16>,
      %add3A_2552 = arith.addf %add3A_2542, %get3A_2551 : vector<32xbf16>
      %get3A_2553 = arith.constant 24 : i32
      %get3A_2554 = arith.index_cast %get3A_2553 : i32 to index
      %get3A_2555 = arith.constant 32 : index
      %get3A_2556 = tpu.vector_load %arg18[%get3A_2554, %get3A_2555] {strides = array<i32>} : memref<80x64xbf16, #tpu.memory_space<vmem>>, vector<32xbf16>,
      %add3A_2557 = arith.addf %add3A_2547, %get3A_2556 : vector<32xbf16>
      %get3A_2558 = arith.constant 25 : i32
      %get3A_2559 = arith.index_cast %get3A_2558 : i32 to index
      %get3A_2560 = arith.constant 0 : index
      %get3A_2561 = tpu.vector_load %arg18[%get3A_2559, %get3A_2560] {strides = array<i32>} : memref<80x64xbf16, #tpu.memory_space<vmem>>, vector<32xbf16>,
      %add3A_2562 = arith.addf %add3A_2552, %get3A_2561 : vector<32xbf16>
      %get3A_2563 = arith.constant 25 : i32
      %get3A_2564 = arith.index_cast %get3A_2563 : i32 to index
      %get3A_2565 = arith.constant 32 : index
      %get3A_2566 = tpu.vector_load %arg18[%get3A_2564, %get3A_2565] {strides = array<i32>} : memref<80x64xbf16, #tpu.memory_space<vmem>>, vector<32xbf16>,
      %add3A_2567 = arith.addf %add3A_2557, %get3A_2566 : vector<32xbf16>
      %get3A_2568 = arith.constant 26 : i32
      %get3A_2569 = arith.index_cast %get3A_2568 : i32 to index
      %get3A_2570 = arith.constant 0 : index
      %get3A_2571 = tpu.vector_load %arg18[%get3A_2569, %get3A_2570] {strides = array<i32>} : memref<80x64xbf16, #tpu.memory_space<vmem>>, vector<32xbf16>,
      %add3A_2572 = arith.addf %add3A_2562, %get3A_2571 : vector<32xbf16>
      %get3A_2573 = arith.constant 26 : i32
      %get3A_2574 = arith.index_cast %get3A_2573 : i32 to index
      %get3A_2575 = arith.constant 32 : index
      %get3A_2576 = tpu.vector_load %arg18[%get3A_2574, %get3A_2575] {strides = array<i32>} : memref<80x64xbf16, #tpu.memory_space<vmem>>, vector<32xbf16>,
      %add3A_2577 = arith.addf %add3A_2567, %get3A_2576 : vector<32xbf16>
      %get3A_2578 = arith.constant 27 : i32
      %get3A_2579 = arith.index_cast %get3A_2578 : i32 to index
      %get3A_2580 = arith.constant 0 : index
      %get3A_2581 = tpu.vector_load %arg18[%get3A_2579, %get3A_2580] {strides = array<i32>} : memref<80x64xbf16, #tpu.memory_space<vmem>>, vector<32xbf16>,
      %add3A_2582 = arith.addf %add3A_2572, %get3A_2581 : vector<32xbf16>
      %get3A_2583 = arith.constant 27 : i32
      %get3A_2584 = arith.index_cast %get3A_2583 : i32 to index
      %get3A_2585 = arith.constant 32 : index
      %get3A_2586 = tpu.vector_load %arg18[%get3A_2584, %get3A_2585] {strides = array<i32>} : memref<80x64xbf16, #tpu.memory_space<vmem>>, vector<32xbf16>,
      %add3A_2587 = arith.addf %add3A_2577, %get3A_2586 : vector<32xbf16>
      %get3A_2588 = arith.constant 28 : i32
      %get3A_2589 = arith.index_cast %get3A_2588 : i32 to index
      %get3A_2590 = arith.constant 0 : index
      %get3A_2591 = tpu.vector_load %arg18[%get3A_2589, %get3A_2590] {strides = array<i32>} : memref<80x64xbf16, #tpu.memory_space<vmem>>, vector<32xbf16>,
      %add3A_2592 = arith.addf %add3A_2582, %get3A_2591 : vector<32xbf16>
      %get3A_2593 = arith.constant 28 : i32
      %get3A_2594 = arith.index_cast %get3A_2593 : i32 to index
      %get3A_2595 = arith.constant 32 : index
      %get3A_2596 = tpu.vector_load %arg18[%get3A_2594, %get3A_2595] {strides = array<i32>} : memref<80x64xbf16, #tpu.memory_space<vmem>>, vector<32xbf16>,
      %add3A_2597 = arith.addf %add3A_2587, %get3A_2596 : vector<32xbf16>
      %get3A_2598 = arith.constant 29 : i32
      %get3A_2599 = arith.index_cast %get3A_2598 : i32 to index
      %get3A_2600 = arith.constant 0 : index
      %get3A_2601 = tpu.vector_load %arg18[%get3A_2599, %get3A_2600] {strides = array<i32>} : memref<80x64xbf16, #tpu.memory_space<vmem>>, vector<32xbf16>,
      %add3A_2602 = arith.addf %add3A_2592, %get3A_2601 : vector<32xbf16>
      %get3A_2603 = arith.constant 29 : i32
      %get3A_2604 = arith.index_cast %get3A_2603 : i32 to index
      %get3A_2605 = arith.constant 32 : index
      %get3A_2606 = tpu.vector_load %arg18[%get3A_2604, %get3A_2605] {strides = array<i32>} : memref<80x64xbf16, #tpu.memory_space<vmem>>, vector<32xbf16>,
      %add3A_2607 = arith.addf %add3A_2597, %get3A_2606 : vector<32xbf16>
      %get3A_2608 = arith.constant 30 : i32
      %get3A_2609 = arith.index_cast %get3A_2608 : i32 to index
      %get3A_2610 = arith.constant 0 : index
      %get3A_2611 = tpu.vector_load %arg18[%get3A_2609, %get3A_2610] {strides = array<i32>} : memref<80x64xbf16, #tpu.memory_space<vmem>>, vector<32xbf16>,
      %add3A_2612 = arith.addf %add3A_2602, %get3A_2611 : vector<32xbf16>
      %get3A_2613 = arith.constant 30 : i32
      %get3A_2614 = arith.index_cast %get3A_2613 : i32 to index
      %get3A_2615 = arith.constant 32 : index
      %get3A_2616 = tpu.vector_load %arg18[%get3A_2614, %get3A_2615] {strides = array<i32>} : memref<80x64xbf16, #tpu.memory_space<vmem>>, vector<32xbf16>,
      %add3A_2617 = arith.addf %add3A_2607, %get3A_2616 : vector<32xbf16>
      %get3A_2618 = arith.constant 31 : i32
      %get3A_2619 = arith.index_cast %get3A_2618 : i32 to index
      %get3A_2620 = arith.constant 0 : index
      %get3A_2621 = tpu.vector_load %arg18[%get3A_2619, %get3A_2620] {strides = array<i32>} : memref<80x64xbf16, #tpu.memory_space<vmem>>, vector<32xbf16>,
      %add3A_2622 = arith.addf %add3A_2612, %get3A_2621 : vector<32xbf16>
      %get3A_2623 = arith.constant 31 : i32
      %get3A_2624 = arith.index_cast %get3A_2623 : i32 to index
      %get3A_2625 = arith.constant 32 : index
      %get3A_2626 = tpu.vector_load %arg18[%get3A_2624, %get3A_2625] {strides = array<i32>} : memref<80x64xbf16, #tpu.memory_space<vmem>>, vector<32xbf16>,
      %add3A_2627 = arith.addf %add3A_2617, %get3A_2626 : vector<32xbf16>
      %get3A_2628 = arith.constant 32 : i32
      %get3A_2629 = arith.index_cast %get3A_2628 : i32 to index
      %get3A_2630 = arith.constant 0 : index
      %get3A_2631 = tpu.vector_load %arg18[%get3A_2629, %get3A_2630] {strides = array<i32>} : memref<80x64xbf16, #tpu.memory_space<vmem>>, vector<32xbf16>,
      %add3A_2632 = arith.addf %add3A_2622, %get3A_2631 : vector<32xbf16>
      %get3A_2633 = arith.constant 32 : i32
      %get3A_2634 = arith.index_cast %get3A_2633 : i32 to index
      %get3A_2635 = arith.constant 32 : index
      %get3A_2636 = tpu.vector_load %arg18[%get3A_2634, %get3A_2635] {strides = array<i32>} : memref<80x64xbf16, #tpu.memory_space<vmem>>, vector<32xbf16>,
      %add3A_2637 = arith.addf %add3A_2627, %get3A_2636 : vector<32xbf16>
      %get3A_2638 = arith.constant 33 : i32
      %get3A_2639 = arith.index_cast %get3A_2638 : i32 to index
      %get3A_2640 = arith.constant 0 : index
      %get3A_2641 = tpu.vector_load %arg18[%get3A_2639, %get3A_2640] {strides = array<i32>} : memref<80x64xbf16, #tpu.memory_space<vmem>>, vector<32xbf16>,
      %add3A_2642 = arith.addf %add3A_2632, %get3A_2641 : vector<32xbf16>
      %get3A_2643 = arith.constant 33 : i32
      %get3A_2644 = arith.index_cast %get3A_2643 : i32 to index
      %get3A_2645 = arith.constant 32 : index
      %get3A_2646 = tpu.vector_load %arg18[%get3A_2644, %get3A_2645] {strides = array<i32>} : memref<80x64xbf16, #tpu.memory_space<vmem>>, vector<32xbf16>,
      %add3A_2647 = arith.addf %add3A_2637, %get3A_2646 : vector<32xbf16>
      %get3A_2648 = arith.constant 34 : i32
      %get3A_2649 = arith.index_cast %get3A_2648 : i32 to index
      %get3A_2650 = arith.constant 0 : index
      %get3A_2651 = tpu.vector_load %arg18[%get3A_2649, %get3A_2650] {strides = array<i32>} : memref<80x64xbf16, #tpu.memory_space<vmem>>, vector<32xbf16>,
      %add3A_2652 = arith.addf %add3A_2642, %get3A_2651 : vector<32xbf16>
      %get3A_2653 = arith.constant 34 : i32
      %get3A_2654 = arith.index_cast %get3A_2653 : i32 to index
      %get3A_2655 = arith.constant 32 : index
      %get3A_2656 = tpu.vector_load %arg18[%get3A_2654, %get3A_2655] {strides = array<i32>} : memref<80x64xbf16, #tpu.memory_space<vmem>>, vector<32xbf16>,
      %add3A_2657 = arith.addf %add3A_2647, %get3A_2656 : vector<32xbf16>
      %get3A_2658 = arith.constant 35 : i32
      %get3A_2659 = arith.index_cast %get3A_2658 : i32 to index
      %get3A_2660 = arith.constant 0 : index
      %get3A_2661 = tpu.vector_load %arg18[%get3A_2659, %get3A_2660] {strides = array<i32>} : memref<80x64xbf16, #tpu.memory_space<vmem>>, vector<32xbf16>,
      %add3A_2662 = arith.addf %add3A_2652, %get3A_2661 : vector<32xbf16>
      %get3A_2663 = arith.constant 35 : i32
      %get3A_2664 = arith.index_cast %get3A_2663 : i32 to index
      %get3A_2665 = arith.constant 32 : index
      %get3A_2666 = tpu.vector_load %arg18[%get3A_2664, %get3A_2665] {strides = array<i32>} : memref<80x64xbf16, #tpu.memory_space<vmem>>, vector<32xbf16>,
      %add3A_2667 = arith.addf %add3A_2657, %get3A_2666 : vector<32xbf16>
      %get3A_2668 = arith.constant 36 : i32
      %get3A_2669 = arith.index_cast %get3A_2668 : i32 to index
      %get3A_2670 = arith.constant 0 : index
      %get3A_2671 = tpu.vector_load %arg18[%get3A_2669, %get3A_2670] {strides = array<i32>} : memref<80x64xbf16, #tpu.memory_space<vmem>>, vector<32xbf16>,
      %add3A_2672 = arith.addf %add3A_2662, %get3A_2671 : vector<32xbf16>
      %get3A_2673 = arith.constant 36 : i32
      %get3A_2674 = arith.index_cast %get3A_2673 : i32 to index
      %get3A_2675 = arith.constant 32 : index
      %get3A_2676 = tpu.vector_load %arg18[%get3A_2674, %get3A_2675] {strides = array<i32>} : memref<80x64xbf16, #tpu.memory_space<vmem>>, vector<32xbf16>,
      %add3A_2677 = arith.addf %add3A_2667, %get3A_2676 : vector<32xbf16>
      %get3A_2678 = arith.constant 37 : i32
      %get3A_2679 = arith.index_cast %get3A_2678 : i32 to index
      %get3A_2680 = arith.constant 0 : index
      %get3A_2681 = tpu.vector_load %arg18[%get3A_2679, %get3A_2680] {strides = array<i32>} : memref<80x64xbf16, #tpu.memory_space<vmem>>, vector<32xbf16>,
      %add3A_2682 = arith.addf %add3A_2672, %get3A_2681 : vector<32xbf16>
      %get3A_2683 = arith.constant 37 : i32
      %get3A_2684 = arith.index_cast %get3A_2683 : i32 to index
      %get3A_2685 = arith.constant 32 : index
      %get3A_2686 = tpu.vector_load %arg18[%get3A_2684, %get3A_2685] {strides = array<i32>} : memref<80x64xbf16, #tpu.memory_space<vmem>>, vector<32xbf16>,
      %add3A_2687 = arith.addf %add3A_2677, %get3A_2686 : vector<32xbf16>
      %get3A_2688 = arith.constant 38 : i32
      %get3A_2689 = arith.index_cast %get3A_2688 : i32 to index
      %get3A_2690 = arith.constant 0 : index
      %get3A_2691 = tpu.vector_load %arg18[%get3A_2689, %get3A_2690] {strides = array<i32>} : memref<80x64xbf16, #tpu.memory_space<vmem>>, vector<32xbf16>,
      %add3A_2692 = arith.addf %add3A_2682, %get3A_2691 : vector<32xbf16>
      %get3A_2693 = arith.constant 38 : i32
      %get3A_2694 = arith.index_cast %get3A_2693 : i32 to index
      %get3A_2695 = arith.constant 32 : index
      %get3A_2696 = tpu.vector_load %arg18[%get3A_2694, %get3A_2695] {strides = array<i32>} : memref<80x64xbf16, #tpu.memory_space<vmem>>, vector<32xbf16>,
      %add3A_2697 = arith.addf %add3A_2687, %get3A_2696 : vector<32xbf16>
      %get3A_2698 = arith.constant 39 : i32
      %get3A_2699 = arith.index_cast %get3A_2698 : i32 to index
      %get3A_2700 = arith.constant 0 : index
      %get3A_2701 = tpu.vector_load %arg18[%get3A_2699, %get3A_2700] {strides = array<i32>} : memref<80x64xbf16, #tpu.memory_space<vmem>>, vector<32xbf16>,
      %add3A_2702 = arith.addf %add3A_2692, %get3A_2701 : vector<32xbf16>
      %get3A_2703 = arith.constant 39 : i32
      %get3A_2704 = arith.index_cast %get3A_2703 : i32 to index
      %get3A_2705 = arith.constant 32 : index
      %get3A_2706 = tpu.vector_load %arg18[%get3A_2704, %get3A_2705] {strides = array<i32>} : memref<80x64xbf16, #tpu.memory_space<vmem>>, vector<32xbf16>,
      %add3A_2707 = arith.addf %add3A_2697, %get3A_2706 : vector<32xbf16>
      %mul3A_2708 = arith.constant 2 : i32
      %mul3A_2709 = arith.muli %add3A_2282, %mul3A_2708 : i32
      %add3A_2710 = arith.constant 0 : i32
      %add3A_2711 = arith.addi %mul3A_2709, %add3A_2710 : i32
      %swap3A_2712 = arith.index_cast %add3A_2711 : i32 to index
      %swap3A_2713 = arith.constant 64 : index
      %swap3A_2714 = tpu.vector_load %arg20[%swap3A_2712, %swap3A_2713] {strides = array<i32>} : memref<512x128xbf16, #tpu.memory_space<vmem>>, vector<32xbf16>,
      tpu.vector_store %arg20[%swap3A_2712, %swap3A_2713], %add3A_2702 {strides = array<i32>} : memref<512x128xbf16, #tpu.memory_space<vmem>>, vector<32xbf16>,
      %swap3A_2715 = arith.index_cast %add3A_2711 : i32 to index
      %swap3A_2716 = arith.constant 96 : index
      %swap3A_2717 = tpu.vector_load %arg20[%swap3A_2715, %swap3A_2716] {strides = array<i32>} : memref<512x128xbf16, #tpu.memory_space<vmem>>, vector<32xbf16>,
      tpu.vector_store %arg20[%swap3A_2715, %swap3A_2716], %add3A_2707 {strides = array<i32>} : memref<512x128xbf16, #tpu.memory_space<vmem>>, vector<32xbf16>,
      %get3A_2718 = arith.constant 40 : i32
      %get3A_2719 = arith.index_cast %get3A_2718 : i32 to index
      %get3A_2720 = arith.constant 0 : index
      %get3A_2721 = tpu.vector_load %arg18[%get3A_2719, %get3A_2720] {strides = array<i32>} : memref<80x64xbf16, #tpu.memory_space<vmem>>, vector<32xbf16>,
      %get3A_2722 = arith.constant 40 : i32
      %get3A_2723 = arith.index_cast %get3A_2722 : i32 to index
      %get3A_2724 = arith.constant 32 : index
      %get3A_2725 = tpu.vector_load %arg18[%get3A_2723, %get3A_2724] {strides = array<i32>} : memref<80x64xbf16, #tpu.memory_space<vmem>>, vector<32xbf16>,
      %get3A_2726 = arith.constant 41 : i32
      %get3A_2727 = arith.index_cast %get3A_2726 : i32 to index
      %get3A_2728 = arith.constant 0 : index
      %get3A_2729 = tpu.vector_load %arg18[%get3A_2727, %get3A_2728] {strides = array<i32>} : memref<80x64xbf16, #tpu.memory_space<vmem>>, vector<32xbf16>,
      %add3A_2730 = arith.addf %get3A_2721, %get3A_2729 : vector<32xbf16>
      %get3A_2731 = arith.constant 41 : i32
      %get3A_2732 = arith.index_cast %get3A_2731 : i32 to index
      %get3A_2733 = arith.constant 32 : index
      %get3A_2734 = tpu.vector_load %arg18[%get3A_2732, %get3A_2733] {strides = array<i32>} : memref<80x64xbf16, #tpu.memory_space<vmem>>, vector<32xbf16>,
      %add3A_2735 = arith.addf %get3A_2725, %get3A_2734 : vector<32xbf16>
      %get3A_2736 = arith.constant 42 : i32
      %get3A_2737 = arith.index_cast %get3A_2736 : i32 to index
      %get3A_2738 = arith.constant 0 : index
      %get3A_2739 = tpu.vector_load %arg18[%get3A_2737, %get3A_2738] {strides = array<i32>} : memref<80x64xbf16, #tpu.memory_space<vmem>>, vector<32xbf16>,
      %add3A_2740 = arith.addf %add3A_2730, %get3A_2739 : vector<32xbf16>
      %get3A_2741 = arith.constant 42 : i32
      %get3A_2742 = arith.index_cast %get3A_2741 : i32 to index
      %get3A_2743 = arith.constant 32 : index
      %get3A_2744 = tpu.vector_load %arg18[%get3A_2742, %get3A_2743] {strides = array<i32>} : memref<80x64xbf16, #tpu.memory_space<vmem>>, vector<32xbf16>,
      %add3A_2745 = arith.addf %add3A_2735, %get3A_2744 : vector<32xbf16>
      %get3A_2746 = arith.constant 43 : i32
      %get3A_2747 = arith.index_cast %get3A_2746 : i32 to index
      %get3A_2748 = arith.constant 0 : index
      %get3A_2749 = tpu.vector_load %arg18[%get3A_2747, %get3A_2748] {strides = array<i32>} : memref<80x64xbf16, #tpu.memory_space<vmem>>, vector<32xbf16>,
      %add3A_2750 = arith.addf %add3A_2740, %get3A_2749 : vector<32xbf16>
      %get3A_2751 = arith.constant 43 : i32
      %get3A_2752 = arith.index_cast %get3A_2751 : i32 to index
      %get3A_2753 = arith.constant 32 : index
      %get3A_2754 = tpu.vector_load %arg18[%get3A_2752, %get3A_2753] {strides = array<i32>} : memref<80x64xbf16, #tpu.memory_space<vmem>>, vector<32xbf16>,
      %add3A_2755 = arith.addf %add3A_2745, %get3A_2754 : vector<32xbf16>
      %get3A_2756 = arith.constant 44 : i32
      %get3A_2757 = arith.index_cast %get3A_2756 : i32 to index
      %get3A_2758 = arith.constant 0 : index
      %get3A_2759 = tpu.vector_load %arg18[%get3A_2757, %get3A_2758] {strides = array<i32>} : memref<80x64xbf16, #tpu.memory_space<vmem>>, vector<32xbf16>,
      %add3A_2760 = arith.addf %add3A_2750, %get3A_2759 : vector<32xbf16>
      %get3A_2761 = arith.constant 44 : i32
      %get3A_2762 = arith.index_cast %get3A_2761 : i32 to index
      %get3A_2763 = arith.constant 32 : index
      %get3A_2764 = tpu.vector_load %arg18[%get3A_2762, %get3A_2763] {strides = array<i32>} : memref<80x64xbf16, #tpu.memory_space<vmem>>, vector<32xbf16>,
      %add3A_2765 = arith.addf %add3A_2755, %get3A_2764 : vector<32xbf16>
      %get3A_2766 = arith.constant 45 : i32
      %get3A_2767 = arith.index_cast %get3A_2766 : i32 to index
      %get3A_2768 = arith.constant 0 : index
      %get3A_2769 = tpu.vector_load %arg18[%get3A_2767, %get3A_2768] {strides = array<i32>} : memref<80x64xbf16, #tpu.memory_space<vmem>>, vector<32xbf16>,
      %add3A_2770 = arith.addf %add3A_2760, %get3A_2769 : vector<32xbf16>
      %get3A_2771 = arith.constant 45 : i32
      %get3A_2772 = arith.index_cast %get3A_2771 : i32 to index
      %get3A_2773 = arith.constant 32 : index
      %get3A_2774 = tpu.vector_load %arg18[%get3A_2772, %get3A_2773] {strides = array<i32>} : memref<80x64xbf16, #tpu.memory_space<vmem>>, vector<32xbf16>,
      %add3A_2775 = arith.addf %add3A_2765, %get3A_2774 : vector<32xbf16>
      %get3A_2776 = arith.constant 46 : i32
      %get3A_2777 = arith.index_cast %get3A_2776 : i32 to index
      %get3A_2778 = arith.constant 0 : index
      %get3A_2779 = tpu.vector_load %arg18[%get3A_2777, %get3A_2778] {strides = array<i32>} : memref<80x64xbf16, #tpu.memory_space<vmem>>, vector<32xbf16>,
      %add3A_2780 = arith.addf %add3A_2770, %get3A_2779 : vector<32xbf16>
      %get3A_2781 = arith.constant 46 : i32
      %get3A_2782 = arith.index_cast %get3A_2781 : i32 to index
      %get3A_2783 = arith.constant 32 : index
      %get3A_2784 = tpu.vector_load %arg18[%get3A_2782, %get3A_2783] {strides = array<i32>} : memref<80x64xbf16, #tpu.memory_space<vmem>>, vector<32xbf16>,
      %add3A_2785 = arith.addf %add3A_2775, %get3A_2784 : vector<32xbf16>
      %get3A_2786 = arith.constant 47 : i32
      %get3A_2787 = arith.index_cast %get3A_2786 : i32 to index
      %get3A_2788 = arith.constant 0 : index
      %get3A_2789 = tpu.vector_load %arg18[%get3A_2787, %get3A_2788] {strides = array<i32>} : memref<80x64xbf16, #tpu.memory_space<vmem>>, vector<32xbf16>,
      %add3A_2790 = arith.addf %add3A_2780, %get3A_2789 : vector<32xbf16>
      %get3A_2791 = arith.constant 47 : i32
      %get3A_2792 = arith.index_cast %get3A_2791 : i32 to index
      %get3A_2793 = arith.constant 32 : index
      %get3A_2794 = tpu.vector_load %arg18[%get3A_2792, %get3A_2793] {strides = array<i32>} : memref<80x64xbf16, #tpu.memory_space<vmem>>, vector<32xbf16>,
      %add3A_2795 = arith.addf %add3A_2785, %get3A_2794 : vector<32xbf16>
      %get3A_2796 = arith.constant 48 : i32
      %get3A_2797 = arith.index_cast %get3A_2796 : i32 to index
      %get3A_2798 = arith.constant 0 : index
      %get3A_2799 = tpu.vector_load %arg18[%get3A_2797, %get3A_2798] {strides = array<i32>} : memref<80x64xbf16, #tpu.memory_space<vmem>>, vector<32xbf16>,
      %add3A_2800 = arith.addf %add3A_2790, %get3A_2799 : vector<32xbf16>
      %get3A_2801 = arith.constant 48 : i32
      %get3A_2802 = arith.index_cast %get3A_2801 : i32 to index
      %get3A_2803 = arith.constant 32 : index
      %get3A_2804 = tpu.vector_load %arg18[%get3A_2802, %get3A_2803] {strides = array<i32>} : memref<80x64xbf16, #tpu.memory_space<vmem>>, vector<32xbf16>,
      %add3A_2805 = arith.addf %add3A_2795, %get3A_2804 : vector<32xbf16>
      %get3A_2806 = arith.constant 49 : i32
      %get3A_2807 = arith.index_cast %get3A_2806 : i32 to index
      %get3A_2808 = arith.constant 0 : index
      %get3A_2809 = tpu.vector_load %arg18[%get3A_2807, %get3A_2808] {strides = array<i32>} : memref<80x64xbf16, #tpu.memory_space<vmem>>, vector<32xbf16>,
      %add3A_2810 = arith.addf %add3A_2800, %get3A_2809 : vector<32xbf16>
      %get3A_2811 = arith.constant 49 : i32
      %get3A_2812 = arith.index_cast %get3A_2811 : i32 to index
      %get3A_2813 = arith.constant 32 : index
      %get3A_2814 = tpu.vector_load %arg18[%get3A_2812, %get3A_2813] {strides = array<i32>} : memref<80x64xbf16, #tpu.memory_space<vmem>>, vector<32xbf16>,
      %add3A_2815 = arith.addf %add3A_2805, %get3A_2814 : vector<32xbf16>
      %get3A_2816 = arith.constant 50 : i32
      %get3A_2817 = arith.index_cast %get3A_2816 : i32 to index
      %get3A_2818 = arith.constant 0 : index
      %get3A_2819 = tpu.vector_load %arg18[%get3A_2817, %get3A_2818] {strides = array<i32>} : memref<80x64xbf16, #tpu.memory_space<vmem>>, vector<32xbf16>,
      %add3A_2820 = arith.addf %add3A_2810, %get3A_2819 : vector<32xbf16>
      %get3A_2821 = arith.constant 50 : i32
      %get3A_2822 = arith.index_cast %get3A_2821 : i32 to index
      %get3A_2823 = arith.constant 32 : index
      %get3A_2824 = tpu.vector_load %arg18[%get3A_2822, %get3A_2823] {strides = array<i32>} : memref<80x64xbf16, #tpu.memory_space<vmem>>, vector<32xbf16>,
      %add3A_2825 = arith.addf %add3A_2815, %get3A_2824 : vector<32xbf16>
      %get3A_2826 = arith.constant 51 : i32
      %get3A_2827 = arith.index_cast %get3A_2826 : i32 to index
      %get3A_2828 = arith.constant 0 : index
      %get3A_2829 = tpu.vector_load %arg18[%get3A_2827, %get3A_2828] {strides = array<i32>} : memref<80x64xbf16, #tpu.memory_space<vmem>>, vector<32xbf16>,
      %add3A_2830 = arith.addf %add3A_2820, %get3A_2829 : vector<32xbf16>
      %get3A_2831 = arith.constant 51 : i32
      %get3A_2832 = arith.index_cast %get3A_2831 : i32 to index
      %get3A_2833 = arith.constant 32 : index
      %get3A_2834 = tpu.vector_load %arg18[%get3A_2832, %get3A_2833] {strides = array<i32>} : memref<80x64xbf16, #tpu.memory_space<vmem>>, vector<32xbf16>,
      %add3A_2835 = arith.addf %add3A_2825, %get3A_2834 : vector<32xbf16>
      %get3A_2836 = arith.constant 52 : i32
      %get3A_2837 = arith.index_cast %get3A_2836 : i32 to index
      %get3A_2838 = arith.constant 0 : index
      %get3A_2839 = tpu.vector_load %arg18[%get3A_2837, %get3A_2838] {strides = array<i32>} : memref<80x64xbf16, #tpu.memory_space<vmem>>, vector<32xbf16>,
      %add3A_2840 = arith.addf %add3A_2830, %get3A_2839 : vector<32xbf16>
      %get3A_2841 = arith.constant 52 : i32
      %get3A_2842 = arith.index_cast %get3A_2841 : i32 to index
      %get3A_2843 = arith.constant 32 : index
      %get3A_2844 = tpu.vector_load %arg18[%get3A_2842, %get3A_2843] {strides = array<i32>} : memref<80x64xbf16, #tpu.memory_space<vmem>>, vector<32xbf16>,
      %add3A_2845 = arith.addf %add3A_2835, %get3A_2844 : vector<32xbf16>
      %get3A_2846 = arith.constant 53 : i32
      %get3A_2847 = arith.index_cast %get3A_2846 : i32 to index
      %get3A_2848 = arith.constant 0 : index
      %get3A_2849 = tpu.vector_load %arg18[%get3A_2847, %get3A_2848] {strides = array<i32>} : memref<80x64xbf16, #tpu.memory_space<vmem>>, vector<32xbf16>,
      %add3A_2850 = arith.addf %add3A_2840, %get3A_2849 : vector<32xbf16>
      %get3A_2851 = arith.constant 53 : i32
      %get3A_2852 = arith.index_cast %get3A_2851 : i32 to index
      %get3A_2853 = arith.constant 32 : index
      %get3A_2854 = tpu.vector_load %arg18[%get3A_2852, %get3A_2853] {strides = array<i32>} : memref<80x64xbf16, #tpu.memory_space<vmem>>, vector<32xbf16>,
      %add3A_2855 = arith.addf %add3A_2845, %get3A_2854 : vector<32xbf16>
      %get3A_2856 = arith.constant 54 : i32
      %get3A_2857 = arith.index_cast %get3A_2856 : i32 to index
      %get3A_2858 = arith.constant 0 : index
      %get3A_2859 = tpu.vector_load %arg18[%get3A_2857, %get3A_2858] {strides = array<i32>} : memref<80x64xbf16, #tpu.memory_space<vmem>>, vector<32xbf16>,
      %add3A_2860 = arith.addf %add3A_2850, %get3A_2859 : vector<32xbf16>
      %get3A_2861 = arith.constant 54 : i32
      %get3A_2862 = arith.index_cast %get3A_2861 : i32 to index
      %get3A_2863 = arith.constant 32 : index
      %get3A_2864 = tpu.vector_load %arg18[%get3A_2862, %get3A_2863] {strides = array<i32>} : memref<80x64xbf16, #tpu.memory_space<vmem>>, vector<32xbf16>,
      %add3A_2865 = arith.addf %add3A_2855, %get3A_2864 : vector<32xbf16>
      %get3A_2866 = arith.constant 55 : i32
      %get3A_2867 = arith.index_cast %get3A_2866 : i32 to index
      %get3A_2868 = arith.constant 0 : index
      %get3A_2869 = tpu.vector_load %arg18[%get3A_2867, %get3A_2868] {strides = array<i32>} : memref<80x64xbf16, #tpu.memory_space<vmem>>, vector<32xbf16>,
      %add3A_2870 = arith.addf %add3A_2860, %get3A_2869 : vector<32xbf16>
      %get3A_2871 = arith.constant 55 : i32
      %get3A_2872 = arith.index_cast %get3A_2871 : i32 to index
      %get3A_2873 = arith.constant 32 : index
      %get3A_2874 = tpu.vector_load %arg18[%get3A_2872, %get3A_2873] {strides = array<i32>} : memref<80x64xbf16, #tpu.memory_space<vmem>>, vector<32xbf16>,
      %add3A_2875 = arith.addf %add3A_2865, %get3A_2874 : vector<32xbf16>
      %get3A_2876 = arith.constant 56 : i32
      %get3A_2877 = arith.index_cast %get3A_2876 : i32 to index
      %get3A_2878 = arith.constant 0 : index
      %get3A_2879 = tpu.vector_load %arg18[%get3A_2877, %get3A_2878] {strides = array<i32>} : memref<80x64xbf16, #tpu.memory_space<vmem>>, vector<32xbf16>,
      %add3A_2880 = arith.addf %add3A_2870, %get3A_2879 : vector<32xbf16>
      %get3A_2881 = arith.constant 56 : i32
      %get3A_2882 = arith.index_cast %get3A_2881 : i32 to index
      %get3A_2883 = arith.constant 32 : index
      %get3A_2884 = tpu.vector_load %arg18[%get3A_2882, %get3A_2883] {strides = array<i32>} : memref<80x64xbf16, #tpu.memory_space<vmem>>, vector<32xbf16>,
      %add3A_2885 = arith.addf %add3A_2875, %get3A_2884 : vector<32xbf16>
      %get3A_2886 = arith.constant 57 : i32
      %get3A_2887 = arith.index_cast %get3A_2886 : i32 to index
      %get3A_2888 = arith.constant 0 : index
      %get3A_2889 = tpu.vector_load %arg18[%get3A_2887, %get3A_2888] {strides = array<i32>} : memref<80x64xbf16, #tpu.memory_space<vmem>>, vector<32xbf16>,
      %add3A_2890 = arith.addf %add3A_2880, %get3A_2889 : vector<32xbf16>
      %get3A_2891 = arith.constant 57 : i32
      %get3A_2892 = arith.index_cast %get3A_2891 : i32 to index
      %get3A_2893 = arith.constant 32 : index
      %get3A_2894 = tpu.vector_load %arg18[%get3A_2892, %get3A_2893] {strides = array<i32>} : memref<80x64xbf16, #tpu.memory_space<vmem>>, vector<32xbf16>,
      %add3A_2895 = arith.addf %add3A_2885, %get3A_2894 : vector<32xbf16>
      %get3A_2896 = arith.constant 58 : i32
      %get3A_2897 = arith.index_cast %get3A_2896 : i32 to index
      %get3A_2898 = arith.constant 0 : index
      %get3A_2899 = tpu.vector_load %arg18[%get3A_2897, %get3A_2898] {strides = array<i32>} : memref<80x64xbf16, #tpu.memory_space<vmem>>, vector<32xbf16>,
      %add3A_2900 = arith.addf %add3A_2890, %get3A_2899 : vector<32xbf16>
      %get3A_2901 = arith.constant 58 : i32
      %get3A_2902 = arith.index_cast %get3A_2901 : i32 to index
      %get3A_2903 = arith.constant 32 : index
      %get3A_2904 = tpu.vector_load %arg18[%get3A_2902, %get3A_2903] {strides = array<i32>} : memref<80x64xbf16, #tpu.memory_space<vmem>>, vector<32xbf16>,
      %add3A_2905 = arith.addf %add3A_2895, %get3A_2904 : vector<32xbf16>
      %get3A_2906 = arith.constant 59 : i32
      %get3A_2907 = arith.index_cast %get3A_2906 : i32 to index
      %get3A_2908 = arith.constant 0 : index
      %get3A_2909 = tpu.vector_load %arg18[%get3A_2907, %get3A_2908] {strides = array<i32>} : memref<80x64xbf16, #tpu.memory_space<vmem>>, vector<32xbf16>,
      %add3A_2910 = arith.addf %add3A_2900, %get3A_2909 : vector<32xbf16>
      %get3A_2911 = arith.constant 59 : i32
      %get3A_2912 = arith.index_cast %get3A_2911 : i32 to index
      %get3A_2913 = arith.constant 32 : index
      %get3A_2914 = tpu.vector_load %arg18[%get3A_2912, %get3A_2913] {strides = array<i32>} : memref<80x64xbf16, #tpu.memory_space<vmem>>, vector<32xbf16>,
      %add3A_2915 = arith.addf %add3A_2905, %get3A_2914 : vector<32xbf16>
      %mul3A_2916 = arith.constant 2 : i32
      %mul3A_2917 = arith.muli %add3A_2282, %mul3A_2916 : i32
      %add3A_2918 = arith.constant 1 : i32
      %add3A_2919 = arith.addi %mul3A_2917, %add3A_2918 : i32
      %swap3A_2920 = arith.index_cast %add3A_2919 : i32 to index
      %swap3A_2921 = arith.constant 0 : index
      %swap3A_2922 = tpu.vector_load %arg20[%swap3A_2920, %swap3A_2921] {strides = array<i32>} : memref<512x128xbf16, #tpu.memory_space<vmem>>, vector<32xbf16>,
      tpu.vector_store %arg20[%swap3A_2920, %swap3A_2921], %add3A_2910 {strides = array<i32>} : memref<512x128xbf16, #tpu.memory_space<vmem>>, vector<32xbf16>,
      %swap3A_2923 = arith.index_cast %add3A_2919 : i32 to index
      %swap3A_2924 = arith.constant 32 : index
      %swap3A_2925 = tpu.vector_load %arg20[%swap3A_2923, %swap3A_2924] {strides = array<i32>} : memref<512x128xbf16, #tpu.memory_space<vmem>>, vector<32xbf16>,
      tpu.vector_store %arg20[%swap3A_2923, %swap3A_2924], %add3A_2915 {strides = array<i32>} : memref<512x128xbf16, #tpu.memory_space<vmem>>, vector<32xbf16>,
      %get3A_2926 = arith.constant 60 : i32
      %get3A_2927 = arith.index_cast %get3A_2926 : i32 to index
      %get3A_2928 = arith.constant 0 : index
      %get3A_2929 = tpu.vector_load %arg18[%get3A_2927, %get3A_2928] {strides = array<i32>} : memref<80x64xbf16, #tpu.memory_space<vmem>>, vector<32xbf16>,
      %get3A_2930 = arith.constant 60 : i32
      %get3A_2931 = arith.index_cast %get3A_2930 : i32 to index
      %get3A_2932 = arith.constant 32 : index
      %get3A_2933 = tpu.vector_load %arg18[%get3A_2931, %get3A_2932] {strides = array<i32>} : memref<80x64xbf16, #tpu.memory_space<vmem>>, vector<32xbf16>,
      %get3A_2934 = arith.constant 61 : i32
      %get3A_2935 = arith.index_cast %get3A_2934 : i32 to index
      %get3A_2936 = arith.constant 0 : index
      %get3A_2937 = tpu.vector_load %arg18[%get3A_2935, %get3A_2936] {strides = array<i32>} : memref<80x64xbf16, #tpu.memory_space<vmem>>, vector<32xbf16>,
      %add3A_2938 = arith.addf %get3A_2929, %get3A_2937 : vector<32xbf16>
      %get3A_2939 = arith.constant 61 : i32
      %get3A_2940 = arith.index_cast %get3A_2939 : i32 to index
      %get3A_2941 = arith.constant 32 : index
      %get3A_2942 = tpu.vector_load %arg18[%get3A_2940, %get3A_2941] {strides = array<i32>} : memref<80x64xbf16, #tpu.memory_space<vmem>>, vector<32xbf16>,
      %add3A_2943 = arith.addf %get3A_2933, %get3A_2942 : vector<32xbf16>
      %get3A_2944 = arith.constant 62 : i32
      %get3A_2945 = arith.index_cast %get3A_2944 : i32 to index
      %get3A_2946 = arith.constant 0 : index
      %get3A_2947 = tpu.vector_load %arg18[%get3A_2945, %get3A_2946] {strides = array<i32>} : memref<80x64xbf16, #tpu.memory_space<vmem>>, vector<32xbf16>,
      %add3A_2948 = arith.addf %add3A_2938, %get3A_2947 : vector<32xbf16>
      %get3A_2949 = arith.constant 62 : i32
      %get3A_2950 = arith.index_cast %get3A_2949 : i32 to index
      %get3A_2951 = arith.constant 32 : index
      %get3A_2952 = tpu.vector_load %arg18[%get3A_2950, %get3A_2951] {strides = array<i32>} : memref<80x64xbf16, #tpu.memory_space<vmem>>, vector<32xbf16>,
      %add3A_2953 = arith.addf %add3A_2943, %get3A_2952 : vector<32xbf16>
      %get3A_2954 = arith.constant 63 : i32
      %get3A_2955 = arith.index_cast %get3A_2954 : i32 to index
      %get3A_2956 = arith.constant 0 : index
      %get3A_2957 = tpu.vector_load %arg18[%get3A_2955, %get3A_2956] {strides = array<i32>} : memref<80x64xbf16, #tpu.memory_space<vmem>>, vector<32xbf16>,
      %add3A_2958 = arith.addf %add3A_2948, %get3A_2957 : vector<32xbf16>
      %get3A_2959 = arith.constant 63 : i32
      %get3A_2960 = arith.index_cast %get3A_2959 : i32 to index
      %get3A_2961 = arith.constant 32 : index
      %get3A_2962 = tpu.vector_load %arg18[%get3A_2960, %get3A_2961] {strides = array<i32>} : memref<80x64xbf16, #tpu.memory_space<vmem>>, vector<32xbf16>,
      %add3A_2963 = arith.addf %add3A_2953, %get3A_2962 : vector<32xbf16>
      %get3A_2964 = arith.constant 64 : i32
      %get3A_2965 = arith.index_cast %get3A_2964 : i32 to index
      %get3A_2966 = arith.constant 0 : index
      %get3A_2967 = tpu.vector_load %arg18[%get3A_2965, %get3A_2966] {strides = array<i32>} : memref<80x64xbf16, #tpu.memory_space<vmem>>, vector<32xbf16>,
      %add3A_2968 = arith.addf %add3A_2958, %get3A_2967 : vector<32xbf16>
      %get3A_2969 = arith.constant 64 : i32
      %get3A_2970 = arith.index_cast %get3A_2969 : i32 to index
      %get3A_2971 = arith.constant 32 : index
      %get3A_2972 = tpu.vector_load %arg18[%get3A_2970, %get3A_2971] {strides = array<i32>} : memref<80x64xbf16, #tpu.memory_space<vmem>>, vector<32xbf16>,
      %add3A_2973 = arith.addf %add3A_2963, %get3A_2972 : vector<32xbf16>
      %get3A_2974 = arith.constant 65 : i32
      %get3A_2975 = arith.index_cast %get3A_2974 : i32 to index
      %get3A_2976 = arith.constant 0 : index
      %get3A_2977 = tpu.vector_load %arg18[%get3A_2975, %get3A_2976] {strides = array<i32>} : memref<80x64xbf16, #tpu.memory_space<vmem>>, vector<32xbf16>,
      %add3A_2978 = arith.addf %add3A_2968, %get3A_2977 : vector<32xbf16>
      %get3A_2979 = arith.constant 65 : i32
      %get3A_2980 = arith.index_cast %get3A_2979 : i32 to index
      %get3A_2981 = arith.constant 32 : index
      %get3A_2982 = tpu.vector_load %arg18[%get3A_2980, %get3A_2981] {strides = array<i32>} : memref<80x64xbf16, #tpu.memory_space<vmem>>, vector<32xbf16>,
      %add3A_2983 = arith.addf %add3A_2973, %get3A_2982 : vector<32xbf16>
      %get3A_2984 = arith.constant 66 : i32
      %get3A_2985 = arith.index_cast %get3A_2984 : i32 to index
      %get3A_2986 = arith.constant 0 : index
      %get3A_2987 = tpu.vector_load %arg18[%get3A_2985, %get3A_2986] {strides = array<i32>} : memref<80x64xbf16, #tpu.memory_space<vmem>>, vector<32xbf16>,
      %add3A_2988 = arith.addf %add3A_2978, %get3A_2987 : vector<32xbf16>
      %get3A_2989 = arith.constant 66 : i32
      %get3A_2990 = arith.index_cast %get3A_2989 : i32 to index
      %get3A_2991 = arith.constant 32 : index
      %get3A_2992 = tpu.vector_load %arg18[%get3A_2990, %get3A_2991] {strides = array<i32>} : memref<80x64xbf16, #tpu.memory_space<vmem>>, vector<32xbf16>,
      %add3A_2993 = arith.addf %add3A_2983, %get3A_2992 : vector<32xbf16>
      %get3A_2994 = arith.constant 67 : i32
      %get3A_2995 = arith.index_cast %get3A_2994 : i32 to index
      %get3A_2996 = arith.constant 0 : index
      %get3A_2997 = tpu.vector_load %arg18[%get3A_2995, %get3A_2996] {strides = array<i32>} : memref<80x64xbf16, #tpu.memory_space<vmem>>, vector<32xbf16>,
      %add3A_2998 = arith.addf %add3A_2988, %get3A_2997 : vector<32xbf16>
      %get3A_2999 = arith.constant 67 : i32
      %get3A_3000 = arith.index_cast %get3A_2999 : i32 to index
      %get3A_3001 = arith.constant 32 : index
      %get3A_3002 = tpu.vector_load %arg18[%get3A_3000, %get3A_3001] {strides = array<i32>} : memref<80x64xbf16, #tpu.memory_space<vmem>>, vector<32xbf16>,
      %add3A_3003 = arith.addf %add3A_2993, %get3A_3002 : vector<32xbf16>
      %get3A_3004 = arith.constant 68 : i32
      %get3A_3005 = arith.index_cast %get3A_3004 : i32 to index
      %get3A_3006 = arith.constant 0 : index
      %get3A_3007 = tpu.vector_load %arg18[%get3A_3005, %get3A_3006] {strides = array<i32>} : memref<80x64xbf16, #tpu.memory_space<vmem>>, vector<32xbf16>,
      %add3A_3008 = arith.addf %add3A_2998, %get3A_3007 : vector<32xbf16>
      %get3A_3009 = arith.constant 68 : i32
      %get3A_3010 = arith.index_cast %get3A_3009 : i32 to index
      %get3A_3011 = arith.constant 32 : index
      %get3A_3012 = tpu.vector_load %arg18[%get3A_3010, %get3A_3011] {strides = array<i32>} : memref<80x64xbf16, #tpu.memory_space<vmem>>, vector<32xbf16>,
      %add3A_3013 = arith.addf %add3A_3003, %get3A_3012 : vector<32xbf16>
      %get3A_3014 = arith.constant 69 : i32
      %get3A_3015 = arith.index_cast %get3A_3014 : i32 to index
      %get3A_3016 = arith.constant 0 : index
      %get3A_3017 = tpu.vector_load %arg18[%get3A_3015, %get3A_3016] {strides = array<i32>} : memref<80x64xbf16, #tpu.memory_space<vmem>>, vector<32xbf16>,
      %add3A_3018 = arith.addf %add3A_3008, %get3A_3017 : vector<32xbf16>
      %get3A_3019 = arith.constant 69 : i32
      %get3A_3020 = arith.index_cast %get3A_3019 : i32 to index
      %get3A_3021 = arith.constant 32 : index
      %get3A_3022 = tpu.vector_load %arg18[%get3A_3020, %get3A_3021] {strides = array<i32>} : memref<80x64xbf16, #tpu.memory_space<vmem>>, vector<32xbf16>,
      %add3A_3023 = arith.addf %add3A_3013, %get3A_3022 : vector<32xbf16>
      %get3A_3024 = arith.constant 70 : i32
      %get3A_3025 = arith.index_cast %get3A_3024 : i32 to index
      %get3A_3026 = arith.constant 0 : index
      %get3A_3027 = tpu.vector_load %arg18[%get3A_3025, %get3A_3026] {strides = array<i32>} : memref<80x64xbf16, #tpu.memory_space<vmem>>, vector<32xbf16>,
      %add3A_3028 = arith.addf %add3A_3018, %get3A_3027 : vector<32xbf16>
      %get3A_3029 = arith.constant 70 : i32
      %get3A_3030 = arith.index_cast %get3A_3029 : i32 to index
      %get3A_3031 = arith.constant 32 : index
      %get3A_3032 = tpu.vector_load %arg18[%get3A_3030, %get3A_3031] {strides = array<i32>} : memref<80x64xbf16, #tpu.memory_space<vmem>>, vector<32xbf16>,
      %add3A_3033 = arith.addf %add3A_3023, %get3A_3032 : vector<32xbf16>
      %get3A_3034 = arith.constant 71 : i32
      %get3A_3035 = arith.index_cast %get3A_3034 : i32 to index
      %get3A_3036 = arith.constant 0 : index
      %get3A_3037 = tpu.vector_load %arg18[%get3A_3035, %get3A_3036] {strides = array<i32>} : memref<80x64xbf16, #tpu.memory_space<vmem>>, vector<32xbf16>,
      %add3A_3038 = arith.addf %add3A_3028, %get3A_3037 : vector<32xbf16>
      %get3A_3039 = arith.constant 71 : i32
      %get3A_3040 = arith.index_cast %get3A_3039 : i32 to index
      %get3A_3041 = arith.constant 32 : index
      %get3A_3042 = tpu.vector_load %arg18[%get3A_3040, %get3A_3041] {strides = array<i32>} : memref<80x64xbf16, #tpu.memory_space<vmem>>, vector<32xbf16>,
      %add3A_3043 = arith.addf %add3A_3033, %get3A_3042 : vector<32xbf16>
      %get3A_3044 = arith.constant 72 : i32
      %get3A_3045 = arith.index_cast %get3A_3044 : i32 to index
      %get3A_3046 = arith.constant 0 : index
      %get3A_3047 = tpu.vector_load %arg18[%get3A_3045, %get3A_3046] {strides = array<i32>} : memref<80x64xbf16, #tpu.memory_space<vmem>>, vector<32xbf16>,
      %add3A_3048 = arith.addf %add3A_3038, %get3A_3047 : vector<32xbf16>
      %get3A_3049 = arith.constant 72 : i32
      %get3A_3050 = arith.index_cast %get3A_3049 : i32 to index
      %get3A_3051 = arith.constant 32 : index
      %get3A_3052 = tpu.vector_load %arg18[%get3A_3050, %get3A_3051] {strides = array<i32>} : memref<80x64xbf16, #tpu.memory_space<vmem>>, vector<32xbf16>,
      %add3A_3053 = arith.addf %add3A_3043, %get3A_3052 : vector<32xbf16>
      %get3A_3054 = arith.constant 73 : i32
      %get3A_3055 = arith.index_cast %get3A_3054 : i32 to index
      %get3A_3056 = arith.constant 0 : index
      %get3A_3057 = tpu.vector_load %arg18[%get3A_3055, %get3A_3056] {strides = array<i32>} : memref<80x64xbf16, #tpu.memory_space<vmem>>, vector<32xbf16>,
      %add3A_3058 = arith.addf %add3A_3048, %get3A_3057 : vector<32xbf16>
      %get3A_3059 = arith.constant 73 : i32
      %get3A_3060 = arith.index_cast %get3A_3059 : i32 to index
      %get3A_3061 = arith.constant 32 : index
      %get3A_3062 = tpu.vector_load %arg18[%get3A_3060, %get3A_3061] {strides = array<i32>} : memref<80x64xbf16, #tpu.memory_space<vmem>>, vector<32xbf16>,
      %add3A_3063 = arith.addf %add3A_3053, %get3A_3062 : vector<32xbf16>
      %get3A_3064 = arith.constant 74 : i32
      %get3A_3065 = arith.index_cast %get3A_3064 : i32 to index
      %get3A_3066 = arith.constant 0 : index
      %get3A_3067 = tpu.vector_load %arg18[%get3A_3065, %get3A_3066] {strides = array<i32>} : memref<80x64xbf16, #tpu.memory_space<vmem>>, vector<32xbf16>,
      %add3A_3068 = arith.addf %add3A_3058, %get3A_3067 : vector<32xbf16>
      %get3A_3069 = arith.constant 74 : i32
      %get3A_3070 = arith.index_cast %get3A_3069 : i32 to index
      %get3A_3071 = arith.constant 32 : index
      %get3A_3072 = tpu.vector_load %arg18[%get3A_3070, %get3A_3071] {strides = array<i32>} : memref<80x64xbf16, #tpu.memory_space<vmem>>, vector<32xbf16>,
      %add3A_3073 = arith.addf %add3A_3063, %get3A_3072 : vector<32xbf16>
      %get3A_3074 = arith.constant 75 : i32
      %get3A_3075 = arith.index_cast %get3A_3074 : i32 to index
      %get3A_3076 = arith.constant 0 : index
      %get3A_3077 = tpu.vector_load %arg18[%get3A_3075, %get3A_3076] {strides = array<i32>} : memref<80x64xbf16, #tpu.memory_space<vmem>>, vector<32xbf16>,
      %add3A_3078 = arith.addf %add3A_3068, %get3A_3077 : vector<32xbf16>
      %get3A_3079 = arith.constant 75 : i32
      %get3A_3080 = arith.index_cast %get3A_3079 : i32 to index
      %get3A_3081 = arith.constant 32 : index
      %get3A_3082 = tpu.vector_load %arg18[%get3A_3080, %get3A_3081] {strides = array<i32>} : memref<80x64xbf16, #tpu.memory_space<vmem>>, vector<32xbf16>,
      %add3A_3083 = arith.addf %add3A_3073, %get3A_3082 : vector<32xbf16>
      %get3A_3084 = arith.constant 76 : i32
      %get3A_3085 = arith.index_cast %get3A_3084 : i32 to index
      %get3A_3086 = arith.constant 0 : index
      %get3A_3087 = tpu.vector_load %arg18[%get3A_3085, %get3A_3086] {strides = array<i32>} : memref<80x64xbf16, #tpu.memory_space<vmem>>, vector<32xbf16>,
      %add3A_3088 = arith.addf %add3A_3078, %get3A_3087 : vector<32xbf16>
      %get3A_3089 = arith.constant 76 : i32
      %get3A_3090 = arith.index_cast %get3A_3089 : i32 to index
      %get3A_3091 = arith.constant 32 : index
      %get3A_3092 = tpu.vector_load %arg18[%get3A_3090, %get3A_3091] {strides = array<i32>} : memref<80x64xbf16, #tpu.memory_space<vmem>>, vector<32xbf16>,
      %add3A_3093 = arith.addf %add3A_3083, %get3A_3092 : vector<32xbf16>
      %get3A_3094 = arith.constant 77 : i32
      %get3A_3095 = arith.index_cast %get3A_3094 : i32 to index
      %get3A_3096 = arith.constant 0 : index
      %get3A_3097 = tpu.vector_load %arg18[%get3A_3095, %get3A_3096] {strides = array<i32>} : memref<80x64xbf16, #tpu.memory_space<vmem>>, vector<32xbf16>,
      %add3A_3098 = arith.addf %add3A_3088, %get3A_3097 : vector<32xbf16>
      %get3A_3099 = arith.constant 77 : i32
      %get3A_3100 = arith.index_cast %get3A_3099 : i32 to index
      %get3A_3101 = arith.constant 32 : index
      %get3A_3102 = tpu.vector_load %arg18[%get3A_3100, %get3A_3101] {strides = array<i32>} : memref<80x64xbf16, #tpu.memory_space<vmem>>, vector<32xbf16>,
      %add3A_3103 = arith.addf %add3A_3093, %get3A_3102 : vector<32xbf16>
      %get3A_3104 = arith.constant 78 : i32
      %get3A_3105 = arith.index_cast %get3A_3104 : i32 to index
      %get3A_3106 = arith.constant 0 : index
      %get3A_3107 = tpu.vector_load %arg18[%get3A_3105, %get3A_3106] {strides = array<i32>} : memref<80x64xbf16, #tpu.memory_space<vmem>>, vector<32xbf16>,
      %add3A_3108 = arith.addf %add3A_3098, %get3A_3107 : vector<32xbf16>
      %get3A_3109 = arith.constant 78 : i32
      %get3A_3110 = arith.index_cast %get3A_3109 : i32 to index
      %get3A_3111 = arith.constant 32 : index
      %get3A_3112 = tpu.vector_load %arg18[%get3A_3110, %get3A_3111] {strides = array<i32>} : memref<80x64xbf16, #tpu.memory_space<vmem>>, vector<32xbf16>,
      %add3A_3113 = arith.addf %add3A_3103, %get3A_3112 : vector<32xbf16>
      %get3A_3114 = arith.constant 79 : i32
      %get3A_3115 = arith.index_cast %get3A_3114 : i32 to index
      %get3A_3116 = arith.constant 0 : index
      %get3A_3117 = tpu.vector_load %arg18[%get3A_3115, %get3A_3116] {strides = array<i32>} : memref<80x64xbf16, #tpu.memory_space<vmem>>, vector<32xbf16>,
      %add3A_3118 = arith.addf %add3A_3108, %get3A_3117 : vector<32xbf16>
      %get3A_3119 = arith.constant 79 : i32
      %get3A_3120 = arith.index_cast %get3A_3119 : i32 to index
      %get3A_3121 = arith.constant 32 : index
      %get3A_3122 = tpu.vector_load %arg18[%get3A_3120, %get3A_3121] {strides = array<i32>} : memref<80x64xbf16, #tpu.memory_space<vmem>>, vector<32xbf16>,
      %add3A_3123 = arith.addf %add3A_3113, %get3A_3122 : vector<32xbf16>
      %mul3A_3124 = arith.constant 2 : i32
      %mul3A_3125 = arith.muli %add3A_2282, %mul3A_3124 : i32
      %add3A_3126 = arith.constant 1 : i32
      %add3A_3127 = arith.addi %mul3A_3125, %add3A_3126 : i32
      %swap3A_3128 = arith.index_cast %add3A_3127 : i32 to index
      %swap3A_3129 = arith.constant 64 : index
      %swap3A_3130 = tpu.vector_load %arg20[%swap3A_3128, %swap3A_3129] {strides = array<i32>} : memref<512x128xbf16, #tpu.memory_space<vmem>>, vector<32xbf16>,
      tpu.vector_store %arg20[%swap3A_3128, %swap3A_3129], %add3A_3118 {strides = array<i32>} : memref<512x128xbf16, #tpu.memory_space<vmem>>, vector<32xbf16>,
      %swap3A_3131 = arith.index_cast %add3A_3127 : i32 to index
      %swap3A_3132 = arith.constant 96 : index
      %swap3A_3133 = tpu.vector_load %arg20[%swap3A_3131, %swap3A_3132] {strides = array<i32>} : memref<512x128xbf16, #tpu.memory_space<vmem>>, vector<32xbf16>,
      tpu.vector_store %arg20[%swap3A_3131, %swap3A_3132], %add3A_3123 {strides = array<i32>} : memref<512x128xbf16, #tpu.memory_space<vmem>>, vector<32xbf16>,
      %mul3A_3134 = arith.constant 4 : i32
      %mul3A_3135 = arith.muli %scan3A_572, %mul3A_3134 : i32
      %add3A_3136 = arith.constant 3 : i32
      %add3A_3137 = arith.addi %mul3A_3135, %add3A_3136 : i32
      %add3A_3138 = arith.constant 4 : i32
      %add3A_3139 = arith.addi %add3A_3137, %add3A_3138 : i32
      %sub3A_3140 = arith.constant 1 : i32
      %sub3A_3141 = arith.subi %add3A_3139, %sub3A_3140 : i32
      %lt3A_3142 = arith.constant 256 : i32
      %lt3A_3143 = arith.cmpi slt, %sub3A_3141, %lt3A_3142 : i32
      %convert_element_type3A_3144 = arith.extui %lt3A_3143 : i1 to i32
      %cond3A_3145 = arith.constant 0 : i32
      %cond3A_3146 = arith.cmpi ne, %convert_element_type3A_3144, %cond3A_3145 : i32
      scf.if %cond3A_3146 {
        %dma_start3A_3989 = arith.constant 0 : i32
        %dma_start3A_3990 = arith.constant 0 : i32
        %dma_start3A_3991 = tpu.memref_slice %arg5[%dma_start3A_3989, %dma_start3A_3990] : memref<100000x64xbf16, #tpu.memory_space<hbm>> -> memref<100000x64xbf16, #tpu.memory_space<hbm>>
        tpu.enqueue_indirect_dma source(%dma_start3A_3991 : memref<100000x64xbf16, #tpu.memory_space<hbm>>) target(%arg18 : memref<80x64xbf16, #tpu.memory_space<vmem>>) offsets(%arg14 : memref<80xi32, #tpu.memory_space<vmem>>) semaphore(%arg25 : memref<!tpu.dma_semaphore, #tpu.memory_space<semaphore_mem>>)
      } else {
      }
      %dma_wait3A_3147 = arith.constant 0 : i32
      %dma_wait3A_3148 = arith.constant 0 : i32
      %dma_wait3A_3149 = tpu.memref_slice %arg5[%dma_wait3A_3147, %dma_wait3A_3148] : memref<100000x64xbf16, #tpu.memory_space<hbm>> -> memref<100000x64xbf16, #tpu.memory_space<hbm>>
      tpu.wait_indirect_dma semaphore(%arg26 : memref<!tpu.dma_semaphore, #tpu.memory_space<semaphore_mem>>) src(%dma_wait3A_3149 : memref<100000x64xbf16, #tpu.memory_space<hbm>>) dst(%arg19 : memref<80x64xbf16, #tpu.memory_space<vmem>>)
      %add3A_3150 = arith.constant 1 : i32
      %add3A_3151 = arith.addi %sub3A_3141, %add3A_3150 : i32
      %lt3A_3152 = arith.constant 256 : i32
      %lt3A_3153 = arith.cmpi slt, %add3A_3151, %lt3A_3152 : i32
      %convert_element_type3A_3154 = arith.extui %lt3A_3153 : i1 to i32
      %cond3A_3155 = arith.constant 0 : i32
      %cond3A_3156 = arith.cmpi ne, %convert_element_type3A_3154, %cond3A_3155 : i32
      scf.if %cond3A_3156 {
        %add3A_3989 = arith.constant 1 : i32
        %add3A_3990 = arith.addi %sub3A_3141, %add3A_3989 : i32
        %and3A = arith.constant 127 : i32
        %and3A_3991 = arith.andi %add3A_3990, %and3A : i32
        %shift_right_arithmetic3A = arith.constant 7 : i32
        %shift_right_arithmetic3A_3992 = arith.shrsi %add3A_3990, %shift_right_arithmetic3A : i32
        %mul3A_3993 = arith.constant 20 : i32
        %mul3A_3994 = arith.muli %shift_right_arithmetic3A_3992, %mul3A_3993 : i32
        %iota3A_3995 = tpu.iota {dimensions = array<i32: 0>} : vector<16xi32>
        %add3A_3996 = arith.constant 0 : i32
        %add3A_3997 = vector.broadcast %add3A_3996 : i32 to vector<16xi32>
        %add3A_3998 = arith.addi %iota3A_3995, %add3A_3997 : vector<16xi32>
        %mul3A_3999 = arith.constant 3277 : i32
        %mul3A_4000 = vector.broadcast %mul3A_3999 : i32 to vector<16xi32>
        %mul3A_4001 = arith.muli %add3A_3998, %mul3A_4000 : vector<16xi32>
        %shift_right_logical3A_4002 = arith.constant 16 : i32
        %shift_right_logical3A_4003 = vector.broadcast %shift_right_logical3A_4002 : i32 to vector<16xi32>
        %shift_right_logical3A_4004 = arith.shrui %mul3A_4001, %shift_right_logical3A_4003 : vector<16xi32>
        %mul3A_4005 = arith.constant 4 : i32
        %mul3A_4006 = arith.muli %and3A_3991, %mul3A_4005 : i32
        %add3A_4007 = vector.broadcast %mul3A_4006 : i32 to vector<16xi32>
        %add3A_4008 = arith.addi %shift_right_logical3A_4004, %add3A_4007 : vector<16xi32>
        %mul3A_4009 = arith.constant 20 : i32
        %mul3A_4010 = vector.broadcast %mul3A_4009 : i32 to vector<16xi32>
        %mul3A_4011 = arith.muli %shift_right_logical3A_4004, %mul3A_4010 : vector<16xi32>
        %sub3A_4012 = arith.subi %add3A_3998, %mul3A_4011 : vector<16xi32>
        %add3A_4013 = vector.broadcast %mul3A_3994 : i32 to vector<16xi32>
        %add3A_4014 = arith.addi %sub3A_4012, %add3A_4013 : vector<16xi32>
        %gather3A_4015 = tpu.vector_load_idx %arg8[%add3A_4008, %add3A_4014] : memref<512x128xi32, #tpu.memory_space<vmem>>[vector<16xi32>, vector<16xi32>], vector<16xi32>,
        %swap3A_4016 = arith.constant 0 : index
        %swap3A_4017 = tpu.vector_load %arg15[%swap3A_4016] {strides = array<i32>} : memref<80xi32, #tpu.memory_space<vmem>>, vector<16xi32>,
        tpu.vector_store %arg15[%swap3A_4016], %gather3A_4015 {strides = array<i32>} : memref<80xi32, #tpu.memory_space<vmem>>, vector<16xi32>,
        %iota3A_4018 = tpu.iota {dimensions = array<i32: 0>} : vector<16xi32>
        %add3A_4019 = arith.constant 16 : i32
        %add3A_4020 = vector.broadcast %add3A_4019 : i32 to vector<16xi32>
        %add3A_4021 = arith.addi %iota3A_4018, %add3A_4020 : vector<16xi32>
        %mul3A_4022 = arith.constant 3277 : i32
        %mul3A_4023 = vector.broadcast %mul3A_4022 : i32 to vector<16xi32>
        %mul3A_4024 = arith.muli %add3A_4021, %mul3A_4023 : vector<16xi32>
        %shift_right_logical3A_4025 = arith.constant 16 : i32
        %shift_right_logical3A_4026 = vector.broadcast %shift_right_logical3A_4025 : i32 to vector<16xi32>
        %shift_right_logical3A_4027 = arith.shrui %mul3A_4024, %shift_right_logical3A_4026 : vector<16xi32>
        %mul3A_4028 = arith.constant 4 : i32
        %mul3A_4029 = arith.muli %and3A_3991, %mul3A_4028 : i32
        %add3A_4030 = vector.broadcast %mul3A_4029 : i32 to vector<16xi32>
        %add3A_4031 = arith.addi %shift_right_logical3A_4027, %add3A_4030 : vector<16xi32>
        %mul3A_4032 = arith.constant 20 : i32
        %mul3A_4033 = vector.broadcast %mul3A_4032 : i32 to vector<16xi32>
        %mul3A_4034 = arith.muli %shift_right_logical3A_4027, %mul3A_4033 : vector<16xi32>
        %sub3A_4035 = arith.subi %add3A_4021, %mul3A_4034 : vector<16xi32>
        %add3A_4036 = vector.broadcast %mul3A_3994 : i32 to vector<16xi32>
        %add3A_4037 = arith.addi %sub3A_4035, %add3A_4036 : vector<16xi32>
        %gather3A_4038 = tpu.vector_load_idx %arg8[%add3A_4031, %add3A_4037] : memref<512x128xi32, #tpu.memory_space<vmem>>[vector<16xi32>, vector<16xi32>], vector<16xi32>,
        %swap3A_4039 = arith.constant 16 : index
        %swap3A_4040 = tpu.vector_load %arg15[%swap3A_4039] {strides = array<i32>} : memref<80xi32, #tpu.memory_space<vmem>>, vector<16xi32>,
        tpu.vector_store %arg15[%swap3A_4039], %gather3A_4038 {strides = array<i32>} : memref<80xi32, #tpu.memory_space<vmem>>, vector<16xi32>,
        %iota3A_4041 = tpu.iota {dimensions = array<i32: 0>} : vector<16xi32>
        %add3A_4042 = arith.constant 32 : i32
        %add3A_4043 = vector.broadcast %add3A_4042 : i32 to vector<16xi32>
        %add3A_4044 = arith.addi %iota3A_4041, %add3A_4043 : vector<16xi32>
        %mul3A_4045 = arith.constant 3277 : i32
        %mul3A_4046 = vector.broadcast %mul3A_4045 : i32 to vector<16xi32>
        %mul3A_4047 = arith.muli %add3A_4044, %mul3A_4046 : vector<16xi32>
        %shift_right_logical3A_4048 = arith.constant 16 : i32
        %shift_right_logical3A_4049 = vector.broadcast %shift_right_logical3A_4048 : i32 to vector<16xi32>
        %shift_right_logical3A_4050 = arith.shrui %mul3A_4047, %shift_right_logical3A_4049 : vector<16xi32>
        %mul3A_4051 = arith.constant 4 : i32
        %mul3A_4052 = arith.muli %and3A_3991, %mul3A_4051 : i32
        %add3A_4053 = vector.broadcast %mul3A_4052 : i32 to vector<16xi32>
        %add3A_4054 = arith.addi %shift_right_logical3A_4050, %add3A_4053 : vector<16xi32>
        %mul3A_4055 = arith.constant 20 : i32
        %mul3A_4056 = vector.broadcast %mul3A_4055 : i32 to vector<16xi32>
        %mul3A_4057 = arith.muli %shift_right_logical3A_4050, %mul3A_4056 : vector<16xi32>
        %sub3A_4058 = arith.subi %add3A_4044, %mul3A_4057 : vector<16xi32>
        %add3A_4059 = vector.broadcast %mul3A_3994 : i32 to vector<16xi32>
        %add3A_4060 = arith.addi %sub3A_4058, %add3A_4059 : vector<16xi32>
        %gather3A_4061 = tpu.vector_load_idx %arg8[%add3A_4054, %add3A_4060] : memref<512x128xi32, #tpu.memory_space<vmem>>[vector<16xi32>, vector<16xi32>], vector<16xi32>,
        %swap3A_4062 = arith.constant 32 : index
        %swap3A_4063 = tpu.vector_load %arg15[%swap3A_4062] {strides = array<i32>} : memref<80xi32, #tpu.memory_space<vmem>>, vector<16xi32>,
        tpu.vector_store %arg15[%swap3A_4062], %gather3A_4061 {strides = array<i32>} : memref<80xi32, #tpu.memory_space<vmem>>, vector<16xi32>,
        %iota3A_4064 = tpu.iota {dimensions = array<i32: 0>} : vector<16xi32>
        %add3A_4065 = arith.constant 48 : i32
        %add3A_4066 = vector.broadcast %add3A_4065 : i32 to vector<16xi32>
        %add3A_4067 = arith.addi %iota3A_4064, %add3A_4066 : vector<16xi32>
        %mul3A_4068 = arith.constant 3277 : i32
        %mul3A_4069 = vector.broadcast %mul3A_4068 : i32 to vector<16xi32>
        %mul3A_4070 = arith.muli %add3A_4067, %mul3A_4069 : vector<16xi32>
        %shift_right_logical3A_4071 = arith.constant 16 : i32
        %shift_right_logical3A_4072 = vector.broadcast %shift_right_logical3A_4071 : i32 to vector<16xi32>
        %shift_right_logical3A_4073 = arith.shrui %mul3A_4070, %shift_right_logical3A_4072 : vector<16xi32>
        %mul3A_4074 = arith.constant 4 : i32
        %mul3A_4075 = arith.muli %and3A_3991, %mul3A_4074 : i32
        %add3A_4076 = vector.broadcast %mul3A_4075 : i32 to vector<16xi32>
        %add3A_4077 = arith.addi %shift_right_logical3A_4073, %add3A_4076 : vector<16xi32>
        %mul3A_4078 = arith.constant 20 : i32
        %mul3A_4079 = vector.broadcast %mul3A_4078 : i32 to vector<16xi32>
        %mul3A_4080 = arith.muli %shift_right_logical3A_4073, %mul3A_4079 : vector<16xi32>
        %sub3A_4081 = arith.subi %add3A_4067, %mul3A_4080 : vector<16xi32>
        %add3A_4082 = vector.broadcast %mul3A_3994 : i32 to vector<16xi32>
        %add3A_4083 = arith.addi %sub3A_4081, %add3A_4082 : vector<16xi32>
        %gather3A_4084 = tpu.vector_load_idx %arg8[%add3A_4077, %add3A_4083] : memref<512x128xi32, #tpu.memory_space<vmem>>[vector<16xi32>, vector<16xi32>], vector<16xi32>,
        %swap3A_4085 = arith.constant 48 : index
        %swap3A_4086 = tpu.vector_load %arg15[%swap3A_4085] {strides = array<i32>} : memref<80xi32, #tpu.memory_space<vmem>>, vector<16xi32>,
        tpu.vector_store %arg15[%swap3A_4085], %gather3A_4084 {strides = array<i32>} : memref<80xi32, #tpu.memory_space<vmem>>, vector<16xi32>,
        %iota3A_4087 = tpu.iota {dimensions = array<i32: 0>} : vector<16xi32>
        %add3A_4088 = arith.constant 64 : i32
        %add3A_4089 = vector.broadcast %add3A_4088 : i32 to vector<16xi32>
        %add3A_4090 = arith.addi %iota3A_4087, %add3A_4089 : vector<16xi32>
        %mul3A_4091 = arith.constant 3277 : i32
        %mul3A_4092 = vector.broadcast %mul3A_4091 : i32 to vector<16xi32>
        %mul3A_4093 = arith.muli %add3A_4090, %mul3A_4092 : vector<16xi32>
        %shift_right_logical3A_4094 = arith.constant 16 : i32
        %shift_right_logical3A_4095 = vector.broadcast %shift_right_logical3A_4094 : i32 to vector<16xi32>
        %shift_right_logical3A_4096 = arith.shrui %mul3A_4093, %shift_right_logical3A_4095 : vector<16xi32>
        %mul3A_4097 = arith.constant 4 : i32
        %mul3A_4098 = arith.muli %and3A_3991, %mul3A_4097 : i32
        %add3A_4099 = vector.broadcast %mul3A_4098 : i32 to vector<16xi32>
        %add3A_4100 = arith.addi %shift_right_logical3A_4096, %add3A_4099 : vector<16xi32>
        %mul3A_4101 = arith.constant 20 : i32
        %mul3A_4102 = vector.broadcast %mul3A_4101 : i32 to vector<16xi32>
        %mul3A_4103 = arith.muli %shift_right_logical3A_4096, %mul3A_4102 : vector<16xi32>
        %sub3A_4104 = arith.subi %add3A_4090, %mul3A_4103 : vector<16xi32>
        %add3A_4105 = vector.broadcast %mul3A_3994 : i32 to vector<16xi32>
        %add3A_4106 = arith.addi %sub3A_4104, %add3A_4105 : vector<16xi32>
        %gather3A_4107 = tpu.vector_load_idx %arg8[%add3A_4100, %add3A_4106] : memref<512x128xi32, #tpu.memory_space<vmem>>[vector<16xi32>, vector<16xi32>], vector<16xi32>,
        %swap3A_4108 = arith.constant 64 : index
        %swap3A_4109 = tpu.vector_load %arg15[%swap3A_4108] {strides = array<i32>} : memref<80xi32, #tpu.memory_space<vmem>>, vector<16xi32>,
        tpu.vector_store %arg15[%swap3A_4108], %gather3A_4107 {strides = array<i32>} : memref<80xi32, #tpu.memory_space<vmem>>, vector<16xi32>,
      } else {
      }
      %get3A_3157 = arith.constant 0 : i32
      %get3A_3158 = arith.index_cast %get3A_3157 : i32 to index
      %get3A_3159 = arith.constant 0 : index
      %get3A_3160 = tpu.vector_load %arg19[%get3A_3158, %get3A_3159] {strides = array<i32>} : memref<80x64xbf16, #tpu.memory_space<vmem>>, vector<32xbf16>,
      %get3A_3161 = arith.constant 0 : i32
      %get3A_3162 = arith.index_cast %get3A_3161 : i32 to index
      %get3A_3163 = arith.constant 32 : index
      %get3A_3164 = tpu.vector_load %arg19[%get3A_3162, %get3A_3163] {strides = array<i32>} : memref<80x64xbf16, #tpu.memory_space<vmem>>, vector<32xbf16>,
      %get3A_3165 = arith.constant 1 : i32
      %get3A_3166 = arith.index_cast %get3A_3165 : i32 to index
      %get3A_3167 = arith.constant 0 : index
      %get3A_3168 = tpu.vector_load %arg19[%get3A_3166, %get3A_3167] {strides = array<i32>} : memref<80x64xbf16, #tpu.memory_space<vmem>>, vector<32xbf16>,
      %add3A_3169 = arith.addf %get3A_3160, %get3A_3168 : vector<32xbf16>
      %get3A_3170 = arith.constant 1 : i32
      %get3A_3171 = arith.index_cast %get3A_3170 : i32 to index
      %get3A_3172 = arith.constant 32 : index
      %get3A_3173 = tpu.vector_load %arg19[%get3A_3171, %get3A_3172] {strides = array<i32>} : memref<80x64xbf16, #tpu.memory_space<vmem>>, vector<32xbf16>,
      %add3A_3174 = arith.addf %get3A_3164, %get3A_3173 : vector<32xbf16>
      %get3A_3175 = arith.constant 2 : i32
      %get3A_3176 = arith.index_cast %get3A_3175 : i32 to index
      %get3A_3177 = arith.constant 0 : index
      %get3A_3178 = tpu.vector_load %arg19[%get3A_3176, %get3A_3177] {strides = array<i32>} : memref<80x64xbf16, #tpu.memory_space<vmem>>, vector<32xbf16>,
      %add3A_3179 = arith.addf %add3A_3169, %get3A_3178 : vector<32xbf16>
      %get3A_3180 = arith.constant 2 : i32
      %get3A_3181 = arith.index_cast %get3A_3180 : i32 to index
      %get3A_3182 = arith.constant 32 : index
      %get3A_3183 = tpu.vector_load %arg19[%get3A_3181, %get3A_3182] {strides = array<i32>} : memref<80x64xbf16, #tpu.memory_space<vmem>>, vector<32xbf16>,
      %add3A_3184 = arith.addf %add3A_3174, %get3A_3183 : vector<32xbf16>
      %get3A_3185 = arith.constant 3 : i32
      %get3A_3186 = arith.index_cast %get3A_3185 : i32 to index
      %get3A_3187 = arith.constant 0 : index
      %get3A_3188 = tpu.vector_load %arg19[%get3A_3186, %get3A_3187] {strides = array<i32>} : memref<80x64xbf16, #tpu.memory_space<vmem>>, vector<32xbf16>,
      %add3A_3189 = arith.addf %add3A_3179, %get3A_3188 : vector<32xbf16>
      %get3A_3190 = arith.constant 3 : i32
      %get3A_3191 = arith.index_cast %get3A_3190 : i32 to index
      %get3A_3192 = arith.constant 32 : index
      %get3A_3193 = tpu.vector_load %arg19[%get3A_3191, %get3A_3192] {strides = array<i32>} : memref<80x64xbf16, #tpu.memory_space<vmem>>, vector<32xbf16>,
      %add3A_3194 = arith.addf %add3A_3184, %get3A_3193 : vector<32xbf16>
      %get3A_3195 = arith.constant 4 : i32
      %get3A_3196 = arith.index_cast %get3A_3195 : i32 to index
      %get3A_3197 = arith.constant 0 : index
      %get3A_3198 = tpu.vector_load %arg19[%get3A_3196, %get3A_3197] {strides = array<i32>} : memref<80x64xbf16, #tpu.memory_space<vmem>>, vector<32xbf16>,
      %add3A_3199 = arith.addf %add3A_3189, %get3A_3198 : vector<32xbf16>
      %get3A_3200 = arith.constant 4 : i32
      %get3A_3201 = arith.index_cast %get3A_3200 : i32 to index
      %get3A_3202 = arith.constant 32 : index
      %get3A_3203 = tpu.vector_load %arg19[%get3A_3201, %get3A_3202] {strides = array<i32>} : memref<80x64xbf16, #tpu.memory_space<vmem>>, vector<32xbf16>,
      %add3A_3204 = arith.addf %add3A_3194, %get3A_3203 : vector<32xbf16>
      %get3A_3205 = arith.constant 5 : i32
      %get3A_3206 = arith.index_cast %get3A_3205 : i32 to index
      %get3A_3207 = arith.constant 0 : index
      %get3A_3208 = tpu.vector_load %arg19[%get3A_3206, %get3A_3207] {strides = array<i32>} : memref<80x64xbf16, #tpu.memory_space<vmem>>, vector<32xbf16>,
      %add3A_3209 = arith.addf %add3A_3199, %get3A_3208 : vector<32xbf16>
      %get3A_3210 = arith.constant 5 : i32
      %get3A_3211 = arith.index_cast %get3A_3210 : i32 to index
      %get3A_3212 = arith.constant 32 : index
      %get3A_3213 = tpu.vector_load %arg19[%get3A_3211, %get3A_3212] {strides = array<i32>} : memref<80x64xbf16, #tpu.memory_space<vmem>>, vector<32xbf16>,
      %add3A_3214 = arith.addf %add3A_3204, %get3A_3213 : vector<32xbf16>
      %get3A_3215 = arith.constant 6 : i32
      %get3A_3216 = arith.index_cast %get3A_3215 : i32 to index
      %get3A_3217 = arith.constant 0 : index
      %get3A_3218 = tpu.vector_load %arg19[%get3A_3216, %get3A_3217] {strides = array<i32>} : memref<80x64xbf16, #tpu.memory_space<vmem>>, vector<32xbf16>,
      %add3A_3219 = arith.addf %add3A_3209, %get3A_3218 : vector<32xbf16>
      %get3A_3220 = arith.constant 6 : i32
      %get3A_3221 = arith.index_cast %get3A_3220 : i32 to index
      %get3A_3222 = arith.constant 32 : index
      %get3A_3223 = tpu.vector_load %arg19[%get3A_3221, %get3A_3222] {strides = array<i32>} : memref<80x64xbf16, #tpu.memory_space<vmem>>, vector<32xbf16>,
      %add3A_3224 = arith.addf %add3A_3214, %get3A_3223 : vector<32xbf16>
      %get3A_3225 = arith.constant 7 : i32
      %get3A_3226 = arith.index_cast %get3A_3225 : i32 to index
      %get3A_3227 = arith.constant 0 : index
      %get3A_3228 = tpu.vector_load %arg19[%get3A_3226, %get3A_3227] {strides = array<i32>} : memref<80x64xbf16, #tpu.memory_space<vmem>>, vector<32xbf16>,
      %add3A_3229 = arith.addf %add3A_3219, %get3A_3228 : vector<32xbf16>
      %get3A_3230 = arith.constant 7 : i32
      %get3A_3231 = arith.index_cast %get3A_3230 : i32 to index
      %get3A_3232 = arith.constant 32 : index
      %get3A_3233 = tpu.vector_load %arg19[%get3A_3231, %get3A_3232] {strides = array<i32>} : memref<80x64xbf16, #tpu.memory_space<vmem>>, vector<32xbf16>,
      %add3A_3234 = arith.addf %add3A_3224, %get3A_3233 : vector<32xbf16>
      %get3A_3235 = arith.constant 8 : i32
      %get3A_3236 = arith.index_cast %get3A_3235 : i32 to index
      %get3A_3237 = arith.constant 0 : index
      %get3A_3238 = tpu.vector_load %arg19[%get3A_3236, %get3A_3237] {strides = array<i32>} : memref<80x64xbf16, #tpu.memory_space<vmem>>, vector<32xbf16>,
      %add3A_3239 = arith.addf %add3A_3229, %get3A_3238 : vector<32xbf16>
      %get3A_3240 = arith.constant 8 : i32
      %get3A_3241 = arith.index_cast %get3A_3240 : i32 to index
      %get3A_3242 = arith.constant 32 : index
      %get3A_3243 = tpu.vector_load %arg19[%get3A_3241, %get3A_3242] {strides = array<i32>} : memref<80x64xbf16, #tpu.memory_space<vmem>>, vector<32xbf16>,
      %add3A_3244 = arith.addf %add3A_3234, %get3A_3243 : vector<32xbf16>
      %get3A_3245 = arith.constant 9 : i32
      %get3A_3246 = arith.index_cast %get3A_3245 : i32 to index
      %get3A_3247 = arith.constant 0 : index
      %get3A_3248 = tpu.vector_load %arg19[%get3A_3246, %get3A_3247] {strides = array<i32>} : memref<80x64xbf16, #tpu.memory_space<vmem>>, vector<32xbf16>,
      %add3A_3249 = arith.addf %add3A_3239, %get3A_3248 : vector<32xbf16>
      %get3A_3250 = arith.constant 9 : i32
      %get3A_3251 = arith.index_cast %get3A_3250 : i32 to index
      %get3A_3252 = arith.constant 32 : index
      %get3A_3253 = tpu.vector_load %arg19[%get3A_3251, %get3A_3252] {strides = array<i32>} : memref<80x64xbf16, #tpu.memory_space<vmem>>, vector<32xbf16>,
      %add3A_3254 = arith.addf %add3A_3244, %get3A_3253 : vector<32xbf16>
      %get3A_3255 = arith.constant 10 : i32
      %get3A_3256 = arith.index_cast %get3A_3255 : i32 to index
      %get3A_3257 = arith.constant 0 : index
      %get3A_3258 = tpu.vector_load %arg19[%get3A_3256, %get3A_3257] {strides = array<i32>} : memref<80x64xbf16, #tpu.memory_space<vmem>>, vector<32xbf16>,
      %add3A_3259 = arith.addf %add3A_3249, %get3A_3258 : vector<32xbf16>
      %get3A_3260 = arith.constant 10 : i32
      %get3A_3261 = arith.index_cast %get3A_3260 : i32 to index
      %get3A_3262 = arith.constant 32 : index
      %get3A_3263 = tpu.vector_load %arg19[%get3A_3261, %get3A_3262] {strides = array<i32>} : memref<80x64xbf16, #tpu.memory_space<vmem>>, vector<32xbf16>,
      %add3A_3264 = arith.addf %add3A_3254, %get3A_3263 : vector<32xbf16>
      %get3A_3265 = arith.constant 11 : i32
      %get3A_3266 = arith.index_cast %get3A_3265 : i32 to index
      %get3A_3267 = arith.constant 0 : index
      %get3A_3268 = tpu.vector_load %arg19[%get3A_3266, %get3A_3267] {strides = array<i32>} : memref<80x64xbf16, #tpu.memory_space<vmem>>, vector<32xbf16>,
      %add3A_3269 = arith.addf %add3A_3259, %get3A_3268 : vector<32xbf16>
      %get3A_3270 = arith.constant 11 : i32
      %get3A_3271 = arith.index_cast %get3A_3270 : i32 to index
      %get3A_3272 = arith.constant 32 : index
      %get3A_3273 = tpu.vector_load %arg19[%get3A_3271, %get3A_3272] {strides = array<i32>} : memref<80x64xbf16, #tpu.memory_space<vmem>>, vector<32xbf16>,
      %add3A_3274 = arith.addf %add3A_3264, %get3A_3273 : vector<32xbf16>
      %get3A_3275 = arith.constant 12 : i32
      %get3A_3276 = arith.index_cast %get3A_3275 : i32 to index
      %get3A_3277 = arith.constant 0 : index
      %get3A_3278 = tpu.vector_load %arg19[%get3A_3276, %get3A_3277] {strides = array<i32>} : memref<80x64xbf16, #tpu.memory_space<vmem>>, vector<32xbf16>,
      %add3A_3279 = arith.addf %add3A_3269, %get3A_3278 : vector<32xbf16>
      %get3A_3280 = arith.constant 12 : i32
      %get3A_3281 = arith.index_cast %get3A_3280 : i32 to index
      %get3A_3282 = arith.constant 32 : index
      %get3A_3283 = tpu.vector_load %arg19[%get3A_3281, %get3A_3282] {strides = array<i32>} : memref<80x64xbf16, #tpu.memory_space<vmem>>, vector<32xbf16>,
      %add3A_3284 = arith.addf %add3A_3274, %get3A_3283 : vector<32xbf16>
      %get3A_3285 = arith.constant 13 : i32
      %get3A_3286 = arith.index_cast %get3A_3285 : i32 to index
      %get3A_3287 = arith.constant 0 : index
      %get3A_3288 = tpu.vector_load %arg19[%get3A_3286, %get3A_3287] {strides = array<i32>} : memref<80x64xbf16, #tpu.memory_space<vmem>>, vector<32xbf16>,
      %add3A_3289 = arith.addf %add3A_3279, %get3A_3288 : vector<32xbf16>
      %get3A_3290 = arith.constant 13 : i32
      %get3A_3291 = arith.index_cast %get3A_3290 : i32 to index
      %get3A_3292 = arith.constant 32 : index
      %get3A_3293 = tpu.vector_load %arg19[%get3A_3291, %get3A_3292] {strides = array<i32>} : memref<80x64xbf16, #tpu.memory_space<vmem>>, vector<32xbf16>,
      %add3A_3294 = arith.addf %add3A_3284, %get3A_3293 : vector<32xbf16>
      %get3A_3295 = arith.constant 14 : i32
      %get3A_3296 = arith.index_cast %get3A_3295 : i32 to index
      %get3A_3297 = arith.constant 0 : index
      %get3A_3298 = tpu.vector_load %arg19[%get3A_3296, %get3A_3297] {strides = array<i32>} : memref<80x64xbf16, #tpu.memory_space<vmem>>, vector<32xbf16>,
      %add3A_3299 = arith.addf %add3A_3289, %get3A_3298 : vector<32xbf16>
      %get3A_3300 = arith.constant 14 : i32
      %get3A_3301 = arith.index_cast %get3A_3300 : i32 to index
      %get3A_3302 = arith.constant 32 : index
      %get3A_3303 = tpu.vector_load %arg19[%get3A_3301, %get3A_3302] {strides = array<i32>} : memref<80x64xbf16, #tpu.memory_space<vmem>>, vector<32xbf16>,
      %add3A_3304 = arith.addf %add3A_3294, %get3A_3303 : vector<32xbf16>
      %get3A_3305 = arith.constant 15 : i32
      %get3A_3306 = arith.index_cast %get3A_3305 : i32 to index
      %get3A_3307 = arith.constant 0 : index
      %get3A_3308 = tpu.vector_load %arg19[%get3A_3306, %get3A_3307] {strides = array<i32>} : memref<80x64xbf16, #tpu.memory_space<vmem>>, vector<32xbf16>,
      %add3A_3309 = arith.addf %add3A_3299, %get3A_3308 : vector<32xbf16>
      %get3A_3310 = arith.constant 15 : i32
      %get3A_3311 = arith.index_cast %get3A_3310 : i32 to index
      %get3A_3312 = arith.constant 32 : index
      %get3A_3313 = tpu.vector_load %arg19[%get3A_3311, %get3A_3312] {strides = array<i32>} : memref<80x64xbf16, #tpu.memory_space<vmem>>, vector<32xbf16>,
      %add3A_3314 = arith.addf %add3A_3304, %get3A_3313 : vector<32xbf16>
      %get3A_3315 = arith.constant 16 : i32
      %get3A_3316 = arith.index_cast %get3A_3315 : i32 to index
      %get3A_3317 = arith.constant 0 : index
      %get3A_3318 = tpu.vector_load %arg19[%get3A_3316, %get3A_3317] {strides = array<i32>} : memref<80x64xbf16, #tpu.memory_space<vmem>>, vector<32xbf16>,
      %add3A_3319 = arith.addf %add3A_3309, %get3A_3318 : vector<32xbf16>
      %get3A_3320 = arith.constant 16 : i32
      %get3A_3321 = arith.index_cast %get3A_3320 : i32 to index
      %get3A_3322 = arith.constant 32 : index
      %get3A_3323 = tpu.vector_load %arg19[%get3A_3321, %get3A_3322] {strides = array<i32>} : memref<80x64xbf16, #tpu.memory_space<vmem>>, vector<32xbf16>,
      %add3A_3324 = arith.addf %add3A_3314, %get3A_3323 : vector<32xbf16>
      %get3A_3325 = arith.constant 17 : i32
      %get3A_3326 = arith.index_cast %get3A_3325 : i32 to index
      %get3A_3327 = arith.constant 0 : index
      %get3A_3328 = tpu.vector_load %arg19[%get3A_3326, %get3A_3327] {strides = array<i32>} : memref<80x64xbf16, #tpu.memory_space<vmem>>, vector<32xbf16>,
      %add3A_3329 = arith.addf %add3A_3319, %get3A_3328 : vector<32xbf16>
      %get3A_3330 = arith.constant 17 : i32
      %get3A_3331 = arith.index_cast %get3A_3330 : i32 to index
      %get3A_3332 = arith.constant 32 : index
      %get3A_3333 = tpu.vector_load %arg19[%get3A_3331, %get3A_3332] {strides = array<i32>} : memref<80x64xbf16, #tpu.memory_space<vmem>>, vector<32xbf16>,
      %add3A_3334 = arith.addf %add3A_3324, %get3A_3333 : vector<32xbf16>
      %get3A_3335 = arith.constant 18 : i32
      %get3A_3336 = arith.index_cast %get3A_3335 : i32 to index
      %get3A_3337 = arith.constant 0 : index
      %get3A_3338 = tpu.vector_load %arg19[%get3A_3336, %get3A_3337] {strides = array<i32>} : memref<80x64xbf16, #tpu.memory_space<vmem>>, vector<32xbf16>,
      %add3A_3339 = arith.addf %add3A_3329, %get3A_3338 : vector<32xbf16>
      %get3A_3340 = arith.constant 18 : i32
      %get3A_3341 = arith.index_cast %get3A_3340 : i32 to index
      %get3A_3342 = arith.constant 32 : index
      %get3A_3343 = tpu.vector_load %arg19[%get3A_3341, %get3A_3342] {strides = array<i32>} : memref<80x64xbf16, #tpu.memory_space<vmem>>, vector<32xbf16>,
      %add3A_3344 = arith.addf %add3A_3334, %get3A_3343 : vector<32xbf16>
      %get3A_3345 = arith.constant 19 : i32
      %get3A_3346 = arith.index_cast %get3A_3345 : i32 to index
      %get3A_3347 = arith.constant 0 : index
      %get3A_3348 = tpu.vector_load %arg19[%get3A_3346, %get3A_3347] {strides = array<i32>} : memref<80x64xbf16, #tpu.memory_space<vmem>>, vector<32xbf16>,
      %add3A_3349 = arith.addf %add3A_3339, %get3A_3348 : vector<32xbf16>
      %get3A_3350 = arith.constant 19 : i32
      %get3A_3351 = arith.index_cast %get3A_3350 : i32 to index
      %get3A_3352 = arith.constant 32 : index
      %get3A_3353 = tpu.vector_load %arg19[%get3A_3351, %get3A_3352] {strides = array<i32>} : memref<80x64xbf16, #tpu.memory_space<vmem>>, vector<32xbf16>,
      %add3A_3354 = arith.addf %add3A_3344, %get3A_3353 : vector<32xbf16>
      %mul3A_3355 = arith.constant 2 : i32
      %mul3A_3356 = arith.muli %add3A_3137, %mul3A_3355 : i32
      %add3A_3357 = arith.constant 0 : i32
      %add3A_3358 = arith.addi %mul3A_3356, %add3A_3357 : i32
      %swap3A_3359 = arith.index_cast %add3A_3358 : i32 to index
      %swap3A_3360 = arith.constant 0 : index
      %swap3A_3361 = tpu.vector_load %arg20[%swap3A_3359, %swap3A_3360] {strides = array<i32>} : memref<512x128xbf16, #tpu.memory_space<vmem>>, vector<32xbf16>,
      tpu.vector_store %arg20[%swap3A_3359, %swap3A_3360], %add3A_3349 {strides = array<i32>} : memref<512x128xbf16, #tpu.memory_space<vmem>>, vector<32xbf16>,
      %swap3A_3362 = arith.index_cast %add3A_3358 : i32 to index
      %swap3A_3363 = arith.constant 32 : index
      %swap3A_3364 = tpu.vector_load %arg20[%swap3A_3362, %swap3A_3363] {strides = array<i32>} : memref<512x128xbf16, #tpu.memory_space<vmem>>, vector<32xbf16>,
      tpu.vector_store %arg20[%swap3A_3362, %swap3A_3363], %add3A_3354 {strides = array<i32>} : memref<512x128xbf16, #tpu.memory_space<vmem>>, vector<32xbf16>,
      %get3A_3365 = arith.constant 20 : i32
      %get3A_3366 = arith.index_cast %get3A_3365 : i32 to index
      %get3A_3367 = arith.constant 0 : index
      %get3A_3368 = tpu.vector_load %arg19[%get3A_3366, %get3A_3367] {strides = array<i32>} : memref<80x64xbf16, #tpu.memory_space<vmem>>, vector<32xbf16>,
      %get3A_3369 = arith.constant 20 : i32
      %get3A_3370 = arith.index_cast %get3A_3369 : i32 to index
      %get3A_3371 = arith.constant 32 : index
      %get3A_3372 = tpu.vector_load %arg19[%get3A_3370, %get3A_3371] {strides = array<i32>} : memref<80x64xbf16, #tpu.memory_space<vmem>>, vector<32xbf16>,
      %get3A_3373 = arith.constant 21 : i32
      %get3A_3374 = arith.index_cast %get3A_3373 : i32 to index
      %get3A_3375 = arith.constant 0 : index
      %get3A_3376 = tpu.vector_load %arg19[%get3A_3374, %get3A_3375] {strides = array<i32>} : memref<80x64xbf16, #tpu.memory_space<vmem>>, vector<32xbf16>,
      %add3A_3377 = arith.addf %get3A_3368, %get3A_3376 : vector<32xbf16>
      %get3A_3378 = arith.constant 21 : i32
      %get3A_3379 = arith.index_cast %get3A_3378 : i32 to index
      %get3A_3380 = arith.constant 32 : index
      %get3A_3381 = tpu.vector_load %arg19[%get3A_3379, %get3A_3380] {strides = array<i32>} : memref<80x64xbf16, #tpu.memory_space<vmem>>, vector<32xbf16>,
      %add3A_3382 = arith.addf %get3A_3372, %get3A_3381 : vector<32xbf16>
      %get3A_3383 = arith.constant 22 : i32
      %get3A_3384 = arith.index_cast %get3A_3383 : i32 to index
      %get3A_3385 = arith.constant 0 : index
      %get3A_3386 = tpu.vector_load %arg19[%get3A_3384, %get3A_3385] {strides = array<i32>} : memref<80x64xbf16, #tpu.memory_space<vmem>>, vector<32xbf16>,
      %add3A_3387 = arith.addf %add3A_3377, %get3A_3386 : vector<32xbf16>
      %get3A_3388 = arith.constant 22 : i32
      %get3A_3389 = arith.index_cast %get3A_3388 : i32 to index
      %get3A_3390 = arith.constant 32 : index
      %get3A_3391 = tpu.vector_load %arg19[%get3A_3389, %get3A_3390] {strides = array<i32>} : memref<80x64xbf16, #tpu.memory_space<vmem>>, vector<32xbf16>,
      %add3A_3392 = arith.addf %add3A_3382, %get3A_3391 : vector<32xbf16>
      %get3A_3393 = arith.constant 23 : i32
      %get3A_3394 = arith.index_cast %get3A_3393 : i32 to index
      %get3A_3395 = arith.constant 0 : index
      %get3A_3396 = tpu.vector_load %arg19[%get3A_3394, %get3A_3395] {strides = array<i32>} : memref<80x64xbf16, #tpu.memory_space<vmem>>, vector<32xbf16>,
      %add3A_3397 = arith.addf %add3A_3387, %get3A_3396 : vector<32xbf16>
      %get3A_3398 = arith.constant 23 : i32
      %get3A_3399 = arith.index_cast %get3A_3398 : i32 to index
      %get3A_3400 = arith.constant 32 : index
      %get3A_3401 = tpu.vector_load %arg19[%get3A_3399, %get3A_3400] {strides = array<i32>} : memref<80x64xbf16, #tpu.memory_space<vmem>>, vector<32xbf16>,
      %add3A_3402 = arith.addf %add3A_3392, %get3A_3401 : vector<32xbf16>
      %get3A_3403 = arith.constant 24 : i32
      %get3A_3404 = arith.index_cast %get3A_3403 : i32 to index
      %get3A_3405 = arith.constant 0 : index
      %get3A_3406 = tpu.vector_load %arg19[%get3A_3404, %get3A_3405] {strides = array<i32>} : memref<80x64xbf16, #tpu.memory_space<vmem>>, vector<32xbf16>,
      %add3A_3407 = arith.addf %add3A_3397, %get3A_3406 : vector<32xbf16>
      %get3A_3408 = arith.constant 24 : i32
      %get3A_3409 = arith.index_cast %get3A_3408 : i32 to index
      %get3A_3410 = arith.constant 32 : index
      %get3A_3411 = tpu.vector_load %arg19[%get3A_3409, %get3A_3410] {strides = array<i32>} : memref<80x64xbf16, #tpu.memory_space<vmem>>, vector<32xbf16>,
      %add3A_3412 = arith.addf %add3A_3402, %get3A_3411 : vector<32xbf16>
      %get3A_3413 = arith.constant 25 : i32
      %get3A_3414 = arith.index_cast %get3A_3413 : i32 to index
      %get3A_3415 = arith.constant 0 : index
      %get3A_3416 = tpu.vector_load %arg19[%get3A_3414, %get3A_3415] {strides = array<i32>} : memref<80x64xbf16, #tpu.memory_space<vmem>>, vector<32xbf16>,
      %add3A_3417 = arith.addf %add3A_3407, %get3A_3416 : vector<32xbf16>
      %get3A_3418 = arith.constant 25 : i32
      %get3A_3419 = arith.index_cast %get3A_3418 : i32 to index
      %get3A_3420 = arith.constant 32 : index
      %get3A_3421 = tpu.vector_load %arg19[%get3A_3419, %get3A_3420] {strides = array<i32>} : memref<80x64xbf16, #tpu.memory_space<vmem>>, vector<32xbf16>,
      %add3A_3422 = arith.addf %add3A_3412, %get3A_3421 : vector<32xbf16>
      %get3A_3423 = arith.constant 26 : i32
      %get3A_3424 = arith.index_cast %get3A_3423 : i32 to index
      %get3A_3425 = arith.constant 0 : index
      %get3A_3426 = tpu.vector_load %arg19[%get3A_3424, %get3A_3425] {strides = array<i32>} : memref<80x64xbf16, #tpu.memory_space<vmem>>, vector<32xbf16>,
      %add3A_3427 = arith.addf %add3A_3417, %get3A_3426 : vector<32xbf16>
      %get3A_3428 = arith.constant 26 : i32
      %get3A_3429 = arith.index_cast %get3A_3428 : i32 to index
      %get3A_3430 = arith.constant 32 : index
      %get3A_3431 = tpu.vector_load %arg19[%get3A_3429, %get3A_3430] {strides = array<i32>} : memref<80x64xbf16, #tpu.memory_space<vmem>>, vector<32xbf16>,
      %add3A_3432 = arith.addf %add3A_3422, %get3A_3431 : vector<32xbf16>
      %get3A_3433 = arith.constant 27 : i32
      %get3A_3434 = arith.index_cast %get3A_3433 : i32 to index
      %get3A_3435 = arith.constant 0 : index
      %get3A_3436 = tpu.vector_load %arg19[%get3A_3434, %get3A_3435] {strides = array<i32>} : memref<80x64xbf16, #tpu.memory_space<vmem>>, vector<32xbf16>,
      %add3A_3437 = arith.addf %add3A_3427, %get3A_3436 : vector<32xbf16>
      %get3A_3438 = arith.constant 27 : i32
      %get3A_3439 = arith.index_cast %get3A_3438 : i32 to index
      %get3A_3440 = arith.constant 32 : index
      %get3A_3441 = tpu.vector_load %arg19[%get3A_3439, %get3A_3440] {strides = array<i32>} : memref<80x64xbf16, #tpu.memory_space<vmem>>, vector<32xbf16>,
      %add3A_3442 = arith.addf %add3A_3432, %get3A_3441 : vector<32xbf16>
      %get3A_3443 = arith.constant 28 : i32
      %get3A_3444 = arith.index_cast %get3A_3443 : i32 to index
      %get3A_3445 = arith.constant 0 : index
      %get3A_3446 = tpu.vector_load %arg19[%get3A_3444, %get3A_3445] {strides = array<i32>} : memref<80x64xbf16, #tpu.memory_space<vmem>>, vector<32xbf16>,
      %add3A_3447 = arith.addf %add3A_3437, %get3A_3446 : vector<32xbf16>
      %get3A_3448 = arith.constant 28 : i32
      %get3A_3449 = arith.index_cast %get3A_3448 : i32 to index
      %get3A_3450 = arith.constant 32 : index
      %get3A_3451 = tpu.vector_load %arg19[%get3A_3449, %get3A_3450] {strides = array<i32>} : memref<80x64xbf16, #tpu.memory_space<vmem>>, vector<32xbf16>,
      %add3A_3452 = arith.addf %add3A_3442, %get3A_3451 : vector<32xbf16>
      %get3A_3453 = arith.constant 29 : i32
      %get3A_3454 = arith.index_cast %get3A_3453 : i32 to index
      %get3A_3455 = arith.constant 0 : index
      %get3A_3456 = tpu.vector_load %arg19[%get3A_3454, %get3A_3455] {strides = array<i32>} : memref<80x64xbf16, #tpu.memory_space<vmem>>, vector<32xbf16>,
      %add3A_3457 = arith.addf %add3A_3447, %get3A_3456 : vector<32xbf16>
      %get3A_3458 = arith.constant 29 : i32
      %get3A_3459 = arith.index_cast %get3A_3458 : i32 to index
      %get3A_3460 = arith.constant 32 : index
      %get3A_3461 = tpu.vector_load %arg19[%get3A_3459, %get3A_3460] {strides = array<i32>} : memref<80x64xbf16, #tpu.memory_space<vmem>>, vector<32xbf16>,
      %add3A_3462 = arith.addf %add3A_3452, %get3A_3461 : vector<32xbf16>
      %get3A_3463 = arith.constant 30 : i32
      %get3A_3464 = arith.index_cast %get3A_3463 : i32 to index
      %get3A_3465 = arith.constant 0 : index
      %get3A_3466 = tpu.vector_load %arg19[%get3A_3464, %get3A_3465] {strides = array<i32>} : memref<80x64xbf16, #tpu.memory_space<vmem>>, vector<32xbf16>,
      %add3A_3467 = arith.addf %add3A_3457, %get3A_3466 : vector<32xbf16>
      %get3A_3468 = arith.constant 30 : i32
      %get3A_3469 = arith.index_cast %get3A_3468 : i32 to index
      %get3A_3470 = arith.constant 32 : index
      %get3A_3471 = tpu.vector_load %arg19[%get3A_3469, %get3A_3470] {strides = array<i32>} : memref<80x64xbf16, #tpu.memory_space<vmem>>, vector<32xbf16>,
      %add3A_3472 = arith.addf %add3A_3462, %get3A_3471 : vector<32xbf16>
      %get3A_3473 = arith.constant 31 : i32
      %get3A_3474 = arith.index_cast %get3A_3473 : i32 to index
      %get3A_3475 = arith.constant 0 : index
      %get3A_3476 = tpu.vector_load %arg19[%get3A_3474, %get3A_3475] {strides = array<i32>} : memref<80x64xbf16, #tpu.memory_space<vmem>>, vector<32xbf16>,
      %add3A_3477 = arith.addf %add3A_3467, %get3A_3476 : vector<32xbf16>
      %get3A_3478 = arith.constant 31 : i32
      %get3A_3479 = arith.index_cast %get3A_3478 : i32 to index
      %get3A_3480 = arith.constant 32 : index
      %get3A_3481 = tpu.vector_load %arg19[%get3A_3479, %get3A_3480] {strides = array<i32>} : memref<80x64xbf16, #tpu.memory_space<vmem>>, vector<32xbf16>,
      %add3A_3482 = arith.addf %add3A_3472, %get3A_3481 : vector<32xbf16>
      %get3A_3483 = arith.constant 32 : i32
      %get3A_3484 = arith.index_cast %get3A_3483 : i32 to index
      %get3A_3485 = arith.constant 0 : index
      %get3A_3486 = tpu.vector_load %arg19[%get3A_3484, %get3A_3485] {strides = array<i32>} : memref<80x64xbf16, #tpu.memory_space<vmem>>, vector<32xbf16>,
      %add3A_3487 = arith.addf %add3A_3477, %get3A_3486 : vector<32xbf16>
      %get3A_3488 = arith.constant 32 : i32
      %get3A_3489 = arith.index_cast %get3A_3488 : i32 to index
      %get3A_3490 = arith.constant 32 : index
      %get3A_3491 = tpu.vector_load %arg19[%get3A_3489, %get3A_3490] {strides = array<i32>} : memref<80x64xbf16, #tpu.memory_space<vmem>>, vector<32xbf16>,
      %add3A_3492 = arith.addf %add3A_3482, %get3A_3491 : vector<32xbf16>
      %get3A_3493 = arith.constant 33 : i32
      %get3A_3494 = arith.index_cast %get3A_3493 : i32 to index
      %get3A_3495 = arith.constant 0 : index
      %get3A_3496 = tpu.vector_load %arg19[%get3A_3494, %get3A_3495] {strides = array<i32>} : memref<80x64xbf16, #tpu.memory_space<vmem>>, vector<32xbf16>,
      %add3A_3497 = arith.addf %add3A_3487, %get3A_3496 : vector<32xbf16>
      %get3A_3498 = arith.constant 33 : i32
      %get3A_3499 = arith.index_cast %get3A_3498 : i32 to index
      %get3A_3500 = arith.constant 32 : index
      %get3A_3501 = tpu.vector_load %arg19[%get3A_3499, %get3A_3500] {strides = array<i32>} : memref<80x64xbf16, #tpu.memory_space<vmem>>, vector<32xbf16>,
      %add3A_3502 = arith.addf %add3A_3492, %get3A_3501 : vector<32xbf16>
      %get3A_3503 = arith.constant 34 : i32
      %get3A_3504 = arith.index_cast %get3A_3503 : i32 to index
      %get3A_3505 = arith.constant 0 : index
      %get3A_3506 = tpu.vector_load %arg19[%get3A_3504, %get3A_3505] {strides = array<i32>} : memref<80x64xbf16, #tpu.memory_space<vmem>>, vector<32xbf16>,
      %add3A_3507 = arith.addf %add3A_3497, %get3A_3506 : vector<32xbf16>
      %get3A_3508 = arith.constant 34 : i32
      %get3A_3509 = arith.index_cast %get3A_3508 : i32 to index
      %get3A_3510 = arith.constant 32 : index
      %get3A_3511 = tpu.vector_load %arg19[%get3A_3509, %get3A_3510] {strides = array<i32>} : memref<80x64xbf16, #tpu.memory_space<vmem>>, vector<32xbf16>,
      %add3A_3512 = arith.addf %add3A_3502, %get3A_3511 : vector<32xbf16>
      %get3A_3513 = arith.constant 35 : i32
      %get3A_3514 = arith.index_cast %get3A_3513 : i32 to index
      %get3A_3515 = arith.constant 0 : index
      %get3A_3516 = tpu.vector_load %arg19[%get3A_3514, %get3A_3515] {strides = array<i32>} : memref<80x64xbf16, #tpu.memory_space<vmem>>, vector<32xbf16>,
      %add3A_3517 = arith.addf %add3A_3507, %get3A_3516 : vector<32xbf16>
      %get3A_3518 = arith.constant 35 : i32
      %get3A_3519 = arith.index_cast %get3A_3518 : i32 to index
      %get3A_3520 = arith.constant 32 : index
      %get3A_3521 = tpu.vector_load %arg19[%get3A_3519, %get3A_3520] {strides = array<i32>} : memref<80x64xbf16, #tpu.memory_space<vmem>>, vector<32xbf16>,
      %add3A_3522 = arith.addf %add3A_3512, %get3A_3521 : vector<32xbf16>
      %get3A_3523 = arith.constant 36 : i32
      %get3A_3524 = arith.index_cast %get3A_3523 : i32 to index
      %get3A_3525 = arith.constant 0 : index
      %get3A_3526 = tpu.vector_load %arg19[%get3A_3524, %get3A_3525] {strides = array<i32>} : memref<80x64xbf16, #tpu.memory_space<vmem>>, vector<32xbf16>,
      %add3A_3527 = arith.addf %add3A_3517, %get3A_3526 : vector<32xbf16>
      %get3A_3528 = arith.constant 36 : i32
      %get3A_3529 = arith.index_cast %get3A_3528 : i32 to index
      %get3A_3530 = arith.constant 32 : index
      %get3A_3531 = tpu.vector_load %arg19[%get3A_3529, %get3A_3530] {strides = array<i32>} : memref<80x64xbf16, #tpu.memory_space<vmem>>, vector<32xbf16>,
      %add3A_3532 = arith.addf %add3A_3522, %get3A_3531 : vector<32xbf16>
      %get3A_3533 = arith.constant 37 : i32
      %get3A_3534 = arith.index_cast %get3A_3533 : i32 to index
      %get3A_3535 = arith.constant 0 : index
      %get3A_3536 = tpu.vector_load %arg19[%get3A_3534, %get3A_3535] {strides = array<i32>} : memref<80x64xbf16, #tpu.memory_space<vmem>>, vector<32xbf16>,
      %add3A_3537 = arith.addf %add3A_3527, %get3A_3536 : vector<32xbf16>
      %get3A_3538 = arith.constant 37 : i32
      %get3A_3539 = arith.index_cast %get3A_3538 : i32 to index
      %get3A_3540 = arith.constant 32 : index
      %get3A_3541 = tpu.vector_load %arg19[%get3A_3539, %get3A_3540] {strides = array<i32>} : memref<80x64xbf16, #tpu.memory_space<vmem>>, vector<32xbf16>,
      %add3A_3542 = arith.addf %add3A_3532, %get3A_3541 : vector<32xbf16>
      %get3A_3543 = arith.constant 38 : i32
      %get3A_3544 = arith.index_cast %get3A_3543 : i32 to index
      %get3A_3545 = arith.constant 0 : index
      %get3A_3546 = tpu.vector_load %arg19[%get3A_3544, %get3A_3545] {strides = array<i32>} : memref<80x64xbf16, #tpu.memory_space<vmem>>, vector<32xbf16>,
      %add3A_3547 = arith.addf %add3A_3537, %get3A_3546 : vector<32xbf16>
      %get3A_3548 = arith.constant 38 : i32
      %get3A_3549 = arith.index_cast %get3A_3548 : i32 to index
      %get3A_3550 = arith.constant 32 : index
      %get3A_3551 = tpu.vector_load %arg19[%get3A_3549, %get3A_3550] {strides = array<i32>} : memref<80x64xbf16, #tpu.memory_space<vmem>>, vector<32xbf16>,
      %add3A_3552 = arith.addf %add3A_3542, %get3A_3551 : vector<32xbf16>
      %get3A_3553 = arith.constant 39 : i32
      %get3A_3554 = arith.index_cast %get3A_3553 : i32 to index
      %get3A_3555 = arith.constant 0 : index
      %get3A_3556 = tpu.vector_load %arg19[%get3A_3554, %get3A_3555] {strides = array<i32>} : memref<80x64xbf16, #tpu.memory_space<vmem>>, vector<32xbf16>,
      %add3A_3557 = arith.addf %add3A_3547, %get3A_3556 : vector<32xbf16>
      %get3A_3558 = arith.constant 39 : i32
      %get3A_3559 = arith.index_cast %get3A_3558 : i32 to index
      %get3A_3560 = arith.constant 32 : index
      %get3A_3561 = tpu.vector_load %arg19[%get3A_3559, %get3A_3560] {strides = array<i32>} : memref<80x64xbf16, #tpu.memory_space<vmem>>, vector<32xbf16>,
      %add3A_3562 = arith.addf %add3A_3552, %get3A_3561 : vector<32xbf16>
      %mul3A_3563 = arith.constant 2 : i32
      %mul3A_3564 = arith.muli %add3A_3137, %mul3A_3563 : i32
      %add3A_3565 = arith.constant 0 : i32
      %add3A_3566 = arith.addi %mul3A_3564, %add3A_3565 : i32
      %swap3A_3567 = arith.index_cast %add3A_3566 : i32 to index
      %swap3A_3568 = arith.constant 64 : index
      %swap3A_3569 = tpu.vector_load %arg20[%swap3A_3567, %swap3A_3568] {strides = array<i32>} : memref<512x128xbf16, #tpu.memory_space<vmem>>, vector<32xbf16>,
      tpu.vector_store %arg20[%swap3A_3567, %swap3A_3568], %add3A_3557 {strides = array<i32>} : memref<512x128xbf16, #tpu.memory_space<vmem>>, vector<32xbf16>,
      %swap3A_3570 = arith.index_cast %add3A_3566 : i32 to index
      %swap3A_3571 = arith.constant 96 : index
      %swap3A_3572 = tpu.vector_load %arg20[%swap3A_3570, %swap3A_3571] {strides = array<i32>} : memref<512x128xbf16, #tpu.memory_space<vmem>>, vector<32xbf16>,
      tpu.vector_store %arg20[%swap3A_3570, %swap3A_3571], %add3A_3562 {strides = array<i32>} : memref<512x128xbf16, #tpu.memory_space<vmem>>, vector<32xbf16>,
      %get3A_3573 = arith.constant 40 : i32
      %get3A_3574 = arith.index_cast %get3A_3573 : i32 to index
      %get3A_3575 = arith.constant 0 : index
      %get3A_3576 = tpu.vector_load %arg19[%get3A_3574, %get3A_3575] {strides = array<i32>} : memref<80x64xbf16, #tpu.memory_space<vmem>>, vector<32xbf16>,
      %get3A_3577 = arith.constant 40 : i32
      %get3A_3578 = arith.index_cast %get3A_3577 : i32 to index
      %get3A_3579 = arith.constant 32 : index
      %get3A_3580 = tpu.vector_load %arg19[%get3A_3578, %get3A_3579] {strides = array<i32>} : memref<80x64xbf16, #tpu.memory_space<vmem>>, vector<32xbf16>,
      %get3A_3581 = arith.constant 41 : i32
      %get3A_3582 = arith.index_cast %get3A_3581 : i32 to index
      %get3A_3583 = arith.constant 0 : index
      %get3A_3584 = tpu.vector_load %arg19[%get3A_3582, %get3A_3583] {strides = array<i32>} : memref<80x64xbf16, #tpu.memory_space<vmem>>, vector<32xbf16>,
      %add3A_3585 = arith.addf %get3A_3576, %get3A_3584 : vector<32xbf16>
      %get3A_3586 = arith.constant 41 : i32
      %get3A_3587 = arith.index_cast %get3A_3586 : i32 to index
      %get3A_3588 = arith.constant 32 : index
      %get3A_3589 = tpu.vector_load %arg19[%get3A_3587, %get3A_3588] {strides = array<i32>} : memref<80x64xbf16, #tpu.memory_space<vmem>>, vector<32xbf16>,
      %add3A_3590 = arith.addf %get3A_3580, %get3A_3589 : vector<32xbf16>
      %get3A_3591 = arith.constant 42 : i32
      %get3A_3592 = arith.index_cast %get3A_3591 : i32 to index
      %get3A_3593 = arith.constant 0 : index
      %get3A_3594 = tpu.vector_load %arg19[%get3A_3592, %get3A_3593] {strides = array<i32>} : memref<80x64xbf16, #tpu.memory_space<vmem>>, vector<32xbf16>,
      %add3A_3595 = arith.addf %add3A_3585, %get3A_3594 : vector<32xbf16>
      %get3A_3596 = arith.constant 42 : i32
      %get3A_3597 = arith.index_cast %get3A_3596 : i32 to index
      %get3A_3598 = arith.constant 32 : index
      %get3A_3599 = tpu.vector_load %arg19[%get3A_3597, %get3A_3598] {strides = array<i32>} : memref<80x64xbf16, #tpu.memory_space<vmem>>, vector<32xbf16>,
      %add3A_3600 = arith.addf %add3A_3590, %get3A_3599 : vector<32xbf16>
      %get3A_3601 = arith.constant 43 : i32
      %get3A_3602 = arith.index_cast %get3A_3601 : i32 to index
      %get3A_3603 = arith.constant 0 : index
      %get3A_3604 = tpu.vector_load %arg19[%get3A_3602, %get3A_3603] {strides = array<i32>} : memref<80x64xbf16, #tpu.memory_space<vmem>>, vector<32xbf16>,
      %add3A_3605 = arith.addf %add3A_3595, %get3A_3604 : vector<32xbf16>
      %get3A_3606 = arith.constant 43 : i32
      %get3A_3607 = arith.index_cast %get3A_3606 : i32 to index
      %get3A_3608 = arith.constant 32 : index
      %get3A_3609 = tpu.vector_load %arg19[%get3A_3607, %get3A_3608] {strides = array<i32>} : memref<80x64xbf16, #tpu.memory_space<vmem>>, vector<32xbf16>,
      %add3A_3610 = arith.addf %add3A_3600, %get3A_3609 : vector<32xbf16>
      %get3A_3611 = arith.constant 44 : i32
      %get3A_3612 = arith.index_cast %get3A_3611 : i32 to index
      %get3A_3613 = arith.constant 0 : index
      %get3A_3614 = tpu.vector_load %arg19[%get3A_3612, %get3A_3613] {strides = array<i32>} : memref<80x64xbf16, #tpu.memory_space<vmem>>, vector<32xbf16>,
      %add3A_3615 = arith.addf %add3A_3605, %get3A_3614 : vector<32xbf16>
      %get3A_3616 = arith.constant 44 : i32
      %get3A_3617 = arith.index_cast %get3A_3616 : i32 to index
      %get3A_3618 = arith.constant 32 : index
      %get3A_3619 = tpu.vector_load %arg19[%get3A_3617, %get3A_3618] {strides = array<i32>} : memref<80x64xbf16, #tpu.memory_space<vmem>>, vector<32xbf16>,
      %add3A_3620 = arith.addf %add3A_3610, %get3A_3619 : vector<32xbf16>
      %get3A_3621 = arith.constant 45 : i32
      %get3A_3622 = arith.index_cast %get3A_3621 : i32 to index
      %get3A_3623 = arith.constant 0 : index
      %get3A_3624 = tpu.vector_load %arg19[%get3A_3622, %get3A_3623] {strides = array<i32>} : memref<80x64xbf16, #tpu.memory_space<vmem>>, vector<32xbf16>,
      %add3A_3625 = arith.addf %add3A_3615, %get3A_3624 : vector<32xbf16>
      %get3A_3626 = arith.constant 45 : i32
      %get3A_3627 = arith.index_cast %get3A_3626 : i32 to index
      %get3A_3628 = arith.constant 32 : index
      %get3A_3629 = tpu.vector_load %arg19[%get3A_3627, %get3A_3628] {strides = array<i32>} : memref<80x64xbf16, #tpu.memory_space<vmem>>, vector<32xbf16>,
      %add3A_3630 = arith.addf %add3A_3620, %get3A_3629 : vector<32xbf16>
      %get3A_3631 = arith.constant 46 : i32
      %get3A_3632 = arith.index_cast %get3A_3631 : i32 to index
      %get3A_3633 = arith.constant 0 : index
      %get3A_3634 = tpu.vector_load %arg19[%get3A_3632, %get3A_3633] {strides = array<i32>} : memref<80x64xbf16, #tpu.memory_space<vmem>>, vector<32xbf16>,
      %add3A_3635 = arith.addf %add3A_3625, %get3A_3634 : vector<32xbf16>
      %get3A_3636 = arith.constant 46 : i32
      %get3A_3637 = arith.index_cast %get3A_3636 : i32 to index
      %get3A_3638 = arith.constant 32 : index
      %get3A_3639 = tpu.vector_load %arg19[%get3A_3637, %get3A_3638] {strides = array<i32>} : memref<80x64xbf16, #tpu.memory_space<vmem>>, vector<32xbf16>,
      %add3A_3640 = arith.addf %add3A_3630, %get3A_3639 : vector<32xbf16>
      %get3A_3641 = arith.constant 47 : i32
      %get3A_3642 = arith.index_cast %get3A_3641 : i32 to index
      %get3A_3643 = arith.constant 0 : index
      %get3A_3644 = tpu.vector_load %arg19[%get3A_3642, %get3A_3643] {strides = array<i32>} : memref<80x64xbf16, #tpu.memory_space<vmem>>, vector<32xbf16>,
      %add3A_3645 = arith.addf %add3A_3635, %get3A_3644 : vector<32xbf16>
      %get3A_3646 = arith.constant 47 : i32
      %get3A_3647 = arith.index_cast %get3A_3646 : i32 to index
      %get3A_3648 = arith.constant 32 : index
      %get3A_3649 = tpu.vector_load %arg19[%get3A_3647, %get3A_3648] {strides = array<i32>} : memref<80x64xbf16, #tpu.memory_space<vmem>>, vector<32xbf16>,
      %add3A_3650 = arith.addf %add3A_3640, %get3A_3649 : vector<32xbf16>
      %get3A_3651 = arith.constant 48 : i32
      %get3A_3652 = arith.index_cast %get3A_3651 : i32 to index
      %get3A_3653 = arith.constant 0 : index
      %get3A_3654 = tpu.vector_load %arg19[%get3A_3652, %get3A_3653] {strides = array<i32>} : memref<80x64xbf16, #tpu.memory_space<vmem>>, vector<32xbf16>,
      %add3A_3655 = arith.addf %add3A_3645, %get3A_3654 : vector<32xbf16>
      %get3A_3656 = arith.constant 48 : i32
      %get3A_3657 = arith.index_cast %get3A_3656 : i32 to index
      %get3A_3658 = arith.constant 32 : index
      %get3A_3659 = tpu.vector_load %arg19[%get3A_3657, %get3A_3658] {strides = array<i32>} : memref<80x64xbf16, #tpu.memory_space<vmem>>, vector<32xbf16>,
      %add3A_3660 = arith.addf %add3A_3650, %get3A_3659 : vector<32xbf16>
      %get3A_3661 = arith.constant 49 : i32
      %get3A_3662 = arith.index_cast %get3A_3661 : i32 to index
      %get3A_3663 = arith.constant 0 : index
      %get3A_3664 = tpu.vector_load %arg19[%get3A_3662, %get3A_3663] {strides = array<i32>} : memref<80x64xbf16, #tpu.memory_space<vmem>>, vector<32xbf16>,
      %add3A_3665 = arith.addf %add3A_3655, %get3A_3664 : vector<32xbf16>
      %get3A_3666 = arith.constant 49 : i32
      %get3A_3667 = arith.index_cast %get3A_3666 : i32 to index
      %get3A_3668 = arith.constant 32 : index
      %get3A_3669 = tpu.vector_load %arg19[%get3A_3667, %get3A_3668] {strides = array<i32>} : memref<80x64xbf16, #tpu.memory_space<vmem>>, vector<32xbf16>,
      %add3A_3670 = arith.addf %add3A_3660, %get3A_3669 : vector<32xbf16>
      %get3A_3671 = arith.constant 50 : i32
      %get3A_3672 = arith.index_cast %get3A_3671 : i32 to index
      %get3A_3673 = arith.constant 0 : index
      %get3A_3674 = tpu.vector_load %arg19[%get3A_3672, %get3A_3673] {strides = array<i32>} : memref<80x64xbf16, #tpu.memory_space<vmem>>, vector<32xbf16>,
      %add3A_3675 = arith.addf %add3A_3665, %get3A_3674 : vector<32xbf16>
      %get3A_3676 = arith.constant 50 : i32
      %get3A_3677 = arith.index_cast %get3A_3676 : i32 to index
      %get3A_3678 = arith.constant 32 : index
      %get3A_3679 = tpu.vector_load %arg19[%get3A_3677, %get3A_3678] {strides = array<i32>} : memref<80x64xbf16, #tpu.memory_space<vmem>>, vector<32xbf16>,
      %add3A_3680 = arith.addf %add3A_3670, %get3A_3679 : vector<32xbf16>
      %get3A_3681 = arith.constant 51 : i32
      %get3A_3682 = arith.index_cast %get3A_3681 : i32 to index
      %get3A_3683 = arith.constant 0 : index
      %get3A_3684 = tpu.vector_load %arg19[%get3A_3682, %get3A_3683] {strides = array<i32>} : memref<80x64xbf16, #tpu.memory_space<vmem>>, vector<32xbf16>,
      %add3A_3685 = arith.addf %add3A_3675, %get3A_3684 : vector<32xbf16>
      %get3A_3686 = arith.constant 51 : i32
      %get3A_3687 = arith.index_cast %get3A_3686 : i32 to index
      %get3A_3688 = arith.constant 32 : index
      %get3A_3689 = tpu.vector_load %arg19[%get3A_3687, %get3A_3688] {strides = array<i32>} : memref<80x64xbf16, #tpu.memory_space<vmem>>, vector<32xbf16>,
      %add3A_3690 = arith.addf %add3A_3680, %get3A_3689 : vector<32xbf16>
      %get3A_3691 = arith.constant 52 : i32
      %get3A_3692 = arith.index_cast %get3A_3691 : i32 to index
      %get3A_3693 = arith.constant 0 : index
      %get3A_3694 = tpu.vector_load %arg19[%get3A_3692, %get3A_3693] {strides = array<i32>} : memref<80x64xbf16, #tpu.memory_space<vmem>>, vector<32xbf16>,
      %add3A_3695 = arith.addf %add3A_3685, %get3A_3694 : vector<32xbf16>
      %get3A_3696 = arith.constant 52 : i32
      %get3A_3697 = arith.index_cast %get3A_3696 : i32 to index
      %get3A_3698 = arith.constant 32 : index
      %get3A_3699 = tpu.vector_load %arg19[%get3A_3697, %get3A_3698] {strides = array<i32>} : memref<80x64xbf16, #tpu.memory_space<vmem>>, vector<32xbf16>,
      %add3A_3700 = arith.addf %add3A_3690, %get3A_3699 : vector<32xbf16>
      %get3A_3701 = arith.constant 53 : i32
      %get3A_3702 = arith.index_cast %get3A_3701 : i32 to index
      %get3A_3703 = arith.constant 0 : index
      %get3A_3704 = tpu.vector_load %arg19[%get3A_3702, %get3A_3703] {strides = array<i32>} : memref<80x64xbf16, #tpu.memory_space<vmem>>, vector<32xbf16>,
      %add3A_3705 = arith.addf %add3A_3695, %get3A_3704 : vector<32xbf16>
      %get3A_3706 = arith.constant 53 : i32
      %get3A_3707 = arith.index_cast %get3A_3706 : i32 to index
      %get3A_3708 = arith.constant 32 : index
      %get3A_3709 = tpu.vector_load %arg19[%get3A_3707, %get3A_3708] {strides = array<i32>} : memref<80x64xbf16, #tpu.memory_space<vmem>>, vector<32xbf16>,
      %add3A_3710 = arith.addf %add3A_3700, %get3A_3709 : vector<32xbf16>
      %get3A_3711 = arith.constant 54 : i32
      %get3A_3712 = arith.index_cast %get3A_3711 : i32 to index
      %get3A_3713 = arith.constant 0 : index
      %get3A_3714 = tpu.vector_load %arg19[%get3A_3712, %get3A_3713] {strides = array<i32>} : memref<80x64xbf16, #tpu.memory_space<vmem>>, vector<32xbf16>,
      %add3A_3715 = arith.addf %add3A_3705, %get3A_3714 : vector<32xbf16>
      %get3A_3716 = arith.constant 54 : i32
      %get3A_3717 = arith.index_cast %get3A_3716 : i32 to index
      %get3A_3718 = arith.constant 32 : index
      %get3A_3719 = tpu.vector_load %arg19[%get3A_3717, %get3A_3718] {strides = array<i32>} : memref<80x64xbf16, #tpu.memory_space<vmem>>, vector<32xbf16>,
      %add3A_3720 = arith.addf %add3A_3710, %get3A_3719 : vector<32xbf16>
      %get3A_3721 = arith.constant 55 : i32
      %get3A_3722 = arith.index_cast %get3A_3721 : i32 to index
      %get3A_3723 = arith.constant 0 : index
      %get3A_3724 = tpu.vector_load %arg19[%get3A_3722, %get3A_3723] {strides = array<i32>} : memref<80x64xbf16, #tpu.memory_space<vmem>>, vector<32xbf16>,
      %add3A_3725 = arith.addf %add3A_3715, %get3A_3724 : vector<32xbf16>
      %get3A_3726 = arith.constant 55 : i32
      %get3A_3727 = arith.index_cast %get3A_3726 : i32 to index
      %get3A_3728 = arith.constant 32 : index
      %get3A_3729 = tpu.vector_load %arg19[%get3A_3727, %get3A_3728] {strides = array<i32>} : memref<80x64xbf16, #tpu.memory_space<vmem>>, vector<32xbf16>,
      %add3A_3730 = arith.addf %add3A_3720, %get3A_3729 : vector<32xbf16>
      %get3A_3731 = arith.constant 56 : i32
      %get3A_3732 = arith.index_cast %get3A_3731 : i32 to index
      %get3A_3733 = arith.constant 0 : index
      %get3A_3734 = tpu.vector_load %arg19[%get3A_3732, %get3A_3733] {strides = array<i32>} : memref<80x64xbf16, #tpu.memory_space<vmem>>, vector<32xbf16>,
      %add3A_3735 = arith.addf %add3A_3725, %get3A_3734 : vector<32xbf16>
      %get3A_3736 = arith.constant 56 : i32
      %get3A_3737 = arith.index_cast %get3A_3736 : i32 to index
      %get3A_3738 = arith.constant 32 : index
      %get3A_3739 = tpu.vector_load %arg19[%get3A_3737, %get3A_3738] {strides = array<i32>} : memref<80x64xbf16, #tpu.memory_space<vmem>>, vector<32xbf16>,
      %add3A_3740 = arith.addf %add3A_3730, %get3A_3739 : vector<32xbf16>
      %get3A_3741 = arith.constant 57 : i32
      %get3A_3742 = arith.index_cast %get3A_3741 : i32 to index
      %get3A_3743 = arith.constant 0 : index
      %get3A_3744 = tpu.vector_load %arg19[%get3A_3742, %get3A_3743] {strides = array<i32>} : memref<80x64xbf16, #tpu.memory_space<vmem>>, vector<32xbf16>,
      %add3A_3745 = arith.addf %add3A_3735, %get3A_3744 : vector<32xbf16>
      %get3A_3746 = arith.constant 57 : i32
      %get3A_3747 = arith.index_cast %get3A_3746 : i32 to index
      %get3A_3748 = arith.constant 32 : index
      %get3A_3749 = tpu.vector_load %arg19[%get3A_3747, %get3A_3748] {strides = array<i32>} : memref<80x64xbf16, #tpu.memory_space<vmem>>, vector<32xbf16>,
      %add3A_3750 = arith.addf %add3A_3740, %get3A_3749 : vector<32xbf16>
      %get3A_3751 = arith.constant 58 : i32
      %get3A_3752 = arith.index_cast %get3A_3751 : i32 to index
      %get3A_3753 = arith.constant 0 : index
      %get3A_3754 = tpu.vector_load %arg19[%get3A_3752, %get3A_3753] {strides = array<i32>} : memref<80x64xbf16, #tpu.memory_space<vmem>>, vector<32xbf16>,
      %add3A_3755 = arith.addf %add3A_3745, %get3A_3754 : vector<32xbf16>
      %get3A_3756 = arith.constant 58 : i32
      %get3A_3757 = arith.index_cast %get3A_3756 : i32 to index
      %get3A_3758 = arith.constant 32 : index
      %get3A_3759 = tpu.vector_load %arg19[%get3A_3757, %get3A_3758] {strides = array<i32>} : memref<80x64xbf16, #tpu.memory_space<vmem>>, vector<32xbf16>,
      %add3A_3760 = arith.addf %add3A_3750, %get3A_3759 : vector<32xbf16>
      %get3A_3761 = arith.constant 59 : i32
      %get3A_3762 = arith.index_cast %get3A_3761 : i32 to index
      %get3A_3763 = arith.constant 0 : index
      %get3A_3764 = tpu.vector_load %arg19[%get3A_3762, %get3A_3763] {strides = array<i32>} : memref<80x64xbf16, #tpu.memory_space<vmem>>, vector<32xbf16>,
      %add3A_3765 = arith.addf %add3A_3755, %get3A_3764 : vector<32xbf16>
      %get3A_3766 = arith.constant 59 : i32
      %get3A_3767 = arith.index_cast %get3A_3766 : i32 to index
      %get3A_3768 = arith.constant 32 : index
      %get3A_3769 = tpu.vector_load %arg19[%get3A_3767, %get3A_3768] {strides = array<i32>} : memref<80x64xbf16, #tpu.memory_space<vmem>>, vector<32xbf16>,
      %add3A_3770 = arith.addf %add3A_3760, %get3A_3769 : vector<32xbf16>
      %mul3A_3771 = arith.constant 2 : i32
      %mul3A_3772 = arith.muli %add3A_3137, %mul3A_3771 : i32
      %add3A_3773 = arith.constant 1 : i32
      %add3A_3774 = arith.addi %mul3A_3772, %add3A_3773 : i32
      %swap3A_3775 = arith.index_cast %add3A_3774 : i32 to index
      %swap3A_3776 = arith.constant 0 : index
      %swap3A_3777 = tpu.vector_load %arg20[%swap3A_3775, %swap3A_3776] {strides = array<i32>} : memref<512x128xbf16, #tpu.memory_space<vmem>>, vector<32xbf16>,
      tpu.vector_store %arg20[%swap3A_3775, %swap3A_3776], %add3A_3765 {strides = array<i32>} : memref<512x128xbf16, #tpu.memory_space<vmem>>, vector<32xbf16>,
      %swap3A_3778 = arith.index_cast %add3A_3774 : i32 to index
      %swap3A_3779 = arith.constant 32 : index
      %swap3A_3780 = tpu.vector_load %arg20[%swap3A_3778, %swap3A_3779] {strides = array<i32>} : memref<512x128xbf16, #tpu.memory_space<vmem>>, vector<32xbf16>,
      tpu.vector_store %arg20[%swap3A_3778, %swap3A_3779], %add3A_3770 {strides = array<i32>} : memref<512x128xbf16, #tpu.memory_space<vmem>>, vector<32xbf16>,
      %get3A_3781 = arith.constant 60 : i32
      %get3A_3782 = arith.index_cast %get3A_3781 : i32 to index
      %get3A_3783 = arith.constant 0 : index
      %get3A_3784 = tpu.vector_load %arg19[%get3A_3782, %get3A_3783] {strides = array<i32>} : memref<80x64xbf16, #tpu.memory_space<vmem>>, vector<32xbf16>,
      %get3A_3785 = arith.constant 60 : i32
      %get3A_3786 = arith.index_cast %get3A_3785 : i32 to index
      %get3A_3787 = arith.constant 32 : index
      %get3A_3788 = tpu.vector_load %arg19[%get3A_3786, %get3A_3787] {strides = array<i32>} : memref<80x64xbf16, #tpu.memory_space<vmem>>, vector<32xbf16>,
      %get3A_3789 = arith.constant 61 : i32
      %get3A_3790 = arith.index_cast %get3A_3789 : i32 to index
      %get3A_3791 = arith.constant 0 : index
      %get3A_3792 = tpu.vector_load %arg19[%get3A_3790, %get3A_3791] {strides = array<i32>} : memref<80x64xbf16, #tpu.memory_space<vmem>>, vector<32xbf16>,
      %add3A_3793 = arith.addf %get3A_3784, %get3A_3792 : vector<32xbf16>
      %get3A_3794 = arith.constant 61 : i32
      %get3A_3795 = arith.index_cast %get3A_3794 : i32 to index
      %get3A_3796 = arith.constant 32 : index
      %get3A_3797 = tpu.vector_load %arg19[%get3A_3795, %get3A_3796] {strides = array<i32>} : memref<80x64xbf16, #tpu.memory_space<vmem>>, vector<32xbf16>,
      %add3A_3798 = arith.addf %get3A_3788, %get3A_3797 : vector<32xbf16>
      %get3A_3799 = arith.constant 62 : i32
      %get3A_3800 = arith.index_cast %get3A_3799 : i32 to index
      %get3A_3801 = arith.constant 0 : index
      %get3A_3802 = tpu.vector_load %arg19[%get3A_3800, %get3A_3801] {strides = array<i32>} : memref<80x64xbf16, #tpu.memory_space<vmem>>, vector<32xbf16>,
      %add3A_3803 = arith.addf %add3A_3793, %get3A_3802 : vector<32xbf16>
      %get3A_3804 = arith.constant 62 : i32
      %get3A_3805 = arith.index_cast %get3A_3804 : i32 to index
      %get3A_3806 = arith.constant 32 : index
      %get3A_3807 = tpu.vector_load %arg19[%get3A_3805, %get3A_3806] {strides = array<i32>} : memref<80x64xbf16, #tpu.memory_space<vmem>>, vector<32xbf16>,
      %add3A_3808 = arith.addf %add3A_3798, %get3A_3807 : vector<32xbf16>
      %get3A_3809 = arith.constant 63 : i32
      %get3A_3810 = arith.index_cast %get3A_3809 : i32 to index
      %get3A_3811 = arith.constant 0 : index
      %get3A_3812 = tpu.vector_load %arg19[%get3A_3810, %get3A_3811] {strides = array<i32>} : memref<80x64xbf16, #tpu.memory_space<vmem>>, vector<32xbf16>,
      %add3A_3813 = arith.addf %add3A_3803, %get3A_3812 : vector<32xbf16>
      %get3A_3814 = arith.constant 63 : i32
      %get3A_3815 = arith.index_cast %get3A_3814 : i32 to index
      %get3A_3816 = arith.constant 32 : index
      %get3A_3817 = tpu.vector_load %arg19[%get3A_3815, %get3A_3816] {strides = array<i32>} : memref<80x64xbf16, #tpu.memory_space<vmem>>, vector<32xbf16>,
      %add3A_3818 = arith.addf %add3A_3808, %get3A_3817 : vector<32xbf16>
      %get3A_3819 = arith.constant 64 : i32
      %get3A_3820 = arith.index_cast %get3A_3819 : i32 to index
      %get3A_3821 = arith.constant 0 : index
      %get3A_3822 = tpu.vector_load %arg19[%get3A_3820, %get3A_3821] {strides = array<i32>} : memref<80x64xbf16, #tpu.memory_space<vmem>>, vector<32xbf16>,
      %add3A_3823 = arith.addf %add3A_3813, %get3A_3822 : vector<32xbf16>
      %get3A_3824 = arith.constant 64 : i32
      %get3A_3825 = arith.index_cast %get3A_3824 : i32 to index
      %get3A_3826 = arith.constant 32 : index
      %get3A_3827 = tpu.vector_load %arg19[%get3A_3825, %get3A_3826] {strides = array<i32>} : memref<80x64xbf16, #tpu.memory_space<vmem>>, vector<32xbf16>,
      %add3A_3828 = arith.addf %add3A_3818, %get3A_3827 : vector<32xbf16>
      %get3A_3829 = arith.constant 65 : i32
      %get3A_3830 = arith.index_cast %get3A_3829 : i32 to index
      %get3A_3831 = arith.constant 0 : index
      %get3A_3832 = tpu.vector_load %arg19[%get3A_3830, %get3A_3831] {strides = array<i32>} : memref<80x64xbf16, #tpu.memory_space<vmem>>, vector<32xbf16>,
      %add3A_3833 = arith.addf %add3A_3823, %get3A_3832 : vector<32xbf16>
      %get3A_3834 = arith.constant 65 : i32
      %get3A_3835 = arith.index_cast %get3A_3834 : i32 to index
      %get3A_3836 = arith.constant 32 : index
      %get3A_3837 = tpu.vector_load %arg19[%get3A_3835, %get3A_3836] {strides = array<i32>} : memref<80x64xbf16, #tpu.memory_space<vmem>>, vector<32xbf16>,
      %add3A_3838 = arith.addf %add3A_3828, %get3A_3837 : vector<32xbf16>
      %get3A_3839 = arith.constant 66 : i32
      %get3A_3840 = arith.index_cast %get3A_3839 : i32 to index
      %get3A_3841 = arith.constant 0 : index
      %get3A_3842 = tpu.vector_load %arg19[%get3A_3840, %get3A_3841] {strides = array<i32>} : memref<80x64xbf16, #tpu.memory_space<vmem>>, vector<32xbf16>,
      %add3A_3843 = arith.addf %add3A_3833, %get3A_3842 : vector<32xbf16>
      %get3A_3844 = arith.constant 66 : i32
      %get3A_3845 = arith.index_cast %get3A_3844 : i32 to index
      %get3A_3846 = arith.constant 32 : index
      %get3A_3847 = tpu.vector_load %arg19[%get3A_3845, %get3A_3846] {strides = array<i32>} : memref<80x64xbf16, #tpu.memory_space<vmem>>, vector<32xbf16>,
      %add3A_3848 = arith.addf %add3A_3838, %get3A_3847 : vector<32xbf16>
      %get3A_3849 = arith.constant 67 : i32
      %get3A_3850 = arith.index_cast %get3A_3849 : i32 to index
      %get3A_3851 = arith.constant 0 : index
      %get3A_3852 = tpu.vector_load %arg19[%get3A_3850, %get3A_3851] {strides = array<i32>} : memref<80x64xbf16, #tpu.memory_space<vmem>>, vector<32xbf16>,
      %add3A_3853 = arith.addf %add3A_3843, %get3A_3852 : vector<32xbf16>
      %get3A_3854 = arith.constant 67 : i32
      %get3A_3855 = arith.index_cast %get3A_3854 : i32 to index
      %get3A_3856 = arith.constant 32 : index
      %get3A_3857 = tpu.vector_load %arg19[%get3A_3855, %get3A_3856] {strides = array<i32>} : memref<80x64xbf16, #tpu.memory_space<vmem>>, vector<32xbf16>,
      %add3A_3858 = arith.addf %add3A_3848, %get3A_3857 : vector<32xbf16>
      %get3A_3859 = arith.constant 68 : i32
      %get3A_3860 = arith.index_cast %get3A_3859 : i32 to index
      %get3A_3861 = arith.constant 0 : index
      %get3A_3862 = tpu.vector_load %arg19[%get3A_3860, %get3A_3861] {strides = array<i32>} : memref<80x64xbf16, #tpu.memory_space<vmem>>, vector<32xbf16>,
      %add3A_3863 = arith.addf %add3A_3853, %get3A_3862 : vector<32xbf16>
      %get3A_3864 = arith.constant 68 : i32
      %get3A_3865 = arith.index_cast %get3A_3864 : i32 to index
      %get3A_3866 = arith.constant 32 : index
      %get3A_3867 = tpu.vector_load %arg19[%get3A_3865, %get3A_3866] {strides = array<i32>} : memref<80x64xbf16, #tpu.memory_space<vmem>>, vector<32xbf16>,
      %add3A_3868 = arith.addf %add3A_3858, %get3A_3867 : vector<32xbf16>
      %get3A_3869 = arith.constant 69 : i32
      %get3A_3870 = arith.index_cast %get3A_3869 : i32 to index
      %get3A_3871 = arith.constant 0 : index
      %get3A_3872 = tpu.vector_load %arg19[%get3A_3870, %get3A_3871] {strides = array<i32>} : memref<80x64xbf16, #tpu.memory_space<vmem>>, vector<32xbf16>,
      %add3A_3873 = arith.addf %add3A_3863, %get3A_3872 : vector<32xbf16>
      %get3A_3874 = arith.constant 69 : i32
      %get3A_3875 = arith.index_cast %get3A_3874 : i32 to index
      %get3A_3876 = arith.constant 32 : index
      %get3A_3877 = tpu.vector_load %arg19[%get3A_3875, %get3A_3876] {strides = array<i32>} : memref<80x64xbf16, #tpu.memory_space<vmem>>, vector<32xbf16>,
      %add3A_3878 = arith.addf %add3A_3868, %get3A_3877 : vector<32xbf16>
      %get3A_3879 = arith.constant 70 : i32
      %get3A_3880 = arith.index_cast %get3A_3879 : i32 to index
      %get3A_3881 = arith.constant 0 : index
      %get3A_3882 = tpu.vector_load %arg19[%get3A_3880, %get3A_3881] {strides = array<i32>} : memref<80x64xbf16, #tpu.memory_space<vmem>>, vector<32xbf16>,
      %add3A_3883 = arith.addf %add3A_3873, %get3A_3882 : vector<32xbf16>
      %get3A_3884 = arith.constant 70 : i32
      %get3A_3885 = arith.index_cast %get3A_3884 : i32 to index
      %get3A_3886 = arith.constant 32 : index
      %get3A_3887 = tpu.vector_load %arg19[%get3A_3885, %get3A_3886] {strides = array<i32>} : memref<80x64xbf16, #tpu.memory_space<vmem>>, vector<32xbf16>,
      %add3A_3888 = arith.addf %add3A_3878, %get3A_3887 : vector<32xbf16>
      %get3A_3889 = arith.constant 71 : i32
      %get3A_3890 = arith.index_cast %get3A_3889 : i32 to index
      %get3A_3891 = arith.constant 0 : index
      %get3A_3892 = tpu.vector_load %arg19[%get3A_3890, %get3A_3891] {strides = array<i32>} : memref<80x64xbf16, #tpu.memory_space<vmem>>, vector<32xbf16>,
      %add3A_3893 = arith.addf %add3A_3883, %get3A_3892 : vector<32xbf16>
      %get3A_3894 = arith.constant 71 : i32
      %get3A_3895 = arith.index_cast %get3A_3894 : i32 to index
      %get3A_3896 = arith.constant 32 : index
      %get3A_3897 = tpu.vector_load %arg19[%get3A_3895, %get3A_3896] {strides = array<i32>} : memref<80x64xbf16, #tpu.memory_space<vmem>>, vector<32xbf16>,
      %add3A_3898 = arith.addf %add3A_3888, %get3A_3897 : vector<32xbf16>
      %get3A_3899 = arith.constant 72 : i32
      %get3A_3900 = arith.index_cast %get3A_3899 : i32 to index
      %get3A_3901 = arith.constant 0 : index
      %get3A_3902 = tpu.vector_load %arg19[%get3A_3900, %get3A_3901] {strides = array<i32>} : memref<80x64xbf16, #tpu.memory_space<vmem>>, vector<32xbf16>,
      %add3A_3903 = arith.addf %add3A_3893, %get3A_3902 : vector<32xbf16>
      %get3A_3904 = arith.constant 72 : i32
      %get3A_3905 = arith.index_cast %get3A_3904 : i32 to index
      %get3A_3906 = arith.constant 32 : index
      %get3A_3907 = tpu.vector_load %arg19[%get3A_3905, %get3A_3906] {strides = array<i32>} : memref<80x64xbf16, #tpu.memory_space<vmem>>, vector<32xbf16>,
      %add3A_3908 = arith.addf %add3A_3898, %get3A_3907 : vector<32xbf16>
      %get3A_3909 = arith.constant 73 : i32
      %get3A_3910 = arith.index_cast %get3A_3909 : i32 to index
      %get3A_3911 = arith.constant 0 : index
      %get3A_3912 = tpu.vector_load %arg19[%get3A_3910, %get3A_3911] {strides = array<i32>} : memref<80x64xbf16, #tpu.memory_space<vmem>>, vector<32xbf16>,
      %add3A_3913 = arith.addf %add3A_3903, %get3A_3912 : vector<32xbf16>
      %get3A_3914 = arith.constant 73 : i32
      %get3A_3915 = arith.index_cast %get3A_3914 : i32 to index
      %get3A_3916 = arith.constant 32 : index
      %get3A_3917 = tpu.vector_load %arg19[%get3A_3915, %get3A_3916] {strides = array<i32>} : memref<80x64xbf16, #tpu.memory_space<vmem>>, vector<32xbf16>,
      %add3A_3918 = arith.addf %add3A_3908, %get3A_3917 : vector<32xbf16>
      %get3A_3919 = arith.constant 74 : i32
      %get3A_3920 = arith.index_cast %get3A_3919 : i32 to index
      %get3A_3921 = arith.constant 0 : index
      %get3A_3922 = tpu.vector_load %arg19[%get3A_3920, %get3A_3921] {strides = array<i32>} : memref<80x64xbf16, #tpu.memory_space<vmem>>, vector<32xbf16>,
      %add3A_3923 = arith.addf %add3A_3913, %get3A_3922 : vector<32xbf16>
      %get3A_3924 = arith.constant 74 : i32
      %get3A_3925 = arith.index_cast %get3A_3924 : i32 to index
      %get3A_3926 = arith.constant 32 : index
      %get3A_3927 = tpu.vector_load %arg19[%get3A_3925, %get3A_3926] {strides = array<i32>} : memref<80x64xbf16, #tpu.memory_space<vmem>>, vector<32xbf16>,
      %add3A_3928 = arith.addf %add3A_3918, %get3A_3927 : vector<32xbf16>
      %get3A_3929 = arith.constant 75 : i32
      %get3A_3930 = arith.index_cast %get3A_3929 : i32 to index
      %get3A_3931 = arith.constant 0 : index
      %get3A_3932 = tpu.vector_load %arg19[%get3A_3930, %get3A_3931] {strides = array<i32>} : memref<80x64xbf16, #tpu.memory_space<vmem>>, vector<32xbf16>,
      %add3A_3933 = arith.addf %add3A_3923, %get3A_3932 : vector<32xbf16>
      %get3A_3934 = arith.constant 75 : i32
      %get3A_3935 = arith.index_cast %get3A_3934 : i32 to index
      %get3A_3936 = arith.constant 32 : index
      %get3A_3937 = tpu.vector_load %arg19[%get3A_3935, %get3A_3936] {strides = array<i32>} : memref<80x64xbf16, #tpu.memory_space<vmem>>, vector<32xbf16>,
      %add3A_3938 = arith.addf %add3A_3928, %get3A_3937 : vector<32xbf16>
      %get3A_3939 = arith.constant 76 : i32
      %get3A_3940 = arith.index_cast %get3A_3939 : i32 to index
      %get3A_3941 = arith.constant 0 : index
      %get3A_3942 = tpu.vector_load %arg19[%get3A_3940, %get3A_3941] {strides = array<i32>} : memref<80x64xbf16, #tpu.memory_space<vmem>>, vector<32xbf16>,
      %add3A_3943 = arith.addf %add3A_3933, %get3A_3942 : vector<32xbf16>
      %get3A_3944 = arith.constant 76 : i32
      %get3A_3945 = arith.index_cast %get3A_3944 : i32 to index
      %get3A_3946 = arith.constant 32 : index
      %get3A_3947 = tpu.vector_load %arg19[%get3A_3945, %get3A_3946] {strides = array<i32>} : memref<80x64xbf16, #tpu.memory_space<vmem>>, vector<32xbf16>,
      %add3A_3948 = arith.addf %add3A_3938, %get3A_3947 : vector<32xbf16>
      %get3A_3949 = arith.constant 77 : i32
      %get3A_3950 = arith.index_cast %get3A_3949 : i32 to index
      %get3A_3951 = arith.constant 0 : index
      %get3A_3952 = tpu.vector_load %arg19[%get3A_3950, %get3A_3951] {strides = array<i32>} : memref<80x64xbf16, #tpu.memory_space<vmem>>, vector<32xbf16>,
      %add3A_3953 = arith.addf %add3A_3943, %get3A_3952 : vector<32xbf16>
      %get3A_3954 = arith.constant 77 : i32
      %get3A_3955 = arith.index_cast %get3A_3954 : i32 to index
      %get3A_3956 = arith.constant 32 : index
      %get3A_3957 = tpu.vector_load %arg19[%get3A_3955, %get3A_3956] {strides = array<i32>} : memref<80x64xbf16, #tpu.memory_space<vmem>>, vector<32xbf16>,
      %add3A_3958 = arith.addf %add3A_3948, %get3A_3957 : vector<32xbf16>
      %get3A_3959 = arith.constant 78 : i32
      %get3A_3960 = arith.index_cast %get3A_3959 : i32 to index
      %get3A_3961 = arith.constant 0 : index
      %get3A_3962 = tpu.vector_load %arg19[%get3A_3960, %get3A_3961] {strides = array<i32>} : memref<80x64xbf16, #tpu.memory_space<vmem>>, vector<32xbf16>,
      %add3A_3963 = arith.addf %add3A_3953, %get3A_3962 : vector<32xbf16>
      %get3A_3964 = arith.constant 78 : i32
      %get3A_3965 = arith.index_cast %get3A_3964 : i32 to index
      %get3A_3966 = arith.constant 32 : index
      %get3A_3967 = tpu.vector_load %arg19[%get3A_3965, %get3A_3966] {strides = array<i32>} : memref<80x64xbf16, #tpu.memory_space<vmem>>, vector<32xbf16>,
      %add3A_3968 = arith.addf %add3A_3958, %get3A_3967 : vector<32xbf16>
      %get3A_3969 = arith.constant 79 : i32
      %get3A_3970 = arith.index_cast %get3A_3969 : i32 to index
      %get3A_3971 = arith.constant 0 : index
      %get3A_3972 = tpu.vector_load %arg19[%get3A_3970, %get3A_3971] {strides = array<i32>} : memref<80x64xbf16, #tpu.memory_space<vmem>>, vector<32xbf16>,
      %add3A_3973 = arith.addf %add3A_3963, %get3A_3972 : vector<32xbf16>
      %get3A_3974 = arith.constant 79 : i32
      %get3A_3975 = arith.index_cast %get3A_3974 : i32 to index
      %get3A_3976 = arith.constant 32 : index
      %get3A_3977 = tpu.vector_load %arg19[%get3A_3975, %get3A_3976] {strides = array<i32>} : memref<80x64xbf16, #tpu.memory_space<vmem>>, vector<32xbf16>,
      %add3A_3978 = arith.addf %add3A_3968, %get3A_3977 : vector<32xbf16>
      %mul3A_3979 = arith.constant 2 : i32
      %mul3A_3980 = arith.muli %add3A_3137, %mul3A_3979 : i32
      %add3A_3981 = arith.constant 1 : i32
      %add3A_3982 = arith.addi %mul3A_3980, %add3A_3981 : i32
      %swap3A_3983 = arith.index_cast %add3A_3982 : i32 to index
      %swap3A_3984 = arith.constant 64 : index
      %swap3A_3985 = tpu.vector_load %arg20[%swap3A_3983, %swap3A_3984] {strides = array<i32>} : memref<512x128xbf16, #tpu.memory_space<vmem>>, vector<32xbf16>,
      tpu.vector_store %arg20[%swap3A_3983, %swap3A_3984], %add3A_3973 {strides = array<i32>} : memref<512x128xbf16, #tpu.memory_space<vmem>>, vector<32xbf16>,
      %swap3A_3986 = arith.index_cast %add3A_3982 : i32 to index
      %swap3A_3987 = arith.constant 96 : index
      %swap3A_3988 = tpu.vector_load %arg20[%swap3A_3986, %swap3A_3987] {strides = array<i32>} : memref<512x128xbf16, #tpu.memory_space<vmem>>, vector<32xbf16>,
      tpu.vector_store %arg20[%swap3A_3986, %swap3A_3987], %add3A_3978 {strides = array<i32>} : memref<512x128xbf16, #tpu.memory_space<vmem>>, vector<32xbf16>,
    }
    %scan3A_565 = arith.constant 64 : i32
    %mul3A_566 = arith.constant 256 : i32
    %mul3A_567 = arith.muli %add3A, %mul3A_566 : i32
    "tpu.region"() ({
      %run_scoped3A = tpu.sem_alloc : memref<!tpu.dma_semaphore, #tpu.memory_space<semaphore_mem>>
      %dma_start3A_572 = arith.constant 0 : i32
      %dma_start3A_573 = arith.constant 0 : i32
      %dma_start3A_574 = tpu.memref_slice %arg20[%dma_start3A_572, %dma_start3A_573] : memref<512x128xbf16, #tpu.memory_space<vmem>> -> memref<256x128xbf16, #tpu.memory_space<vmem>>
      %dma_start3A_575 = arith.constant 0 : i32
      %dma_start3A_576 = tpu.memref_slice %arg7[%mul3A_567, %dma_start3A_575] : memref<16384x128xbf16, #tpu.memory_space<hbm>> -> memref<256x128xbf16, #tpu.memory_space<hbm>>
      %dma_start3A_577 = arith.constant 0 : i32
      %dma_start3A_578 = tpu.memref_slice %arg7[%mul3A_567, %dma_start3A_577] : memref<16384x128xbf16, #tpu.memory_space<hbm>> -> memref<256x128xbf16, #tpu.memory_space<hbm>>
      %dma_start3A_579 = arith.constant 0 : i32
      %dma_start3A_580 = arith.constant 0 : i32
      %dma_start3A_581 = tpu.memref_slice %arg20[%dma_start3A_579, %dma_start3A_580] : memref<512x128xbf16, #tpu.memory_space<vmem>> -> memref<256x128xbf16, #tpu.memory_space<vmem>>
      tpu.enqueue_dma source(%dma_start3A_581 : memref<256x128xbf16, #tpu.memory_space<vmem>>) target(%dma_start3A_578 : memref<256x128xbf16, #tpu.memory_space<hbm>>) target_semaphore(%run_scoped3A : memref<!tpu.dma_semaphore, #tpu.memory_space<semaphore_mem>>)
      %dma_wait3A_582 = arith.constant 0 : i32
      %dma_wait3A_583 = arith.constant 0 : i32
      %dma_wait3A_584 = tpu.memref_slice %arg20[%dma_wait3A_582, %dma_wait3A_583] : memref<512x128xbf16, #tpu.memory_space<vmem>> -> memref<256x128xbf16, #tpu.memory_space<vmem>>
      %dma_wait3A_585 = arith.constant 0 : i32
      %dma_wait3A_586 = tpu.memref_slice %arg7[%mul3A_567, %dma_wait3A_585] : memref<16384x128xbf16, #tpu.memory_space<hbm>> -> memref<256x128xbf16, #tpu.memory_space<hbm>>
      %dma_wait3A_587 = arith.constant 0 : i32
      %dma_wait3A_588 = tpu.memref_slice %arg7[%mul3A_567, %dma_wait3A_587] : memref<16384x128xbf16, #tpu.memory_space<hbm>> -> memref<256x128xbf16, #tpu.memory_space<hbm>>
      %dma_wait3A_589 = arith.constant 0 : i32
      %dma_wait3A_590 = arith.constant 0 : i32
      %dma_wait3A_591 = tpu.memref_slice %arg20[%dma_wait3A_589, %dma_wait3A_590] : memref<512x128xbf16, #tpu.memory_space<vmem>> -> memref<256x128xbf16, #tpu.memory_space<vmem>>
      tpu.wait_dma2 semaphore(%run_scoped3A : memref<!tpu.dma_semaphore, #tpu.memory_space<semaphore_mem>>) src(%dma_wait3A_591 : memref<256x128xbf16, #tpu.memory_space<vmem>>) dst(%dma_wait3A_588 : memref<256x128xbf16, #tpu.memory_space<hbm>>)
      tpu.yield
    }) : () -> ()
    %mul3A_568 = arith.constant 256 : i32
    %mul3A_569 = arith.muli %add3A, %mul3A_568 : i32
    %add3A_570 = arith.constant 8192 : i32
    %add3A_571 = arith.addi %add3A_570, %mul3A_569 : i32
    "tpu.region"() ({
      %run_scoped3A = tpu.sem_alloc : memref<!tpu.dma_semaphore, #tpu.memory_space<semaphore_mem>>
      %dma_start3A_572 = arith.constant 256 : i32
      %dma_start3A_573 = arith.constant 0 : i32
      %dma_start3A_574 = tpu.memref_slice %arg20[%dma_start3A_572, %dma_start3A_573] : memref<512x128xbf16, #tpu.memory_space<vmem>> -> memref<256x128xbf16, #tpu.memory_space<vmem>>
      %dma_start3A_575 = arith.constant 0 : i32
      %dma_start3A_576 = tpu.memref_slice %arg7[%add3A_571, %dma_start3A_575] : memref<16384x128xbf16, #tpu.memory_space<hbm>> -> memref<256x128xbf16, #tpu.memory_space<hbm>>
      %dma_start3A_577 = arith.constant 0 : i32
      %dma_start3A_578 = tpu.memref_slice %arg7[%add3A_571, %dma_start3A_577] : memref<16384x128xbf16, #tpu.memory_space<hbm>> -> memref<256x128xbf16, #tpu.memory_space<hbm>>
      %dma_start3A_579 = arith.constant 256 : i32
      %dma_start3A_580 = arith.constant 0 : i32
      %dma_start3A_581 = tpu.memref_slice %arg20[%dma_start3A_579, %dma_start3A_580] : memref<512x128xbf16, #tpu.memory_space<vmem>> -> memref<256x128xbf16, #tpu.memory_space<vmem>>
      tpu.enqueue_dma source(%dma_start3A_581 : memref<256x128xbf16, #tpu.memory_space<vmem>>) target(%dma_start3A_578 : memref<256x128xbf16, #tpu.memory_space<hbm>>) target_semaphore(%run_scoped3A : memref<!tpu.dma_semaphore, #tpu.memory_space<semaphore_mem>>)
      %dma_wait3A_582 = arith.constant 256 : i32
      %dma_wait3A_583 = arith.constant 0 : i32
      %dma_wait3A_584 = tpu.memref_slice %arg20[%dma_wait3A_582, %dma_wait3A_583] : memref<512x128xbf16, #tpu.memory_space<vmem>> -> memref<256x128xbf16, #tpu.memory_space<vmem>>
      %dma_wait3A_585 = arith.constant 0 : i32
      %dma_wait3A_586 = tpu.memref_slice %arg7[%add3A_571, %dma_wait3A_585] : memref<16384x128xbf16, #tpu.memory_space<hbm>> -> memref<256x128xbf16, #tpu.memory_space<hbm>>
      %dma_wait3A_587 = arith.constant 0 : i32
      %dma_wait3A_588 = tpu.memref_slice %arg7[%add3A_571, %dma_wait3A_587] : memref<16384x128xbf16, #tpu.memory_space<hbm>> -> memref<256x128xbf16, #tpu.memory_space<hbm>>
      %dma_wait3A_589 = arith.constant 256 : i32
      %dma_wait3A_590 = arith.constant 0 : i32
      %dma_wait3A_591 = tpu.memref_slice %arg20[%dma_wait3A_589, %dma_wait3A_590] : memref<512x128xbf16, #tpu.memory_space<vmem>> -> memref<256x128xbf16, #tpu.memory_space<vmem>>
      tpu.wait_dma2 semaphore(%run_scoped3A : memref<!tpu.dma_semaphore, #tpu.memory_space<semaphore_mem>>) src(%dma_wait3A_591 : memref<256x128xbf16, #tpu.memory_space<vmem>>) dst(%dma_wait3A_588 : memref<256x128xbf16, #tpu.memory_space<hbm>>)
      tpu.yield
    }) : () -> ()
    return
  }
}

module attributes {stable_mosaic.version = 14 : i64} {
  func.func @_tc_body(%arg0: i32, %arg1: memref<2048x128xbf16, #tpu.memory_space<vmem>>, %arg2: memref<2048x128xbf16, #tpu.memory_space<vmem>>, %arg3: memref<2048x128xbf16, #tpu.memory_space<vmem>>, %arg4: memref<1x1xf32, #tpu.memory_space<vmem>>) attributes {dimension_semantics = [#tpu.dimension_semantics<arbitrary>], iteration_bounds = array<i64: 4>, scalar_prefetch = 0 : i64, scratch_operands = 0 : i64, tpu.core_type = #tpu.core_type<tc>, window_params = [{transform_indices = @transform_0, window_bounds = array<i64: 2048, 128>}, {transform_indices = @transform_1, window_bounds = array<i64: 2048, 128>}, {transform_indices = @transform_2, window_bounds = array<i64: 2048, 128>}, {pipeline_mode = #tpu.pipeline_mode<synchronous>, transform_indices = @transform_3, window_bounds = array<i64: 1, 1>}]} {
    %get3A = arith.constant 0 : index
    %get3A_0 = arith.constant 0 : index
    %get3A_1 = vector.load %arg1[%get3A, %get3A_0] : memref<2048x128xbf16, #tpu.memory_space<vmem>>, vector<2048x128xbf16>
    %convert_element_type3A = arith.extf %get3A_1 : vector<2048x128xbf16> to vector<2048x128xf32>
    %get3A_2 = arith.constant 0 : index
    %get3A_3 = arith.constant 0 : index
    %get3A_4 = vector.load %arg2[%get3A_2, %get3A_3] : memref<2048x128xbf16, #tpu.memory_space<vmem>>, vector<2048x128xbf16>
    %convert_element_type3A_5 = arith.extf %get3A_4 : vector<2048x128xbf16> to vector<2048x128xf32>
    %get3A_6 = arith.constant 0 : index
    %get3A_7 = arith.constant 0 : index
    %get3A_8 = vector.load %arg3[%get3A_6, %get3A_7] : memref<2048x128xbf16, #tpu.memory_space<vmem>>, vector<2048x128xbf16>
    %convert_element_type3A_9 = arith.extf %get3A_8 : vector<2048x128xbf16> to vector<2048x128xf32>
    %slice3A = vector.extract_strided_slice %convert_element_type3A {offsets = [0, 0], sizes = [2048, 64], strides = [1, 1]} : vector<2048x128xf32> to vector<2048x64xf32>
    %mul3A = arith.mulf %slice3A, %slice3A : vector<2048x64xf32>
    %reduce_sum3A = arith.constant dense<0.000000e+00> : vector<2048xf32>
    %reduce_sum3A_10 = vector.multi_reduction <add>, %mul3A, %reduce_sum3A [1] : vector<2048x64xf32> to vector<2048xf32>
    %broadcast_in_dim3A = vector.shape_cast %reduce_sum3A_10 : vector<2048xf32> to vector<2048x1xf32>
    %sqrt3A = math.sqrt %broadcast_in_dim3A : vector<2048x1xf32>
    %gt3A = arith.constant 1.000000e+00 : f32
    %gt3A_11 = vector.broadcast %gt3A : f32 to vector<2048x1xf32>
    %gt3A_12 = arith.cmpf ogt, %sqrt3A, %gt3A_11 : vector<2048x1xf32>
    %add3A = arith.constant 1.000000e-07 : f32
    %add3A_13 = vector.broadcast %add3A : f32 to vector<2048x1xf32>
    %add3A_14 = arith.addf %sqrt3A, %add3A_13 : vector<2048x1xf32>
    %div3A = arith.constant 1.000000e+00 : f32
    %div3A_15 = vector.broadcast %div3A : f32 to vector<2048x1xf32>
    %div3A_16 = arith.divf %div3A_15, %add3A_14 : vector<2048x1xf32>
    %jit3A = arith.constant 1.000000e+00 : f32
    %broadcast_in_dim3A_17 = vector.broadcast %jit3A : f32 to vector<2048x1xf32>
    %select_n3A = arith.select %gt3A_12, %div3A_16, %broadcast_in_dim3A_17 : vector<2048x1xi1>, vector<2048x1xf32>
    %slice3A_18 = vector.extract_strided_slice %convert_element_type3A_5 {offsets = [0, 0], sizes = [2048, 64], strides = [1, 1]} : vector<2048x128xf32> to vector<2048x64xf32>
    %mul3A_19 = arith.mulf %slice3A_18, %slice3A : vector<2048x64xf32>
    %reduce_sum3A_20 = arith.constant dense<0.000000e+00> : vector<2048xf32>
    %reduce_sum3A_21 = vector.multi_reduction <add>, %mul3A_19, %reduce_sum3A_20 [1] : vector<2048x64xf32> to vector<2048xf32>
    %broadcast_in_dim3A_22 = vector.shape_cast %reduce_sum3A_21 : vector<2048xf32> to vector<2048x1xf32>
    %mul3A_23 = arith.mulf %broadcast_in_dim3A_22, %select_n3A : vector<2048x1xf32>
    %slice3A_24 = vector.extract_strided_slice %convert_element_type3A_9 {offsets = [0, 0], sizes = [2048, 64], strides = [1, 1]} : vector<2048x128xf32> to vector<2048x64xf32>
    %mul3A_25 = arith.mulf %slice3A_24, %slice3A : vector<2048x64xf32>
    %reduce_sum3A_26 = arith.constant dense<0.000000e+00> : vector<2048xf32>
    %reduce_sum3A_27 = vector.multi_reduction <add>, %mul3A_25, %reduce_sum3A_26 [1] : vector<2048x64xf32> to vector<2048xf32>
    %broadcast_in_dim3A_28 = vector.shape_cast %reduce_sum3A_27 : vector<2048xf32> to vector<2048x1xf32>
    %mul3A_29 = arith.mulf %broadcast_in_dim3A_28, %select_n3A : vector<2048x1xf32>
    %min3A = arith.constant 0.000000e+00 : f32
    %min3A_30 = vector.broadcast %min3A : f32 to vector<2048x1xf32>
    %min3A_31 = arith.minimumf %mul3A_23, %min3A_30 : vector<2048x1xf32>
    %abs3A = math.absf %mul3A_23 : vector<2048x1xf32>
    %neg3A = arith.constant 0.000000e+00 : f32
    %neg3A_32 = vector.broadcast %neg3A : f32 to vector<2048x1xf32>
    %neg3A_33 = arith.subf %neg3A_32, %abs3A : vector<2048x1xf32>
    %exp3A = math.exp %neg3A_33 : vector<2048x1xf32>
    %log1p3A = math.log1p %exp3A : vector<2048x1xf32>
    %sub3A = arith.subf %min3A_31, %log1p3A : vector<2048x1xf32>
    %neg3A_34 = arith.constant 0.000000e+00 : f32
    %neg3A_35 = vector.broadcast %neg3A_34 : f32 to vector<2048x1xf32>
    %neg3A_36 = arith.subf %neg3A_35, %mul3A_29 : vector<2048x1xf32>
    %min3A_37 = arith.constant 0.000000e+00 : f32
    %min3A_38 = vector.broadcast %min3A_37 : f32 to vector<2048x1xf32>
    %min3A_39 = arith.minimumf %neg3A_36, %min3A_38 : vector<2048x1xf32>
    %abs3A_40 = math.absf %neg3A_36 : vector<2048x1xf32>
    %neg3A_41 = arith.constant 0.000000e+00 : f32
    %neg3A_42 = vector.broadcast %neg3A_41 : f32 to vector<2048x1xf32>
    %neg3A_43 = arith.subf %neg3A_42, %abs3A_40 : vector<2048x1xf32>
    %exp3A_44 = math.exp %neg3A_43 : vector<2048x1xf32>
    %log1p3A_45 = math.log1p %exp3A_44 : vector<2048x1xf32>
    %sub3A_46 = arith.subf %min3A_39, %log1p3A_45 : vector<2048x1xf32>
    %add3A_47 = arith.addf %sub3A, %sub3A_46 : vector<2048x1xf32>
    %reduce_sum3A_48 = vector.shape_cast %add3A_47 : vector<2048x1xf32> to vector<1x2048x1xf32>
    %reduce_sum3A_49 = arith.constant dense<0.000000e+00> : vector<1xf32>
    %reduce_sum3A_50 = vector.multi_reduction <add>, %reduce_sum3A_48, %reduce_sum3A_49 [1, 2] : vector<1x2048x1xf32> to vector<1xf32>
    %reduce_sum3A_51 = vector.shape_cast %reduce_sum3A_50 : vector<1xf32> to vector<1x1x1xf32>
    %reduce_sum3A_52 = vector.extract %reduce_sum3A_51[0, 0, 0] : f32 from vector<1x1x1xf32>
    %neg3A_53 = arith.constant 0.000000e+00 : f32
    %neg3A_54 = arith.subf %neg3A_53, %reduce_sum3A_52 : f32
    %slice3A_55 = vector.extract_strided_slice %convert_element_type3A {offsets = [0, 64], sizes = [2048, 64], strides = [1, 1]} : vector<2048x128xf32> to vector<2048x64xf32>
    %mul3A_56 = arith.mulf %slice3A_55, %slice3A_55 : vector<2048x64xf32>
    %reduce_sum3A_57 = arith.constant dense<0.000000e+00> : vector<2048xf32>
    %reduce_sum3A_58 = vector.multi_reduction <add>, %mul3A_56, %reduce_sum3A_57 [1] : vector<2048x64xf32> to vector<2048xf32>
    %broadcast_in_dim3A_59 = vector.shape_cast %reduce_sum3A_58 : vector<2048xf32> to vector<2048x1xf32>
    %sqrt3A_60 = math.sqrt %broadcast_in_dim3A_59 : vector<2048x1xf32>
    %gt3A_61 = arith.constant 1.000000e+00 : f32
    %gt3A_62 = vector.broadcast %gt3A_61 : f32 to vector<2048x1xf32>
    %gt3A_63 = arith.cmpf ogt, %sqrt3A_60, %gt3A_62 : vector<2048x1xf32>
    %add3A_64 = arith.constant 1.000000e-07 : f32
    %add3A_65 = vector.broadcast %add3A_64 : f32 to vector<2048x1xf32>
    %add3A_66 = arith.addf %sqrt3A_60, %add3A_65 : vector<2048x1xf32>
    %div3A_67 = arith.constant 1.000000e+00 : f32
    %div3A_68 = vector.broadcast %div3A_67 : f32 to vector<2048x1xf32>
    %div3A_69 = arith.divf %div3A_68, %add3A_66 : vector<2048x1xf32>
    %jit3A_70 = arith.constant 1.000000e+00 : f32
    %broadcast_in_dim3A_71 = vector.broadcast %jit3A_70 : f32 to vector<2048x1xf32>
    %select_n3A_72 = arith.select %gt3A_63, %div3A_69, %broadcast_in_dim3A_71 : vector<2048x1xi1>, vector<2048x1xf32>
    %slice3A_73 = vector.extract_strided_slice %convert_element_type3A_5 {offsets = [0, 64], sizes = [2048, 64], strides = [1, 1]} : vector<2048x128xf32> to vector<2048x64xf32>
    %mul3A_74 = arith.mulf %slice3A_73, %slice3A_55 : vector<2048x64xf32>
    %reduce_sum3A_75 = arith.constant dense<0.000000e+00> : vector<2048xf32>
    %reduce_sum3A_76 = vector.multi_reduction <add>, %mul3A_74, %reduce_sum3A_75 [1] : vector<2048x64xf32> to vector<2048xf32>
    %broadcast_in_dim3A_77 = vector.shape_cast %reduce_sum3A_76 : vector<2048xf32> to vector<2048x1xf32>
    %mul3A_78 = arith.mulf %broadcast_in_dim3A_77, %select_n3A_72 : vector<2048x1xf32>
    %slice3A_79 = vector.extract_strided_slice %convert_element_type3A_9 {offsets = [0, 64], sizes = [2048, 64], strides = [1, 1]} : vector<2048x128xf32> to vector<2048x64xf32>
    %mul3A_80 = arith.mulf %slice3A_79, %slice3A_55 : vector<2048x64xf32>
    %reduce_sum3A_81 = arith.constant dense<0.000000e+00> : vector<2048xf32>
    %reduce_sum3A_82 = vector.multi_reduction <add>, %mul3A_80, %reduce_sum3A_81 [1] : vector<2048x64xf32> to vector<2048xf32>
    %broadcast_in_dim3A_83 = vector.shape_cast %reduce_sum3A_82 : vector<2048xf32> to vector<2048x1xf32>
    %mul3A_84 = arith.mulf %broadcast_in_dim3A_83, %select_n3A_72 : vector<2048x1xf32>
    %min3A_85 = arith.constant 0.000000e+00 : f32
    %min3A_86 = vector.broadcast %min3A_85 : f32 to vector<2048x1xf32>
    %min3A_87 = arith.minimumf %mul3A_78, %min3A_86 : vector<2048x1xf32>
    %abs3A_88 = math.absf %mul3A_78 : vector<2048x1xf32>
    %neg3A_89 = arith.constant 0.000000e+00 : f32
    %neg3A_90 = vector.broadcast %neg3A_89 : f32 to vector<2048x1xf32>
    %neg3A_91 = arith.subf %neg3A_90, %abs3A_88 : vector<2048x1xf32>
    %exp3A_92 = math.exp %neg3A_91 : vector<2048x1xf32>
    %log1p3A_93 = math.log1p %exp3A_92 : vector<2048x1xf32>
    %sub3A_94 = arith.subf %min3A_87, %log1p3A_93 : vector<2048x1xf32>
    %neg3A_95 = arith.constant 0.000000e+00 : f32
    %neg3A_96 = vector.broadcast %neg3A_95 : f32 to vector<2048x1xf32>
    %neg3A_97 = arith.subf %neg3A_96, %mul3A_84 : vector<2048x1xf32>
    %min3A_98 = arith.constant 0.000000e+00 : f32
    %min3A_99 = vector.broadcast %min3A_98 : f32 to vector<2048x1xf32>
    %min3A_100 = arith.minimumf %neg3A_97, %min3A_99 : vector<2048x1xf32>
    %abs3A_101 = math.absf %neg3A_97 : vector<2048x1xf32>
    %neg3A_102 = arith.constant 0.000000e+00 : f32
    %neg3A_103 = vector.broadcast %neg3A_102 : f32 to vector<2048x1xf32>
    %neg3A_104 = arith.subf %neg3A_103, %abs3A_101 : vector<2048x1xf32>
    %exp3A_105 = math.exp %neg3A_104 : vector<2048x1xf32>
    %log1p3A_106 = math.log1p %exp3A_105 : vector<2048x1xf32>
    %sub3A_107 = arith.subf %min3A_100, %log1p3A_106 : vector<2048x1xf32>
    %add3A_108 = arith.addf %sub3A_94, %sub3A_107 : vector<2048x1xf32>
    %reduce_sum3A_109 = vector.shape_cast %add3A_108 : vector<2048x1xf32> to vector<1x2048x1xf32>
    %reduce_sum3A_110 = arith.constant dense<0.000000e+00> : vector<1xf32>
    %reduce_sum3A_111 = vector.multi_reduction <add>, %reduce_sum3A_109, %reduce_sum3A_110 [1, 2] : vector<1x2048x1xf32> to vector<1xf32>
    %reduce_sum3A_112 = vector.shape_cast %reduce_sum3A_111 : vector<1xf32> to vector<1x1x1xf32>
    %reduce_sum3A_113 = vector.extract %reduce_sum3A_112[0, 0, 0] : f32 from vector<1x1x1xf32>
    %neg3A_114 = arith.constant 0.000000e+00 : f32
    %neg3A_115 = arith.subf %neg3A_114, %reduce_sum3A_113 : f32
    %add3A_116 = arith.addf %neg3A_54, %neg3A_115 : f32
    %eq3A = arith.constant 0 : i32
    %eq3A_117 = arith.cmpi eq, %arg0, %eq3A : i32
    %broadcast_in_dim3A_118 = arith.constant 0.000000e+00 : f32
    %broadcast_in_dim3A_119 = vector.broadcast %broadcast_in_dim3A_118 : f32 to vector<1x1xf32>
    %get3A_120 = arith.constant 0 : index
    %get3A_121 = arith.constant 0 : index
    %get3A_122 = vector.load %arg4[%get3A_120, %get3A_121] : memref<1x1xf32, #tpu.memory_space<vmem>>, vector<1x1xf32>
    %select_n3A_123 = arith.select %eq3A_117, %broadcast_in_dim3A_119, %get3A_122 : vector<1x1xf32>
    %add3A_124 = vector.broadcast %add3A_116 : f32 to vector<1x1xf32>
    %add3A_125 = arith.addf %select_n3A_123, %add3A_124 : vector<1x1xf32>
    %eq3A_126 = arith.constant 3 : i32
    %eq3A_127 = arith.cmpi eq, %arg0, %eq3A_126 : i32
    %div3A_128 = arith.constant 1.638400e+04 : f32
    %div3A_129 = vector.broadcast %div3A_128 : f32 to vector<1x1xf32>
    %div3A_130 = arith.divf %add3A_125, %div3A_129 : vector<1x1xf32>
    %select_n3A_131 = arith.select %eq3A_127, %div3A_130, %add3A_125 : vector<1x1xf32>
    %swap3A = arith.constant 0 : index
    %swap3A_132 = arith.constant 0 : index
    %swap3A_133 = vector.load %arg4[%swap3A, %swap3A_132] : memref<1x1xf32, #tpu.memory_space<vmem>>, vector<1x1xf32>
    tpu.vector_store %arg4[%swap3A, %swap3A_132], %select_n3A_131 {strides = array<i32>} : memref<1x1xf32, #tpu.memory_space<vmem>>, vector<1x1xf32>,
    return
  }
  func.func @transform_0(%arg0: i32) -> (i32, i32) {
    %c0_i32 = arith.constant 0 : i32
    %c0_i32_0 = arith.constant 0 : i32
    return %arg0, %c0_i32 : i32, i32
  }
  func.func @transform_1(%arg0: i32) -> (i32, i32) {
    %c0_i32 = arith.constant 0 : i32
    %c0_i32_0 = arith.constant 0 : i32
    return %arg0, %c0_i32 : i32, i32
  }
  func.func @transform_2(%arg0: i32) -> (i32, i32) {
    %add3A = arith.constant 4 : i32
    %add3A_0 = arith.addi %arg0, %add3A : i32
    %c0_i32 = arith.constant 0 : i32
    %c0_i32_1 = arith.constant 0 : i32
    return %add3A_0, %c0_i32 : i32, i32
  }
  func.func @transform_3(%arg0: i32) -> (i32, i32) {
    %c0_i32 = arith.constant 0 : i32
    %c0_i32_0 = arith.constant 0 : i32
    %c0_i32_1 = arith.constant 0 : i32
    return %c0_i32, %c0_i32_0 : i32, i32
  }
}

</mosaic_0001>

<sc_bundles>
// kernel: kernel.4.cloned.1.call-start
scs
__scs_entry_jumppad:
0x0: {  	(pc) =	sbr.rel $0x88, $3  }
0x1: {  	(tag) =	ssettag $0x0;
	lr =	simm.s32 $0x1  }
0x2: {  	[smem:$0x3F9C] =	sst lr;
	_ =	strace $0xD0000000  }
0x3: {  	_ = 	snop  }
0x4: {  	_ = 	snop  }
0x5: {  	_ = 	snop  }
0x6: {  	_ = 	snop  }
0x7: {  	_ = 	snop  }
__scs_overlays_trampoline_lowered:
0x8: {  	[smem:$0x3FAB] =	sst s0  }
0x9: {  	[smem:$0x3FAC] =	sst s1  }
0xa: {  	[smem:$0x3FAD] =	sst s2  }
0xb: {  	[smem:$0x3FAE] =	sst s3  }
0xc: {  	[smem:$0x3FAF] =	sst s4  }
0xd: {  	[smem:$0x3FB0] =	sst s5  }
0xe: {  	[smem:$0x3FB1] =	sst s6  }
0xf: {  	[smem:$0x3FB2] =	sst s7  }
0x10: {  	[smem:$0x3FB3] =	sst s8  }
0x11: {  	[smem:$0x3FB4] =	sst s9;
	s0 =	simm.s32 @!p0 $0x0  }
0x12: {  	s1 =	sld [smem:$0x3F9A];
	s0 =	simm.s32 @p0 $0x1  }
0x13: {  	[smem:$0x3FB5] =	sst s0;
	s0 =	simm.s32 @!p1 $0x0  }
0x14: {  	s2 =	sld [smem:$0x3F99];
	s0 =	simm.s32 @p1 $0x1  }
0x15: {  	[smem:$0x3FB6] =	sst s0;
	s0 =	simm.s32 @!p2 $0x0  }
0x16: {  	s3 =	sld [smem:$0x3FDB];
	s0 =	simm.s32 @p2 $0x1  }
0x17: {  	s4 =	simm.s32 $0x1BF5;
	[smem:$0x3FB8] =	sst s0  }
0x18: {  	s0 =	sld [smem:$0x3F9B];
	_ =	swait.ge [sflag:s4], $0x0  }
0x19: {  	s7 =	sld [smem:$0x3F9C]  }
0x1a: {  	s8 =	sadd.s32 $0xFFFFE003, lr  }
0x1b: {  	s9 =	sadd.s32 $0xFFFFFEF7, lr;
	s5 =	simm.s32 $0xFFFFFFFF;
	p2 =	slt.u32 s8, $0xFFFFF086  }
0x1c: {  	p1 =	slt.u32 s9, $0xF7A;
	s5 =	simm.s32 @!p2 $0x0  }
0x1d: {  	s5 =	simm.s32 @p1 $0x1;
	p0 =	seq.s32 s7, s2  }
0x1e: {  	s7 =	smul.u32 @!p0 $0xF7A, s2;
	p2 =	seq.s32 @!p0 s5, $0x0  }
0x1f: {  	s9 =	smul.u32 $0xF7A, s1;
	s8 =	simm.s32 @!p0 $0x1BF5;
	p2 =	por !p2, p0  }
0x20: {  	[sflag:s8] =	ssyncset.s32 @!p0 $0xFFFFF086;
	s6 =	sadd.s32 @!p0 s3, s7;
	s7 =	simm.s32 @!p0 $0x108  }
0x21: {  	s3 =	sadd.s32 s3, s9;
	s6 =	sadd.s32 @!p0 $0x88, s6;
	s7 =	simm.s32 @p2 $0x1082  }
0x22: {  	[simem:s7], [sflag:s8] =	dma.local @!p0 [hbm:s6], $0xF7A  }
0x23: {  	s9 =	sor.u32 $0xD0000000, s2;
	s6 =	simm.s32 $0x108;
	_ =	swait.ge @!p0 [sflag:s8], $0x0  }
0x24: {  	s3 =	sadd.s32 $0x88, s3;
	s6 =	simm.s32 @!p1 $0x1082;
	[sflag:s4] =	ssyncset.s32 $0xFFFFF086  }
0x25: {  	[simem:s6], [sflag:s4] =	dma.local [hbm:s3], $0xF7A  }
0x26: {  	[smem:$0x3F9C] =	sst s1;
	(tag) =	ssettag s2;
	_ =	strace s9  }
0x27: {  	s1 =	sld [smem:$0x3FAC]  }
0x28: {  	s2 =	sld [smem:$0x3FAD]  }
0x29: {  	s4 =	sld [smem:$0x3FAF]  }
0x2a: {  	p0 =	seq.s32 s5, $0x0;
	s5 =	sld [smem:$0x3FB0]  }
0x2b: {  	s6 =	sld [smem:$0x3FB1]  }
0x2c: {  	s7 =	sld [smem:$0x3FB2]  }
0x2d: {  	s3 =	simm.s32 $0x108;
	s8 =	sld [smem:$0x3FB3]  }
0x2e: {  	s3 =	simm.s32 @!p0 $0x1082;
	s9 =	sld [smem:$0x3FB4]  }
0x2f: {  	lr =	sadd.s32 s0, s3;
	s0 =	sld [smem:$0x3FAB]  }
0x30: {  	s3 =	sld [smem:$0x3FAE]  }
0x31: {  	[smem:$0x3FB7] =	sst s10  }
0x32: {  	s10 =	sld [smem:$0x3FB5];
	_ =	sdelay $0x3  }
0x33: {  	p0 =	seq.s32 s10, $0x1;
	s10 =	sld [smem:$0x3FB7];
	_ =	sdelay $0x3  }
0x34: {  	[smem:$0x3FB7] =	sst s10  }
0x35: {  	s10 =	sld [smem:$0x3FB6];
	_ =	sdelay $0x3  }
0x36: {  	p1 =	seq.s32 s10, $0x1;
	s10 =	sld [smem:$0x3FB7];
	_ =	sdelay $0x3  }
0x37: {  	[smem:$0x3FB7] =	sst s10  }
0x38: {  	s10 =	sld [smem:$0x3FB8]  }
0x39: {  	_ = 	snop;
	(pc) =	sbr.ind lr, $3  }
0x3a: {  	_ = 	snop  }
0x3b: {  	_ = 	snop  }
0x3c: {  	p2 =	seq.s32 s10, $0x1;
	s10 =	sld [smem:$0x3FB7]  }
0x3d: {  	_ =	shalt  }
0x3e: {  	_ =	shalt  }
0x3f: {  	_ =	shalt  }
0x40: {  	_ =	shalt  }
0x41: {  	_ =	shalt  }
0x42: {  	_ =	shalt  }
0x43: {  	_ =	shalt  }
0x44: {  	_ =	shalt  }
0x45: {  	_ =	shalt  }
0x46: {  	_ =	shalt  }
0x47: {  	_ =	shalt  }
0x48: {  	_ =	shalt  }
0x49: {  	_ =	shalt  }
0x4a: {  	_ =	shalt  }
0x4b: {  	_ =	shalt  }
0x4c: {  	_ =	shalt  }
0x4d: {  	_ =	shalt  }
0x4e: {  	_ =	shalt  }
0x4f: {  	_ =	shalt  }
0x50: {  	_ =	shalt  }
0x51: {  	_ =	shalt  }
0x52: {  	_ =	shalt  }
0x53: {  	_ =	shalt  }
0x54: {  	_ =	shalt  }
0x55: {  	_ =	shalt  }
0x56: {  	_ =	shalt  }
0x57: {  	_ =	shalt  }
0x58: {  	_ =	shalt  }
0x59: {  	_ =	shalt  }
0x5a: {  	_ =	shalt  }
0x5b: {  	_ =	shalt  }
0x5c: {  	_ =	shalt  }
0x5d: {  	_ =	shalt  }
0x5e: {  	_ =	shalt  }
0x5f: {  	_ =	shalt  }
0x60: {  	_ =	shalt  }
0x61: {  	_ =	shalt  }
0x62: {  	_ =	shalt  }
0x63: {  	_ =	shalt  }
0x64: {  	_ =	shalt  }
0x65: {  	_ =	shalt  }
0x66: {  	_ =	shalt  }
0x67: {  	_ =	shalt  }
0x68: {  	_ =	shalt  }
0x69: {  	_ =	shalt  }
0x6a: {  	_ =	shalt  }
0x6b: {  	_ =	shalt  }
0x6c: {  	_ =	shalt  }
0x6d: {  	_ =	shalt  }
0x6e: {  	_ =	shalt  }
0x6f: {  	_ =	shalt  }
0x70: {  	_ =	shalt  }
0x71: {  	_ =	shalt  }
0x72: {  	_ =	shalt  }
0x73: {  	_ =	shalt  }
0x74: {  	_ =	shalt  }
0x75: {  	_ =	shalt  }
0x76: {  	_ =	shalt  }
0x77: {  	_ =	shalt  }
0x78: {  	_ =	shalt  }
0x79: {  	_ =	shalt  }
0x7a: {  	_ =	shalt  }
0x7b: {  	_ =	shalt  }
0x7c: {  	_ =	shalt  }
0x7d: {  	_ =	shalt  }
0x7e: {  	_ =	shalt  }
0x7f: {  	_ =	shalt  }
0x80: {  	_ =	shalt  }
0x81: {  	_ =	shalt  }
0x82: {  	_ =	shalt  }
0x83: {  	_ =	shalt  }
0x84: {  	_ =	shalt  }
0x85: {  	_ =	shalt  }
0x86: {  	_ =	shalt  }
0x87: {  	_ =	shalt  }
.Lfunc_end0:
.L_simem_size_0:
called_computation_lowered:
.L_overlay_start_0:
0x88: {  	s2 =	sld [smem:$0x3FD9]  }
0x89: {  	s3 =	sld [smem:$0x3FFE];
	_ =	sdelay $0x1  }
0x8a: {  	s1 =	srdreg.scid  }
0x8b: {  	s0 =	sand.u32 $0x1, s1  }
0x8c: {  	s17 =	sshll.u32 s0, $0xA;
	s2 =	sadd.s32 s3, s2  }
0x8d: {  	s2 =	sadd.s32 s2, s17  }
0x8e: {  	[smem:$0x3FC3] =	sst s2  }
0x8f: {  	_ = 	snop  }
0x90: {  	s2 =	sld [smem:$0x3FC9];
	(tm) =	ssettm $0x1  }
0x91: {  	s18 =	sld [smem:$0x3FFB];
	_ =	sdelay $0x3  }
0x92: {  	_ =	strace s18  }
0x93: {  	s3 =	sld [smem:$0x3FFC];
	_ =	sdelay $0x3  }
0x94: {  	_ =	strace s3  }
0x95: {  	s3 =	sld [smem:$0x3FFD];
	_ =	sdelay $0x3  }
0x96: {  	_ =	strace s3  }
0x97: {  	_ =	strace $0x8FFFFFFF  }
0x98: {  	s19 =	sld [smem:$0x3FDB];
	_ =	sdelay $0x1  }
0x99: {  	s4 =	simm.s32 $_scs_section_size  }
0x9a: {  	s5 =	simm.s32 $_size__tile_overlayer_lowered;
	s6 =	simm.s32 $_tile_overlayer_lowered  }
0x9b: {  	s22 =	simm.s32 $0x1BFF;
	s21 =	sshll.u32 s6, $0x1;
	s3 =	sadd.s32 s4, s19  }
0x9c: {  	s7 =	simm.s32 $0x0;
	s20 =	sshll.u32 s5, $0x1;
	s5 =	sadd.s32 s21, s3  }
0x9d: {  	[timem:s7], [sflag:s22] =	dma.local [hbm:s5], s20  }
0x9e: {  	_ =	swait.ge [sflag:s22], s20  }
0x9f: {  	s4 =	ssub.s32 $0x0, s20;
	[sflag:s22] =	ssyncset.done $0x0  }
0xa0: {  	[sflag:s22] =	ssyncadd.s32 s4;
	_ =	sdelay $0x1  }
0xa1: {  	s23 =	simm.s32 $0x1B8B  }
0xa2: {  	_ =	swait.ge [sflag:s23], $0x1  }
0xa3: {  	[sflag:s23] =	ssyncset.done $0x0  }
0xa4: {  	s25 =	simm.s32 $0x1B8E;
	s24 =	sld [smem:$0x3FFE];
	[sflag:s23] =	ssyncadd.s32 $0xFFFFFFFF  }
0xa5: {  	s26 =	simm.s32 $execute0_lowered;
	[smem:$0x3FD2] =	sst s25  }
0xa6: {  	s5 =	sshll.u32 s26, $0x1;
	_ =	strace $0x80000046;
	[dreg:$0x1] =	wrdreg $0xFFFFFFFF  }
0xa7: {  	s28 =	simm.s32 $_size_execute0_lowered;
	s3 =	sadd.s32 s3, s5;
	[dreg:$0x0] =	wrdreg $0x0  }
0xa8: {  	s5 =	sshll.u32 s28, $0x1;
	[dreg:$0x2] =	wrdreg s3  }
0xa9: {  	[dreg:$0x3] =	wrdreg s5  }
0xaa: {  	[dreg:$0x4] =	wrdreg $0xC0  }
0xab: {  	_ =	task [dreg:s7], $0x5FFFF  }
0xac: {  	[dreg:$0x1] =	wrdreg $0xFFFFFFFF  }
0xad: {  	[dreg:$0x0] =	wrdreg $0x60  }
0xae: {  	[dreg:$0x2] =	wrdreg s2  }
0xaf: {  	[dreg:$0x3] =	wrdreg s24  }
0xb0: {  	[dreg:$0x4] =	wrdreg $0x9  }
0xb1: {  	_ =	task.clear_ibuf [dreg:s7], $0x5FFFF;
	_ =	strace $0x90000046  }
0xb2: {  	s29 =	simm.s32 $0x9;
	_ =	strace $0x80000048  }
0xb3: {  	_ =	swait.ge [sflag:s29], $0x1  }
0xb4: {  	[sflag:s29] =	ssyncadd.s32 $0xFFFFFFFF  }
0xb5: {  	_ =	strace $0x90000048  }
0xb6: {  	_ =	sfence  }
0xb7: {  	s30 =	sld [smem:$0x0];
	_ =	sdelay $0x2  }
0xb8: {  	s31 =	sshll.u32 s1, $0xD;
	s1 =	sshrl.u32 s1, $0x2  }
0xb9: {  	s3 =	sand.u32 $0x4000, s31;
	s1 =	sadd.s32 s1, s30  }
0xba: {  	s0 =	sor.u32 s3, s0;
	s1 =	sshll.u32 s1, $0x11  }
0xbb: {  	s0 =	sor.u32 s1, s0  }
0xbc: {  	s0 =	sadd.s32 $0x8F2B, s0  }
0xbd: {  	[sflag:s0] =	ssyncadd.remote.s32 $0x1  }
0xbe: {  	_ =	sfence.sel $0xFFFF  }
0xbf: {  	[dreg:$0x0] =	wrdreg $0xFFFFFFFF;
	(pc) =	sbr.abs _section_cstart, $3  }
0xc0: {  	[dreg:$0x1] =	wrdreg $0xFFFFFFFF  }
0xc1: {  	_ =	task.clear_ibuf [dreg:s7], $0x2FFFF;
	_ =	strace $0x9FFFFFFF  }
0xc2: {  	(tm) =	ssettm $0x7FFFFFFF  }
0xc3: {  	_ =	shalt  }
tec
execute0_lowered:
.L_overlay_start_1:
0x0: {  	(tag) =	ssettag $0x1  }
0x1: {  	v0 =	vimm.s32 $0x87868584;
	v1 =	vimm.s32 $0x8B8A8988;
	vm0 =	vcmask $0x1F10  }
0x2: {  	v2 =	vimm.s32 $0x13121110;
	v3 =	vimm.s32 $0x83828180;
	v4 =	vimm.s32 $0x8F8E8D8C  }
0x3: {  	vm1 =	vcmask $0xF00;
	vm4 =	vcmask $0x300;
	vm3 =	vcmask $0x704  }
0x4: {  	vm2 =	vcmask $0xB08;
	v5 =	vimm.s32 $0x28B;
	v6 =	vimm.s32 $0x307  }
0x5: {  	v7 =	vimm.s32 $0x383;
	v8 =	vimm.s32 $0x48B;
	v9 =	vimm.s32 $0x507  }
0x6: {  	v10 =	vimm.s32 $0x583;
	v11 =	vimm.s32 $0x68B;
	v12 =	vimm.s32 $0x707  }
0x7: {  	v13 =	vimm.s32 $0x783;
	vm10 =	vcmask $0xF0C;
	vm11 =	vcmask $0x1310  }
0x8: {  	vm12 =	vcmask $0x2320;
	vm13 =	vcmask $0x1714;
	vm5 =	vcmask $0x1B18  }
0x9: {  	vm14 =	vcmask $0x2724;
	vm15 =	vcmask $0x1F1C;
	vm8 =	vcmask $0x2B28  }
0xa: {  	vm9 =	vcmask $0x2F2C;
	v18 =	vimm.s32 $0x3020100;
	v0 =	vunpack.c.0.s8.s32 v0  }
0xb: {  	v1 =	vunpack.c.0.s8.s32 v1;
	v14 =	vunpack.c.0.s8.s32 v2;
	v2 =	vunpack.c.0.s8.s32 v3  }
0xc: {  	v3 =	vunpack.c.0.s8.s32 v4;
	v4 =	vimm.s32 $0x183;
	v5 =	vsel vm4, $0x210, v5  }
0xd: {  	v6 =	vsel vm4, $0x28C, v6;
	v7 =	vsel vm4, $0x308, v7;
	v8 =	vsel vm4, $0x410, v8  }
0xe: {  	v9 =	vsel vm4, $0x48C, v9;
	v10 =	vsel vm4, $0x508, v10;
	v11 =	vsel vm4, $0x610, v11  }
0xf: {  	v12 =	vsel vm4, $0x68C, v12;
	v18 =	vunpack.c.0.s8.s32 v18;
	v4 =	vsel vm4, $0x108, v4  }
0x10: {  	v0 =	vsel vm0, v1, v0;
	v1 =	vsel vm0, v2, v14;
	v2 =	vand.u32 $0xFF, v3  }
0x11: {  	v3 =	vimm.s32 $0x93929190;
	v25 =	vsel vm0, v18, v14;
	v18 =	vimm.s32 $0xFEDCBA98  }
0x12: {  	v4 =	vsel vm3, $0x109, v4;
	v3 =	vunpack.c.0.s8.s32 v3;
	v21 =	vunpack.c.l.s4.s8 v18  }
0x13: {  	v13 =	vsel vm4, $0x708, v13;
	v2 =	vnsel vm1, $0x107, v2;
	v4 =	vsel vm2, $0x10A, v4  }
0x14: {  	v15 =	vcombine.low v1, v0;
	v3 =	vand.u32 $0xFF, v3;
	v26 =	vunpack.c.0.s8.s32 v21  }
0x15: {  	v2 =	vsel vm0, v3, v2;
	v3 =	vsel vm10, $0x10B, v4;
	v4 =	vsel vm3, $0x211, v5  }
0x16: {  	v5 =	vsel vm3, $0x28D, v6;
	v6 =	vsel vm3, $0x309, v7;
	v7 =	vsel vm3, $0x411, v8  }
0x17: {  	v8 =	vsel vm3, $0x48D, v9;
	v9 =	vsel vm3, $0x509, v10;
	v10 =	vsel vm3, $0x611, v11  }
0x18: {  	v11 =	vsel vm3, $0x68D, v12;
	v12 =	vsel vm3, $0x709, v13;
	v13 =	vimm.s32 $0x80  }
0x19: {  	v4 =	vsel vm2, $0x212, v4;
	v5 =	vsel vm2, $0x28E, v5;
	v6 =	vsel vm2, $0x30A, v6  }
0x1a: {  	v7 =	vsel vm2, $0x412, v7;
	v8 =	vsel vm2, $0x48E, v8;
	v9 =	vsel vm2, $0x50A, v9  }
0x1b: {  	v10 =	vsel vm2, $0x612, v10;
	v11 =	vsel vm2, $0x68E, v11;
	v12 =	vsel vm2, $0x70A, v12  }
0x1c: {  	v3 =	vsel vm11, $0x10C, v3;
	v2 =	vsel vm12, $0x100, v2;
	v26 =	vand.u32 $0xF, v26  }
0x1d: {  	v4 =	vsel vm10, $0x213, v4;
	v5 =	vsel vm10, $0x28F, v5;
	v6 =	vsel vm10, $0x30B, v6  }
0x1e: {  	v7 =	vsel vm10, $0x413, v7;
	v8 =	vsel vm10, $0x48F, v8;
	v9 =	vsel vm10, $0x50B, v9  }
0x1f: {  	v10 =	vsel vm10, $0x613, v10;
	v11 =	vsel vm10, $0x68F, v11;
	v12 =	vsel vm10, $0x70B, v12  }
0x20: {  	v3 =	vsel vm13, $0x10D, v3;
	v2 =	vsel vm14, $0x101, v2;
	vm10 =	vcmask $0x3330  }
0x21: {  	v25 =	vcombine.low v26, v25;
	v4 =	vsel vm11, $0x280, v4;
	v5 =	vsel vm11, $0x290, v5  }
0x22: {  	v6 =	vsel vm11, $0x30C, v6;
	v7 =	vsel vm11, $0x480, v7;
	v8 =	vsel vm11, $0x490, v8  }
0x23: {  	v9 =	vsel vm11, $0x50C, v9;
	v10 =	vsel vm11, $0x680, v10;
	v11 =	vsel vm11, $0x690, v11  }
0x24: {  	v12 =	vsel vm11, $0x70C, v12;
	v3 =	vsel vm5, $0x10E, v3;
	v2 =	vsel vm8, $0x102, v2  }
0x25: {  	vm11 =	vcmask $0x3734;
	v4 =	vsel vm13, $0x281, v4;
	v5 =	vsel vm13, $0x291, v5  }
0x26: {  	v6 =	vsel vm13, $0x30D, v6;
	v7 =	vsel vm13, $0x481, v7;
	v8 =	vsel vm13, $0x491, v8  }
0x27: {  	v9 =	vsel vm13, $0x50D, v9;
	v10 =	vsel vm13, $0x681, v10;
	v11 =	vsel vm13, $0x691, v11  }
0x28: {  	v12 =	vsel vm13, $0x70D, v12;
	v3 =	vsel vm15, $0x10F, v3;
	v2 =	vsel vm9, $0x103, v2  }
0x29: {  	vm13 =	vcmask $0x2F00;
	v4 =	vsel vm5, $0x282, v4;
	v5 =	vsel vm5, $0x292, v5  }
0x2a: {  	v6 =	vsel vm5, $0x30E, v6;
	v7 =	vsel vm5, $0x482, v7;
	v8 =	vsel vm5, $0x492, v8  }
0x2b: {  	v9 =	vsel vm5, $0x50E, v9;
	v10 =	vsel vm5, $0x682, v10;
	v11 =	vsel vm5, $0x692, v11  }
0x2c: {  	v12 =	vsel vm5, $0x70E, v12;
	v3 =	vsel vm12, $0x110, v3;
	v2 =	vsel vm10, $0x104, v2  }
0x2d: {  	v4 =	vsel vm15, $0x283, v4;
	v5 =	vsel vm15, $0x293, v5;
	v6 =	vsel vm15, $0x30F, v6  }
0x2e: {  	v7 =	vsel vm15, $0x483, v7;
	v8 =	vsel vm15, $0x493, v8;
	v9 =	vsel vm15, $0x50F, v9  }
0x2f: {  	v10 =	vsel vm15, $0x683, v10;
	v11 =	vsel vm15, $0x693, v11;
	v12 =	vsel vm15, $0x70F, v12  }
0x30: {  	v3 =	vsel vm14, $0x111, v3;
	v0 =	vsel vm11, $0x105, v2;
	vm15 =	vcmask $0x3F30  }
0x31: {  	v4 =	vsel vm12, $0x284, v4;
	v5 =	vsel vm12, $0x300, v5;
	v6 =	vsel vm12, $0x310, v6  }
0x32: {  	v7 =	vsel vm12, $0x484, v7;
	v8 =	vsel vm12, $0x500, v8;
	v9 =	vsel vm12, $0x510, v9  }
0x33: {  	v10 =	vsel vm12, $0x684, v10;
	v11 =	vsel vm12, $0x700, v11;
	v12 =	vsel vm12, $0x710, v12  }
0x34: {  	v3 =	vsel vm8, $0x112, v3;
	vm12 =	vcmask $0x3B38;
	v4 =	vsel vm14, $0x285, v4  }
0x35: {  	v5 =	vsel vm14, $0x301, v5;
	v6 =	vsel vm14, $0x311, v6;
	v7 =	vsel vm14, $0x485, v7  }
0x36: {  	v8 =	vsel vm14, $0x501, v8;
	v9 =	vsel vm14, $0x511, v9;
	v10 =	vsel vm14, $0x685, v10  }
0x37: {  	v11 =	vsel vm14, $0x701, v11;
	v12 =	vsel vm14, $0x711, v12;
	v3 =	vsel vm9, $0x113, v3  }
0x38: {  	v0 =	vsel vm12, $0x106, v0;
	vm14 =	vcmask $0x2F10;
	v4 =	vsel vm8, $0x286, v4  }
0x39: {  	v5 =	vsel vm8, $0x302, v5;
	v6 =	vsel vm8, $0x312, v6;
	v7 =	vsel vm8, $0x486, v7  }
0x3a: {  	v8 =	vsel vm8, $0x502, v8;
	v9 =	vsel vm8, $0x512, v9;
	v10 =	vsel vm8, $0x686, v10  }
0x3b: {  	v11 =	vsel vm8, $0x702, v11;
	v12 =	vsel vm8, $0x712, v12;
	v1 =	vsel vm10, $0x180, v3  }
0x3c: {  	v4 =	vsel vm9, $0x287, v4;
	v5 =	vsel vm9, $0x303, v5;
	v6 =	vsel vm9, $0x313, v6  }
0x3d: {  	v7 =	vsel vm9, $0x487, v7;
	v8 =	vsel vm9, $0x503, v8;
	v9 =	vsel vm9, $0x513, v9  }
0x3e: {  	v10 =	vsel vm9, $0x687, v10;
	v11 =	vsel vm9, $0x703, v11;
	v12 =	vsel vm9, $0x713, v12  }
0x3f: {  	v1 =	vsel vm11, $0x181, v1;
	v2 =	vsel vm10, $0x288, v4;
	v3 =	vsel vm10, $0x304, v5  }
0x40: {  	v4 =	vsel vm10, $0x380, v6;
	v5 =	vsel vm10, $0x488, v7;
	v6 =	vsel vm10, $0x504, v8  }
0x41: {  	v7 =	vsel vm10, $0x580, v9;
	v8 =	vsel vm10, $0x688, v10;
	v9 =	vsel vm10, $0x704, v11  }
0x42: {  	s0 =	rddreg [dreg:$0x0];
	s1 =	srdreg.scid;
	v10 =	vsel vm10, $0x780, v12;
	v1 =	vsel vm12, $0x182, v1;
	v11 =	vimm.s32 $0x32107654  }
0x43: {  	s2 =	stileid.u32;
	s5 =	rddreg [dreg:$0x1];
	v12 =	vimm.s32 $0x180;
	v2 =	vsel vm11, $0x289, v2;
	v3 =	vsel vm11, $0x305, v3  }
0x44: {  	s13 =	simm.s32 $0x2;
	s14 =	simm.s32 $0x80;
	s18 =	simm.s32 $0x1;
	v4 =	vsel vm11, $0x381, v4;
	v5 =	vsel vm11, $0x489, v5;
	v11 =	vunpack.c.l.s4.s8 v11  }
0x45: {  	s19 =	simm.s32 $0x50;
	s20 =	simm.s32 $0x14200;
	s21 =	simm.s32 $0x14340;
	v6 =	vsel vm11, $0x505, v6;
	v7 =	vsel vm11, $0x581, v7;
	v8 =	vsel vm11, $0x689, v8  }
0x46: {  	s22 =	simm.s32 $0x14250;
	s23 =	simm.s32 $0x14D40;
	s28 =	simm.s32 $0x7;
	v9 =	vsel vm11, $0x705, v9;
	v10 =	vsel vm11, $0x781, v10;
	v11 =	vunpack.c.0.s8.s32 v11  }
0x47: {  	s31 =	simm.s32 $0x142F0;
	s16 =	simm.s32 $0x4;
	s29 =	simm.s32 $0x5;
	v2 =	vsel vm12, $0x28A, v2;
	v3 =	vsel vm12, $0x306, v3;
	v4 =	vsel vm12, $0x382, v4  }
0x48: {  	s30 =	simm.s32 $0x6;
	s1 =	sand.u32 $0x1, s1;
	s3 =	sshll.u32 s2, $0x1;
	v5 =	vsel vm12, $0x48A, v5;
	v6 =	vsel vm12, $0x506, v6;
	v11 =	vand.u32 $0xF, v11  }
0x49: {  	s2 =	simm.s32 $0x0;
	s4 =	sadd.s32 $0x2A00, s5;
	s6 =	sor.u32 s1, s3;
	v7 =	vsel vm12, $0x582, v7;
	v16 =	vsel vm14, v11, v14;
	v11 =	vimm.s32 $0xB0A0908  }
0x4a: {  	[smem:$0x7FF] =	sst s2;
	s1 =	ssub.s32 $0x2, s1;
	s3 =	sshll.u32 s6, $0xD;
	v8 =	vsel vm12, $0x68A, v8;
	v17 =	vunpack.c.0.s8.s32 v11;
	v11 =	vimm.s32 $0xF0E0D0C  }
0x4b: {  	_ =	strace $0x80000047;
	s8 =	sshll.u32 s6, $0xB;
	s24 =	sshrl.u32 s1, $0x1;
	v9 =	vsel vm12, $0x706, v9;
	v19 =	vunpack.c.0.s8.s32 v11;
	v11 =	vsel vm13, $0x100, v12  }
0x4c: {  	s25 =	sshll.u32 s6, $0x6;
	s7 =	sadd.s32 s3, s5;
	s3 =	sadd.s32 $0x64600, s5;
	v12 =	vsel vm1, $0x0, v13;
	v13 =	vsel vm15, v17, v16;
	v17 =	vimm.s32 $0x76543210  }
0x4d: {  	s5 =	sadd.s32 s8, s5;
	s1 =	ssub.s32 s1, s24;
	s0 =	sadd.s32 s0, s25;
	v22 =	vsel vm0, v14, v19;
	v14 =	vand.u32 $0xFF, v15;
	v15 =	vlaneseq.u32  }
0x4e: {  	s24 =	simm.s32 $0x142A0;
	s25 =	simm.s32 $0x15740;
	s7 =	sadd.s32 $0xC6200, s7;
	v10 =	vsel vm12, $0x782, v10;
	v20 =	vunpack.c.l.s4.s8 v17;
	v16 =	vadd.s32 $0x184, v15  }
0x4f: {  	s12 =	simm.s32 $0x0;
	s26 =	sadd.s32 $0x126200, s5;
	s8 =	sadd.s32 $0x126600, s5;
	v17 =	vor.u32 $0x200, v15;
	v18 =	vadd.s32 $0x384, v15;
	v23 =	vshrl.u32 v15, $0x3  }
0x50: {  	[dreg:$0x5] =	wrdreg s0;
	s9 =	sadd.s32 $0x106200, s5;
	s10 =	sadd.s32 $0x116200, s5;
	v19 =	vor.u32 $0x400, v15;
	v24 =	vunpack.c.0.s8.s32 v20;
	v27 =	vmul.u32 $0x80, v23  }
0x51: {  	s11 =	smax.u32 s1, $0x1;
	s1 =	simm.s32 $0x16140;
	[dreg:$0x3] =	wrdreg s7;
	v21 =	vor.u32 $0x600, v15;
	v26 =	vadd.s32 $0x4, v15;
	v20 =	vadd.s32 $0x584, v15  }
0x52: {  	s0 =	simm.s32 $0x3;
	[dreg:$0x4] =	wrdreg s26;
	s26 =	simm.s32 $0x12200;
	v23 =	vadd.s32 $0x784, v15;
	v22 =	vcombine.low v22, v24;
	v24 =	vadd.s32 $0x80, v27  }
.LBB2_1:
0x53: {  	s5 =	rddreg [dreg:$0x3]  }
0x54: {  	[tilespmem:s2], [sflag:$0x1] =	stream.linear.gather [hbm4b:s5+s2], $0x10000, $0x38;
	[tilespmem:$0x1EB40] =	vst v63  }
0x55: {  	s17 =	rddreg [dreg:$0x5];
	s6 =	simm.s32 $0x10000  }
0x56: {  	[tilespmem:s6], [sflag:$0x2] =	stream.linear.gather [hbm4b:s17+s2], $0x200, $0x38;
	[tilespmem:$0x1EB40] =	vst v63  }
0x57: {  	_ =	swait.ge [sflag:s13], $0x200  }
0x58: {  	[sflag:s13] =	ssyncset.done $0x0  }
0x59: {  	s7 =	simm.s32 $0x10200;
	[sflag:s13] =	ssyncadd.s32 $0xFFFFFE00  }
0x5a: {  	[tilespmem:s7], [sflag:$0x2] =	stream.indirect.gather [hbm4b:s3+s14], $0x20, s6, s14, $0xb8;
	[tilespmem:$0x1EB40] =	vst v63  }
0x5b: {  	s15 =	simm.s32 $0x10080;
	s17 =	simm.s32 $0x11200  }
0x5c: {  	[tilespmem:s17], [sflag:$0x2] =	stream.indirect.gather [hbm4b:s3+s14], $0x20, s15, s14, $0xb8;
	[tilespmem:$0x1EB40] =	vst v63  }
0x5d: {  	_ =	swait.ge [sflag:s18], $0x10000  }
0x5e: {  	[sflag:s18] =	ssyncset.done $0x0  }
0x5f: {  	[sflag:s18] =	ssyncadd.s32 $0xFFFF0000  }
0x60: {  	v27 =	vld.idx.msk [tilespmem:v15+s2+$0x0], $0xffff;
	_ =	sdelay $0x4  }
0x61: {  	[tilespmem:$0x14200] =	vst v27  }
0x62: {  	v27 =	vld.idx.msk [tilespmem:v14+s2+$0x0], $0xffff;
	_ =	sdelay $0x4  }
0x63: {  	[tilespmem:$0x14210] =	vst v27  }
0x64: {  	v27 =	vld.idx.msk [tilespmem:v0+s2+$0x0], $0xffff;
	_ =	sdelay $0x4  }
0x65: {  	[tilespmem:$0x14220] =	vst v27  }
0x66: {  	v27 =	vld.idx.msk [tilespmem:v1+s2+$0x0], $0xffff;
	_ =	sdelay $0x4  }
0x67: {  	[tilespmem:$0x14230] =	vst v27  }
0x68: {  	v27 =	vld.idx.msk [tilespmem:v16+s2+$0x0], $0xffff;
	_ =	sdelay $0x4  }
0x69: {  	[tilespmem:$0x14240] =	vst v27  }
0x6a: {  	v27 =	vld.idx.msk [tilespmem:v17+s2+$0x0], $0xffff;
	_ =	sdelay $0x4  }
0x6b: {  	[tilespmem:$0x14250] =	vst v27  }
0x6c: {  	v27 =	vld.idx.msk [tilespmem:v2+s2+$0x0], $0xffff;
	_ =	sdelay $0x4  }
0x6d: {  	[tilespmem:$0x14260] =	vst v27  }
0x6e: {  	v27 =	vld.idx.msk [tilespmem:v3+s2+$0x0], $0xffff;
	_ =	sdelay $0x4  }
0x6f: {  	[tilespmem:$0x14270] =	vst v27  }
0x70: {  	v27 =	vld.idx.msk [tilespmem:v4+s2+$0x0], $0xffff;
	_ =	sdelay $0x4  }
0x71: {  	[tilespmem:$0x14280] =	vst v27  }
0x72: {  	v27 =	vld.idx.msk [tilespmem:v18+s2+$0x0], $0xffff;
	_ =	sdelay $0x4  }
0x73: {  	[tilespmem:$0x14290] =	vst v27  }
0x74: {  	v27 =	vld.idx.msk [tilespmem:v19+s2+$0x0], $0xffff;
	_ =	sdelay $0x4  }
0x75: {  	[tilespmem:$0x142A0] =	vst v27  }
0x76: {  	v27 =	vld.idx.msk [tilespmem:v5+s2+$0x0], $0xffff;
	_ =	sdelay $0x4  }
0x77: {  	[tilespmem:$0x142B0] =	vst v27  }
0x78: {  	v27 =	vld.idx.msk [tilespmem:v6+s2+$0x0], $0xffff;
	_ =	sdelay $0x4  }
0x79: {  	[tilespmem:$0x142C0] =	vst v27  }
0x7a: {  	v27 =	vld.idx.msk [tilespmem:v7+s2+$0x0], $0xffff;
	_ =	sdelay $0x4  }
0x7b: {  	[tilespmem:$0x142D0] =	vst v27  }
0x7c: {  	v27 =	vld.idx.msk [tilespmem:v20+s2+$0x0], $0xffff;
	_ =	sdelay $0x4  }
0x7d: {  	[tilespmem:$0x142E0] =	vst v27  }
0x7e: {  	v27 =	vld.idx.msk [tilespmem:v21+s2+$0x0], $0xffff;
	_ =	sdelay $0x4  }
0x7f: {  	[tilespmem:$0x142F0] =	vst v27  }
0x80: {  	v27 =	vld.idx.msk [tilespmem:v8+s2+$0x0], $0xffff;
	_ =	sdelay $0x4  }
0x81: {  	[tilespmem:$0x14300] =	vst v27  }
0x82: {  	v27 =	vld.idx.msk [tilespmem:v9+s2+$0x0], $0xffff;
	_ =	sdelay $0x4  }
0x83: {  	[tilespmem:$0x14310] =	vst v27  }
0x84: {  	v27 =	vld.idx.msk [tilespmem:v10+s2+$0x0], $0xffff;
	_ =	sdelay $0x4  }
0x85: {  	[tilespmem:$0x14320] =	vst v27  }
0x86: {  	v27 =	vld.idx.msk [tilespmem:v23+s2+$0x0], $0xffff;
	_ =	sdelay $0x4  }
0x87: {  	[tilespmem:$0x14330] =	vst v27  }
0x88: {  	[tilespmem:s21], [sflag:$0x3] =	stream.indirect.gather [hbm4b:s4+s19], $0x20, s20, s19, $0xb8;
	[tilespmem:$0x1EB40] =	vst v63  }
0x89: {  	_ = 	snop  }
0x8a: {  	[tilespmem:s23], [sflag:$0x4] =	stream.indirect.gather [hbm4b:s4+s19], $0x20, s22, s19, $0xb8;
	[tilespmem:$0x1EB40] =	vst v63  }
0x8b: {  	_ = 	snop  }
0x8c: {  	[tilespmem:s25], [sflag:$0x5] =	stream.indirect.gather [hbm4b:s4+s19], $0x20, s24, s19, $0xb8;
	[tilespmem:$0x1EB40] =	vst v63  }
0x8d: {  	_ =	swait.ge [sflag:s13], $0x1000  }
0x8e: {  	[sflag:s13] =	ssyncset.done $0x0  }
0x8f: {  	[sflag:s13] =	ssyncadd.s32 $0xFFFFF000  }
0x90: {  	_ =	swait.ge [sflag:s13], $0x1000  }
0x91: {  	[sflag:s13] =	ssyncset.done $0x0  }
0x92: {  	s5 =	simm.s32 $0x0;
	[sflag:s13] =	ssyncadd.s32 $0xFFFFF000  }
0x93: {  	v27 =	vld [tilespmem:s5+$0x10230]  }
0x94: {  	v28 =	vld [tilespmem:s5+$0x10200]  }
0x95: {  	v29 =	vld [tilespmem:s5+$0x10210]  }
0x96: {  	s15 =	simm.s32 $0x100;
	v30 =	vld [tilespmem:s5+$0x10220]  }
.LBB2_2:
0x97: {  	p0 =	sne.s32 s15, $0x7F00  }
.Ltmp0:
0x98: {  	s17 =	sshra.s32 s15, $0x2;
	s15 =	sadd.s32 $0x100, s15;
	[tilespmem:s5+$0x12230] =	vst v27;
	(pc) =	sbr.rel @p0 .LBB2_2-.Ltmp0, $4  }
0x99: {  	v27 =	vld [tilespmem:s17+$0x10230];
	[tilespmem:s5+$0x12200] =	vst v28  }
0x9a: {  	v28 =	vld [tilespmem:s17+$0x10200];
	[tilespmem:s5+$0x12210] =	vst v29  }
0x9b: {  	v29 =	vld [tilespmem:s17+$0x10210];
	[tilespmem:s5+$0x12220] =	vst v30;
	s5 =	smov.u32 s17  }
0x9c: {  	v30 =	vld [tilespmem:s5+$0x10220]  }
0x9d: {  	_ = 	snop  }
0x9e: {  	[tilespmem:s5+$0x12230] =	vst v27  }
0x9f: {  	[tilespmem:s5+$0x12200] =	vst v28  }
0xa0: {  	[tilespmem:s5+$0x12210] =	vst v29  }
0xa1: {  	s17 =	simm.s32 $0x0;
	s6 =	rddreg [dreg:$0x4];
	[tilespmem:s5+$0x12220] =	vst v30  }
0xa2: {  	[hbm4b:s6+s17] =	stream.linear.scatter [tilespmem:s26], [sflag:$0x7], $0x2000, $0x38;
	[tilespmem:$0x1EB40] =	vst v63  }
0xa3: {  	_ =	swait.ge [sflag:s28], $0x2000  }
0xa4: {  	[sflag:s28] =	ssyncset.done $0x0  }
0xa5: {  	s7 =	simm.s32 $0x10100;
	s6 =	simm.s32 $0x10200;
	[sflag:s28] =	ssyncadd.s32 $0xFFFFE000  }
0xa6: {  	[tilespmem:s6], [sflag:$0x2] =	stream.indirect.gather [hbm4b:s3+s14], $0x20, s7, s14, $0xb8;
	[tilespmem:$0x1EB40] =	vst v63  }
0xa7: {  	s15 =	simm.s32 $0x11200;
	s17 =	simm.s32 $0x10180  }
0xa8: {  	[tilespmem:s15], [sflag:$0x2] =	stream.indirect.gather [hbm4b:s3+s14], $0x20, s17, s14, $0xb8;
	[tilespmem:$0x1EB40] =	vst v63  }
0xa9: {  	_ =	swait.ge [sflag:s13], $0x1000  }
0xaa: {  	[sflag:s13] =	ssyncset.done $0x0  }
0xab: {  	[sflag:s13] =	ssyncadd.s32 $0xFFFFF000  }
0xac: {  	_ =	swait.ge [sflag:s13], $0x1000  }
0xad: {  	[sflag:s13] =	ssyncset.done $0x0  }
0xae: {  	s5 =	simm.s32 $0x0;
	[sflag:s13] =	ssyncadd.s32 $0xFFFFF000  }
0xaf: {  	v27 =	vld [tilespmem:s5+$0x10230]  }
0xb0: {  	v28 =	vld [tilespmem:s5+$0x10200]  }
0xb1: {  	v29 =	vld [tilespmem:s5+$0x10210]  }
0xb2: {  	s15 =	simm.s32 $0x100;
	v30 =	vld [tilespmem:s5+$0x10220]  }
.LBB2_4:
0xb3: {  	p0 =	sne.s32 s15, $0x7F00  }
.Ltmp1:
0xb4: {  	s17 =	sshra.s32 s15, $0x2;
	s15 =	sadd.s32 $0x100, s15;
	[tilespmem:s5+$0x12230] =	vst v27;
	(pc) =	sbr.rel @p0 .LBB2_4-.Ltmp1, $4  }
0xb5: {  	v27 =	vld [tilespmem:s17+$0x10230];
	[tilespmem:s5+$0x12200] =	vst v28  }
0xb6: {  	v28 =	vld [tilespmem:s17+$0x10200];
	[tilespmem:s5+$0x12210] =	vst v29  }
0xb7: {  	v29 =	vld [tilespmem:s17+$0x10210];
	[tilespmem:s5+$0x12220] =	vst v30;
	s5 =	smov.u32 s17  }
0xb8: {  	v30 =	vld [tilespmem:s5+$0x10220]  }
0xb9: {  	_ = 	snop  }
0xba: {  	[tilespmem:s5+$0x12230] =	vst v27  }
0xbb: {  	[tilespmem:s5+$0x12200] =	vst v28  }
0xbc: {  	[tilespmem:s5+$0x12210] =	vst v29  }
0xbd: {  	s15 =	simm.s32 $0x7;
	[tilespmem:s5+$0x12220] =	vst v30  }
0xbe: {  	[hbm4b:s8+s2] =	stream.linear.scatter [tilespmem:s26], [sflag:$0x7], $0x2000, $0x38;
	[tilespmem:$0x1EB40] =	vst v63  }
0xbf: {  	_ =	swait.ge [sflag:s15], $0x2000  }
0xc0: {  	[sflag:s15] =	ssyncset.done $0x0  }
0xc1: {  	s17 =	simm.s32 $0x16C40;
	s5 =	simm.s32 $0x1C;
	[sflag:s15] =	ssyncadd.s32 $0xFFFFE000  }
.LBB2_6:
0xc2: {  	p0 =	seq.s32 s15, $0x103  }
0xc3: {  	s6 =	sadd.s32 @!p0 $0xFFFFFFFD, s15  }
0xc4: {  	s6 =	sshrl.u32 @!p0 s6, $0x7  }
0xc5: {  	s7 =	sadd.s32 @!p0 $0xFFFFFFF4, s5;
	s6 =	smul.u32 @!p0 $0x14, s6  }
0xc6: {  	s7 =	sand.u32 @!p0 $0x1F0, s7  }
0xc7: {  	v27 =	vmov @!p0 s7;
	v28 =	vadd.s32 @!p0 s6, v15  }
0xc8: {  	v27 =	vshll.u32 @!p0 v27, $0x7;
	v29 =	vand.u32 @!p0 $0x7FFFFFF8, v28  }
0xc9: {  	v28 =	vand.u32 @!p0 $0x7, v28;
	v29 =	vadd.s32 @!p0 v27, v29  }
0xca: {  	v28 =	vor.u32 @!p0 v28, v29  }
0xcb: {  	[tilespmem:s1], [sflag:$0x6] =	stream.indirect.gather [hbm4b:s4+s19], $0x20, s31, s19, $0xb8;
	[tilespmem:$0x1EB40] =	vst v63  }
0xcc: {  	_ =	swait.ge [sflag:s0], $0xA00  }
0xcd: {  	[sflag:s0] =	ssyncset.done $0x0;
	v29 =	vadd.s32 @!p0 s6, v13  }
0xce: {  	[sflag:s0] =	ssyncadd.s32 $0xFFFFF600;
	v31 =	vor.u32 @!p0 v12, v27;
	v30 =	vand.u32 @!p0 $0x7FFFFFF8, v29  }
0xcf: {  	v29 =	vand.u32 @!p0 $0x7, v29;
	v30 =	vadd.s32 @!p0 v30, v31;
	v28 =	vld.idx.msk @!p0 [tilespmem:v28+s2+$0x0], $0xffff  }
0xd0: {  	v29 =	vor.u32 @!p0 v29, v30;
	_ =	sdelay $0x2  }
0xd1: {  	v30 =	vadd.s32 @!p0 s6, v22  }
0xd2: {  	v31 =	vor.u32 @!p0 v24, v27;
	[tilespmem:$0x14200] =	vst @!p0 v28;
	v28 =	vand.u32 @!p0 $0x7FFFFFF8, v30  }
0xd3: {  	v30 =	vand.u32 @!p0 $0x7, v30;
	v29 =	vld.idx.msk @!p0 [tilespmem:v29+s2+$0x0], $0xffff;
	v28 =	vadd.s32 @!p0 v28, v31  }
0xd4: {  	v28 =	vor.u32 @!p0 v30, v28;
	_ =	sdelay $0x2  }
0xd5: {  	v30 =	vadd.s32 @!p0 s6, v25  }
0xd6: {  	v31 =	vor.u32 @!p0 v11, v27;
	[tilespmem:$0x14210] =	vst @!p0 v29;
	v29 =	vand.u32 @!p0 $0x7FFFFFF8, v30  }
0xd7: {  	v30 =	vand.u32 @!p0 $0x7, v30;
	v28 =	vld.idx.msk @!p0 [tilespmem:v28+s2+$0x0], $0xffff;
	v29 =	vadd.s32 @!p0 v29, v31  }
0xd8: {  	v29 =	vor.u32 @!p0 v30, v29;
	_ =	sdelay $0x1  }
0xd9: {  	v30 =	vadd.s32 @!p0 s6, v26  }
0xda: {  	v31 =	vand.u32 @!p0 $0x7FFFFFF8, v30  }
0xdb: {  	v27 =	vadd.s32 @!p0 v27, v31;
	[tilespmem:$0x14220] =	vst @!p0 v28;
	v28 =	vand.u32 @!p0 $0x7, v30  }
0xdc: {  	v29 =	vld.idx.msk @!p0 [tilespmem:v29+s2+$0x0], $0xffff;
	v27 =	vor.u32 @!p0 v28, v27  }
0xdd: {  	v27 =	vadd.s32 @!p0 $0x180, v27;
	_ =	sdelay $0x3  }
0xde: {  	[tilespmem:$0x14230] =	vst @!p0 v29  }
0xdf: {  	v27 =	vld.idx.msk @!p0 [tilespmem:v27+s2+$0x0], $0xffff;
	_ =	sdelay $0x1  }
0xe0: {  	v47 =	vld [tilespmem:$0x14350]  }
0xe1: {  	v48 =	vld [tilespmem:$0x14360]  }
0xe2: {  	v49 =	vld [tilespmem:$0x14370]  }
0xe3: {  	[tilespmem:$0x14240] =	vst @!p0 v27;
	v27 =	vld [tilespmem:$0x14340]  }
0xe4: {  	v32 =	vld [tilespmem:$0x14390]  }
0xe5: {  	v50 =	vld [tilespmem:$0x14380]  }
0xe6: {  	v51 =	vld [tilespmem:$0x143B0]  }
0xe7: {  	v33 =	vld [tilespmem:$0x143A0];
	v28 =	vadd.bf16 v49, v47  }
0xe8: {  	v53 =	vld [tilespmem:$0x143D0];
	v27 =	vadd.bf16 v48, v27  }
0xe9: {  	v52 =	vld [tilespmem:$0x143C0];
	v28 =	vadd.bf16 v32, v28  }
0xea: {  	v55 =	vld [tilespmem:$0x143F0];
	v27 =	vadd.bf16 v50, v27  }
0xeb: {  	v54 =	vld [tilespmem:$0x143E0];
	v28 =	vadd.bf16 v51, v28  }
0xec: {  	v57 =	vld [tilespmem:$0x14410];
	v27 =	vadd.bf16 v33, v27  }
0xed: {  	v56 =	vld [tilespmem:$0x14400];
	v28 =	vadd.bf16 v53, v28  }
0xee: {  	v59 =	vld [tilespmem:$0x14430];
	v27 =	vadd.bf16 v52, v27  }
0xef: {  	v58 =	vld [tilespmem:$0x14420];
	v28 =	vadd.bf16 v55, v28  }
0xf0: {  	v61 =	vld [tilespmem:$0x14450];
	v27 =	vadd.bf16 v54, v27  }
0xf1: {  	v60 =	vld [tilespmem:$0x14440];
	v28 =	vadd.bf16 v57, v28  }
0xf2: {  	v63 =	vld [tilespmem:$0x14470];
	v27 =	vadd.bf16 v56, v27  }
0xf3: {  	v62 =	vld [tilespmem:$0x14460];
	v28 =	vadd.bf16 v59, v28  }
0xf4: {  	v37 =	vld [tilespmem:$0x14490];
	v27 =	vadd.bf16 v58, v27  }
0xf5: {  	v36 =	vld [tilespmem:$0x14480];
	v28 =	vadd.bf16 v61, v28  }
0xf6: {  	v39 =	vld [tilespmem:$0x144B0];
	v27 =	vadd.bf16 v60, v27  }
0xf7: {  	v38 =	vld [tilespmem:$0x144A0];
	v28 =	vadd.bf16 v63, v28  }
0xf8: {  	v41 =	vld [tilespmem:$0x144D0];
	v27 =	vadd.bf16 v62, v27  }
0xf9: {  	v40 =	vld [tilespmem:$0x144C0];
	v28 =	vadd.bf16 v37, v28  }
0xfa: {  	v43 =	vld [tilespmem:$0x144F0];
	v27 =	vadd.bf16 v36, v27  }
0xfb: {  	v42 =	vld [tilespmem:$0x144E0];
	v28 =	vadd.bf16 v39, v28  }
0xfc: {  	v45 =	vld [tilespmem:$0x14510];
	v27 =	vadd.bf16 v38, v27  }
0xfd: {  	v44 =	vld [tilespmem:$0x14500];
	v28 =	vadd.bf16 v41, v28  }
0xfe: {  	v47 =	vld [tilespmem:$0x14530];
	v27 =	vadd.bf16 v40, v27  }
0xff: {  	v46 =	vld [tilespmem:$0x14520];
	v28 =	vadd.bf16 v43, v28  }
0x100: {  	v49 =	vld [tilespmem:$0x14550];
	v27 =	vadd.bf16 v42, v27  }
0x101: {  	v48 =	vld [tilespmem:$0x14540];
	v28 =	vadd.bf16 v45, v28  }
0x102: {  	v51 =	vld [tilespmem:$0x14570];
	v27 =	vadd.bf16 v44, v27  }
0x103: {  	v50 =	vld [tilespmem:$0x14560];
	v28 =	vadd.bf16 v47, v28  }
0x104: {  	v53 =	vld [tilespmem:$0x14590];
	v27 =	vadd.bf16 v46, v27  }
0x105: {  	v52 =	vld [tilespmem:$0x14580];
	v28 =	vadd.bf16 v49, v28  }
0x106: {  	v55 =	vld [tilespmem:$0x145B0];
	v27 =	vadd.bf16 v48, v27  }
0x107: {  	v54 =	vld [tilespmem:$0x145A0];
	v28 =	vadd.bf16 v51, v28  }
0x108: {  	v27 =	vadd.bf16 v50, v27  }
0x109: {  	v28 =	vadd.bf16 v53, v28  }
0x10a: {  	v27 =	vadd.bf16 v52, v27  }
0x10b: {  	v28 =	vadd.bf16 v55, v28  }
0x10c: {  	v27 =	vadd.bf16 v54, v27  }
0x10d: {  	[tilespmem:s17+$0xFFFFFF10] =	vst v28  }
0x10e: {  	[tilespmem:s17+$0xFFFFFF00] =	vst v27  }
0x10f: {  	v27 =	vld [tilespmem:$0x145C0]  }
0x110: {  	v28 =	vld [tilespmem:$0x145D0]  }
0x111: {  	v56 =	vld [tilespmem:$0x145E0]  }
0x112: {  	v57 =	vld [tilespmem:$0x145F0]  }
0x113: {  	v58 =	vld [tilespmem:$0x14600]  }
0x114: {  	v59 =	vld [tilespmem:$0x14610]  }
0x115: {  	v60 =	vld [tilespmem:$0x14620]  }
0x116: {  	v61 =	vld [tilespmem:$0x14630];
	v27 =	vadd.bf16 v56, v27  }
0x117: {  	v62 =	vld [tilespmem:$0x14640];
	v28 =	vadd.bf16 v57, v28  }
0x118: {  	v63 =	vld [tilespmem:$0x14650];
	v27 =	vadd.bf16 v58, v27  }
0x119: {  	v36 =	vld [tilespmem:$0x14660];
	v28 =	vadd.bf16 v59, v28  }
0x11a: {  	v37 =	vld [tilespmem:$0x14670];
	v27 =	vadd.bf16 v60, v27  }
0x11b: {  	v38 =	vld [tilespmem:$0x14680];
	v28 =	vadd.bf16 v61, v28  }
0x11c: {  	v39 =	vld [tilespmem:$0x14690];
	v27 =	vadd.bf16 v62, v27  }
0x11d: {  	v40 =	vld [tilespmem:$0x146A0];
	v28 =	vadd.bf16 v63, v28  }
0x11e: {  	v41 =	vld [tilespmem:$0x146B0];
	v27 =	vadd.bf16 v36, v27  }
0x11f: {  	v42 =	vld [tilespmem:$0x146C0];
	v28 =	vadd.bf16 v37, v28  }
0x120: {  	v43 =	vld [tilespmem:$0x146D0];
	v27 =	vadd.bf16 v38, v27  }
0x121: {  	v44 =	vld [tilespmem:$0x146E0];
	v28 =	vadd.bf16 v39, v28  }
0x122: {  	v45 =	vld [tilespmem:$0x146F0];
	v27 =	vadd.bf16 v40, v27  }
0x123: {  	v46 =	vld [tilespmem:$0x14700];
	v28 =	vadd.bf16 v41, v28  }
0x124: {  	v47 =	vld [tilespmem:$0x14710];
	v27 =	vadd.bf16 v42, v27  }
0x125: {  	v48 =	vld [tilespmem:$0x14720];
	v28 =	vadd.bf16 v43, v28  }
0x126: {  	v49 =	vld [tilespmem:$0x14730];
	v27 =	vadd.bf16 v44, v27  }
0x127: {  	v50 =	vld [tilespmem:$0x14740];
	v28 =	vadd.bf16 v45, v28  }
0x128: {  	v51 =	vld [tilespmem:$0x14750];
	v27 =	vadd.bf16 v46, v27  }
0x129: {  	v52 =	vld [tilespmem:$0x14760];
	v28 =	vadd.bf16 v47, v28  }
0x12a: {  	v53 =	vld [tilespmem:$0x14770];
	v27 =	vadd.bf16 v48, v27  }
0x12b: {  	v54 =	vld [tilespmem:$0x14780];
	v28 =	vadd.bf16 v49, v28  }
0x12c: {  	v55 =	vld [tilespmem:$0x14790];
	v27 =	vadd.bf16 v50, v27  }
0x12d: {  	v56 =	vld [tilespmem:$0x147A0];
	v28 =	vadd.bf16 v51, v28  }
0x12e: {  	v57 =	vld [tilespmem:$0x147B0];
	v27 =	vadd.bf16 v52, v27  }
0x12f: {  	v58 =	vld [tilespmem:$0x147C0];
	v28 =	vadd.bf16 v53, v28  }
0x130: {  	v59 =	vld [tilespmem:$0x147D0];
	v27 =	vadd.bf16 v54, v27  }
0x131: {  	v60 =	vld [tilespmem:$0x147E0];
	v28 =	vadd.bf16 v55, v28  }
0x132: {  	v61 =	vld [tilespmem:$0x147F0];
	v27 =	vadd.bf16 v56, v27  }
0x133: {  	v62 =	vld [tilespmem:$0x14800];
	v28 =	vadd.bf16 v57, v28  }
0x134: {  	v63 =	vld [tilespmem:$0x14810];
	v27 =	vadd.bf16 v58, v27  }
0x135: {  	v34 =	vld [tilespmem:$0x14820];
	v28 =	vadd.bf16 v59, v28  }
0x136: {  	v35 =	vld [tilespmem:$0x14830];
	v27 =	vadd.bf16 v60, v27  }
0x137: {  	v28 =	vadd.bf16 v61, v28  }
0x138: {  	v27 =	vadd.bf16 v62, v27  }
0x139: {  	v28 =	vadd.bf16 v63, v28  }
0x13a: {  	v27 =	vadd.bf16 v34, v27  }
0x13b: {  	v28 =	vadd.bf16 v35, v28  }
0x13c: {  	[tilespmem:s17+$0xFFFFFF20] =	vst v27  }
0x13d: {  	[tilespmem:s17+$0xFFFFFF30] =	vst v28  }
0x13e: {  	v27 =	vld [tilespmem:$0x14840]  }
0x13f: {  	v28 =	vld [tilespmem:$0x14850]  }
0x140: {  	v36 =	vld [tilespmem:$0x14860]  }
0x141: {  	v37 =	vld [tilespmem:$0x14870]  }
0x142: {  	v38 =	vld [tilespmem:$0x14880]  }
0x143: {  	v39 =	vld [tilespmem:$0x14890]  }
0x144: {  	v40 =	vld [tilespmem:$0x148A0]  }
0x145: {  	v41 =	vld [tilespmem:$0x148B0];
	v27 =	vadd.bf16 v36, v27  }
0x146: {  	v42 =	vld [tilespmem:$0x148C0];
	v28 =	vadd.bf16 v37, v28  }
0x147: {  	v43 =	vld [tilespmem:$0x148D0];
	v27 =	vadd.bf16 v38, v27  }
0x148: {  	v44 =	vld [tilespmem:$0x148E0];
	v28 =	vadd.bf16 v39, v28  }
0x149: {  	v45 =	vld [tilespmem:$0x148F0];
	v27 =	vadd.bf16 v40, v27  }
0x14a: {  	v46 =	vld [tilespmem:$0x14900];
	v28 =	vadd.bf16 v41, v28  }
0x14b: {  	v47 =	vld [tilespmem:$0x14910];
	v27 =	vadd.bf16 v42, v27  }
0x14c: {  	v48 =	vld [tilespmem:$0x14920];
	v28 =	vadd.bf16 v43, v28  }
0x14d: {  	v49 =	vld [tilespmem:$0x14930];
	v27 =	vadd.bf16 v44, v27  }
0x14e: {  	v50 =	vld [tilespmem:$0x14940];
	v28 =	vadd.bf16 v45, v28  }
0x14f: {  	v51 =	vld [tilespmem:$0x14950];
	v27 =	vadd.bf16 v46, v27  }
0x150: {  	v52 =	vld [tilespmem:$0x14960];
	v28 =	vadd.bf16 v47, v28  }
0x151: {  	v53 =	vld [tilespmem:$0x14970];
	v27 =	vadd.bf16 v48, v27  }
0x152: {  	v54 =	vld [tilespmem:$0x14980];
	v28 =	vadd.bf16 v49, v28  }
0x153: {  	v55 =	vld [tilespmem:$0x14990];
	v27 =	vadd.bf16 v50, v27  }
0x154: {  	v56 =	vld [tilespmem:$0x149A0];
	v28 =	vadd.bf16 v51, v28  }
0x155: {  	v57 =	vld [tilespmem:$0x149B0];
	v27 =	vadd.bf16 v52, v27  }
0x156: {  	v58 =	vld [tilespmem:$0x149C0];
	v28 =	vadd.bf16 v53, v28  }
0x157: {  	v59 =	vld [tilespmem:$0x149D0];
	v27 =	vadd.bf16 v54, v27  }
0x158: {  	v60 =	vld [tilespmem:$0x149E0];
	v28 =	vadd.bf16 v55, v28  }
0x159: {  	v61 =	vld [tilespmem:$0x149F0];
	v27 =	vadd.bf16 v56, v27  }
0x15a: {  	v62 =	vld [tilespmem:$0x14A00];
	v28 =	vadd.bf16 v57, v28  }
0x15b: {  	v63 =	vld [tilespmem:$0x14A10];
	v27 =	vadd.bf16 v58, v27  }
0x15c: {  	v36 =	vld [tilespmem:$0x14A20];
	v28 =	vadd.bf16 v59, v28  }
0x15d: {  	v37 =	vld [tilespmem:$0x14A30];
	v27 =	vadd.bf16 v60, v27  }
0x15e: {  	v38 =	vld [tilespmem:$0x14A40];
	v28 =	vadd.bf16 v61, v28  }
0x15f: {  	v39 =	vld [tilespmem:$0x14A50];
	v27 =	vadd.bf16 v62, v27  }
0x160: {  	v40 =	vld [tilespmem:$0x14A60];
	v28 =	vadd.bf16 v63, v28  }
0x161: {  	v41 =	vld [tilespmem:$0x14A70];
	v27 =	vadd.bf16 v36, v27  }
0x162: {  	v42 =	vld [tilespmem:$0x14A80];
	v28 =	vadd.bf16 v37, v28  }
0x163: {  	v43 =	vld [tilespmem:$0x14A90];
	v27 =	vadd.bf16 v38, v27  }
0x164: {  	v44 =	vld [tilespmem:$0x14AA0];
	v28 =	vadd.bf16 v39, v28  }
0x165: {  	v45 =	vld [tilespmem:$0x14AB0];
	v27 =	vadd.bf16 v40, v27  }
0x166: {  	v28 =	vadd.bf16 v41, v28  }
0x167: {  	v27 =	vadd.bf16 v42, v27  }
0x168: {  	v28 =	vadd.bf16 v43, v28  }
0x169: {  	v27 =	vadd.bf16 v44, v27  }
0x16a: {  	v28 =	vadd.bf16 v45, v28  }
0x16b: {  	[tilespmem:s17+$0xFFFFFF40] =	vst v27  }
0x16c: {  	[tilespmem:s17+$0xFFFFFF50] =	vst v28  }
0x16d: {  	v27 =	vld [tilespmem:$0x14AC0]  }
0x16e: {  	v28 =	vld [tilespmem:$0x14AD0]  }
0x16f: {  	v46 =	vld [tilespmem:$0x14AE0]  }
0x170: {  	v47 =	vld [tilespmem:$0x14AF0]  }
0x171: {  	v48 =	vld [tilespmem:$0x14B00]  }
0x172: {  	v49 =	vld [tilespmem:$0x14B10]  }
0x173: {  	v50 =	vld [tilespmem:$0x14B20]  }
0x174: {  	v51 =	vld [tilespmem:$0x14B30];
	v27 =	vadd.bf16 v46, v27  }
0x175: {  	v52 =	vld [tilespmem:$0x14B40];
	v28 =	vadd.bf16 v47, v28  }
0x176: {  	v53 =	vld [tilespmem:$0x14B50];
	v27 =	vadd.bf16 v48, v27  }
0x177: {  	v54 =	vld [tilespmem:$0x14B60];
	v28 =	vadd.bf16 v49, v28  }
0x178: {  	v55 =	vld [tilespmem:$0x14B70];
	v27 =	vadd.bf16 v50, v27  }
0x179: {  	v56 =	vld [tilespmem:$0x14B80];
	v28 =	vadd.bf16 v51, v28  }
0x17a: {  	v57 =	vld [tilespmem:$0x14B90];
	v27 =	vadd.bf16 v52, v27  }
0x17b: {  	v58 =	vld [tilespmem:$0x14BA0];
	v28 =	vadd.bf16 v53, v28  }
0x17c: {  	v59 =	vld [tilespmem:$0x14BB0];
	v27 =	vadd.bf16 v54, v27  }
0x17d: {  	v60 =	vld [tilespmem:$0x14BC0];
	v28 =	vadd.bf16 v55, v28  }
0x17e: {  	v61 =	vld [tilespmem:$0x14BD0];
	v27 =	vadd.bf16 v56, v27  }
0x17f: {  	v62 =	vld [tilespmem:$0x14BE0];
	v28 =	vadd.bf16 v57, v28  }
0x180: {  	v63 =	vld [tilespmem:$0x14BF0];
	v27 =	vadd.bf16 v58, v27  }
0x181: {  	v36 =	vld [tilespmem:$0x14C00];
	v28 =	vadd.bf16 v59, v28  }
0x182: {  	v37 =	vld [tilespmem:$0x14C10];
	v27 =	vadd.bf16 v60, v27  }
0x183: {  	v38 =	vld [tilespmem:$0x14C20];
	v28 =	vadd.bf16 v61, v28  }
0x184: {  	v39 =	vld [tilespmem:$0x14C30];
	v27 =	vadd.bf16 v62, v27  }
0x185: {  	v40 =	vld [tilespmem:$0x14C40];
	v28 =	vadd.bf16 v63, v28  }
0x186: {  	v41 =	vld [tilespmem:$0x14C50];
	v27 =	vadd.bf16 v36, v27  }
0x187: {  	v42 =	vld [tilespmem:$0x14C60];
	v28 =	vadd.bf16 v37, v28  }
0x188: {  	v43 =	vld [tilespmem:$0x14C70];
	v27 =	vadd.bf16 v38, v27  }
0x189: {  	v44 =	vld [tilespmem:$0x14C80];
	v28 =	vadd.bf16 v39, v28  }
0x18a: {  	v45 =	vld [tilespmem:$0x14C90];
	v27 =	vadd.bf16 v40, v27  }
0x18b: {  	v46 =	vld [tilespmem:$0x14CA0];
	v28 =	vadd.bf16 v41, v28  }
0x18c: {  	v47 =	vld [tilespmem:$0x14CB0];
	v27 =	vadd.bf16 v42, v27  }
0x18d: {  	v48 =	vld [tilespmem:$0x14CC0];
	v28 =	vadd.bf16 v43, v28  }
0x18e: {  	v49 =	vld [tilespmem:$0x14CD0];
	v27 =	vadd.bf16 v44, v27  }
0x18f: {  	v50 =	vld [tilespmem:$0x14CE0];
	v28 =	vadd.bf16 v45, v28  }
0x190: {  	v51 =	vld [tilespmem:$0x14CF0];
	v27 =	vadd.bf16 v46, v27  }
0x191: {  	v52 =	vld [tilespmem:$0x14D00];
	v28 =	vadd.bf16 v47, v28  }
0x192: {  	v53 =	vld [tilespmem:$0x14D10];
	v27 =	vadd.bf16 v48, v27  }
0x193: {  	v54 =	vld [tilespmem:$0x14D20];
	v28 =	vadd.bf16 v49, v28  }
0x194: {  	v55 =	vld [tilespmem:$0x14D30];
	v27 =	vadd.bf16 v50, v27  }
0x195: {  	v28 =	vadd.bf16 v51, v28  }
0x196: {  	p0 =	sne.s32 s15, $0x103;
	v27 =	vadd.bf16 v52, v27  }
0x197: {  	s6 =	sadd.s32 @p0 $0xFFFFFFFE, s15;
	v28 =	vadd.bf16 v53, v28  }
0x198: {  	s6 =	sshrl.u32 @p0 s6, $0x7;
	v27 =	vadd.bf16 v54, v27  }
0x199: {  	s7 =	sadd.s32 @p0 $0xFFFFFFF8, s5;
	s6 =	smul.u32 @p0 $0x14, s6;
	v28 =	vadd.bf16 v55, v28  }
0x19a: {  	s7 =	sand.u32 @p0 $0x1F4, s7;
	[tilespmem:s17+$0xFFFFFF60] =	vst v27  }
0x19b: {  	[tilespmem:s17+$0xFFFFFF70] =	vst v28;
	v27 =	vmov @p0 s7;
	v28 =	vadd.s32 @p0 s6, v15  }
0x19c: {  	_ =	swait.ge @!p0 [sflag:s16], $0xA00;
	v29 =	vand.u32 @p0 $0x7FFFFFF8, v28;
	v27 =	vshll.u32 @p0 v27, $0x7  }
0x19d: {  	v28 =	vand.u32 @p0 $0x7, v28;
	[sflag:s16] =	ssyncset.done @!p0 $0x0;
	v29 =	vadd.s32 @p0 v27, v29  }
0x19e: {  	[sflag:s16] =	ssyncadd.s32 @!p0 $0xFFFFF600;
	v28 =	vor.u32 @p0 v28, v29  }
0x19f: {  	[tilespmem:s21], [sflag:$0x3] =	stream.indirect.gather @p0 [hbm4b:s4+s19], $0x20, s20, s19, $0xb8;
	[tilespmem:$0x1EB40] =	vst v63  }
0x1a0: {  	_ =	swait.ge @p0 [sflag:s16], $0xA00  }
0x1a1: {  	v29 =	vadd.s32 @p0 s6, v13;
	[sflag:s16] =	ssyncset.done @p0 $0x0  }
0x1a2: {  	v31 =	vor.u32 @p0 v12, v27;
	v30 =	vand.u32 @p0 $0x7FFFFFF8, v29;
	[sflag:s16] =	ssyncadd.s32 @p0 $0xFFFFF600  }
0x1a3: {  	v29 =	vand.u32 @p0 $0x7, v29;
	v30 =	vadd.s32 @p0 v30, v31;
	v28 =	vld.idx.msk @p0 [tilespmem:v28+s2+$0x0], $0xffff  }
0x1a4: {  	v29 =	vor.u32 @p0 v29, v30;
	_ =	sdelay $0x2  }
0x1a5: {  	v30 =	vadd.s32 @p0 s6, v22  }
0x1a6: {  	v31 =	vor.u32 @p0 v24, v27;
	[tilespmem:$0x14250] =	vst @p0 v28;
	v28 =	vand.u32 @p0 $0x7FFFFFF8, v30  }
0x1a7: {  	v30 =	vand.u32 @p0 $0x7, v30;
	v29 =	vld.idx.msk @p0 [tilespmem:v29+s2+$0x0], $0xffff;
	v28 =	vadd.s32 @p0 v28, v31  }
0x1a8: {  	v28 =	vor.u32 @p0 v30, v28;
	_ =	sdelay $0x2  }
0x1a9: {  	v30 =	vadd.s32 @p0 s6, v25  }
0x1aa: {  	v31 =	vor.u32 @p0 v11, v27;
	[tilespmem:$0x14260] =	vst @p0 v29;
	v29 =	vand.u32 @p0 $0x7FFFFFF8, v30  }
0x1ab: {  	v30 =	vand.u32 @p0 $0x7, v30;
	v28 =	vld.idx.msk @p0 [tilespmem:v28+s2+$0x0], $0xffff;
	v29 =	vadd.s32 @p0 v29, v31  }
0x1ac: {  	v29 =	vor.u32 @p0 v30, v29;
	_ =	sdelay $0x1  }
0x1ad: {  	v30 =	vadd.s32 @p0 s6, v26  }
0x1ae: {  	v31 =	vand.u32 @p0 $0x7FFFFFF8, v30  }
0x1af: {  	v27 =	vadd.s32 @p0 v27, v31;
	[tilespmem:$0x14270] =	vst @p0 v28;
	v28 =	vand.u32 @p0 $0x7, v30  }
0x1b0: {  	v29 =	vld.idx.msk @p0 [tilespmem:v29+s2+$0x0], $0xffff;
	v27 =	vor.u32 @p0 v28, v27  }
0x1b1: {  	v27 =	vadd.s32 @p0 $0x180, v27;
	_ =	sdelay $0x3  }
0x1b2: {  	[tilespmem:$0x14280] =	vst @p0 v29  }
0x1b3: {  	v27 =	vld.idx.msk @p0 [tilespmem:v27+s2+$0x0], $0xffff  }
0x1b4: {  	v56 =	vld [tilespmem:$0x14D50]  }
0x1b5: {  	v57 =	vld [tilespmem:$0x14D60]  }
0x1b6: {  	v58 =	vld [tilespmem:$0x14D70]  }
0x1b7: {  	v59 =	vld [tilespmem:$0x14D80]  }
0x1b8: {  	[tilespmem:$0x14290] =	vst @p0 v27;
	v27 =	vld [tilespmem:$0x14D40]  }
0x1b9: {  	v60 =	vld [tilespmem:$0x14D90]  }
0x1ba: {  	v61 =	vld [tilespmem:$0x14DA0]  }
0x1bb: {  	v62 =	vld [tilespmem:$0x14DB0]  }
0x1bc: {  	v63 =	vld [tilespmem:$0x14DC0];
	v28 =	vadd.bf16 v58, v56  }
0x1bd: {  	v36 =	vld [tilespmem:$0x14DD0];
	v27 =	vadd.bf16 v57, v27  }
0x1be: {  	v37 =	vld [tilespmem:$0x14DE0];
	v28 =	vadd.bf16 v60, v28  }
0x1bf: {  	v38 =	vld [tilespmem:$0x14DF0];
	v27 =	vadd.bf16 v59, v27  }
0x1c0: {  	v39 =	vld [tilespmem:$0x14E00];
	v28 =	vadd.bf16 v62, v28  }
0x1c1: {  	v40 =	vld [tilespmem:$0x14E10];
	v27 =	vadd.bf16 v61, v27  }
0x1c2: {  	v41 =	vld [tilespmem:$0x14E20];
	v28 =	vadd.bf16 v36, v28  }
0x1c3: {  	v42 =	vld [tilespmem:$0x14E30];
	v27 =	vadd.bf16 v63, v27  }
0x1c4: {  	v43 =	vld [tilespmem:$0x14E40];
	v28 =	vadd.bf16 v38, v28  }
0x1c5: {  	v44 =	vld [tilespmem:$0x14E50];
	v27 =	vadd.bf16 v37, v27  }
0x1c6: {  	v45 =	vld [tilespmem:$0x14E60];
	v28 =	vadd.bf16 v40, v28  }
0x1c7: {  	v46 =	vld [tilespmem:$0x14E70];
	v27 =	vadd.bf16 v39, v27  }
0x1c8: {  	v47 =	vld [tilespmem:$0x14E80];
	v28 =	vadd.bf16 v42, v28  }
0x1c9: {  	v48 =	vld [tilespmem:$0x14E90];
	v27 =	vadd.bf16 v41, v27  }
0x1ca: {  	v49 =	vld [tilespmem:$0x14EA0];
	v28 =	vadd.bf16 v44, v28  }
0x1cb: {  	v50 =	vld [tilespmem:$0x14EB0];
	v27 =	vadd.bf16 v43, v27  }
0x1cc: {  	v51 =	vld [tilespmem:$0x14EC0];
	v28 =	vadd.bf16 v46, v28  }
0x1cd: {  	v52 =	vld [tilespmem:$0x14ED0];
	v27 =	vadd.bf16 v45, v27  }
0x1ce: {  	v53 =	vld [tilespmem:$0x14EE0];
	v28 =	vadd.bf16 v48, v28  }
0x1cf: {  	v54 =	vld [tilespmem:$0x14EF0];
	v27 =	vadd.bf16 v47, v27  }
0x1d0: {  	v55 =	vld [tilespmem:$0x14F00];
	v28 =	vadd.bf16 v50, v28  }
0x1d1: {  	v56 =	vld [tilespmem:$0x14F10];
	v27 =	vadd.bf16 v49, v27  }
0x1d2: {  	v58 =	vld [tilespmem:$0x14F30];
	v28 =	vadd.bf16 v52, v28  }
0x1d3: {  	v60 =	vld [tilespmem:$0x14F50];
	v27 =	vadd.bf16 v51, v27  }
0x1d4: {  	v57 =	vld [tilespmem:$0x14F20];
	v28 =	vadd.bf16 v54, v28  }
0x1d5: {  	v59 =	vld [tilespmem:$0x14F40];
	v27 =	vadd.bf16 v53, v27  }
0x1d6: {  	v61 =	vld [tilespmem:$0x14F60];
	v28 =	vadd.bf16 v56, v28  }
0x1d7: {  	v62 =	vld [tilespmem:$0x14F70];
	v27 =	vadd.bf16 v55, v27  }
0x1d8: {  	v28 =	vadd.bf16 v58, v28  }
0x1d9: {  	v34 =	vld [tilespmem:$0x14F90];
	v27 =	vadd.bf16 v57, v27  }
0x1da: {  	v63 =	vld [tilespmem:$0x14F80];
	v28 =	vadd.bf16 v60, v28  }
0x1db: {  	v36 =	vld [tilespmem:$0x14FB0];
	v27 =	vadd.bf16 v59, v27  }
0x1dc: {  	v35 =	vld [tilespmem:$0x14FA0];
	v28 =	vadd.bf16 v62, v28  }
0x1dd: {  	v27 =	vadd.bf16 v61, v27  }
0x1de: {  	v28 =	vadd.bf16 v34, v28  }
0x1df: {  	v27 =	vadd.bf16 v63, v27  }
0x1e0: {  	v28 =	vadd.bf16 v36, v28  }
0x1e1: {  	v27 =	vadd.bf16 v35, v27  }
0x1e2: {  	[tilespmem:s17+$0xFFFFFF90] =	vst v28  }
0x1e3: {  	[tilespmem:s17+$0xFFFFFF80] =	vst v27  }
0x1e4: {  	v27 =	vld [tilespmem:$0x14FC0]  }
0x1e5: {  	v28 =	vld [tilespmem:$0x14FD0]  }
0x1e6: {  	v37 =	vld [tilespmem:$0x14FE0]  }
0x1e7: {  	v38 =	vld [tilespmem:$0x14FF0]  }
0x1e8: {  	v39 =	vld [tilespmem:$0x15000]  }
0x1e9: {  	v40 =	vld [tilespmem:$0x15010]  }
0x1ea: {  	v41 =	vld [tilespmem:$0x15020]  }
0x1eb: {  	v42 =	vld [tilespmem:$0x15030];
	v27 =	vadd.bf16 v37, v27  }
0x1ec: {  	v43 =	vld [tilespmem:$0x15040];
	v28 =	vadd.bf16 v38, v28  }
0x1ed: {  	v44 =	vld [tilespmem:$0x15050];
	v27 =	vadd.bf16 v39, v27  }
0x1ee: {  	v45 =	vld [tilespmem:$0x15060];
	v28 =	vadd.bf16 v40, v28  }
0x1ef: {  	v46 =	vld [tilespmem:$0x15070];
	v27 =	vadd.bf16 v41, v27  }
0x1f0: {  	v47 =	vld [tilespmem:$0x15080];
	v28 =	vadd.bf16 v42, v28  }
0x1f1: {  	v48 =	vld [tilespmem:$0x15090];
	v27 =	vadd.bf16 v43, v27  }
0x1f2: {  	v49 =	vld [tilespmem:$0x150A0];
	v28 =	vadd.bf16 v44, v28  }
0x1f3: {  	v50 =	vld [tilespmem:$0x150B0];
	v27 =	vadd.bf16 v45, v27  }
0x1f4: {  	v51 =	vld [tilespmem:$0x150C0];
	v28 =	vadd.bf16 v46, v28  }
0x1f5: {  	v52 =	vld [tilespmem:$0x150D0];
	v27 =	vadd.bf16 v47, v27  }
0x1f6: {  	v53 =	vld [tilespmem:$0x150E0];
	v28 =	vadd.bf16 v48, v28  }
0x1f7: {  	v54 =	vld [tilespmem:$0x150F0];
	v27 =	vadd.bf16 v49, v27  }
0x1f8: {  	v55 =	vld [tilespmem:$0x15100];
	v28 =	vadd.bf16 v50, v28  }
0x1f9: {  	v56 =	vld [tilespmem:$0x15110];
	v27 =	vadd.bf16 v51, v27  }
0x1fa: {  	v57 =	vld [tilespmem:$0x15120];
	v28 =	vadd.bf16 v52, v28  }
0x1fb: {  	v58 =	vld [tilespmem:$0x15130];
	v27 =	vadd.bf16 v53, v27  }
0x1fc: {  	v59 =	vld [tilespmem:$0x15140];
	v28 =	vadd.bf16 v54, v28  }
0x1fd: {  	v60 =	vld [tilespmem:$0x15150];
	v27 =	vadd.bf16 v55, v27  }
0x1fe: {  	v61 =	vld [tilespmem:$0x15160];
	v28 =	vadd.bf16 v56, v28  }
0x1ff: {  	v62 =	vld [tilespmem:$0x15170];
	v27 =	vadd.bf16 v57, v27  }
0x200: {  	v63 =	vld [tilespmem:$0x15180];
	v28 =	vadd.bf16 v58, v28  }
0x201: {  	v36 =	vld [tilespmem:$0x15190];
	v27 =	vadd.bf16 v59, v27  }
0x202: {  	v37 =	vld [tilespmem:$0x151A0];
	v28 =	vadd.bf16 v60, v28  }
0x203: {  	v38 =	vld [tilespmem:$0x151B0];
	v27 =	vadd.bf16 v61, v27  }
0x204: {  	v39 =	vld [tilespmem:$0x151C0];
	v28 =	vadd.bf16 v62, v28  }
0x205: {  	v40 =	vld [tilespmem:$0x151D0];
	v27 =	vadd.bf16 v63, v27  }
0x206: {  	v41 =	vld [tilespmem:$0x151E0];
	v28 =	vadd.bf16 v36, v28  }
0x207: {  	v42 =	vld [tilespmem:$0x151F0];
	v27 =	vadd.bf16 v37, v27  }
0x208: {  	v43 =	vld [tilespmem:$0x15200];
	v28 =	vadd.bf16 v38, v28  }
0x209: {  	v44 =	vld [tilespmem:$0x15210];
	v27 =	vadd.bf16 v39, v27  }
0x20a: {  	v45 =	vld [tilespmem:$0x15220];
	v28 =	vadd.bf16 v40, v28  }
0x20b: {  	v46 =	vld [tilespmem:$0x15230];
	v27 =	vadd.bf16 v41, v27  }
0x20c: {  	v28 =	vadd.bf16 v42, v28  }
0x20d: {  	v27 =	vadd.bf16 v43, v27  }
0x20e: {  	v28 =	vadd.bf16 v44, v28  }
0x20f: {  	v27 =	vadd.bf16 v45, v27  }
0x210: {  	v28 =	vadd.bf16 v46, v28  }
0x211: {  	[tilespmem:s17+$0xFFFFFFA0] =	vst v27  }
0x212: {  	[tilespmem:s17+$0xFFFFFFB0] =	vst v28  }
0x213: {  	v27 =	vld [tilespmem:$0x15240]  }
0x214: {  	v28 =	vld [tilespmem:$0x15250]  }
0x215: {  	v47 =	vld [tilespmem:$0x15260]  }
0x216: {  	v48 =	vld [tilespmem:$0x15270]  }
0x217: {  	v49 =	vld [tilespmem:$0x15280]  }
0x218: {  	v50 =	vld [tilespmem:$0x15290]  }
0x219: {  	v51 =	vld [tilespmem:$0x152A0]  }
0x21a: {  	v52 =	vld [tilespmem:$0x152B0];
	v27 =	vadd.bf16 v47, v27  }
0x21b: {  	v53 =	vld [tilespmem:$0x152C0];
	v28 =	vadd.bf16 v48, v28  }
0x21c: {  	v54 =	vld [tilespmem:$0x152D0];
	v27 =	vadd.bf16 v49, v27  }
0x21d: {  	v55 =	vld [tilespmem:$0x152E0];
	v28 =	vadd.bf16 v50, v28  }
0x21e: {  	v56 =	vld [tilespmem:$0x152F0];
	v27 =	vadd.bf16 v51, v27  }
0x21f: {  	v57 =	vld [tilespmem:$0x15300];
	v28 =	vadd.bf16 v52, v28  }
0x220: {  	v58 =	vld [tilespmem:$0x15310];
	v27 =	vadd.bf16 v53, v27  }
0x221: {  	v59 =	vld [tilespmem:$0x15320];
	v28 =	vadd.bf16 v54, v28  }
0x222: {  	v60 =	vld [tilespmem:$0x15330];
	v27 =	vadd.bf16 v55, v27  }
0x223: {  	v61 =	vld [tilespmem:$0x15340];
	v28 =	vadd.bf16 v56, v28  }
0x224: {  	v62 =	vld [tilespmem:$0x15350];
	v27 =	vadd.bf16 v57, v27  }
0x225: {  	v63 =	vld [tilespmem:$0x15360];
	v28 =	vadd.bf16 v58, v28  }
0x226: {  	v36 =	vld [tilespmem:$0x15370];
	v27 =	vadd.bf16 v59, v27  }
0x227: {  	v37 =	vld [tilespmem:$0x15380];
	v28 =	vadd.bf16 v60, v28  }
0x228: {  	v38 =	vld [tilespmem:$0x15390];
	v27 =	vadd.bf16 v61, v27  }
0x229: {  	v39 =	vld [tilespmem:$0x153A0];
	v28 =	vadd.bf16 v62, v28  }
0x22a: {  	v40 =	vld [tilespmem:$0x153B0];
	v27 =	vadd.bf16 v63, v27  }
0x22b: {  	v41 =	vld [tilespmem:$0x153C0];
	v28 =	vadd.bf16 v36, v28  }
0x22c: {  	v42 =	vld [tilespmem:$0x153D0];
	v27 =	vadd.bf16 v37, v27  }
0x22d: {  	v43 =	vld [tilespmem:$0x153E0];
	v28 =	vadd.bf16 v38, v28  }
0x22e: {  	v44 =	vld [tilespmem:$0x153F0];
	v27 =	vadd.bf16 v39, v27  }
0x22f: {  	v45 =	vld [tilespmem:$0x15400];
	v28 =	vadd.bf16 v40, v28  }
0x230: {  	v46 =	vld [tilespmem:$0x15410];
	v27 =	vadd.bf16 v41, v27  }
0x231: {  	v47 =	vld [tilespmem:$0x15420];
	v28 =	vadd.bf16 v42, v28  }
0x232: {  	v48 =	vld [tilespmem:$0x15430];
	v27 =	vadd.bf16 v43, v27  }
0x233: {  	v49 =	vld [tilespmem:$0x15440];
	v28 =	vadd.bf16 v44, v28  }
0x234: {  	v50 =	vld [tilespmem:$0x15450];
	v27 =	vadd.bf16 v45, v27  }
0x235: {  	v51 =	vld [tilespmem:$0x15460];
	v28 =	vadd.bf16 v46, v28  }
0x236: {  	v52 =	vld [tilespmem:$0x15470];
	v27 =	vadd.bf16 v47, v27  }
0x237: {  	v53 =	vld [tilespmem:$0x15480];
	v28 =	vadd.bf16 v48, v28  }
0x238: {  	v54 =	vld [tilespmem:$0x15490];
	v27 =	vadd.bf16 v49, v27  }
0x239: {  	v55 =	vld [tilespmem:$0x154A0];
	v28 =	vadd.bf16 v50, v28  }
0x23a: {  	v56 =	vld [tilespmem:$0x154B0];
	v27 =	vadd.bf16 v51, v27  }
0x23b: {  	v28 =	vadd.bf16 v52, v28  }
0x23c: {  	v27 =	vadd.bf16 v53, v27  }
0x23d: {  	v28 =	vadd.bf16 v54, v28  }
0x23e: {  	v27 =	vadd.bf16 v55, v27  }
0x23f: {  	v28 =	vadd.bf16 v56, v28  }
0x240: {  	[tilespmem:s17+$0xFFFFFFC0] =	vst v27  }
0x241: {  	[tilespmem:s17+$0xFFFFFFD0] =	vst v28  }
0x242: {  	v27 =	vld [tilespmem:$0x154C0]  }
0x243: {  	v28 =	vld [tilespmem:$0x154D0]  }
0x244: {  	v57 =	vld [tilespmem:$0x154E0]  }
0x245: {  	v58 =	vld [tilespmem:$0x154F0]  }
0x246: {  	v59 =	vld [tilespmem:$0x15500]  }
0x247: {  	v60 =	vld [tilespmem:$0x15510]  }
0x248: {  	v61 =	vld [tilespmem:$0x15520]  }
0x249: {  	v62 =	vld [tilespmem:$0x15530];
	v27 =	vadd.bf16 v57, v27  }
0x24a: {  	v63 =	vld [tilespmem:$0x15540];
	v28 =	vadd.bf16 v58, v28  }
0x24b: {  	v36 =	vld [tilespmem:$0x15550];
	v27 =	vadd.bf16 v59, v27  }
0x24c: {  	v37 =	vld [tilespmem:$0x15560];
	v28 =	vadd.bf16 v60, v28  }
0x24d: {  	v38 =	vld [tilespmem:$0x15570];
	v27 =	vadd.bf16 v61, v27  }
0x24e: {  	v39 =	vld [tilespmem:$0x15580];
	v28 =	vadd.bf16 v62, v28  }
0x24f: {  	v40 =	vld [tilespmem:$0x15590];
	v27 =	vadd.bf16 v63, v27  }
0x250: {  	v41 =	vld [tilespmem:$0x155A0];
	v28 =	vadd.bf16 v36, v28  }
0x251: {  	v42 =	vld [tilespmem:$0x155B0];
	v27 =	vadd.bf16 v37, v27  }
0x252: {  	v43 =	vld [tilespmem:$0x155C0];
	v28 =	vadd.bf16 v38, v28  }
0x253: {  	v44 =	vld [tilespmem:$0x155D0];
	v27 =	vadd.bf16 v39, v27  }
0x254: {  	v45 =	vld [tilespmem:$0x155E0];
	v28 =	vadd.bf16 v40, v28  }
0x255: {  	v46 =	vld [tilespmem:$0x155F0];
	v27 =	vadd.bf16 v41, v27  }
0x256: {  	v47 =	vld [tilespmem:$0x15600];
	v28 =	vadd.bf16 v42, v28  }
0x257: {  	v48 =	vld [tilespmem:$0x15610];
	v27 =	vadd.bf16 v43, v27  }
0x258: {  	v49 =	vld [tilespmem:$0x15620];
	v28 =	vadd.bf16 v44, v28  }
0x259: {  	v50 =	vld [tilespmem:$0x15630];
	v27 =	vadd.bf16 v45, v27  }
0x25a: {  	v51 =	vld [tilespmem:$0x15640];
	v28 =	vadd.bf16 v46, v28  }
0x25b: {  	v52 =	vld [tilespmem:$0x15650];
	v27 =	vadd.bf16 v47, v27  }
0x25c: {  	v53 =	vld [tilespmem:$0x15660];
	v28 =	vadd.bf16 v48, v28  }
0x25d: {  	v54 =	vld [tilespmem:$0x15670];
	v27 =	vadd.bf16 v49, v27  }
0x25e: {  	v55 =	vld [tilespmem:$0x15680];
	v28 =	vadd.bf16 v50, v28  }
0x25f: {  	v56 =	vld [tilespmem:$0x15690];
	v27 =	vadd.bf16 v51, v27  }
0x260: {  	v57 =	vld [tilespmem:$0x156A0];
	v28 =	vadd.bf16 v52, v28  }
0x261: {  	v58 =	vld [tilespmem:$0x156B0];
	v27 =	vadd.bf16 v53, v27  }
0x262: {  	v59 =	vld [tilespmem:$0x156C0];
	v28 =	vadd.bf16 v54, v28  }
0x263: {  	v60 =	vld [tilespmem:$0x156D0];
	v27 =	vadd.bf16 v55, v27  }
0x264: {  	v61 =	vld [tilespmem:$0x156E0];
	v28 =	vadd.bf16 v56, v28  }
0x265: {  	v62 =	vld [tilespmem:$0x156F0];
	v27 =	vadd.bf16 v57, v27  }
0x266: {  	v63 =	vld [tilespmem:$0x15700];
	v28 =	vadd.bf16 v58, v28  }
0x267: {  	v35 =	vld [tilespmem:$0x15710];
	v27 =	vadd.bf16 v59, v27  }
0x268: {  	v36 =	vld [tilespmem:$0x15720];
	v28 =	vadd.bf16 v60, v28  }
0x269: {  	v37 =	vld [tilespmem:$0x15730];
	v27 =	vadd.bf16 v61, v27  }
0x26a: {  	v28 =	vadd.bf16 v62, v28  }
0x26b: {  	v27 =	vadd.bf16 v63, v27  }
0x26c: {  	s6 =	sadd.s32 @p0 $0xFFFFFFFF, s15;
	v28 =	vadd.bf16 v35, v28  }
0x26d: {  	s6 =	sshrl.u32 @p0 s6, $0x7;
	v27 =	vadd.bf16 v36, v27  }
0x26e: {  	s7 =	sadd.s32 @p0 $0xFFFFFFFC, s5;
	s6 =	smul.u32 @p0 $0x14, s6;
	v28 =	vadd.bf16 v37, v28  }
0x26f: {  	s7 =	sand.u32 @p0 $0x1F8, s7;
	[tilespmem:s17+$0xFFFFFFE0] =	vst v27  }
0x270: {  	[tilespmem:s17+$0xFFFFFFF0] =	vst v28;
	v27 =	vmov @p0 s7;
	v28 =	vadd.s32 @p0 s6, v15  }
0x271: {  	_ =	swait.ge @!p0 [sflag:s29], $0xA00;
	v29 =	vand.u32 @p0 $0x7FFFFFF8, v28;
	v27 =	vshll.u32 @p0 v27, $0x7  }
0x272: {  	v28 =	vand.u32 @p0 $0x7, v28;
	[sflag:s29] =	ssyncset.done @!p0 $0x0;
	v29 =	vadd.s32 @p0 v27, v29  }
0x273: {  	[sflag:s29] =	ssyncadd.s32 @!p0 $0xFFFFF600;
	v28 =	vor.u32 @p0 v28, v29  }
0x274: {  	[tilespmem:s23], [sflag:$0x4] =	stream.indirect.gather @p0 [hbm4b:s4+s19], $0x20, s22, s19, $0xb8;
	[tilespmem:$0x1EB40] =	vst v63  }
0x275: {  	_ =	swait.ge @p0 [sflag:s29], $0xA00  }
0x276: {  	v29 =	vadd.s32 @p0 s6, v13;
	[sflag:s29] =	ssyncset.done @p0 $0x0  }
0x277: {  	v31 =	vor.u32 @p0 v12, v27;
	v30 =	vand.u32 @p0 $0x7FFFFFF8, v29;
	[sflag:s29] =	ssyncadd.s32 @p0 $0xFFFFF600  }
0x278: {  	v29 =	vand.u32 @p0 $0x7, v29;
	v30 =	vadd.s32 @p0 v30, v31;
	v28 =	vld.idx.msk @p0 [tilespmem:v28+s2+$0x0], $0xffff  }
0x279: {  	v29 =	vor.u32 @p0 v29, v30;
	_ =	sdelay $0x2  }
0x27a: {  	v30 =	vadd.s32 @p0 s6, v22  }
0x27b: {  	v31 =	vor.u32 @p0 v24, v27;
	[tilespmem:$0x142A0] =	vst @p0 v28;
	v28 =	vand.u32 @p0 $0x7FFFFFF8, v30  }
0x27c: {  	v30 =	vand.u32 @p0 $0x7, v30;
	v29 =	vld.idx.msk @p0 [tilespmem:v29+s2+$0x0], $0xffff;
	v28 =	vadd.s32 @p0 v28, v31  }
0x27d: {  	v28 =	vor.u32 @p0 v30, v28;
	_ =	sdelay $0x2  }
0x27e: {  	v30 =	vadd.s32 @p0 s6, v25  }
0x27f: {  	v31 =	vor.u32 @p0 v11, v27;
	[tilespmem:$0x142B0] =	vst @p0 v29;
	v29 =	vand.u32 @p0 $0x7FFFFFF8, v30  }
0x280: {  	v30 =	vand.u32 @p0 $0x7, v30;
	v28 =	vld.idx.msk @p0 [tilespmem:v28+s2+$0x0], $0xffff;
	v29 =	vadd.s32 @p0 v29, v31  }
0x281: {  	v29 =	vor.u32 @p0 v30, v29;
	_ =	sdelay $0x1  }
0x282: {  	v30 =	vadd.s32 @p0 s6, v26  }
0x283: {  	v31 =	vand.u32 @p0 $0x7FFFFFF8, v30  }
0x284: {  	v27 =	vadd.s32 @p0 v27, v31;
	[tilespmem:$0x142C0] =	vst @p0 v28;
	v28 =	vand.u32 @p0 $0x7, v30  }
0x285: {  	v29 =	vld.idx.msk @p0 [tilespmem:v29+s2+$0x0], $0xffff;
	v27 =	vor.u32 @p0 v28, v27  }
0x286: {  	v27 =	vadd.s32 @p0 $0x180, v27;
	_ =	sdelay $0x3  }
0x287: {  	[tilespmem:$0x142D0] =	vst @p0 v29  }
0x288: {  	v27 =	vld.idx.msk @p0 [tilespmem:v27+s2+$0x0], $0xffff;
	_ =	sdelay $0x1  }
0x289: {  	v38 =	vld [tilespmem:$0x15750]  }
0x28a: {  	v39 =	vld [tilespmem:$0x15760]  }
0x28b: {  	v40 =	vld [tilespmem:$0x15770]  }
0x28c: {  	[tilespmem:$0x142E0] =	vst @p0 v27;
	v27 =	vld [tilespmem:$0x15740]  }
0x28d: {  	v42 =	vld [tilespmem:$0x15790]  }
0x28e: {  	v41 =	vld [tilespmem:$0x15780]  }
0x28f: {  	v44 =	vld [tilespmem:$0x157B0]  }
0x290: {  	v43 =	vld [tilespmem:$0x157A0];
	v28 =	vadd.bf16 v40, v38  }
0x291: {  	v46 =	vld [tilespmem:$0x157D0];
	v27 =	vadd.bf16 v39, v27  }
0x292: {  	v45 =	vld [tilespmem:$0x157C0];
	v28 =	vadd.bf16 v42, v28  }
0x293: {  	v48 =	vld [tilespmem:$0x157F0];
	v27 =	vadd.bf16 v41, v27  }
0x294: {  	v47 =	vld [tilespmem:$0x157E0];
	v28 =	vadd.bf16 v44, v28  }
0x295: {  	v50 =	vld [tilespmem:$0x15810];
	v27 =	vadd.bf16 v43, v27  }
0x296: {  	v49 =	vld [tilespmem:$0x15800];
	v28 =	vadd.bf16 v46, v28  }
0x297: {  	v52 =	vld [tilespmem:$0x15830];
	v27 =	vadd.bf16 v45, v27  }
0x298: {  	v51 =	vld [tilespmem:$0x15820];
	v28 =	vadd.bf16 v48, v28  }
0x299: {  	v54 =	vld [tilespmem:$0x15850];
	v27 =	vadd.bf16 v47, v27  }
0x29a: {  	v53 =	vld [tilespmem:$0x15840];
	v28 =	vadd.bf16 v50, v28  }
0x29b: {  	v56 =	vld [tilespmem:$0x15870];
	v27 =	vadd.bf16 v49, v27  }
0x29c: {  	v55 =	vld [tilespmem:$0x15860];
	v28 =	vadd.bf16 v52, v28  }
0x29d: {  	v58 =	vld [tilespmem:$0x15890];
	v27 =	vadd.bf16 v51, v27  }
0x29e: {  	v57 =	vld [tilespmem:$0x15880];
	v28 =	vadd.bf16 v54, v28  }
0x29f: {  	v60 =	vld [tilespmem:$0x158B0];
	v27 =	vadd.bf16 v53, v27  }
0x2a0: {  	v59 =	vld [tilespmem:$0x158A0];
	v28 =	vadd.bf16 v56, v28  }
0x2a1: {  	v62 =	vld [tilespmem:$0x158D0];
	v27 =	vadd.bf16 v55, v27  }
0x2a2: {  	v61 =	vld [tilespmem:$0x158C0];
	v28 =	vadd.bf16 v58, v28  }
0x2a3: {  	v36 =	vld [tilespmem:$0x158F0];
	v27 =	vadd.bf16 v57, v27  }
0x2a4: {  	v63 =	vld [tilespmem:$0x158E0];
	v28 =	vadd.bf16 v60, v28  }
0x2a5: {  	v38 =	vld [tilespmem:$0x15910];
	v27 =	vadd.bf16 v59, v27  }
0x2a6: {  	v37 =	vld [tilespmem:$0x15900];
	v28 =	vadd.bf16 v62, v28  }
0x2a7: {  	v40 =	vld [tilespmem:$0x15930];
	v27 =	vadd.bf16 v61, v27  }
0x2a8: {  	v39 =	vld [tilespmem:$0x15920];
	v28 =	vadd.bf16 v36, v28  }
0x2a9: {  	v42 =	vld [tilespmem:$0x15950];
	v27 =	vadd.bf16 v63, v27  }
0x2aa: {  	v41 =	vld [tilespmem:$0x15940];
	v28 =	vadd.bf16 v38, v28  }
0x2ab: {  	v44 =	vld [tilespmem:$0x15970];
	v27 =	vadd.bf16 v37, v27  }
0x2ac: {  	v43 =	vld [tilespmem:$0x15960];
	v28 =	vadd.bf16 v40, v28  }
0x2ad: {  	v46 =	vld [tilespmem:$0x15990];
	v27 =	vadd.bf16 v39, v27  }
0x2ae: {  	v45 =	vld [tilespmem:$0x15980];
	v28 =	vadd.bf16 v42, v28  }
0x2af: {  	v48 =	vld [tilespmem:$0x159B0];
	v27 =	vadd.bf16 v41, v27  }
0x2b0: {  	v47 =	vld [tilespmem:$0x159A0];
	v28 =	vadd.bf16 v44, v28  }
0x2b1: {  	v27 =	vadd.bf16 v43, v27  }
0x2b2: {  	v28 =	vadd.bf16 v46, v28  }
0x2b3: {  	v27 =	vadd.bf16 v45, v27  }
0x2b4: {  	v28 =	vadd.bf16 v48, v28  }
0x2b5: {  	v27 =	vadd.bf16 v47, v27  }
0x2b6: {  	[tilespmem:s17+$0x10] =	vst v28  }
0x2b7: {  	[tilespmem:s17+$0x0] =	vst v27  }
0x2b8: {  	v27 =	vld [tilespmem:$0x159C0]  }
0x2b9: {  	v28 =	vld [tilespmem:$0x159D0]  }
0x2ba: {  	v49 =	vld [tilespmem:$0x159E0]  }
0x2bb: {  	v50 =	vld [tilespmem:$0x159F0]  }
0x2bc: {  	v51 =	vld [tilespmem:$0x15A00]  }
0x2bd: {  	v52 =	vld [tilespmem:$0x15A10]  }
0x2be: {  	v53 =	vld [tilespmem:$0x15A20]  }
0x2bf: {  	v54 =	vld [tilespmem:$0x15A30];
	v27 =	vadd.bf16 v49, v27  }
0x2c0: {  	v55 =	vld [tilespmem:$0x15A40];
	v28 =	vadd.bf16 v50, v28  }
0x2c1: {  	v56 =	vld [tilespmem:$0x15A50];
	v27 =	vadd.bf16 v51, v27  }
0x2c2: {  	v57 =	vld [tilespmem:$0x15A60];
	v28 =	vadd.bf16 v52, v28  }
0x2c3: {  	v58 =	vld [tilespmem:$0x15A70];
	v27 =	vadd.bf16 v53, v27  }
0x2c4: {  	v59 =	vld [tilespmem:$0x15A80];
	v28 =	vadd.bf16 v54, v28  }
0x2c5: {  	v60 =	vld [tilespmem:$0x15A90];
	v27 =	vadd.bf16 v55, v27  }
0x2c6: {  	v61 =	vld [tilespmem:$0x15AA0];
	v28 =	vadd.bf16 v56, v28  }
0x2c7: {  	v62 =	vld [tilespmem:$0x15AB0];
	v27 =	vadd.bf16 v57, v27  }
0x2c8: {  	v63 =	vld [tilespmem:$0x15AC0];
	v28 =	vadd.bf16 v58, v28  }
0x2c9: {  	v36 =	vld [tilespmem:$0x15AD0];
	v27 =	vadd.bf16 v59, v27  }
0x2ca: {  	v37 =	vld [tilespmem:$0x15AE0];
	v28 =	vadd.bf16 v60, v28  }
0x2cb: {  	v38 =	vld [tilespmem:$0x15AF0];
	v27 =	vadd.bf16 v61, v27  }
0x2cc: {  	v39 =	vld [tilespmem:$0x15B00];
	v28 =	vadd.bf16 v62, v28  }
0x2cd: {  	v40 =	vld [tilespmem:$0x15B10];
	v27 =	vadd.bf16 v63, v27  }
0x2ce: {  	v41 =	vld [tilespmem:$0x15B20];
	v28 =	vadd.bf16 v36, v28  }
0x2cf: {  	v42 =	vld [tilespmem:$0x15B30];
	v27 =	vadd.bf16 v37, v27  }
0x2d0: {  	v43 =	vld [tilespmem:$0x15B40];
	v28 =	vadd.bf16 v38, v28  }
0x2d1: {  	v44 =	vld [tilespmem:$0x15B50];
	v27 =	vadd.bf16 v39, v27  }
0x2d2: {  	v45 =	vld [tilespmem:$0x15B60];
	v28 =	vadd.bf16 v40, v28  }
0x2d3: {  	v46 =	vld [tilespmem:$0x15B70];
	v27 =	vadd.bf16 v41, v27  }
0x2d4: {  	v47 =	vld [tilespmem:$0x15B80];
	v28 =	vadd.bf16 v42, v28  }
0x2d5: {  	v48 =	vld [tilespmem:$0x15B90];
	v27 =	vadd.bf16 v43, v27  }
0x2d6: {  	v49 =	vld [tilespmem:$0x15BA0];
	v28 =	vadd.bf16 v44, v28  }
0x2d7: {  	v50 =	vld [tilespmem:$0x15BB0];
	v27 =	vadd.bf16 v45, v27  }
0x2d8: {  	v51 =	vld [tilespmem:$0x15BC0];
	v28 =	vadd.bf16 v46, v28  }
0x2d9: {  	v52 =	vld [tilespmem:$0x15BD0];
	v27 =	vadd.bf16 v47, v27  }
0x2da: {  	v53 =	vld [tilespmem:$0x15BE0];
	v28 =	vadd.bf16 v48, v28  }
0x2db: {  	v54 =	vld [tilespmem:$0x15BF0];
	v27 =	vadd.bf16 v49, v27  }
0x2dc: {  	v55 =	vld [tilespmem:$0x15C00];
	v28 =	vadd.bf16 v50, v28  }
0x2dd: {  	v56 =	vld [tilespmem:$0x15C10];
	v27 =	vadd.bf16 v51, v27  }
0x2de: {  	v57 =	vld [tilespmem:$0x15C20];
	v28 =	vadd.bf16 v52, v28  }
0x2df: {  	v58 =	vld [tilespmem:$0x15C30];
	v27 =	vadd.bf16 v53, v27  }
0x2e0: {  	v28 =	vadd.bf16 v54, v28  }
0x2e1: {  	v27 =	vadd.bf16 v55, v27  }
0x2e2: {  	v28 =	vadd.bf16 v56, v28  }
0x2e3: {  	v27 =	vadd.bf16 v57, v27  }
0x2e4: {  	v28 =	vadd.bf16 v58, v28  }
0x2e5: {  	[tilespmem:s17+$0x20] =	vst v27  }
0x2e6: {  	[tilespmem:s17+$0x30] =	vst v28  }
0x2e7: {  	v27 =	vld [tilespmem:$0x15C40]  }
0x2e8: {  	v28 =	vld [tilespmem:$0x15C50]  }
0x2e9: {  	v59 =	vld [tilespmem:$0x15C60]  }
0x2ea: {  	v60 =	vld [tilespmem:$0x15C70]  }
0x2eb: {  	v61 =	vld [tilespmem:$0x15C80]  }
0x2ec: {  	v62 =	vld [tilespmem:$0x15C90]  }
0x2ed: {  	v63 =	vld [tilespmem:$0x15CA0]  }
0x2ee: {  	v36 =	vld [tilespmem:$0x15CB0];
	v27 =	vadd.bf16 v59, v27  }
0x2ef: {  	v37 =	vld [tilespmem:$0x15CC0];
	v28 =	vadd.bf16 v60, v28  }
0x2f0: {  	v38 =	vld [tilespmem:$0x15CD0];
	v27 =	vadd.bf16 v61, v27  }
0x2f1: {  	v39 =	vld [tilespmem:$0x15CE0];
	v28 =	vadd.bf16 v62, v28  }
0x2f2: {  	v40 =	vld [tilespmem:$0x15CF0];
	v27 =	vadd.bf16 v63, v27  }
0x2f3: {  	v41 =	vld [tilespmem:$0x15D00];
	v28 =	vadd.bf16 v36, v28  }
0x2f4: {  	v42 =	vld [tilespmem:$0x15D10];
	v27 =	vadd.bf16 v37, v27  }
0x2f5: {  	v43 =	vld [tilespmem:$0x15D20];
	v28 =	vadd.bf16 v38, v28  }
0x2f6: {  	v44 =	vld [tilespmem:$0x15D30];
	v27 =	vadd.bf16 v39, v27  }
0x2f7: {  	v45 =	vld [tilespmem:$0x15D40];
	v28 =	vadd.bf16 v40, v28  }
0x2f8: {  	v46 =	vld [tilespmem:$0x15D50];
	v27 =	vadd.bf16 v41, v27  }
0x2f9: {  	v47 =	vld [tilespmem:$0x15D60];
	v28 =	vadd.bf16 v42, v28  }
0x2fa: {  	v48 =	vld [tilespmem:$0x15D70];
	v27 =	vadd.bf16 v43, v27  }
0x2fb: {  	v49 =	vld [tilespmem:$0x15D80];
	v28 =	vadd.bf16 v44, v28  }
0x2fc: {  	v50 =	vld [tilespmem:$0x15D90];
	v27 =	vadd.bf16 v45, v27  }
0x2fd: {  	v51 =	vld [tilespmem:$0x15DA0];
	v28 =	vadd.bf16 v46, v28  }
0x2fe: {  	v52 =	vld [tilespmem:$0x15DB0];
	v27 =	vadd.bf16 v47, v27  }
0x2ff: {  	v53 =	vld [tilespmem:$0x15DC0];
	v28 =	vadd.bf16 v48, v28  }
0x300: {  	v54 =	vld [tilespmem:$0x15DD0];
	v27 =	vadd.bf16 v49, v27  }
0x301: {  	v55 =	vld [tilespmem:$0x15DE0];
	v28 =	vadd.bf16 v50, v28  }
0x302: {  	v56 =	vld [tilespmem:$0x15DF0];
	v27 =	vadd.bf16 v51, v27  }
0x303: {  	v57 =	vld [tilespmem:$0x15E00];
	v28 =	vadd.bf16 v52, v28  }
0x304: {  	v58 =	vld [tilespmem:$0x15E10];
	v27 =	vadd.bf16 v53, v27  }
0x305: {  	v59 =	vld [tilespmem:$0x15E20];
	v28 =	vadd.bf16 v54, v28  }
0x306: {  	v60 =	vld [tilespmem:$0x15E30];
	v27 =	vadd.bf16 v55, v27  }
0x307: {  	v61 =	vld [tilespmem:$0x15E40];
	v28 =	vadd.bf16 v56, v28  }
0x308: {  	v62 =	vld [tilespmem:$0x15E50];
	v27 =	vadd.bf16 v57, v27  }
0x309: {  	v63 =	vld [tilespmem:$0x15E60];
	v28 =	vadd.bf16 v58, v28  }
0x30a: {  	v36 =	vld [tilespmem:$0x15E70];
	v27 =	vadd.bf16 v59, v27  }
0x30b: {  	v37 =	vld [tilespmem:$0x15E80];
	v28 =	vadd.bf16 v60, v28  }
0x30c: {  	v38 =	vld [tilespmem:$0x15E90];
	v27 =	vadd.bf16 v61, v27  }
0x30d: {  	v39 =	vld [tilespmem:$0x15EA0];
	v28 =	vadd.bf16 v62, v28  }
0x30e: {  	v40 =	vld [tilespmem:$0x15EB0];
	v27 =	vadd.bf16 v63, v27  }
0x30f: {  	v28 =	vadd.bf16 v36, v28  }
0x310: {  	v27 =	vadd.bf16 v37, v27  }
0x311: {  	v28 =	vadd.bf16 v38, v28  }
0x312: {  	v27 =	vadd.bf16 v39, v27  }
0x313: {  	v28 =	vadd.bf16 v40, v28  }
0x314: {  	[tilespmem:s17+$0x40] =	vst v27  }
0x315: {  	[tilespmem:s17+$0x50] =	vst v28  }
0x316: {  	v27 =	vld [tilespmem:$0x15EC0]  }
0x317: {  	v28 =	vld [tilespmem:$0x15ED0]  }
0x318: {  	v41 =	vld [tilespmem:$0x15EE0]  }
0x319: {  	v42 =	vld [tilespmem:$0x15EF0]  }
0x31a: {  	v43 =	vld [tilespmem:$0x15F00]  }
0x31b: {  	v44 =	vld [tilespmem:$0x15F10]  }
0x31c: {  	v45 =	vld [tilespmem:$0x15F20]  }
0x31d: {  	v46 =	vld [tilespmem:$0x15F30];
	v27 =	vadd.bf16 v41, v27  }
0x31e: {  	v47 =	vld [tilespmem:$0x15F40];
	v28 =	vadd.bf16 v42, v28  }
0x31f: {  	v48 =	vld [tilespmem:$0x15F50];
	v27 =	vadd.bf16 v43, v27  }
0x320: {  	v49 =	vld [tilespmem:$0x15F60];
	v28 =	vadd.bf16 v44, v28  }
0x321: {  	v50 =	vld [tilespmem:$0x15F70];
	v27 =	vadd.bf16 v45, v27  }
0x322: {  	v51 =	vld [tilespmem:$0x15F80];
	v28 =	vadd.bf16 v46, v28  }
0x323: {  	v52 =	vld [tilespmem:$0x15F90];
	v27 =	vadd.bf16 v47, v27  }
0x324: {  	v53 =	vld [tilespmem:$0x15FA0];
	v28 =	vadd.bf16 v48, v28  }
0x325: {  	v54 =	vld [tilespmem:$0x15FB0];
	v27 =	vadd.bf16 v49, v27  }
0x326: {  	v55 =	vld [tilespmem:$0x15FC0];
	v28 =	vadd.bf16 v50, v28  }
0x327: {  	v56 =	vld [tilespmem:$0x15FD0];
	v27 =	vadd.bf16 v51, v27  }
0x328: {  	v57 =	vld [tilespmem:$0x15FE0];
	v28 =	vadd.bf16 v52, v28  }
0x329: {  	v58 =	vld [tilespmem:$0x15FF0];
	v27 =	vadd.bf16 v53, v27  }
0x32a: {  	v59 =	vld [tilespmem:$0x16000];
	v28 =	vadd.bf16 v54, v28  }
0x32b: {  	v60 =	vld [tilespmem:$0x16010];
	v27 =	vadd.bf16 v55, v27  }
0x32c: {  	v61 =	vld [tilespmem:$0x16020];
	v28 =	vadd.bf16 v56, v28  }
0x32d: {  	v62 =	vld [tilespmem:$0x16030];
	v27 =	vadd.bf16 v57, v27  }
0x32e: {  	v63 =	vld [tilespmem:$0x16040];
	v28 =	vadd.bf16 v58, v28  }
0x32f: {  	v36 =	vld [tilespmem:$0x16050];
	v27 =	vadd.bf16 v59, v27  }
0x330: {  	v37 =	vld [tilespmem:$0x16060];
	v28 =	vadd.bf16 v60, v28  }
0x331: {  	v38 =	vld [tilespmem:$0x16070];
	v27 =	vadd.bf16 v61, v27  }
0x332: {  	v39 =	vld [tilespmem:$0x16080];
	v28 =	vadd.bf16 v62, v28  }
0x333: {  	v40 =	vld [tilespmem:$0x16090];
	v27 =	vadd.bf16 v63, v27  }
0x334: {  	v41 =	vld [tilespmem:$0x160A0];
	v28 =	vadd.bf16 v36, v28  }
0x335: {  	v42 =	vld [tilespmem:$0x160B0];
	v27 =	vadd.bf16 v37, v27  }
0x336: {  	v43 =	vld [tilespmem:$0x160C0];
	v28 =	vadd.bf16 v38, v28  }
0x337: {  	v44 =	vld [tilespmem:$0x160D0];
	v27 =	vadd.bf16 v39, v27  }
0x338: {  	v45 =	vld [tilespmem:$0x160E0];
	v28 =	vadd.bf16 v40, v28  }
0x339: {  	v46 =	vld [tilespmem:$0x160F0];
	v27 =	vadd.bf16 v41, v27  }
0x33a: {  	v47 =	vld [tilespmem:$0x16100];
	v28 =	vadd.bf16 v42, v28  }
0x33b: {  	v48 =	vld [tilespmem:$0x16110];
	v27 =	vadd.bf16 v43, v27  }
0x33c: {  	v49 =	vld [tilespmem:$0x16120];
	v28 =	vadd.bf16 v44, v28  }
0x33d: {  	v50 =	vld [tilespmem:$0x16130];
	v27 =	vadd.bf16 v45, v27  }
0x33e: {  	v28 =	vadd.bf16 v46, v28  }
0x33f: {  	v27 =	vadd.bf16 v47, v27  }
0x340: {  	v28 =	vadd.bf16 v48, v28  }
0x341: {  	s6 =	sshrl.u32 @p0 s15, $0x7;
	v27 =	vadd.bf16 v49, v27  }
0x342: {  	s6 =	smul.u32 @p0 $0x14, s6;
	v28 =	vadd.bf16 v50, v28  }
0x343: {  	s7 =	sand.u32 @p0 $0x1FC, s5;
	[tilespmem:s17+$0x60] =	vst v27  }
0x344: {  	[tilespmem:s17+$0x70] =	vst v28;
	v27 =	vmov @p0 s7;
	v28 =	vadd.s32 @p0 s6, v15  }
0x345: {  	_ =	swait.ge @!p0 [sflag:s30], $0xA00;
	v29 =	vand.u32 @p0 $0x7FFFFFF8, v28;
	v27 =	vshll.u32 @p0 v27, $0x7  }
0x346: {  	v28 =	vand.u32 @p0 $0x7, v28;
	[sflag:s30] =	ssyncset.done @!p0 $0x0;
	v29 =	vadd.s32 @p0 v27, v29  }
0x347: {  	[sflag:s30] =	ssyncadd.s32 @!p0 $0xFFFFF600;
	v28 =	vor.u32 @p0 v28, v29  }
0x348: {  	[tilespmem:s25], [sflag:$0x5] =	stream.indirect.gather @p0 [hbm4b:s4+s19], $0x20, s24, s19, $0xb8;
	[tilespmem:$0x1EB40] =	vst v63  }
0x349: {  	_ =	swait.ge @p0 [sflag:s30], $0xA00  }
0x34a: {  	v29 =	vadd.s32 @p0 s6, v13;
	[sflag:s30] =	ssyncset.done @p0 $0x0  }
0x34b: {  	v31 =	vor.u32 @p0 v12, v27;
	v30 =	vand.u32 @p0 $0x7FFFFFF8, v29;
	[sflag:s30] =	ssyncadd.s32 @p0 $0xFFFFF600  }
0x34c: {  	v29 =	vand.u32 @p0 $0x7, v29;
	v30 =	vadd.s32 @p0 v30, v31;
	v28 =	vld.idx.msk @p0 [tilespmem:v28+s2+$0x0], $0xffff  }
0x34d: {  	v29 =	vor.u32 @p0 v29, v30;
	_ =	sdelay $0x2  }
0x34e: {  	v30 =	vadd.s32 @p0 s6, v22  }
0x34f: {  	v31 =	vor.u32 @p0 v24, v27;
	[tilespmem:$0x142F0] =	vst @p0 v28;
	v28 =	vand.u32 @p0 $0x7FFFFFF8, v30  }
0x350: {  	v30 =	vand.u32 @p0 $0x7, v30;
	v29 =	vld.idx.msk @p0 [tilespmem:v29+s2+$0x0], $0xffff;
	v28 =	vadd.s32 @p0 v28, v31  }
0x351: {  	v28 =	vor.u32 @p0 v30, v28;
	_ =	sdelay $0x2  }
0x352: {  	v30 =	vadd.s32 @p0 s6, v25  }
0x353: {  	v31 =	vor.u32 @p0 v11, v27;
	[tilespmem:$0x14300] =	vst @p0 v29;
	v29 =	vand.u32 @p0 $0x7FFFFFF8, v30  }
0x354: {  	v30 =	vand.u32 @p0 $0x7, v30;
	v28 =	vld.idx.msk @p0 [tilespmem:v28+s2+$0x0], $0xffff;
	v29 =	vadd.s32 @p0 v29, v31  }
0x355: {  	v29 =	vor.u32 @p0 v30, v29;
	_ =	sdelay $0x1  }
0x356: {  	v30 =	vadd.s32 @p0 s6, v26  }
0x357: {  	v31 =	vand.u32 @p0 $0x7FFFFFF8, v30  }
0x358: {  	v27 =	vadd.s32 @p0 v27, v31;
	[tilespmem:$0x14310] =	vst @p0 v28;
	v28 =	vand.u32 @p0 $0x7, v30  }
0x359: {  	v29 =	vld.idx.msk @p0 [tilespmem:v29+s2+$0x0], $0xffff;
	v27 =	vor.u32 @p0 v28, v27  }
0x35a: {  	v27 =	vadd.s32 @p0 $0x180, v27;
	_ =	sdelay $0x3  }
0x35b: {  	[tilespmem:$0x14320] =	vst @p0 v29  }
0x35c: {  	v27 =	vld.idx.msk @p0 [tilespmem:v27+s2+$0x0], $0xffff;
	_ =	sdelay $0x1  }
0x35d: {  	v51 =	vld [tilespmem:$0x16150]  }
0x35e: {  	v52 =	vld [tilespmem:$0x16160]  }
0x35f: {  	v53 =	vld [tilespmem:$0x16170]  }
0x360: {  	[tilespmem:$0x14330] =	vst @p0 v27;
	v27 =	vld [tilespmem:$0x16140]  }
0x361: {  	v55 =	vld [tilespmem:$0x16190]  }
0x362: {  	v54 =	vld [tilespmem:$0x16180]  }
0x363: {  	v57 =	vld [tilespmem:$0x161B0]  }
0x364: {  	v56 =	vld [tilespmem:$0x161A0];
	v28 =	vadd.bf16 v53, v51  }
0x365: {  	v59 =	vld [tilespmem:$0x161D0];
	v27 =	vadd.bf16 v52, v27  }
0x366: {  	v58 =	vld [tilespmem:$0x161C0];
	v28 =	vadd.bf16 v55, v28  }
0x367: {  	v61 =	vld [tilespmem:$0x161F0];
	v27 =	vadd.bf16 v54, v27  }
0x368: {  	v60 =	vld [tilespmem:$0x161E0];
	v28 =	vadd.bf16 v57, v28  }
0x369: {  	v63 =	vld [tilespmem:$0x16210];
	v27 =	vadd.bf16 v56, v27  }
0x36a: {  	v62 =	vld [tilespmem:$0x16200];
	v28 =	vadd.bf16 v59, v28  }
0x36b: {  	v37 =	vld [tilespmem:$0x16230];
	v27 =	vadd.bf16 v58, v27  }
0x36c: {  	v36 =	vld [tilespmem:$0x16220];
	v28 =	vadd.bf16 v61, v28  }
0x36d: {  	v39 =	vld [tilespmem:$0x16250];
	v27 =	vadd.bf16 v60, v27  }
0x36e: {  	v38 =	vld [tilespmem:$0x16240];
	v28 =	vadd.bf16 v63, v28  }
0x36f: {  	v41 =	vld [tilespmem:$0x16270];
	v27 =	vadd.bf16 v62, v27  }
0x370: {  	v40 =	vld [tilespmem:$0x16260];
	v28 =	vadd.bf16 v37, v28  }
0x371: {  	v43 =	vld [tilespmem:$0x16290];
	v27 =	vadd.bf16 v36, v27  }
0x372: {  	v42 =	vld [tilespmem:$0x16280];
	v28 =	vadd.bf16 v39, v28  }
0x373: {  	v45 =	vld [tilespmem:$0x162B0];
	v27 =	vadd.bf16 v38, v27  }
0x374: {  	v44 =	vld [tilespmem:$0x162A0];
	v28 =	vadd.bf16 v41, v28  }
0x375: {  	v47 =	vld [tilespmem:$0x162D0];
	v27 =	vadd.bf16 v40, v27  }
0x376: {  	v46 =	vld [tilespmem:$0x162C0];
	v28 =	vadd.bf16 v43, v28  }
0x377: {  	v49 =	vld [tilespmem:$0x162F0];
	v27 =	vadd.bf16 v42, v27  }
0x378: {  	v48 =	vld [tilespmem:$0x162E0];
	v28 =	vadd.bf16 v45, v28  }
0x379: {  	v51 =	vld [tilespmem:$0x16310];
	v27 =	vadd.bf16 v44, v27  }
0x37a: {  	v50 =	vld [tilespmem:$0x16300];
	v28 =	vadd.bf16 v47, v28  }
0x37b: {  	v53 =	vld [tilespmem:$0x16330];
	v27 =	vadd.bf16 v46, v27  }
0x37c: {  	v52 =	vld [tilespmem:$0x16320];
	v28 =	vadd.bf16 v49, v28  }
0x37d: {  	v55 =	vld [tilespmem:$0x16350];
	v27 =	vadd.bf16 v48, v27  }
0x37e: {  	v54 =	vld [tilespmem:$0x16340];
	v28 =	vadd.bf16 v51, v28  }
0x37f: {  	v57 =	vld [tilespmem:$0x16370];
	v27 =	vadd.bf16 v50, v27  }
0x380: {  	v56 =	vld [tilespmem:$0x16360];
	v28 =	vadd.bf16 v53, v28  }
0x381: {  	v59 =	vld [tilespmem:$0x16390];
	v27 =	vadd.bf16 v52, v27  }
0x382: {  	v58 =	vld [tilespmem:$0x16380];
	v28 =	vadd.bf16 v55, v28  }
0x383: {  	v61 =	vld [tilespmem:$0x163B0];
	v27 =	vadd.bf16 v54, v27  }
0x384: {  	v60 =	vld [tilespmem:$0x163A0];
	v28 =	vadd.bf16 v57, v28  }
0x385: {  	v27 =	vadd.bf16 v56, v27  }
0x386: {  	v28 =	vadd.bf16 v59, v28  }
0x387: {  	v27 =	vadd.bf16 v58, v27  }
0x388: {  	v28 =	vadd.bf16 v61, v28  }
0x389: {  	v27 =	vadd.bf16 v60, v27  }
0x38a: {  	[tilespmem:s17+$0x90] =	vst v28  }
0x38b: {  	[tilespmem:s17+$0x80] =	vst v27  }
0x38c: {  	v27 =	vld [tilespmem:$0x163C0]  }
0x38d: {  	v28 =	vld [tilespmem:$0x163D0]  }
0x38e: {  	v62 =	vld [tilespmem:$0x163E0]  }
0x38f: {  	v63 =	vld [tilespmem:$0x163F0]  }
0x390: {  	v36 =	vld [tilespmem:$0x16400]  }
0x391: {  	v37 =	vld [tilespmem:$0x16410]  }
0x392: {  	v38 =	vld [tilespmem:$0x16420]  }
0x393: {  	v39 =	vld [tilespmem:$0x16430];
	v27 =	vadd.bf16 v62, v27  }
0x394: {  	v40 =	vld [tilespmem:$0x16440];
	v28 =	vadd.bf16 v63, v28  }
0x395: {  	v41 =	vld [tilespmem:$0x16450];
	v27 =	vadd.bf16 v36, v27  }
0x396: {  	v42 =	vld [tilespmem:$0x16460];
	v28 =	vadd.bf16 v37, v28  }
0x397: {  	v43 =	vld [tilespmem:$0x16470];
	v27 =	vadd.bf16 v38, v27  }
0x398: {  	v44 =	vld [tilespmem:$0x16480];
	v28 =	vadd.bf16 v39, v28  }
0x399: {  	v45 =	vld [tilespmem:$0x16490];
	v27 =	vadd.bf16 v40, v27  }
0x39a: {  	v46 =	vld [tilespmem:$0x164A0];
	v28 =	vadd.bf16 v41, v28  }
0x39b: {  	v47 =	vld [tilespmem:$0x164B0];
	v27 =	vadd.bf16 v42, v27  }
0x39c: {  	v48 =	vld [tilespmem:$0x164C0];
	v28 =	vadd.bf16 v43, v28  }
0x39d: {  	v49 =	vld [tilespmem:$0x164D0];
	v27 =	vadd.bf16 v44, v27  }
0x39e: {  	v50 =	vld [tilespmem:$0x164E0];
	v28 =	vadd.bf16 v45, v28  }
0x39f: {  	v51 =	vld [tilespmem:$0x164F0];
	v27 =	vadd.bf16 v46, v27  }
0x3a0: {  	v52 =	vld [tilespmem:$0x16500];
	v28 =	vadd.bf16 v47, v28  }
0x3a1: {  	v53 =	vld [tilespmem:$0x16510];
	v27 =	vadd.bf16 v48, v27  }
0x3a2: {  	v54 =	vld [tilespmem:$0x16520];
	v28 =	vadd.bf16 v49, v28  }
0x3a3: {  	v55 =	vld [tilespmem:$0x16530];
	v27 =	vadd.bf16 v50, v27  }
0x3a4: {  	v56 =	vld [tilespmem:$0x16540];
	v28 =	vadd.bf16 v51, v28  }
0x3a5: {  	v57 =	vld [tilespmem:$0x16550];
	v27 =	vadd.bf16 v52, v27  }
0x3a6: {  	v58 =	vld [tilespmem:$0x16560];
	v28 =	vadd.bf16 v53, v28  }
0x3a7: {  	v59 =	vld [tilespmem:$0x16570];
	v27 =	vadd.bf16 v54, v27  }
0x3a8: {  	v60 =	vld [tilespmem:$0x16580];
	v28 =	vadd.bf16 v55, v28  }
0x3a9: {  	v61 =	vld [tilespmem:$0x16590];
	v27 =	vadd.bf16 v56, v27  }
0x3aa: {  	v62 =	vld [tilespmem:$0x165A0];
	v28 =	vadd.bf16 v57, v28  }
0x3ab: {  	v63 =	vld [tilespmem:$0x165B0];
	v27 =	vadd.bf16 v58, v27  }
0x3ac: {  	v36 =	vld [tilespmem:$0x165C0];
	v28 =	vadd.bf16 v59, v28  }
0x3ad: {  	v37 =	vld [tilespmem:$0x165D0];
	v27 =	vadd.bf16 v60, v27  }
0x3ae: {  	v38 =	vld [tilespmem:$0x165E0];
	v28 =	vadd.bf16 v61, v28  }
0x3af: {  	v39 =	vld [tilespmem:$0x165F0];
	v27 =	vadd.bf16 v62, v27  }
0x3b0: {  	v40 =	vld [tilespmem:$0x16600];
	v28 =	vadd.bf16 v63, v28  }
0x3b1: {  	v41 =	vld [tilespmem:$0x16610];
	v27 =	vadd.bf16 v36, v27  }
0x3b2: {  	v42 =	vld [tilespmem:$0x16620];
	v28 =	vadd.bf16 v37, v28  }
0x3b3: {  	v43 =	vld [tilespmem:$0x16630];
	v27 =	vadd.bf16 v38, v27  }
0x3b4: {  	v28 =	vadd.bf16 v39, v28  }
0x3b5: {  	v27 =	vadd.bf16 v40, v27  }
0x3b6: {  	v28 =	vadd.bf16 v41, v28  }
0x3b7: {  	v27 =	vadd.bf16 v42, v27  }
0x3b8: {  	v28 =	vadd.bf16 v43, v28  }
0x3b9: {  	[tilespmem:s17+$0xA0] =	vst v27  }
0x3ba: {  	[tilespmem:s17+$0xB0] =	vst v28  }
0x3bb: {  	v27 =	vld [tilespmem:$0x16640]  }
0x3bc: {  	v28 =	vld [tilespmem:$0x16650]  }
0x3bd: {  	v44 =	vld [tilespmem:$0x16660]  }
0x3be: {  	v45 =	vld [tilespmem:$0x16670]  }
0x3bf: {  	v46 =	vld [tilespmem:$0x16680]  }
0x3c0: {  	v47 =	vld [tilespmem:$0x16690]  }
0x3c1: {  	v48 =	vld [tilespmem:$0x166A0]  }
0x3c2: {  	v49 =	vld [tilespmem:$0x166B0];
	v27 =	vadd.bf16 v44, v27  }
0x3c3: {  	v50 =	vld [tilespmem:$0x166C0];
	v28 =	vadd.bf16 v45, v28  }
0x3c4: {  	v51 =	vld [tilespmem:$0x166D0];
	v27 =	vadd.bf16 v46, v27  }
0x3c5: {  	v52 =	vld [tilespmem:$0x166E0];
	v28 =	vadd.bf16 v47, v28  }
0x3c6: {  	v53 =	vld [tilespmem:$0x166F0];
	v27 =	vadd.bf16 v48, v27  }
0x3c7: {  	v54 =	vld [tilespmem:$0x16700];
	v28 =	vadd.bf16 v49, v28  }
0x3c8: {  	v55 =	vld [tilespmem:$0x16710];
	v27 =	vadd.bf16 v50, v27  }
0x3c9: {  	v56 =	vld [tilespmem:$0x16720];
	v28 =	vadd.bf16 v51, v28  }
0x3ca: {  	v57 =	vld [tilespmem:$0x16730];
	v27 =	vadd.bf16 v52, v27  }
0x3cb: {  	v58 =	vld [tilespmem:$0x16740];
	v28 =	vadd.bf16 v53, v28  }
0x3cc: {  	v59 =	vld [tilespmem:$0x16750];
	v27 =	vadd.bf16 v54, v27  }
0x3cd: {  	v60 =	vld [tilespmem:$0x16760];
	v28 =	vadd.bf16 v55, v28  }
0x3ce: {  	v61 =	vld [tilespmem:$0x16770];
	v27 =	vadd.bf16 v56, v27  }
0x3cf: {  	v62 =	vld [tilespmem:$0x16780];
	v28 =	vadd.bf16 v57, v28  }
0x3d0: {  	v63 =	vld [tilespmem:$0x16790];
	v27 =	vadd.bf16 v58, v27  }
0x3d1: {  	v36 =	vld [tilespmem:$0x167A0];
	v28 =	vadd.bf16 v59, v28  }
0x3d2: {  	v37 =	vld [tilespmem:$0x167B0];
	v27 =	vadd.bf16 v60, v27  }
0x3d3: {  	v38 =	vld [tilespmem:$0x167C0];
	v28 =	vadd.bf16 v61, v28  }
0x3d4: {  	v39 =	vld [tilespmem:$0x167D0];
	v27 =	vadd.bf16 v62, v27  }
0x3d5: {  	v40 =	vld [tilespmem:$0x167E0];
	v28 =	vadd.bf16 v63, v28  }
0x3d6: {  	v41 =	vld [tilespmem:$0x167F0];
	v27 =	vadd.bf16 v36, v27  }
0x3d7: {  	v42 =	vld [tilespmem:$0x16800];
	v28 =	vadd.bf16 v37, v28  }
0x3d8: {  	v43 =	vld [tilespmem:$0x16810];
	v27 =	vadd.bf16 v38, v27  }
0x3d9: {  	v44 =	vld [tilespmem:$0x16820];
	v28 =	vadd.bf16 v39, v28  }
0x3da: {  	v45 =	vld [tilespmem:$0x16830];
	v27 =	vadd.bf16 v40, v27  }
0x3db: {  	v46 =	vld [tilespmem:$0x16840];
	v28 =	vadd.bf16 v41, v28  }
0x3dc: {  	v47 =	vld [tilespmem:$0x16850];
	v27 =	vadd.bf16 v42, v27  }
0x3dd: {  	v48 =	vld [tilespmem:$0x16860];
	v28 =	vadd.bf16 v43, v28  }
0x3de: {  	v49 =	vld [tilespmem:$0x16870];
	v27 =	vadd.bf16 v44, v27  }
0x3df: {  	v50 =	vld [tilespmem:$0x16880];
	v28 =	vadd.bf16 v45, v28  }
0x3e0: {  	v51 =	vld [tilespmem:$0x16890];
	v27 =	vadd.bf16 v46, v27  }
0x3e1: {  	v52 =	vld [tilespmem:$0x168A0];
	v28 =	vadd.bf16 v47, v28  }
0x3e2: {  	v53 =	vld [tilespmem:$0x168B0];
	v27 =	vadd.bf16 v48, v27  }
0x3e3: {  	v28 =	vadd.bf16 v49, v28  }
0x3e4: {  	v27 =	vadd.bf16 v50, v27  }
0x3e5: {  	v28 =	vadd.bf16 v51, v28  }
0x3e6: {  	v27 =	vadd.bf16 v52, v27  }
0x3e7: {  	v28 =	vadd.bf16 v53, v28  }
0x3e8: {  	[tilespmem:s17+$0xC0] =	vst v27  }
0x3e9: {  	[tilespmem:s17+$0xD0] =	vst v28  }
0x3ea: {  	v27 =	vld [tilespmem:$0x168C0]  }
0x3eb: {  	v28 =	vld [tilespmem:$0x168D0]  }
0x3ec: {  	v54 =	vld [tilespmem:$0x168E0]  }
0x3ed: {  	v55 =	vld [tilespmem:$0x168F0]  }
0x3ee: {  	v56 =	vld [tilespmem:$0x16900]  }
0x3ef: {  	v57 =	vld [tilespmem:$0x16910]  }
0x3f0: {  	v58 =	vld [tilespmem:$0x16920]  }
0x3f1: {  	v59 =	vld [tilespmem:$0x16930];
	v27 =	vadd.bf16 v54, v27  }
0x3f2: {  	v60 =	vld [tilespmem:$0x16940];
	v28 =	vadd.bf16 v55, v28  }
0x3f3: {  	v61 =	vld [tilespmem:$0x16950];
	v27 =	vadd.bf16 v56, v27  }
0x3f4: {  	v62 =	vld [tilespmem:$0x16960];
	v28 =	vadd.bf16 v57, v28  }
0x3f5: {  	v63 =	vld [tilespmem:$0x16970];
	v27 =	vadd.bf16 v58, v27  }
0x3f6: {  	v36 =	vld [tilespmem:$0x16980];
	v28 =	vadd.bf16 v59, v28  }
0x3f7: {  	v37 =	vld [tilespmem:$0x16990];
	v27 =	vadd.bf16 v60, v27  }
0x3f8: {  	v38 =	vld [tilespmem:$0x169A0];
	v28 =	vadd.bf16 v61, v28  }
0x3f9: {  	v39 =	vld [tilespmem:$0x169B0];
	v27 =	vadd.bf16 v62, v27  }
0x3fa: {  	v40 =	vld [tilespmem:$0x169C0];
	v28 =	vadd.bf16 v63, v28  }
0x3fb: {  	v41 =	vld [tilespmem:$0x169D0];
	v27 =	vadd.bf16 v36, v27  }
0x3fc: {  	v42 =	vld [tilespmem:$0x169E0];
	v28 =	vadd.bf16 v37, v28  }
0x3fd: {  	v43 =	vld [tilespmem:$0x169F0];
	v27 =	vadd.bf16 v38, v27  }
0x3fe: {  	v44 =	vld [tilespmem:$0x16A00];
	v28 =	vadd.bf16 v39, v28  }
0x3ff: {  	v45 =	vld [tilespmem:$0x16A10];
	v27 =	vadd.bf16 v40, v27  }
0x400: {  	v46 =	vld [tilespmem:$0x16A20];
	v28 =	vadd.bf16 v41, v28  }
0x401: {  	v47 =	vld [tilespmem:$0x16A30];
	v27 =	vadd.bf16 v42, v27  }
0x402: {  	v48 =	vld [tilespmem:$0x16A40];
	v28 =	vadd.bf16 v43, v28  }
0x403: {  	v49 =	vld [tilespmem:$0x16A50];
	v27 =	vadd.bf16 v44, v27  }
0x404: {  	v50 =	vld [tilespmem:$0x16A60];
	v28 =	vadd.bf16 v45, v28  }
0x405: {  	v51 =	vld [tilespmem:$0x16A70];
	v27 =	vadd.bf16 v46, v27  }
0x406: {  	v52 =	vld [tilespmem:$0x16A80];
	v28 =	vadd.bf16 v47, v28  }
0x407: {  	v53 =	vld [tilespmem:$0x16A90];
	v27 =	vadd.bf16 v48, v27  }
0x408: {  	v54 =	vld [tilespmem:$0x16AA0];
	v28 =	vadd.bf16 v49, v28  }
0x409: {  	v55 =	vld [tilespmem:$0x16AB0];
	v27 =	vadd.bf16 v50, v27  }
0x40a: {  	v56 =	vld [tilespmem:$0x16AC0];
	v28 =	vadd.bf16 v51, v28  }
0x40b: {  	v57 =	vld [tilespmem:$0x16AD0];
	v27 =	vadd.bf16 v52, v27  }
0x40c: {  	v58 =	vld [tilespmem:$0x16AE0];
	v28 =	vadd.bf16 v53, v28  }
0x40d: {  	v59 =	vld [tilespmem:$0x16AF0];
	v27 =	vadd.bf16 v54, v27  }
0x40e: {  	v60 =	vld [tilespmem:$0x16B00];
	v28 =	vadd.bf16 v55, v28  }
0x40f: {  	v61 =	vld [tilespmem:$0x16B10];
	v27 =	vadd.bf16 v56, v27  }
0x410: {  	v62 =	vld [tilespmem:$0x16B20];
	v28 =	vadd.bf16 v57, v28  }
0x411: {  	v63 =	vld [tilespmem:$0x16B30];
	v27 =	vadd.bf16 v58, v27  }
0x412: {  	s15 =	sadd.s32 $0x4, s15;
	v28 =	vadd.bf16 v59, v28  }
0x413: {  	p0 =	sne.s32 s15, $0x107;
	v27 =	vadd.bf16 v60, v27  }
.Ltmp2:
0x414: {  	v28 =	vadd.bf16 v61, v28;
	(pc) =	sbr.rel @p0 .LBB2_6-.Ltmp2, $4  }
0x415: {  	v27 =	vadd.bf16 v62, v27  }
0x416: {  	v28 =	vadd.bf16 v63, v28  }
0x417: {  	[tilespmem:s17+$0xE0] =	vst v27  }
0x418: {  	s5 =	sadd.s32 $0x10, s5;
	[tilespmem:s17+$0xF0] =	vst v28;
	s17 =	sadd.s32 $0x200, s17  }
0x419: {  	s5 =	simm.s32 $0x16B40  }
0x41a: {  	[hbm4b:s9+s2] =	stream.linear.scatter [tilespmem:s5], [sflag:$0x7], $0x4000, $0x38;
	[tilespmem:$0x1EB40] =	vst v63  }
0x41b: {  	s12 =	sadd.s32 $0x1, s12;
	_ =	swait.ge [sflag:s28], $0x4000  }
0x41c: {  	p0 =	sne.s32 s12, s11;
	[sflag:s28] =	ssyncset.done $0x0  }
.Ltmp3:
0x41d: {  	s17 =	simm.s32 $0x1AB40;
	[sflag:s28] =	ssyncadd.s32 $0xFFFFC000;
	(pc) =	sbr.rel @p0 .LBB2_1-.Ltmp3, $4  }
0x41e: {  	[hbm4b:s10+s2] =	stream.linear.scatter [tilespmem:s17], [sflag:$0x7], $0x4000, $0x38;
	[tilespmem:$0x1EB40] =	vst v63  }
0x41f: {  	_ =	swait.ge [sflag:s28], $0x4000  }
0x420: {  	[sflag:s28] =	ssyncset.done $0x0  }
0x421: {  	[sflag:s28] =	ssyncadd.s32 $0xFFFFC000  }
0x422: {  	_ =	sfence.sel $0x180000  }
0x423: {  	[bflag:$0x0] =	sbarrier.arrive $0xFFFF  }
0x424: {  	_ =	strace $0x90000047  }
0x425: {  	s0 =	stileid.u32;
	[bflag:$0x2] =	sbarrier.arrive $0xFFFF  }
0x426: {  	p0 =	sne.s32 s0, $0x0;
	s0 =	rddreg [dreg:$0x2]  }
0x427: {  	s0 =	sadd.s32 @!p0 $0x100000, s0  }
0x428: {  	[sflag:s0] =	ssyncadd.tile.s32 @!p0 $0x1;
	_ =	shalt  }
.Lfunc_end2:
_tile_overlayer_lowered:
.L_overlay_start_2:
0x429: {  	(tag) =	ssettag $0x2  }
0x42a: {  	s0 =	rddreg [dreg:$0x0];
	s2 =	stileid.u32  }
0x42b: {  	s1 =	rddreg [dreg:$0x1];
	p0 =	sne.s32 s2, $0x0  }
0x42c: {  	s3 =	rddreg [dreg:$0x2];
	[bflag:$0x3] =	sbarrier.arrive $0xFFFF;
	s2 =	simm.s32 @!p0 $0x1C07  }
0x42d: {  	[timem:s3], [sflag:s2] =	dma.local @!p0 [hbm:s0], s1  }
0x42e: {  	s0 =	simm.s32 @!p0 $0x7  }
0x42f: {  	_ =	swait.ge @!p0 [sflag:s0], s1  }
0x430: {  	s1 =	ssub.s32 @!p0 $0x0, s1;
	[sflag:s0] =	ssyncset.done @!p0 $0x0  }
0x431: {  	[sflag:s0] =	ssyncadd.s32 @!p0 s1  }
0x432: {  	[bflag:$0x3] =	sbarrier.arrive $0xFFFF  }
0x433: {  	_ =	shalt  }

</sc_bundles>
